<compile_context>
chip_gen: v7x
topology: tpu7x:2x2x1
jax: 0.10.2.dev20260603
libtpu: 0.0.44.dev20260713+nightly
codegen_flags: <defaults>
</compile_context>

<pallas_src>
import jax
import jax.numpy as jnp
from jax import lax
from jax.experimental import pallas as pl
from jax.experimental.pallas import tpu as pltpu
from jax.experimental.pallas import tpu_sc as plsc

N = 10000
E = 320000
D = 128

_NC = 2
_NS = 16
_NW = _NC * _NS
_EPW = E // _NW
_C = 80
_CHUNKS = _EPW // _C
_NBUF = 3
_ROUNDS = _CHUNKS // _NBUF
_LEFT = _CHUNKS - _ROUNDS * _NBUF
_NPAD = 10112
_RPT = _NPAD // _NS

_MESH = plsc.VectorSubcoreMesh(core_axis_name="c", subcore_axis_name="s")

def _windows(n):
    return sorted({min(j * 16, n - 16) for j in range((n + 15) // 16)})


_OFFS = _windows(_C)


def _sc_agg_body(x_hbm, edge_hbm, agg_hbm, cnt_hbm, *rest):
    rows = rest[0:_NBUF]
    ibuf = rest[_NBUF:2 * _NBUF]
    dstv = rest[2 * _NBUF:3 * _NBUF]
    onesv = rest[3 * _NBUF]
    zbuf1 = rest[3 * _NBUF + 1]
    isem = rest[3 * _NBUF + 2:4 * _NBUF + 2]
    gsem = rest[4 * _NBUF + 2:5 * _NBUF + 2]
    ssem = rest[5 * _NBUF + 2:6 * _NBUF + 2]
    csem = rest[6 * _NBUF + 2:7 * _NBUF + 2]
    aggs = rest[7 * _NBUF + 2]
    cnts = rest[7 * _NBUF + 3]
    rows0 = rows[0]

    cid = lax.axis_index("c")
    sid = lax.axis_index("s")
    wid = sid * _NC + cid

    def fill_z(r, carry):
        for j in range(D // 16):
            rows0[r, pl.ds(j * 16, 16)] = jnp.zeros((16,), jnp.float32)
        return carry

    lax.fori_loop(0, _C, fill_z, 0)

    for o in _OFFS:
        onesv[pl.ds(o, 16)] = jnp.ones((16,), jnp.float32)

    for o in _windows(_RPT):
        zbuf1[pl.ds(o, 16)] = jnp.zeros((16,), jnp.float32)

    ebase = pl.multiple_of(wid * _CHUNKS * 2 * _C, 8)
    r0 = pl.multiple_of(sid * _RPT, 8)

    def issue_idx(i, b):
        pltpu.async_copy(edge_hbm.at[pl.ds(ebase + i * 2 * _C, 2 * _C)],
                         ibuf[b], isem[b])

    def wait_idx(b):
        pltpu.make_async_copy(edge_hbm.at[pl.ds(0, 2 * _C)],
                              ibuf[b], isem[b]).wait()

    def issue_gather(i, b):
        del i
        pltpu.async_copy(x_hbm.at[ibuf[b].at[pl.ds(0, _C)]], rows[b], gsem[b])

    def wait_gather(b):
        pltpu.make_async_copy(x_hbm.at[pl.ds(0, _C)], rows[b], gsem[b]).wait()

    def issue_scatter(b):
        for o in _OFFS:
            dstv[b][pl.ds(o, 16)] = ibuf[b][pl.ds(_C + o, 16)]
        pltpu.async_copy(rows[b], aggs.at[dstv[b]], ssem[b], add=True)
        pltpu.async_copy(onesv, cnts.at[dstv[b]], csem[b], add=True)

    def wait_scatter(b):
        pltpu.make_async_copy(x_hbm.at[pl.ds(0, _C)], rows[b], ssem[b]).wait()
        pltpu.make_async_copy(edge_hbm.at[pl.ds(0, _C)], dstv[b],
                              csem[b]).wait()

    for b in range(_NBUF):
        issue_idx(b, b)
    _ZTAIL = _RPT - (_RPT // _C) * _C
    for k in range(_RPT // _C):
        pltpu.async_copy(rows0, aggs.at[pl.ds(r0 + k * _C, _C)], csem[0])
    pltpu.async_copy(rows0.at[pl.ds(0, _ZTAIL)],
                     aggs.at[pl.ds(r0 + (_RPT // _C) * _C, _ZTAIL)], csem[0])
    pltpu.sync_copy(zbuf1, cnts.at[pl.ds(r0, _RPT)])
    for b in range(1, _NBUF):
        wait_idx(b)
        issue_gather(b, b)
    for k in range(_RPT // _C):
        pltpu.make_async_copy(x_hbm.at[pl.ds(0, _C)], rows0, csem[0]).wait()
    pltpu.make_async_copy(x_hbm.at[pl.ds(0, _ZTAIL)],
                          rows0.at[pl.ds(0, _ZTAIL)], csem[0]).wait()
    plsc.subcore_barrier()
    wait_idx(0)
    issue_gather(0, 0)

    def round_fn(g, carry):
        for b in range(_NBUF):
            wait_gather(b)
            issue_scatter(b)

        @pl.when(g < _ROUNDS - 1)
        def _refill():
            for b in range(_NBUF):
                issue_idx(g * _NBUF + b + _NBUF, b)
            for b in range(_NBUF):
                wait_scatter(b)
                wait_idx(b)
                issue_gather(g * _NBUF + b + _NBUF, b)

        return carry

    lax.fori_loop(0, _ROUNDS, round_fn, 0)

    for b in range(_LEFT):
        issue_idx(_ROUNDS * _NBUF + b, b)
    for b in range(_LEFT):
        wait_scatter(b)
        wait_idx(b)
        issue_gather(_ROUNDS * _NBUF + b, b)
    for b in range(_LEFT):
        wait_gather(b)
        issue_scatter(b)
    for b in range(_NBUF):
        wait_scatter(b)
    plsc.subcore_barrier()

    d1 = pltpu.async_copy(aggs.at[pl.ds(r0, 520)],
                          agg_hbm.at[cid, pl.ds(r0, 520)], isem[0])
    r0c = pl.multiple_of(sid * 640, 8)
    d2 = pltpu.async_copy(cnts.at[pl.ds(r0c, 640)],
                          cnt_hbm.at[cid, pl.ds(r0c, 640)], isem[1])

    @pl.when(sid < _NS - 1)
    def _tail():
        r1 = pl.multiple_of(r0 + 520, 8)
        pltpu.sync_copy(aggs.at[pl.ds(r1, 112)],
                        agg_hbm.at[cid, pl.ds(r1, 112)])

    d1.wait()
    d2.wait()


_sc_agg = pl.kernel(
    _sc_agg_body,
    out_type=(jax.ShapeDtypeStruct((_NC, N, D), jnp.float32),
              jax.ShapeDtypeStruct((_NC, 10240), jnp.float32)),
    mesh=_MESH,
    scratch_types=(
        [pltpu.VMEM((_C, D), jnp.float32) for _ in range(_NBUF)]
        + [pltpu.VMEM((2 * _C,), jnp.int32) for _ in range(_NBUF)]
        + [pltpu.VMEM((_C,), jnp.int32) for _ in range(_NBUF)]
        + [pltpu.VMEM((_C,), jnp.float32),
           pltpu.VMEM((_RPT,), jnp.float32)]
        + [pltpu.SemaphoreType.DMA for _ in range(4 * _NBUF)]
        + [pltpu.VMEM_SHARED((_NPAD, D), jnp.float32),
           pltpu.VMEM_SHARED((10240,), jnp.float32)]
    ),
)

_R = 1000


def _tc_dense(aggp, cntb, x, wl, b, wr, relu):
    def body(aggp_ref, cnt_ref, x_ref, wl_ref, b_ref, wr_ref, o_ref):
        agg = aggp_ref[0] + aggp_ref[1]
        agg = agg / jnp.maximum(cnt_ref[...], 1.0)
        h = lax.dot_general(agg, wl_ref[...], (((1,), (1,)), ((), ())),
                            preferred_element_type=jnp.float32)
        h = h + b_ref[...]
        h = h + lax.dot_general(x_ref[...], wr_ref[...], (((1,), (1,)), ((), ())),
                                preferred_element_type=jnp.float32)
        if relu:
            h = jnp.maximum(h, 0.0)
        o_ref[...] = h

    return pl.pallas_call(
        body,
        grid=(N // _R,),
        in_specs=[
            pl.BlockSpec((_NC, _R, D), lambda i: (0, i, 0)),
            pl.BlockSpec((_R, D), lambda i: (i, 0)),
            pl.BlockSpec((_R, D), lambda i: (i, 0)),
            pl.BlockSpec((D, D), lambda i: (0, 0)),
            pl.BlockSpec((1, D), lambda i: (0, 0)),
            pl.BlockSpec((D, D), lambda i: (0, 0)),
        ],
        out_specs=pl.BlockSpec((_R, D), lambda i: (i, 0)),
        out_shape=jax.ShapeDtypeStruct((N, D), jnp.float32),
    )(aggp, cntb, x, wl, b, wr)


def kernel(x, edge_index, W_l1, b_l1, W_r1, W_l2, b_l2, W_r2):
    il = jnp.concatenate(
        [edge_index[0].reshape(E // _C, _C), edge_index[1].reshape(E // _C, _C)],
        axis=1).reshape(-1)
    aggp1, cntp = _sc_agg(x, il)
    cntb = jnp.broadcast_to((cntp[0, :N] + cntp[1, :N])[:, None], (N, D))
    h = _tc_dense(aggp1, cntb, x, W_l1, b_l1.reshape(1, D), W_r1, relu=True)
    aggp2, _ = _sc_agg(h, il)
    out = _tc_dense(aggp2, cntb, h, W_l2, b_l2.reshape(1, D), W_r2, relu=False)
    return out

# --- scband reference (transcript-rebuilt; emitter-appended) ---
"""Pipeline reference for scband-sageencoder-54571854463793 (READ-ONLY COPY).

The authoritative reference and input builder live on the scoring server;
editing this copy changes nothing except your own understanding.
"""

import jax, jax.numpy as jnp
import numpy as np

N = 10000
E = 320000
D_IN = 128
D_H = 128


def setup_inputs(seed: int = 0) -> dict:
    key = jax.random.key(seed)
    ks = jax.random.split(key, 8)
    x = jax.random.normal(ks[0], (N, D_IN), dtype=jnp.float32)
    edge_index = jax.random.randint(ks[1], (2, E), 0, N, dtype=jnp.int32)
    s1 = 1.0 / np.sqrt(D_IN)
    s2 = 1.0 / np.sqrt(D_H)
    W_l1 = jax.random.uniform(ks[2], (D_H, D_IN), jnp.float32, -s1, s1)
    b_l1 = jax.random.uniform(ks[3], (D_H,), jnp.float32, -s1, s1)
    W_r1 = jax.random.uniform(ks[4], (D_H, D_IN), jnp.float32, -s1, s1)
    W_l2 = jax.random.uniform(ks[5], (D_H, D_H), jnp.float32, -s2, s2)
    b_l2 = jax.random.uniform(ks[6], (D_H,), jnp.float32, -s2, s2)
    W_r2 = jax.random.uniform(ks[7], (D_H, D_H), jnp.float32, -s2, s2)
    return {"x": x, "edge_index": edge_index, "W_l1": W_l1, "b_l1": b_l1, "W_r1": W_r1, "W_l2": W_l2, "b_l2": b_l2, "W_r2": W_r2}


def _sage_conv(x, edge_index, W_l, b_l, W_r):
    # GraphSAGE conv with mean aggregation (PyG SAGEConv semantics):
    # out = lin_l(mean_{j in N(i)} x_j) + lin_r(x_i)
    src = edge_index[0]
    dst = edge_index[1]
    msgs = jnp.take(x, src, axis=0)  # gather source node features per edge
    agg = jax.ops.segment_sum(msgs, dst, num_segments=x.shape[0])
    cnt = jax.ops.segment_sum(jnp.ones((msgs.shape[0],), x.dtype), dst, num_segments=x.shape[0])
    agg = agg / jnp.maximum(cnt, 1.0)[:, None]
    return agg @ W_l.T + b_l + x @ W_r.T


def reference(x, edge_index, W_l1, b_l1, W_r1, W_l2, b_l2, W_r2):
    h = _sage_conv(x, edge_index, W_l1, b_l1, W_r1)
    h = jax.nn.relu(h)  # dropout p=0.0 is identity
    h = _sage_conv(h, edge_index, W_l2, b_l2, W_r2)
    return h

if __name__ == "__main__":
    import jax
    _d = setup_inputs()
    print(jax.jit(kernel)(*tuple(_d.values())))

</pallas_src>

<mosaic_0001>
#map = affine_map<(d0, d1) -> (0, 0)>
#map1 = affine_map<(d0, d1) -> (0)>
#map2 = affine_map<(d0, d1) -> (0, 0, 0)>
module attributes {stable_mosaic.version = 14 : i64} {
  func.func @_sc_agg_body(%arg0: i32, %arg1: i32, %arg2: memref<10000x128xf32, #tpu.memory_space<hbm>>, %arg3: memref<640000xi32, #tpu.memory_space<hbm>>, %arg4: memref<2x10000x128xf32, #tpu.memory_space<hbm>>, %arg5: memref<2x10240xf32, #tpu.memory_space<hbm>>, %arg6: memref<80x128xf32, #tpu.memory_space<vmem>>, %arg7: memref<80x128xf32, #tpu.memory_space<vmem>>, %arg8: memref<80x128xf32, #tpu.memory_space<vmem>>, %arg9: memref<160xi32, #tpu.memory_space<vmem>>, %arg10: memref<160xi32, #tpu.memory_space<vmem>>, %arg11: memref<160xi32, #tpu.memory_space<vmem>>, %arg12: memref<80xi32, #tpu.memory_space<vmem>>, %arg13: memref<80xi32, #tpu.memory_space<vmem>>, %arg14: memref<80xi32, #tpu.memory_space<vmem>>, %arg15: memref<80xf32, #tpu.memory_space<vmem>>, %arg16: memref<632xf32, #tpu.memory_space<vmem>>, %arg17: memref<!tpu.dma_semaphore, #tpu.memory_space<semaphore_mem>>, %arg18: memref<!tpu.dma_semaphore, #tpu.memory_space<semaphore_mem>>, %arg19: memref<!tpu.dma_semaphore, #tpu.memory_space<semaphore_mem>>, %arg20: memref<!tpu.dma_semaphore, #tpu.memory_space<semaphore_mem>>, %arg21: memref<!tpu.dma_semaphore, #tpu.memory_space<semaphore_mem>>, %arg22: memref<!tpu.dma_semaphore, #tpu.memory_space<semaphore_mem>>, %arg23: memref<!tpu.dma_semaphore, #tpu.memory_space<semaphore_mem>>, %arg24: memref<!tpu.dma_semaphore, #tpu.memory_space<semaphore_mem>>, %arg25: memref<!tpu.dma_semaphore, #tpu.memory_space<semaphore_mem>>, %arg26: memref<!tpu.dma_semaphore, #tpu.memory_space<semaphore_mem>>, %arg27: memref<!tpu.dma_semaphore, #tpu.memory_space<semaphore_mem>>, %arg28: memref<!tpu.dma_semaphore, #tpu.memory_space<semaphore_mem>>, %arg29: memref<10112x128xf32, #tpu.memory_space<vmem_shared>>, %arg30: memref<10240xf32, #tpu.memory_space<vmem_shared>>) attributes {dimension_semantics = [#tpu.dimension_semantics<core_parallel>, #tpu.dimension_semantics<subcore_parallel>], iteration_bounds = array<i64: 2, 16>, scalar_prefetch = 0 : i64, scratch_operands = 25 : i64, tpu.core_type = #tpu.core_type<sc_vector_subcore>, window_params = [{transform_indices = #map}, {transform_indices = #map1}, {transform_indices = #map2}, {transform_indices = #map}]} {
    %mul3A = arith.constant 2 : i32
    %mul3A_0 = arith.muli %arg1, %mul3A : i32
    %add3A = arith.addi %mul3A_0, %arg0 : i32
    %scan3A = arith.constant 0 : i32
    %scan3A_1 = arith.constant 0 : i32
    %scan3A_2 = arith.constant 80 : i32
    %scan3A_3 = arith.addi %scan3A_1, %scan3A_2 : i32
    %scan3A_4 = arith.constant 1 : i32
    scf.for %scan3A_623 = %scan3A_1 to %scan3A_3 step %scan3A_4  : i32 {
      %broadcast_in_dim3A_624 = arith.constant 0.000000e+00 : f32
      %broadcast_in_dim3A_625 = vector.broadcast %broadcast_in_dim3A_624 : f32 to vector<16xf32>
      %swap3A_626 = arith.index_cast %scan3A_623 : i32 to index
      %swap3A_627 = arith.constant 0 : index
      %swap3A_628 = tpu.vector_load %arg6[%swap3A_626, %swap3A_627] {strides = array<i32>} : memref<80x128xf32, #tpu.memory_space<vmem>>, vector<1x16xf32>,
      %swap3A_629 = vector.shape_cast %swap3A_628 : vector<1x16xf32> to vector<16xf32>
      %swap3A_630 = vector.shape_cast %broadcast_in_dim3A_625 : vector<16xf32> to vector<1x16xf32>
      tpu.vector_store %arg6[%swap3A_626, %swap3A_627], %swap3A_630 {strides = array<i32>} : memref<80x128xf32, #tpu.memory_space<vmem>>, vector<1x16xf32>,
      %broadcast_in_dim3A_631 = arith.constant 0.000000e+00 : f32
      %broadcast_in_dim3A_632 = vector.broadcast %broadcast_in_dim3A_631 : f32 to vector<16xf32>
      %swap3A_633 = arith.index_cast %scan3A_623 : i32 to index
      %swap3A_634 = arith.constant 16 : index
      %swap3A_635 = tpu.vector_load %arg6[%swap3A_633, %swap3A_634] {strides = array<i32>} : memref<80x128xf32, #tpu.memory_space<vmem>>, vector<1x16xf32>,
      %swap3A_636 = vector.shape_cast %swap3A_635 : vector<1x16xf32> to vector<16xf32>
      %swap3A_637 = vector.shape_cast %broadcast_in_dim3A_632 : vector<16xf32> to vector<1x16xf32>
      tpu.vector_store %arg6[%swap3A_633, %swap3A_634], %swap3A_637 {strides = array<i32>} : memref<80x128xf32, #tpu.memory_space<vmem>>, vector<1x16xf32>,
      %broadcast_in_dim3A_638 = arith.constant 0.000000e+00 : f32
      %broadcast_in_dim3A_639 = vector.broadcast %broadcast_in_dim3A_638 : f32 to vector<16xf32>
      %swap3A_640 = arith.index_cast %scan3A_623 : i32 to index
      %swap3A_641 = arith.constant 32 : index
      %swap3A_642 = tpu.vector_load %arg6[%swap3A_640, %swap3A_641] {strides = array<i32>} : memref<80x128xf32, #tpu.memory_space<vmem>>, vector<1x16xf32>,
      %swap3A_643 = vector.shape_cast %swap3A_642 : vector<1x16xf32> to vector<16xf32>
      %swap3A_644 = vector.shape_cast %broadcast_in_dim3A_639 : vector<16xf32> to vector<1x16xf32>
      tpu.vector_store %arg6[%swap3A_640, %swap3A_641], %swap3A_644 {strides = array<i32>} : memref<80x128xf32, #tpu.memory_space<vmem>>, vector<1x16xf32>,
      %broadcast_in_dim3A_645 = arith.constant 0.000000e+00 : f32
      %broadcast_in_dim3A_646 = vector.broadcast %broadcast_in_dim3A_645 : f32 to vector<16xf32>
      %swap3A_647 = arith.index_cast %scan3A_623 : i32 to index
      %swap3A_648 = arith.constant 48 : index
      %swap3A_649 = tpu.vector_load %arg6[%swap3A_647, %swap3A_648] {strides = array<i32>} : memref<80x128xf32, #tpu.memory_space<vmem>>, vector<1x16xf32>,
      %swap3A_650 = vector.shape_cast %swap3A_649 : vector<1x16xf32> to vector<16xf32>
      %swap3A_651 = vector.shape_cast %broadcast_in_dim3A_646 : vector<16xf32> to vector<1x16xf32>
      tpu.vector_store %arg6[%swap3A_647, %swap3A_648], %swap3A_651 {strides = array<i32>} : memref<80x128xf32, #tpu.memory_space<vmem>>, vector<1x16xf32>,
      %broadcast_in_dim3A_652 = arith.constant 0.000000e+00 : f32
      %broadcast_in_dim3A_653 = vector.broadcast %broadcast_in_dim3A_652 : f32 to vector<16xf32>
      %swap3A_654 = arith.index_cast %scan3A_623 : i32 to index
      %swap3A_655 = arith.constant 64 : index
      %swap3A_656 = tpu.vector_load %arg6[%swap3A_654, %swap3A_655] {strides = array<i32>} : memref<80x128xf32, #tpu.memory_space<vmem>>, vector<1x16xf32>,
      %swap3A_657 = vector.shape_cast %swap3A_656 : vector<1x16xf32> to vector<16xf32>
      %swap3A_658 = vector.shape_cast %broadcast_in_dim3A_653 : vector<16xf32> to vector<1x16xf32>
      tpu.vector_store %arg6[%swap3A_654, %swap3A_655], %swap3A_658 {strides = array<i32>} : memref<80x128xf32, #tpu.memory_space<vmem>>, vector<1x16xf32>,
      %broadcast_in_dim3A_659 = arith.constant 0.000000e+00 : f32
      %broadcast_in_dim3A_660 = vector.broadcast %broadcast_in_dim3A_659 : f32 to vector<16xf32>
      %swap3A_661 = arith.index_cast %scan3A_623 : i32 to index
      %swap3A_662 = arith.constant 80 : index
      %swap3A_663 = tpu.vector_load %arg6[%swap3A_661, %swap3A_662] {strides = array<i32>} : memref<80x128xf32, #tpu.memory_space<vmem>>, vector<1x16xf32>,
      %swap3A_664 = vector.shape_cast %swap3A_663 : vector<1x16xf32> to vector<16xf32>
      %swap3A_665 = vector.shape_cast %broadcast_in_dim3A_660 : vector<16xf32> to vector<1x16xf32>
      tpu.vector_store %arg6[%swap3A_661, %swap3A_662], %swap3A_665 {strides = array<i32>} : memref<80x128xf32, #tpu.memory_space<vmem>>, vector<1x16xf32>,
      %broadcast_in_dim3A_666 = arith.constant 0.000000e+00 : f32
      %broadcast_in_dim3A_667 = vector.broadcast %broadcast_in_dim3A_666 : f32 to vector<16xf32>
      %swap3A_668 = arith.index_cast %scan3A_623 : i32 to index
      %swap3A_669 = arith.constant 96 : index
      %swap3A_670 = tpu.vector_load %arg6[%swap3A_668, %swap3A_669] {strides = array<i32>} : memref<80x128xf32, #tpu.memory_space<vmem>>, vector<1x16xf32>,
      %swap3A_671 = vector.shape_cast %swap3A_670 : vector<1x16xf32> to vector<16xf32>
      %swap3A_672 = vector.shape_cast %broadcast_in_dim3A_667 : vector<16xf32> to vector<1x16xf32>
      tpu.vector_store %arg6[%swap3A_668, %swap3A_669], %swap3A_672 {strides = array<i32>} : memref<80x128xf32, #tpu.memory_space<vmem>>, vector<1x16xf32>,
      %broadcast_in_dim3A_673 = arith.constant 0.000000e+00 : f32
      %broadcast_in_dim3A_674 = vector.broadcast %broadcast_in_dim3A_673 : f32 to vector<16xf32>
      %swap3A_675 = arith.index_cast %scan3A_623 : i32 to index
      %swap3A_676 = arith.constant 112 : index
      %swap3A_677 = tpu.vector_load %arg6[%swap3A_675, %swap3A_676] {strides = array<i32>} : memref<80x128xf32, #tpu.memory_space<vmem>>, vector<1x16xf32>,
      %swap3A_678 = vector.shape_cast %swap3A_677 : vector<1x16xf32> to vector<16xf32>
      %swap3A_679 = vector.shape_cast %broadcast_in_dim3A_674 : vector<16xf32> to vector<1x16xf32>
      tpu.vector_store %arg6[%swap3A_675, %swap3A_676], %swap3A_679 {strides = array<i32>} : memref<80x128xf32, #tpu.memory_space<vmem>>, vector<1x16xf32>,
    }
    %scan3A_5 = arith.constant 80 : i32
    %broadcast_in_dim3A = arith.constant 1.000000e+00 : f32
    %broadcast_in_dim3A_6 = vector.broadcast %broadcast_in_dim3A : f32 to vector<16xf32>
    %swap3A = arith.constant 0 : index
    %swap3A_7 = tpu.vector_load %arg15[%swap3A] {strides = array<i32>} : memref<80xf32, #tpu.memory_space<vmem>>, vector<16xf32>,
    %swap3A_8 = vector.shape_cast %swap3A_7 : vector<16xf32> to vector<16xf32>
    %swap3A_9 = vector.shape_cast %broadcast_in_dim3A_6 : vector<16xf32> to vector<16xf32>
    tpu.vector_store %arg15[%swap3A], %swap3A_9 {strides = array<i32>} : memref<80xf32, #tpu.memory_space<vmem>>, vector<16xf32>,
    %broadcast_in_dim3A_10 = arith.constant 1.000000e+00 : f32
    %broadcast_in_dim3A_11 = vector.broadcast %broadcast_in_dim3A_10 : f32 to vector<16xf32>
    %swap3A_12 = arith.constant 16 : index
    %swap3A_13 = tpu.vector_load %arg15[%swap3A_12] {strides = array<i32>} : memref<80xf32, #tpu.memory_space<vmem>>, vector<16xf32>,
    %swap3A_14 = vector.shape_cast %swap3A_13 : vector<16xf32> to vector<16xf32>
    %swap3A_15 = vector.shape_cast %broadcast_in_dim3A_11 : vector<16xf32> to vector<16xf32>
    tpu.vector_store %arg15[%swap3A_12], %swap3A_15 {strides = array<i32>} : memref<80xf32, #tpu.memory_space<vmem>>, vector<16xf32>,
    %broadcast_in_dim3A_16 = arith.constant 1.000000e+00 : f32
    %broadcast_in_dim3A_17 = vector.broadcast %broadcast_in_dim3A_16 : f32 to vector<16xf32>
    %swap3A_18 = arith.constant 32 : index
    %swap3A_19 = tpu.vector_load %arg15[%swap3A_18] {strides = array<i32>} : memref<80xf32, #tpu.memory_space<vmem>>, vector<16xf32>,
    %swap3A_20 = vector.shape_cast %swap3A_19 : vector<16xf32> to vector<16xf32>
    %swap3A_21 = vector.shape_cast %broadcast_in_dim3A_17 : vector<16xf32> to vector<16xf32>
    tpu.vector_store %arg15[%swap3A_18], %swap3A_21 {strides = array<i32>} : memref<80xf32, #tpu.memory_space<vmem>>, vector<16xf32>,
    %broadcast_in_dim3A_22 = arith.constant 1.000000e+00 : f32
    %broadcast_in_dim3A_23 = vector.broadcast %broadcast_in_dim3A_22 : f32 to vector<16xf32>
    %swap3A_24 = arith.constant 48 : index
    %swap3A_25 = tpu.vector_load %arg15[%swap3A_24] {strides = array<i32>} : memref<80xf32, #tpu.memory_space<vmem>>, vector<16xf32>,
    %swap3A_26 = vector.shape_cast %swap3A_25 : vector<16xf32> to vector<16xf32>
    %swap3A_27 = vector.shape_cast %broadcast_in_dim3A_23 : vector<16xf32> to vector<16xf32>
    tpu.vector_store %arg15[%swap3A_24], %swap3A_27 {strides = array<i32>} : memref<80xf32, #tpu.memory_space<vmem>>, vector<16xf32>,
    %broadcast_in_dim3A_28 = arith.constant 1.000000e+00 : f32
    %broadcast_in_dim3A_29 = vector.broadcast %broadcast_in_dim3A_28 : f32 to vector<16xf32>
    %swap3A_30 = arith.constant 64 : index
    %swap3A_31 = tpu.vector_load %arg15[%swap3A_30] {strides = array<i32>} : memref<80xf32, #tpu.memory_space<vmem>>, vector<16xf32>,
    %swap3A_32 = vector.shape_cast %swap3A_31 : vector<16xf32> to vector<16xf32>
    %swap3A_33 = vector.shape_cast %broadcast_in_dim3A_29 : vector<16xf32> to vector<16xf32>
    tpu.vector_store %arg15[%swap3A_30], %swap3A_33 {strides = array<i32>} : memref<80xf32, #tpu.memory_space<vmem>>, vector<16xf32>,
    %broadcast_in_dim3A_34 = arith.constant 0.000000e+00 : f32
    %broadcast_in_dim3A_35 = vector.broadcast %broadcast_in_dim3A_34 : f32 to vector<16xf32>
    %swap3A_36 = arith.constant 0 : index
    %swap3A_37 = tpu.vector_load %arg16[%swap3A_36] {strides = array<i32>} : memref<632xf32, #tpu.memory_space<vmem>>, vector<16xf32>,
    %swap3A_38 = vector.shape_cast %swap3A_37 : vector<16xf32> to vector<16xf32>
    %swap3A_39 = vector.shape_cast %broadcast_in_dim3A_35 : vector<16xf32> to vector<16xf32>
    tpu.vector_store %arg16[%swap3A_36], %swap3A_39 {strides = array<i32>} : memref<632xf32, #tpu.memory_space<vmem>>, vector<16xf32>,
    %broadcast_in_dim3A_40 = arith.constant 0.000000e+00 : f32
    %broadcast_in_dim3A_41 = vector.broadcast %broadcast_in_dim3A_40 : f32 to vector<16xf32>
    %swap3A_42 = arith.constant 16 : index
    %swap3A_43 = tpu.vector_load %arg16[%swap3A_42] {strides = array<i32>} : memref<632xf32, #tpu.memory_space<vmem>>, vector<16xf32>,
    %swap3A_44 = vector.shape_cast %swap3A_43 : vector<16xf32> to vector<16xf32>
    %swap3A_45 = vector.shape_cast %broadcast_in_dim3A_41 : vector<16xf32> to vector<16xf32>
    tpu.vector_store %arg16[%swap3A_42], %swap3A_45 {strides = array<i32>} : memref<632xf32, #tpu.memory_space<vmem>>, vector<16xf32>,
    %broadcast_in_dim3A_46 = arith.constant 0.000000e+00 : f32
    %broadcast_in_dim3A_47 = vector.broadcast %broadcast_in_dim3A_46 : f32 to vector<16xf32>
    %swap3A_48 = arith.constant 32 : index
    %swap3A_49 = tpu.vector_load %arg16[%swap3A_48] {strides = array<i32>} : memref<632xf32, #tpu.memory_space<vmem>>, vector<16xf32>,
    %swap3A_50 = vector.shape_cast %swap3A_49 : vector<16xf32> to vector<16xf32>
    %swap3A_51 = vector.shape_cast %broadcast_in_dim3A_47 : vector<16xf32> to vector<16xf32>
    tpu.vector_store %arg16[%swap3A_48], %swap3A_51 {strides = array<i32>} : memref<632xf32, #tpu.memory_space<vmem>>, vector<16xf32>,
    %broadcast_in_dim3A_52 = arith.constant 0.000000e+00 : f32
    %broadcast_in_dim3A_53 = vector.broadcast %broadcast_in_dim3A_52 : f32 to vector<16xf32>
    %swap3A_54 = arith.constant 48 : index
    %swap3A_55 = tpu.vector_load %arg16[%swap3A_54] {strides = array<i32>} : memref<632xf32, #tpu.memory_space<vmem>>, vector<16xf32>,
    %swap3A_56 = vector.shape_cast %swap3A_55 : vector<16xf32> to vector<16xf32>
    %swap3A_57 = vector.shape_cast %broadcast_in_dim3A_53 : vector<16xf32> to vector<16xf32>
    tpu.vector_store %arg16[%swap3A_54], %swap3A_57 {strides = array<i32>} : memref<632xf32, #tpu.memory_space<vmem>>, vector<16xf32>,
    %broadcast_in_dim3A_58 = arith.constant 0.000000e+00 : f32
    %broadcast_in_dim3A_59 = vector.broadcast %broadcast_in_dim3A_58 : f32 to vector<16xf32>
    %swap3A_60 = arith.constant 64 : index
    %swap3A_61 = tpu.vector_load %arg16[%swap3A_60] {strides = array<i32>} : memref<632xf32, #tpu.memory_space<vmem>>, vector<16xf32>,
    %swap3A_62 = vector.shape_cast %swap3A_61 : vector<16xf32> to vector<16xf32>
    %swap3A_63 = vector.shape_cast %broadcast_in_dim3A_59 : vector<16xf32> to vector<16xf32>
    tpu.vector_store %arg16[%swap3A_60], %swap3A_63 {strides = array<i32>} : memref<632xf32, #tpu.memory_space<vmem>>, vector<16xf32>,
    %broadcast_in_dim3A_64 = arith.constant 0.000000e+00 : f32
    %broadcast_in_dim3A_65 = vector.broadcast %broadcast_in_dim3A_64 : f32 to vector<16xf32>
    %swap3A_66 = arith.constant 80 : index
    %swap3A_67 = tpu.vector_load %arg16[%swap3A_66] {strides = array<i32>} : memref<632xf32, #tpu.memory_space<vmem>>, vector<16xf32>,
    %swap3A_68 = vector.shape_cast %swap3A_67 : vector<16xf32> to vector<16xf32>
    %swap3A_69 = vector.shape_cast %broadcast_in_dim3A_65 : vector<16xf32> to vector<16xf32>
    tpu.vector_store %arg16[%swap3A_66], %swap3A_69 {strides = array<i32>} : memref<632xf32, #tpu.memory_space<vmem>>, vector<16xf32>,
    %broadcast_in_dim3A_70 = arith.constant 0.000000e+00 : f32
    %broadcast_in_dim3A_71 = vector.broadcast %broadcast_in_dim3A_70 : f32 to vector<16xf32>
    %swap3A_72 = arith.constant 96 : index
    %swap3A_73 = tpu.vector_load %arg16[%swap3A_72] {strides = array<i32>} : memref<632xf32, #tpu.memory_space<vmem>>, vector<16xf32>,
    %swap3A_74 = vector.shape_cast %swap3A_73 : vector<16xf32> to vector<16xf32>
    %swap3A_75 = vector.shape_cast %broadcast_in_dim3A_71 : vector<16xf32> to vector<16xf32>
    tpu.vector_store %arg16[%swap3A_72], %swap3A_75 {strides = array<i32>} : memref<632xf32, #tpu.memory_space<vmem>>, vector<16xf32>,
    %broadcast_in_dim3A_76 = arith.constant 0.000000e+00 : f32
    %broadcast_in_dim3A_77 = vector.broadcast %broadcast_in_dim3A_76 : f32 to vector<16xf32>
    %swap3A_78 = arith.constant 112 : index
    %swap3A_79 = tpu.vector_load %arg16[%swap3A_78] {strides = array<i32>} : memref<632xf32, #tpu.memory_space<vmem>>, vector<16xf32>,
    %swap3A_80 = vector.shape_cast %swap3A_79 : vector<16xf32> to vector<16xf32>
    %swap3A_81 = vector.shape_cast %broadcast_in_dim3A_77 : vector<16xf32> to vector<16xf32>
    tpu.vector_store %arg16[%swap3A_78], %swap3A_81 {strides = array<i32>} : memref<632xf32, #tpu.memory_space<vmem>>, vector<16xf32>,
    %broadcast_in_dim3A_82 = arith.constant 0.000000e+00 : f32
    %broadcast_in_dim3A_83 = vector.broadcast %broadcast_in_dim3A_82 : f32 to vector<16xf32>
    %swap3A_84 = arith.constant 128 : index
    %swap3A_85 = tpu.vector_load %arg16[%swap3A_84] {strides = array<i32>} : memref<632xf32, #tpu.memory_space<vmem>>, vector<16xf32>,
    %swap3A_86 = vector.shape_cast %swap3A_85 : vector<16xf32> to vector<16xf32>
    %swap3A_87 = vector.shape_cast %broadcast_in_dim3A_83 : vector<16xf32> to vector<16xf32>
    tpu.vector_store %arg16[%swap3A_84], %swap3A_87 {strides = array<i32>} : memref<632xf32, #tpu.memory_space<vmem>>, vector<16xf32>,
    %broadcast_in_dim3A_88 = arith.constant 0.000000e+00 : f32
    %broadcast_in_dim3A_89 = vector.broadcast %broadcast_in_dim3A_88 : f32 to vector<16xf32>
    %swap3A_90 = arith.constant 144 : index
    %swap3A_91 = tpu.vector_load %arg16[%swap3A_90] {strides = array<i32>} : memref<632xf32, #tpu.memory_space<vmem>>, vector<16xf32>,
    %swap3A_92 = vector.shape_cast %swap3A_91 : vector<16xf32> to vector<16xf32>
    %swap3A_93 = vector.shape_cast %broadcast_in_dim3A_89 : vector<16xf32> to vector<16xf32>
    tpu.vector_store %arg16[%swap3A_90], %swap3A_93 {strides = array<i32>} : memref<632xf32, #tpu.memory_space<vmem>>, vector<16xf32>,
    %broadcast_in_dim3A_94 = arith.constant 0.000000e+00 : f32
    %broadcast_in_dim3A_95 = vector.broadcast %broadcast_in_dim3A_94 : f32 to vector<16xf32>
    %swap3A_96 = arith.constant 160 : index
    %swap3A_97 = tpu.vector_load %arg16[%swap3A_96] {strides = array<i32>} : memref<632xf32, #tpu.memory_space<vmem>>, vector<16xf32>,
    %swap3A_98 = vector.shape_cast %swap3A_97 : vector<16xf32> to vector<16xf32>
    %swap3A_99 = vector.shape_cast %broadcast_in_dim3A_95 : vector<16xf32> to vector<16xf32>
    tpu.vector_store %arg16[%swap3A_96], %swap3A_99 {strides = array<i32>} : memref<632xf32, #tpu.memory_space<vmem>>, vector<16xf32>,
    %broadcast_in_dim3A_100 = arith.constant 0.000000e+00 : f32
    %broadcast_in_dim3A_101 = vector.broadcast %broadcast_in_dim3A_100 : f32 to vector<16xf32>
    %swap3A_102 = arith.constant 176 : index
    %swap3A_103 = tpu.vector_load %arg16[%swap3A_102] {strides = array<i32>} : memref<632xf32, #tpu.memory_space<vmem>>, vector<16xf32>,
    %swap3A_104 = vector.shape_cast %swap3A_103 : vector<16xf32> to vector<16xf32>
    %swap3A_105 = vector.shape_cast %broadcast_in_dim3A_101 : vector<16xf32> to vector<16xf32>
    tpu.vector_store %arg16[%swap3A_102], %swap3A_105 {strides = array<i32>} : memref<632xf32, #tpu.memory_space<vmem>>, vector<16xf32>,
    %broadcast_in_dim3A_106 = arith.constant 0.000000e+00 : f32
    %broadcast_in_dim3A_107 = vector.broadcast %broadcast_in_dim3A_106 : f32 to vector<16xf32>
    %swap3A_108 = arith.constant 192 : index
    %swap3A_109 = tpu.vector_load %arg16[%swap3A_108] {strides = array<i32>} : memref<632xf32, #tpu.memory_space<vmem>>, vector<16xf32>,
    %swap3A_110 = vector.shape_cast %swap3A_109 : vector<16xf32> to vector<16xf32>
    %swap3A_111 = vector.shape_cast %broadcast_in_dim3A_107 : vector<16xf32> to vector<16xf32>
    tpu.vector_store %arg16[%swap3A_108], %swap3A_111 {strides = array<i32>} : memref<632xf32, #tpu.memory_space<vmem>>, vector<16xf32>,
    %broadcast_in_dim3A_112 = arith.constant 0.000000e+00 : f32
    %broadcast_in_dim3A_113 = vector.broadcast %broadcast_in_dim3A_112 : f32 to vector<16xf32>
    %swap3A_114 = arith.constant 208 : index
    %swap3A_115 = tpu.vector_load %arg16[%swap3A_114] {strides = array<i32>} : memref<632xf32, #tpu.memory_space<vmem>>, vector<16xf32>,
    %swap3A_116 = vector.shape_cast %swap3A_115 : vector<16xf32> to vector<16xf32>
    %swap3A_117 = vector.shape_cast %broadcast_in_dim3A_113 : vector<16xf32> to vector<16xf32>
    tpu.vector_store %arg16[%swap3A_114], %swap3A_117 {strides = array<i32>} : memref<632xf32, #tpu.memory_space<vmem>>, vector<16xf32>,
    %broadcast_in_dim3A_118 = arith.constant 0.000000e+00 : f32
    %broadcast_in_dim3A_119 = vector.broadcast %broadcast_in_dim3A_118 : f32 to vector<16xf32>
    %swap3A_120 = arith.constant 224 : index
    %swap3A_121 = tpu.vector_load %arg16[%swap3A_120] {strides = array<i32>} : memref<632xf32, #tpu.memory_space<vmem>>, vector<16xf32>,
    %swap3A_122 = vector.shape_cast %swap3A_121 : vector<16xf32> to vector<16xf32>
    %swap3A_123 = vector.shape_cast %broadcast_in_dim3A_119 : vector<16xf32> to vector<16xf32>
    tpu.vector_store %arg16[%swap3A_120], %swap3A_123 {strides = array<i32>} : memref<632xf32, #tpu.memory_space<vmem>>, vector<16xf32>,
    %broadcast_in_dim3A_124 = arith.constant 0.000000e+00 : f32
    %broadcast_in_dim3A_125 = vector.broadcast %broadcast_in_dim3A_124 : f32 to vector<16xf32>
    %swap3A_126 = arith.constant 240 : index
    %swap3A_127 = tpu.vector_load %arg16[%swap3A_126] {strides = array<i32>} : memref<632xf32, #tpu.memory_space<vmem>>, vector<16xf32>,
    %swap3A_128 = vector.shape_cast %swap3A_127 : vector<16xf32> to vector<16xf32>
    %swap3A_129 = vector.shape_cast %broadcast_in_dim3A_125 : vector<16xf32> to vector<16xf32>
    tpu.vector_store %arg16[%swap3A_126], %swap3A_129 {strides = array<i32>} : memref<632xf32, #tpu.memory_space<vmem>>, vector<16xf32>,
    %broadcast_in_dim3A_130 = arith.constant 0.000000e+00 : f32
    %broadcast_in_dim3A_131 = vector.broadcast %broadcast_in_dim3A_130 : f32 to vector<16xf32>
    %swap3A_132 = arith.constant 256 : index
    %swap3A_133 = tpu.vector_load %arg16[%swap3A_132] {strides = array<i32>} : memref<632xf32, #tpu.memory_space<vmem>>, vector<16xf32>,
    %swap3A_134 = vector.shape_cast %swap3A_133 : vector<16xf32> to vector<16xf32>
    %swap3A_135 = vector.shape_cast %broadcast_in_dim3A_131 : vector<16xf32> to vector<16xf32>
    tpu.vector_store %arg16[%swap3A_132], %swap3A_135 {strides = array<i32>} : memref<632xf32, #tpu.memory_space<vmem>>, vector<16xf32>,
    %broadcast_in_dim3A_136 = arith.constant 0.000000e+00 : f32
    %broadcast_in_dim3A_137 = vector.broadcast %broadcast_in_dim3A_136 : f32 to vector<16xf32>
    %swap3A_138 = arith.constant 272 : index
    %swap3A_139 = tpu.vector_load %arg16[%swap3A_138] {strides = array<i32>} : memref<632xf32, #tpu.memory_space<vmem>>, vector<16xf32>,
    %swap3A_140 = vector.shape_cast %swap3A_139 : vector<16xf32> to vector<16xf32>
    %swap3A_141 = vector.shape_cast %broadcast_in_dim3A_137 : vector<16xf32> to vector<16xf32>
    tpu.vector_store %arg16[%swap3A_138], %swap3A_141 {strides = array<i32>} : memref<632xf32, #tpu.memory_space<vmem>>, vector<16xf32>,
    %broadcast_in_dim3A_142 = arith.constant 0.000000e+00 : f32
    %broadcast_in_dim3A_143 = vector.broadcast %broadcast_in_dim3A_142 : f32 to vector<16xf32>
    %swap3A_144 = arith.constant 288 : index
    %swap3A_145 = tpu.vector_load %arg16[%swap3A_144] {strides = array<i32>} : memref<632xf32, #tpu.memory_space<vmem>>, vector<16xf32>,
    %swap3A_146 = vector.shape_cast %swap3A_145 : vector<16xf32> to vector<16xf32>
    %swap3A_147 = vector.shape_cast %broadcast_in_dim3A_143 : vector<16xf32> to vector<16xf32>
    tpu.vector_store %arg16[%swap3A_144], %swap3A_147 {strides = array<i32>} : memref<632xf32, #tpu.memory_space<vmem>>, vector<16xf32>,
    %broadcast_in_dim3A_148 = arith.constant 0.000000e+00 : f32
    %broadcast_in_dim3A_149 = vector.broadcast %broadcast_in_dim3A_148 : f32 to vector<16xf32>
    %swap3A_150 = arith.constant 304 : index
    %swap3A_151 = tpu.vector_load %arg16[%swap3A_150] {strides = array<i32>} : memref<632xf32, #tpu.memory_space<vmem>>, vector<16xf32>,
    %swap3A_152 = vector.shape_cast %swap3A_151 : vector<16xf32> to vector<16xf32>
    %swap3A_153 = vector.shape_cast %broadcast_in_dim3A_149 : vector<16xf32> to vector<16xf32>
    tpu.vector_store %arg16[%swap3A_150], %swap3A_153 {strides = array<i32>} : memref<632xf32, #tpu.memory_space<vmem>>, vector<16xf32>,
    %broadcast_in_dim3A_154 = arith.constant 0.000000e+00 : f32
    %broadcast_in_dim3A_155 = vector.broadcast %broadcast_in_dim3A_154 : f32 to vector<16xf32>
    %swap3A_156 = arith.constant 320 : index
    %swap3A_157 = tpu.vector_load %arg16[%swap3A_156] {strides = array<i32>} : memref<632xf32, #tpu.memory_space<vmem>>, vector<16xf32>,
    %swap3A_158 = vector.shape_cast %swap3A_157 : vector<16xf32> to vector<16xf32>
    %swap3A_159 = vector.shape_cast %broadcast_in_dim3A_155 : vector<16xf32> to vector<16xf32>
    tpu.vector_store %arg16[%swap3A_156], %swap3A_159 {strides = array<i32>} : memref<632xf32, #tpu.memory_space<vmem>>, vector<16xf32>,
    %broadcast_in_dim3A_160 = arith.constant 0.000000e+00 : f32
    %broadcast_in_dim3A_161 = vector.broadcast %broadcast_in_dim3A_160 : f32 to vector<16xf32>
    %swap3A_162 = arith.constant 336 : index
    %swap3A_163 = tpu.vector_load %arg16[%swap3A_162] {strides = array<i32>} : memref<632xf32, #tpu.memory_space<vmem>>, vector<16xf32>,
    %swap3A_164 = vector.shape_cast %swap3A_163 : vector<16xf32> to vector<16xf32>
    %swap3A_165 = vector.shape_cast %broadcast_in_dim3A_161 : vector<16xf32> to vector<16xf32>
    tpu.vector_store %arg16[%swap3A_162], %swap3A_165 {strides = array<i32>} : memref<632xf32, #tpu.memory_space<vmem>>, vector<16xf32>,
    %broadcast_in_dim3A_166 = arith.constant 0.000000e+00 : f32
    %broadcast_in_dim3A_167 = vector.broadcast %broadcast_in_dim3A_166 : f32 to vector<16xf32>
    %swap3A_168 = arith.constant 352 : index
    %swap3A_169 = tpu.vector_load %arg16[%swap3A_168] {strides = array<i32>} : memref<632xf32, #tpu.memory_space<vmem>>, vector<16xf32>,
    %swap3A_170 = vector.shape_cast %swap3A_169 : vector<16xf32> to vector<16xf32>
    %swap3A_171 = vector.shape_cast %broadcast_in_dim3A_167 : vector<16xf32> to vector<16xf32>
    tpu.vector_store %arg16[%swap3A_168], %swap3A_171 {strides = array<i32>} : memref<632xf32, #tpu.memory_space<vmem>>, vector<16xf32>,
    %broadcast_in_dim3A_172 = arith.constant 0.000000e+00 : f32
    %broadcast_in_dim3A_173 = vector.broadcast %broadcast_in_dim3A_172 : f32 to vector<16xf32>
    %swap3A_174 = arith.constant 368 : index
    %swap3A_175 = tpu.vector_load %arg16[%swap3A_174] {strides = array<i32>} : memref<632xf32, #tpu.memory_space<vmem>>, vector<16xf32>,
    %swap3A_176 = vector.shape_cast %swap3A_175 : vector<16xf32> to vector<16xf32>
    %swap3A_177 = vector.shape_cast %broadcast_in_dim3A_173 : vector<16xf32> to vector<16xf32>
    tpu.vector_store %arg16[%swap3A_174], %swap3A_177 {strides = array<i32>} : memref<632xf32, #tpu.memory_space<vmem>>, vector<16xf32>,
    %broadcast_in_dim3A_178 = arith.constant 0.000000e+00 : f32
    %broadcast_in_dim3A_179 = vector.broadcast %broadcast_in_dim3A_178 : f32 to vector<16xf32>
    %swap3A_180 = arith.constant 384 : index
    %swap3A_181 = tpu.vector_load %arg16[%swap3A_180] {strides = array<i32>} : memref<632xf32, #tpu.memory_space<vmem>>, vector<16xf32>,
    %swap3A_182 = vector.shape_cast %swap3A_181 : vector<16xf32> to vector<16xf32>
    %swap3A_183 = vector.shape_cast %broadcast_in_dim3A_179 : vector<16xf32> to vector<16xf32>
    tpu.vector_store %arg16[%swap3A_180], %swap3A_183 {strides = array<i32>} : memref<632xf32, #tpu.memory_space<vmem>>, vector<16xf32>,
    %broadcast_in_dim3A_184 = arith.constant 0.000000e+00 : f32
    %broadcast_in_dim3A_185 = vector.broadcast %broadcast_in_dim3A_184 : f32 to vector<16xf32>
    %swap3A_186 = arith.constant 400 : index
    %swap3A_187 = tpu.vector_load %arg16[%swap3A_186] {strides = array<i32>} : memref<632xf32, #tpu.memory_space<vmem>>, vector<16xf32>,
    %swap3A_188 = vector.shape_cast %swap3A_187 : vector<16xf32> to vector<16xf32>
    %swap3A_189 = vector.shape_cast %broadcast_in_dim3A_185 : vector<16xf32> to vector<16xf32>
    tpu.vector_store %arg16[%swap3A_186], %swap3A_189 {strides = array<i32>} : memref<632xf32, #tpu.memory_space<vmem>>, vector<16xf32>,
    %broadcast_in_dim3A_190 = arith.constant 0.000000e+00 : f32
    %broadcast_in_dim3A_191 = vector.broadcast %broadcast_in_dim3A_190 : f32 to vector<16xf32>
    %swap3A_192 = arith.constant 416 : index
    %swap3A_193 = tpu.vector_load %arg16[%swap3A_192] {strides = array<i32>} : memref<632xf32, #tpu.memory_space<vmem>>, vector<16xf32>,
    %swap3A_194 = vector.shape_cast %swap3A_193 : vector<16xf32> to vector<16xf32>
    %swap3A_195 = vector.shape_cast %broadcast_in_dim3A_191 : vector<16xf32> to vector<16xf32>
    tpu.vector_store %arg16[%swap3A_192], %swap3A_195 {strides = array<i32>} : memref<632xf32, #tpu.memory_space<vmem>>, vector<16xf32>,
    %broadcast_in_dim3A_196 = arith.constant 0.000000e+00 : f32
    %broadcast_in_dim3A_197 = vector.broadcast %broadcast_in_dim3A_196 : f32 to vector<16xf32>
    %swap3A_198 = arith.constant 432 : index
    %swap3A_199 = tpu.vector_load %arg16[%swap3A_198] {strides = array<i32>} : memref<632xf32, #tpu.memory_space<vmem>>, vector<16xf32>,
    %swap3A_200 = vector.shape_cast %swap3A_199 : vector<16xf32> to vector<16xf32>
    %swap3A_201 = vector.shape_cast %broadcast_in_dim3A_197 : vector<16xf32> to vector<16xf32>
    tpu.vector_store %arg16[%swap3A_198], %swap3A_201 {strides = array<i32>} : memref<632xf32, #tpu.memory_space<vmem>>, vector<16xf32>,
    %broadcast_in_dim3A_202 = arith.constant 0.000000e+00 : f32
    %broadcast_in_dim3A_203 = vector.broadcast %broadcast_in_dim3A_202 : f32 to vector<16xf32>
    %swap3A_204 = arith.constant 448 : index
    %swap3A_205 = tpu.vector_load %arg16[%swap3A_204] {strides = array<i32>} : memref<632xf32, #tpu.memory_space<vmem>>, vector<16xf32>,
    %swap3A_206 = vector.shape_cast %swap3A_205 : vector<16xf32> to vector<16xf32>
    %swap3A_207 = vector.shape_cast %broadcast_in_dim3A_203 : vector<16xf32> to vector<16xf32>
    tpu.vector_store %arg16[%swap3A_204], %swap3A_207 {strides = array<i32>} : memref<632xf32, #tpu.memory_space<vmem>>, vector<16xf32>,
    %broadcast_in_dim3A_208 = arith.constant 0.000000e+00 : f32
    %broadcast_in_dim3A_209 = vector.broadcast %broadcast_in_dim3A_208 : f32 to vector<16xf32>
    %swap3A_210 = arith.constant 464 : index
    %swap3A_211 = tpu.vector_load %arg16[%swap3A_210] {strides = array<i32>} : memref<632xf32, #tpu.memory_space<vmem>>, vector<16xf32>,
    %swap3A_212 = vector.shape_cast %swap3A_211 : vector<16xf32> to vector<16xf32>
    %swap3A_213 = vector.shape_cast %broadcast_in_dim3A_209 : vector<16xf32> to vector<16xf32>
    tpu.vector_store %arg16[%swap3A_210], %swap3A_213 {strides = array<i32>} : memref<632xf32, #tpu.memory_space<vmem>>, vector<16xf32>,
    %broadcast_in_dim3A_214 = arith.constant 0.000000e+00 : f32
    %broadcast_in_dim3A_215 = vector.broadcast %broadcast_in_dim3A_214 : f32 to vector<16xf32>
    %swap3A_216 = arith.constant 480 : index
    %swap3A_217 = tpu.vector_load %arg16[%swap3A_216] {strides = array<i32>} : memref<632xf32, #tpu.memory_space<vmem>>, vector<16xf32>,
    %swap3A_218 = vector.shape_cast %swap3A_217 : vector<16xf32> to vector<16xf32>
    %swap3A_219 = vector.shape_cast %broadcast_in_dim3A_215 : vector<16xf32> to vector<16xf32>
    tpu.vector_store %arg16[%swap3A_216], %swap3A_219 {strides = array<i32>} : memref<632xf32, #tpu.memory_space<vmem>>, vector<16xf32>,
    %broadcast_in_dim3A_220 = arith.constant 0.000000e+00 : f32
    %broadcast_in_dim3A_221 = vector.broadcast %broadcast_in_dim3A_220 : f32 to vector<16xf32>
    %swap3A_222 = arith.constant 496 : index
    %swap3A_223 = tpu.vector_load %arg16[%swap3A_222] {strides = array<i32>} : memref<632xf32, #tpu.memory_space<vmem>>, vector<16xf32>,
    %swap3A_224 = vector.shape_cast %swap3A_223 : vector<16xf32> to vector<16xf32>
    %swap3A_225 = vector.shape_cast %broadcast_in_dim3A_221 : vector<16xf32> to vector<16xf32>
    tpu.vector_store %arg16[%swap3A_222], %swap3A_225 {strides = array<i32>} : memref<632xf32, #tpu.memory_space<vmem>>, vector<16xf32>,
    %broadcast_in_dim3A_226 = arith.constant 0.000000e+00 : f32
    %broadcast_in_dim3A_227 = vector.broadcast %broadcast_in_dim3A_226 : f32 to vector<16xf32>
    %swap3A_228 = arith.constant 512 : index
    %swap3A_229 = tpu.vector_load %arg16[%swap3A_228] {strides = array<i32>} : memref<632xf32, #tpu.memory_space<vmem>>, vector<16xf32>,
    %swap3A_230 = vector.shape_cast %swap3A_229 : vector<16xf32> to vector<16xf32>
    %swap3A_231 = vector.shape_cast %broadcast_in_dim3A_227 : vector<16xf32> to vector<16xf32>
    tpu.vector_store %arg16[%swap3A_228], %swap3A_231 {strides = array<i32>} : memref<632xf32, #tpu.memory_space<vmem>>, vector<16xf32>,
    %broadcast_in_dim3A_232 = arith.constant 0.000000e+00 : f32
    %broadcast_in_dim3A_233 = vector.broadcast %broadcast_in_dim3A_232 : f32 to vector<16xf32>
    %swap3A_234 = arith.constant 528 : index
    %swap3A_235 = tpu.vector_load %arg16[%swap3A_234] {strides = array<i32>} : memref<632xf32, #tpu.memory_space<vmem>>, vector<16xf32>,
    %swap3A_236 = vector.shape_cast %swap3A_235 : vector<16xf32> to vector<16xf32>
    %swap3A_237 = vector.shape_cast %broadcast_in_dim3A_233 : vector<16xf32> to vector<16xf32>
    tpu.vector_store %arg16[%swap3A_234], %swap3A_237 {strides = array<i32>} : memref<632xf32, #tpu.memory_space<vmem>>, vector<16xf32>,
    %broadcast_in_dim3A_238 = arith.constant 0.000000e+00 : f32
    %broadcast_in_dim3A_239 = vector.broadcast %broadcast_in_dim3A_238 : f32 to vector<16xf32>
    %swap3A_240 = arith.constant 544 : index
    %swap3A_241 = tpu.vector_load %arg16[%swap3A_240] {strides = array<i32>} : memref<632xf32, #tpu.memory_space<vmem>>, vector<16xf32>,
    %swap3A_242 = vector.shape_cast %swap3A_241 : vector<16xf32> to vector<16xf32>
    %swap3A_243 = vector.shape_cast %broadcast_in_dim3A_239 : vector<16xf32> to vector<16xf32>
    tpu.vector_store %arg16[%swap3A_240], %swap3A_243 {strides = array<i32>} : memref<632xf32, #tpu.memory_space<vmem>>, vector<16xf32>,
    %broadcast_in_dim3A_244 = arith.constant 0.000000e+00 : f32
    %broadcast_in_dim3A_245 = vector.broadcast %broadcast_in_dim3A_244 : f32 to vector<16xf32>
    %swap3A_246 = arith.constant 560 : index
    %swap3A_247 = tpu.vector_load %arg16[%swap3A_246] {strides = array<i32>} : memref<632xf32, #tpu.memory_space<vmem>>, vector<16xf32>,
    %swap3A_248 = vector.shape_cast %swap3A_247 : vector<16xf32> to vector<16xf32>
    %swap3A_249 = vector.shape_cast %broadcast_in_dim3A_245 : vector<16xf32> to vector<16xf32>
    tpu.vector_store %arg16[%swap3A_246], %swap3A_249 {strides = array<i32>} : memref<632xf32, #tpu.memory_space<vmem>>, vector<16xf32>,
    %broadcast_in_dim3A_250 = arith.constant 0.000000e+00 : f32
    %broadcast_in_dim3A_251 = vector.broadcast %broadcast_in_dim3A_250 : f32 to vector<16xf32>
    %swap3A_252 = arith.constant 576 : index
    %swap3A_253 = tpu.vector_load %arg16[%swap3A_252] {strides = array<i32>} : memref<632xf32, #tpu.memory_space<vmem>>, vector<16xf32>,
    %swap3A_254 = vector.shape_cast %swap3A_253 : vector<16xf32> to vector<16xf32>
    %swap3A_255 = vector.shape_cast %broadcast_in_dim3A_251 : vector<16xf32> to vector<16xf32>
    tpu.vector_store %arg16[%swap3A_252], %swap3A_255 {strides = array<i32>} : memref<632xf32, #tpu.memory_space<vmem>>, vector<16xf32>,
    %broadcast_in_dim3A_256 = arith.constant 0.000000e+00 : f32
    %broadcast_in_dim3A_257 = vector.broadcast %broadcast_in_dim3A_256 : f32 to vector<16xf32>
    %swap3A_258 = arith.constant 592 : index
    %swap3A_259 = tpu.vector_load %arg16[%swap3A_258] {strides = array<i32>} : memref<632xf32, #tpu.memory_space<vmem>>, vector<16xf32>,
    %swap3A_260 = vector.shape_cast %swap3A_259 : vector<16xf32> to vector<16xf32>
    %swap3A_261 = vector.shape_cast %broadcast_in_dim3A_257 : vector<16xf32> to vector<16xf32>
    tpu.vector_store %arg16[%swap3A_258], %swap3A_261 {strides = array<i32>} : memref<632xf32, #tpu.memory_space<vmem>>, vector<16xf32>,
    %broadcast_in_dim3A_262 = arith.constant 0.000000e+00 : f32
    %broadcast_in_dim3A_263 = vector.broadcast %broadcast_in_dim3A_262 : f32 to vector<16xf32>
    %swap3A_264 = arith.constant 608 : index
    %swap3A_265 = tpu.vector_load %arg16[%swap3A_264] {strides = array<i32>} : memref<632xf32, #tpu.memory_space<vmem>>, vector<16xf32>,
    %swap3A_266 = vector.shape_cast %swap3A_265 : vector<16xf32> to vector<16xf32>
    %swap3A_267 = vector.shape_cast %broadcast_in_dim3A_263 : vector<16xf32> to vector<16xf32>
    tpu.vector_store %arg16[%swap3A_264], %swap3A_267 {strides = array<i32>} : memref<632xf32, #tpu.memory_space<vmem>>, vector<16xf32>,
    %broadcast_in_dim3A_268 = arith.constant 0.000000e+00 : f32
    %broadcast_in_dim3A_269 = vector.broadcast %broadcast_in_dim3A_268 : f32 to vector<16xf32>
    %swap3A_270 = arith.constant 616 : index
    %swap3A_271 = tpu.vector_load %arg16[%swap3A_270] {strides = array<i32>} : memref<632xf32, #tpu.memory_space<vmem>>, vector<16xf32>,
    %swap3A_272 = vector.shape_cast %swap3A_271 : vector<16xf32> to vector<16xf32>
    %swap3A_273 = vector.shape_cast %broadcast_in_dim3A_269 : vector<16xf32> to vector<16xf32>
    tpu.vector_store %arg16[%swap3A_270], %swap3A_273 {strides = array<i32>} : memref<632xf32, #tpu.memory_space<vmem>>, vector<16xf32>,
    %mul3A_274 = arith.constant 125 : i32
    %mul3A_275 = arith.muli %add3A, %mul3A_274 : i32
    %mul3A_276 = arith.constant 2 : i32
    %mul3A_277 = arith.muli %mul3A_275, %mul3A_276 : i32
    %mul3A_278 = arith.constant 80 : i32
    %mul3A_279 = arith.muli %mul3A_277, %mul3A_278 : i32
    %multiple_of3A = tpu.assume_multiple %mul3A_279, 8 : i32
    %mul3A_280 = arith.constant 632 : i32
    %mul3A_281 = arith.muli %arg1, %mul3A_280 : i32
    %multiple_of3A_282 = tpu.assume_multiple %mul3A_281, 8 : i32
    %add3A_283 = arith.constant 0 : i32
    %add3A_284 = arith.addi %multiple_of3A, %add3A_283 : i32
    %dma_start3A = tpu.memref_slice %arg3[%add3A_284] : memref<640000xi32, #tpu.memory_space<hbm>> -> memref<160xi32, #tpu.memory_space<hbm>>
    %dma_start3A_285 = tpu.memref_slice %arg3[%add3A_284] : memref<640000xi32, #tpu.memory_space<hbm>> -> memref<160xi32, #tpu.memory_space<hbm>>
    tpu.enqueue_dma source(%dma_start3A_285 : memref<160xi32, #tpu.memory_space<hbm>>) target(%arg9 : memref<160xi32, #tpu.memory_space<vmem>>) target_semaphore(%arg17 : memref<!tpu.dma_semaphore, #tpu.memory_space<semaphore_mem>>)
    %add3A_286 = arith.constant 160 : i32
    %add3A_287 = arith.addi %multiple_of3A, %add3A_286 : i32
    %dma_start3A_288 = tpu.memref_slice %arg3[%add3A_287] : memref<640000xi32, #tpu.memory_space<hbm>> -> memref<160xi32, #tpu.memory_space<hbm>>
    %dma_start3A_289 = tpu.memref_slice %arg3[%add3A_287] : memref<640000xi32, #tpu.memory_space<hbm>> -> memref<160xi32, #tpu.memory_space<hbm>>
    tpu.enqueue_dma source(%dma_start3A_289 : memref<160xi32, #tpu.memory_space<hbm>>) target(%arg10 : memref<160xi32, #tpu.memory_space<vmem>>) target_semaphore(%arg18 : memref<!tpu.dma_semaphore, #tpu.memory_space<semaphore_mem>>)
    %add3A_290 = arith.constant 320 : i32
    %add3A_291 = arith.addi %multiple_of3A, %add3A_290 : i32
    %dma_start3A_292 = tpu.memref_slice %arg3[%add3A_291] : memref<640000xi32, #tpu.memory_space<hbm>> -> memref<160xi32, #tpu.memory_space<hbm>>
    %dma_start3A_293 = tpu.memref_slice %arg3[%add3A_291] : memref<640000xi32, #tpu.memory_space<hbm>> -> memref<160xi32, #tpu.memory_space<hbm>>
    tpu.enqueue_dma source(%dma_start3A_293 : memref<160xi32, #tpu.memory_space<hbm>>) target(%arg11 : memref<160xi32, #tpu.memory_space<vmem>>) target_semaphore(%arg19 : memref<!tpu.dma_semaphore, #tpu.memory_space<semaphore_mem>>)
    %add3A_294 = arith.constant 0 : i32
    %add3A_295 = arith.addi %multiple_of3A_282, %add3A_294 : i32
    %dma_start3A_296 = arith.constant 0 : i32
    %dma_start3A_297 = tpu.memref_slice %arg29[%add3A_295, %dma_start3A_296] : memref<10112x128xf32, #tpu.memory_space<vmem_shared>> -> memref<80x128xf32, #tpu.memory_space<vmem_shared>>
    %dma_start3A_298 = arith.constant 0 : i32
    %dma_start3A_299 = tpu.memref_slice %arg29[%add3A_295, %dma_start3A_298] : memref<10112x128xf32, #tpu.memory_space<vmem_shared>> -> memref<80x128xf32, #tpu.memory_space<vmem_shared>>
    tpu.enqueue_dma source(%arg6 : memref<80x128xf32, #tpu.memory_space<vmem>>) target(%dma_start3A_299 : memref<80x128xf32, #tpu.memory_space<vmem_shared>>) target_semaphore(%arg26 : memref<!tpu.dma_semaphore, #tpu.memory_space<semaphore_mem>>)
    %add3A_300 = arith.constant 80 : i32
    %add3A_301 = arith.addi %multiple_of3A_282, %add3A_300 : i32
    %dma_start3A_302 = arith.constant 0 : i32
    %dma_start3A_303 = tpu.memref_slice %arg29[%add3A_301, %dma_start3A_302] : memref<10112x128xf32, #tpu.memory_space<vmem_shared>> -> memref<80x128xf32, #tpu.memory_space<vmem_shared>>
    %dma_start3A_304 = arith.constant 0 : i32
    %dma_start3A_305 = tpu.memref_slice %arg29[%add3A_301, %dma_start3A_304] : memref<10112x128xf32, #tpu.memory_space<vmem_shared>> -> memref<80x128xf32, #tpu.memory_space<vmem_shared>>
    tpu.enqueue_dma source(%arg6 : memref<80x128xf32, #tpu.memory_space<vmem>>) target(%dma_start3A_305 : memref<80x128xf32, #tpu.memory_space<vmem_shared>>) target_semaphore(%arg26 : memref<!tpu.dma_semaphore, #tpu.memory_space<semaphore_mem>>)
    %add3A_306 = arith.constant 160 : i32
    %add3A_307 = arith.addi %multiple_of3A_282, %add3A_306 : i32
    %dma_start3A_308 = arith.constant 0 : i32
    %dma_start3A_309 = tpu.memref_slice %arg29[%add3A_307, %dma_start3A_308] : memref<10112x128xf32, #tpu.memory_space<vmem_shared>> -> memref<80x128xf32, #tpu.memory_space<vmem_shared>>
    %dma_start3A_310 = arith.constant 0 : i32
    %dma_start3A_311 = tpu.memref_slice %arg29[%add3A_307, %dma_start3A_310] : memref<10112x128xf32, #tpu.memory_space<vmem_shared>> -> memref<80x128xf32, #tpu.memory_space<vmem_shared>>
    tpu.enqueue_dma source(%arg6 : memref<80x128xf32, #tpu.memory_space<vmem>>) target(%dma_start3A_311 : memref<80x128xf32, #tpu.memory_space<vmem_shared>>) target_semaphore(%arg26 : memref<!tpu.dma_semaphore, #tpu.memory_space<semaphore_mem>>)
    %add3A_312 = arith.constant 240 : i32
    %add3A_313 = arith.addi %multiple_of3A_282, %add3A_312 : i32
    %dma_start3A_314 = arith.constant 0 : i32
    %dma_start3A_315 = tpu.memref_slice %arg29[%add3A_313, %dma_start3A_314] : memref<10112x128xf32, #tpu.memory_space<vmem_shared>> -> memref<80x128xf32, #tpu.memory_space<vmem_shared>>
    %dma_start3A_316 = arith.constant 0 : i32
    %dma_start3A_317 = tpu.memref_slice %arg29[%add3A_313, %dma_start3A_316] : memref<10112x128xf32, #tpu.memory_space<vmem_shared>> -> memref<80x128xf32, #tpu.memory_space<vmem_shared>>
    tpu.enqueue_dma source(%arg6 : memref<80x128xf32, #tpu.memory_space<vmem>>) target(%dma_start3A_317 : memref<80x128xf32, #tpu.memory_space<vmem_shared>>) target_semaphore(%arg26 : memref<!tpu.dma_semaphore, #tpu.memory_space<semaphore_mem>>)
    %add3A_318 = arith.constant 320 : i32
    %add3A_319 = arith.addi %multiple_of3A_282, %add3A_318 : i32
    %dma_start3A_320 = arith.constant 0 : i32
    %dma_start3A_321 = tpu.memref_slice %arg29[%add3A_319, %dma_start3A_320] : memref<10112x128xf32, #tpu.memory_space<vmem_shared>> -> memref<80x128xf32, #tpu.memory_space<vmem_shared>>
    %dma_start3A_322 = arith.constant 0 : i32
    %dma_start3A_323 = tpu.memref_slice %arg29[%add3A_319, %dma_start3A_322] : memref<10112x128xf32, #tpu.memory_space<vmem_shared>> -> memref<80x128xf32, #tpu.memory_space<vmem_shared>>
    tpu.enqueue_dma source(%arg6 : memref<80x128xf32, #tpu.memory_space<vmem>>) target(%dma_start3A_323 : memref<80x128xf32, #tpu.memory_space<vmem_shared>>) target_semaphore(%arg26 : memref<!tpu.dma_semaphore, #tpu.memory_space<semaphore_mem>>)
    %add3A_324 = arith.constant 400 : i32
    %add3A_325 = arith.addi %multiple_of3A_282, %add3A_324 : i32
    %dma_start3A_326 = arith.constant 0 : i32
    %dma_start3A_327 = tpu.memref_slice %arg29[%add3A_325, %dma_start3A_326] : memref<10112x128xf32, #tpu.memory_space<vmem_shared>> -> memref<80x128xf32, #tpu.memory_space<vmem_shared>>
    %dma_start3A_328 = arith.constant 0 : i32
    %dma_start3A_329 = tpu.memref_slice %arg29[%add3A_325, %dma_start3A_328] : memref<10112x128xf32, #tpu.memory_space<vmem_shared>> -> memref<80x128xf32, #tpu.memory_space<vmem_shared>>
    tpu.enqueue_dma source(%arg6 : memref<80x128xf32, #tpu.memory_space<vmem>>) target(%dma_start3A_329 : memref<80x128xf32, #tpu.memory_space<vmem_shared>>) target_semaphore(%arg26 : memref<!tpu.dma_semaphore, #tpu.memory_space<semaphore_mem>>)
    %add3A_330 = arith.constant 480 : i32
    %add3A_331 = arith.addi %multiple_of3A_282, %add3A_330 : i32
    %dma_start3A_332 = arith.constant 0 : i32
    %dma_start3A_333 = tpu.memref_slice %arg29[%add3A_331, %dma_start3A_332] : memref<10112x128xf32, #tpu.memory_space<vmem_shared>> -> memref<80x128xf32, #tpu.memory_space<vmem_shared>>
    %dma_start3A_334 = arith.constant 0 : i32
    %dma_start3A_335 = tpu.memref_slice %arg29[%add3A_331, %dma_start3A_334] : memref<10112x128xf32, #tpu.memory_space<vmem_shared>> -> memref<80x128xf32, #tpu.memory_space<vmem_shared>>
    tpu.enqueue_dma source(%arg6 : memref<80x128xf32, #tpu.memory_space<vmem>>) target(%dma_start3A_335 : memref<80x128xf32, #tpu.memory_space<vmem_shared>>) target_semaphore(%arg26 : memref<!tpu.dma_semaphore, #tpu.memory_space<semaphore_mem>>)
    %add3A_336 = arith.constant 560 : i32
    %add3A_337 = arith.addi %multiple_of3A_282, %add3A_336 : i32
    %dma_start3A_338 = arith.constant 0 : i32
    %dma_start3A_339 = arith.constant 0 : i32
    %dma_start3A_340 = tpu.memref_slice %arg6[%dma_start3A_338, %dma_start3A_339] : memref<80x128xf32, #tpu.memory_space<vmem>> -> memref<72x128xf32, #tpu.memory_space<vmem>>
    %dma_start3A_341 = arith.constant 0 : i32
    %dma_start3A_342 = tpu.memref_slice %arg29[%add3A_337, %dma_start3A_341] : memref<10112x128xf32, #tpu.memory_space<vmem_shared>> -> memref<72x128xf32, #tpu.memory_space<vmem_shared>>
    %dma_start3A_343 = arith.constant 0 : i32
    %dma_start3A_344 = tpu.memref_slice %arg29[%add3A_337, %dma_start3A_343] : memref<10112x128xf32, #tpu.memory_space<vmem_shared>> -> memref<72x128xf32, #tpu.memory_space<vmem_shared>>
    %dma_start3A_345 = arith.constant 0 : i32
    %dma_start3A_346 = arith.constant 0 : i32
    %dma_start3A_347 = tpu.memref_slice %arg6[%dma_start3A_345, %dma_start3A_346] : memref<80x128xf32, #tpu.memory_space<vmem>> -> memref<72x128xf32, #tpu.memory_space<vmem>>
    tpu.enqueue_dma source(%dma_start3A_347 : memref<72x128xf32, #tpu.memory_space<vmem>>) target(%dma_start3A_344 : memref<72x128xf32, #tpu.memory_space<vmem_shared>>) target_semaphore(%arg26 : memref<!tpu.dma_semaphore, #tpu.memory_space<semaphore_mem>>)
    "tpu.region"() ({
      %run_scoped3A = tpu.sem_alloc : memref<!tpu.dma_semaphore, #tpu.memory_space<semaphore_mem>>
      %dma_start3A_623 = tpu.memref_slice %arg30[%multiple_of3A_282] : memref<10240xf32, #tpu.memory_space<vmem_shared>> -> memref<632xf32, #tpu.memory_space<vmem_shared>>
      %dma_start3A_624 = tpu.memref_slice %arg30[%multiple_of3A_282] : memref<10240xf32, #tpu.memory_space<vmem_shared>> -> memref<632xf32, #tpu.memory_space<vmem_shared>>
      tpu.enqueue_dma source(%arg16 : memref<632xf32, #tpu.memory_space<vmem>>) target(%dma_start3A_624 : memref<632xf32, #tpu.memory_space<vmem_shared>>) target_semaphore(%run_scoped3A : memref<!tpu.dma_semaphore, #tpu.memory_space<semaphore_mem>>)
      %dma_wait3A_625 = tpu.memref_slice %arg30[%multiple_of3A_282] : memref<10240xf32, #tpu.memory_space<vmem_shared>> -> memref<632xf32, #tpu.memory_space<vmem_shared>>
      %dma_wait3A_626 = tpu.memref_slice %arg30[%multiple_of3A_282] : memref<10240xf32, #tpu.memory_space<vmem_shared>> -> memref<632xf32, #tpu.memory_space<vmem_shared>>
      tpu.wait_dma2 semaphore(%run_scoped3A : memref<!tpu.dma_semaphore, #tpu.memory_space<semaphore_mem>>) src(%arg16 : memref<632xf32, #tpu.memory_space<vmem>>) dst(%dma_wait3A_626 : memref<632xf32, #tpu.memory_space<vmem_shared>>)
      tpu.yield
    }) : () -> ()
    %dma_wait3A = arith.constant 0 : i32
    %dma_wait3A_348 = tpu.memref_slice %arg3[%dma_wait3A] : memref<640000xi32, #tpu.memory_space<hbm>> -> memref<160xi32, #tpu.memory_space<hbm>>
    %dma_wait3A_349 = arith.constant 0 : i32
    %dma_wait3A_350 = tpu.memref_slice %arg3[%dma_wait3A_349] : memref<640000xi32, #tpu.memory_space<hbm>> -> memref<160xi32, #tpu.memory_space<hbm>>
    tpu.wait_dma2 semaphore(%arg18 : memref<!tpu.dma_semaphore, #tpu.memory_space<semaphore_mem>>) src(%dma_wait3A_350 : memref<160xi32, #tpu.memory_space<hbm>>) dst(%arg10 : memref<160xi32, #tpu.memory_space<vmem>>)
    %dma_start3A_351 = arith.constant 0 : i32
    %dma_start3A_352 = tpu.memref_slice %arg10[%dma_start3A_351] : memref<160xi32, #tpu.memory_space<vmem>> -> memref<80xi32, #tpu.memory_space<vmem>>
    %dma_start3A_353 = arith.constant 0 : i32
    %dma_start3A_354 = arith.constant 0 : i32
    %dma_start3A_355 = tpu.memref_slice %arg2[%dma_start3A_353, %dma_start3A_354] : memref<10000x128xf32, #tpu.memory_space<hbm>> -> memref<10000x128xf32, #tpu.memory_space<hbm>>
    tpu.enqueue_indirect_dma source(%dma_start3A_355 : memref<10000x128xf32, #tpu.memory_space<hbm>>) target(%arg7 : memref<80x128xf32, #tpu.memory_space<vmem>>) offsets(%dma_start3A_352 : memref<80xi32, #tpu.memory_space<vmem>>) semaphore(%arg21 : memref<!tpu.dma_semaphore, #tpu.memory_space<semaphore_mem>>)
    %dma_wait3A_356 = arith.constant 0 : i32
    %dma_wait3A_357 = tpu.memref_slice %arg3[%dma_wait3A_356] : memref<640000xi32, #tpu.memory_space<hbm>> -> memref<160xi32, #tpu.memory_space<hbm>>
    %dma_wait3A_358 = arith.constant 0 : i32
    %dma_wait3A_359 = tpu.memref_slice %arg3[%dma_wait3A_358] : memref<640000xi32, #tpu.memory_space<hbm>> -> memref<160xi32, #tpu.memory_space<hbm>>
    tpu.wait_dma2 semaphore(%arg19 : memref<!tpu.dma_semaphore, #tpu.memory_space<semaphore_mem>>) src(%dma_wait3A_359 : memref<160xi32, #tpu.memory_space<hbm>>) dst(%arg11 : memref<160xi32, #tpu.memory_space<vmem>>)
    %dma_start3A_360 = arith.constant 0 : i32
    %dma_start3A_361 = tpu.memref_slice %arg11[%dma_start3A_360] : memref<160xi32, #tpu.memory_space<vmem>> -> memref<80xi32, #tpu.memory_space<vmem>>
    %dma_start3A_362 = arith.constant 0 : i32
    %dma_start3A_363 = arith.constant 0 : i32
    %dma_start3A_364 = tpu.memref_slice %arg2[%dma_start3A_362, %dma_start3A_363] : memref<10000x128xf32, #tpu.memory_space<hbm>> -> memref<10000x128xf32, #tpu.memory_space<hbm>>
    tpu.enqueue_indirect_dma source(%dma_start3A_364 : memref<10000x128xf32, #tpu.memory_space<hbm>>) target(%arg8 : memref<80x128xf32, #tpu.memory_space<vmem>>) offsets(%dma_start3A_361 : memref<80xi32, #tpu.memory_space<vmem>>) semaphore(%arg22 : memref<!tpu.dma_semaphore, #tpu.memory_space<semaphore_mem>>)
    %dma_wait3A_365 = arith.constant 0 : i32
    %dma_wait3A_366 = arith.constant 0 : i32
    %dma_wait3A_367 = tpu.memref_slice %arg2[%dma_wait3A_365, %dma_wait3A_366] : memref<10000x128xf32, #tpu.memory_space<hbm>> -> memref<80x128xf32, #tpu.memory_space<hbm>>
    %dma_wait3A_368 = arith.constant 0 : i32
    %dma_wait3A_369 = arith.constant 0 : i32
    %dma_wait3A_370 = tpu.memref_slice %arg2[%dma_wait3A_368, %dma_wait3A_369] : memref<10000x128xf32, #tpu.memory_space<hbm>> -> memref<80x128xf32, #tpu.memory_space<hbm>>
    tpu.wait_dma2 semaphore(%arg26 : memref<!tpu.dma_semaphore, #tpu.memory_space<semaphore_mem>>) src(%dma_wait3A_370 : memref<80x128xf32, #tpu.memory_space<hbm>>) dst(%arg6 : memref<80x128xf32, #tpu.memory_space<vmem>>)
    %dma_wait3A_371 = arith.constant 0 : i32
    %dma_wait3A_372 = arith.constant 0 : i32
    %dma_wait3A_373 = tpu.memref_slice %arg2[%dma_wait3A_371, %dma_wait3A_372] : memref<10000x128xf32, #tpu.memory_space<hbm>> -> memref<80x128xf32, #tpu.memory_space<hbm>>
    %dma_wait3A_374 = arith.constant 0 : i32
    %dma_wait3A_375 = arith.constant 0 : i32
    %dma_wait3A_376 = tpu.memref_slice %arg2[%dma_wait3A_374, %dma_wait3A_375] : memref<10000x128xf32, #tpu.memory_space<hbm>> -> memref<80x128xf32, #tpu.memory_space<hbm>>
    tpu.wait_dma2 semaphore(%arg26 : memref<!tpu.dma_semaphore, #tpu.memory_space<semaphore_mem>>) src(%dma_wait3A_376 : memref<80x128xf32, #tpu.memory_space<hbm>>) dst(%arg6 : memref<80x128xf32, #tpu.memory_space<vmem>>)
    %dma_wait3A_377 = arith.constant 0 : i32
    %dma_wait3A_378 = arith.constant 0 : i32
    %dma_wait3A_379 = tpu.memref_slice %arg2[%dma_wait3A_377, %dma_wait3A_378] : memref<10000x128xf32, #tpu.memory_space<hbm>> -> memref<80x128xf32, #tpu.memory_space<hbm>>
    %dma_wait3A_380 = arith.constant 0 : i32
    %dma_wait3A_381 = arith.constant 0 : i32
    %dma_wait3A_382 = tpu.memref_slice %arg2[%dma_wait3A_380, %dma_wait3A_381] : memref<10000x128xf32, #tpu.memory_space<hbm>> -> memref<80x128xf32, #tpu.memory_space<hbm>>
    tpu.wait_dma2 semaphore(%arg26 : memref<!tpu.dma_semaphore, #tpu.memory_space<semaphore_mem>>) src(%dma_wait3A_382 : memref<80x128xf32, #tpu.memory_space<hbm>>) dst(%arg6 : memref<80x128xf32, #tpu.memory_space<vmem>>)
    %dma_wait3A_383 = arith.constant 0 : i32
    %dma_wait3A_384 = arith.constant 0 : i32
    %dma_wait3A_385 = tpu.memref_slice %arg2[%dma_wait3A_383, %dma_wait3A_384] : memref<10000x128xf32, #tpu.memory_space<hbm>> -> memref<80x128xf32, #tpu.memory_space<hbm>>
    %dma_wait3A_386 = arith.constant 0 : i32
    %dma_wait3A_387 = arith.constant 0 : i32
    %dma_wait3A_388 = tpu.memref_slice %arg2[%dma_wait3A_386, %dma_wait3A_387] : memref<10000x128xf32, #tpu.memory_space<hbm>> -> memref<80x128xf32, #tpu.memory_space<hbm>>
    tpu.wait_dma2 semaphore(%arg26 : memref<!tpu.dma_semaphore, #tpu.memory_space<semaphore_mem>>) src(%dma_wait3A_388 : memref<80x128xf32, #tpu.memory_space<hbm>>) dst(%arg6 : memref<80x128xf32, #tpu.memory_space<vmem>>)
    %dma_wait3A_389 = arith.constant 0 : i32
    %dma_wait3A_390 = arith.constant 0 : i32
    %dma_wait3A_391 = tpu.memref_slice %arg2[%dma_wait3A_389, %dma_wait3A_390] : memref<10000x128xf32, #tpu.memory_space<hbm>> -> memref<80x128xf32, #tpu.memory_space<hbm>>
    %dma_wait3A_392 = arith.constant 0 : i32
    %dma_wait3A_393 = arith.constant 0 : i32
    %dma_wait3A_394 = tpu.memref_slice %arg2[%dma_wait3A_392, %dma_wait3A_393] : memref<10000x128xf32, #tpu.memory_space<hbm>> -> memref<80x128xf32, #tpu.memory_space<hbm>>
    tpu.wait_dma2 semaphore(%arg26 : memref<!tpu.dma_semaphore, #tpu.memory_space<semaphore_mem>>) src(%dma_wait3A_394 : memref<80x128xf32, #tpu.memory_space<hbm>>) dst(%arg6 : memref<80x128xf32, #tpu.memory_space<vmem>>)
    %dma_wait3A_395 = arith.constant 0 : i32
    %dma_wait3A_396 = arith.constant 0 : i32
    %dma_wait3A_397 = tpu.memref_slice %arg2[%dma_wait3A_395, %dma_wait3A_396] : memref<10000x128xf32, #tpu.memory_space<hbm>> -> memref<80x128xf32, #tpu.memory_space<hbm>>
    %dma_wait3A_398 = arith.constant 0 : i32
    %dma_wait3A_399 = arith.constant 0 : i32
    %dma_wait3A_400 = tpu.memref_slice %arg2[%dma_wait3A_398, %dma_wait3A_399] : memref<10000x128xf32, #tpu.memory_space<hbm>> -> memref<80x128xf32, #tpu.memory_space<hbm>>
    tpu.wait_dma2 semaphore(%arg26 : memref<!tpu.dma_semaphore, #tpu.memory_space<semaphore_mem>>) src(%dma_wait3A_400 : memref<80x128xf32, #tpu.memory_space<hbm>>) dst(%arg6 : memref<80x128xf32, #tpu.memory_space<vmem>>)
    %dma_wait3A_401 = arith.constant 0 : i32
    %dma_wait3A_402 = arith.constant 0 : i32
    %dma_wait3A_403 = tpu.memref_slice %arg2[%dma_wait3A_401, %dma_wait3A_402] : memref<10000x128xf32, #tpu.memory_space<hbm>> -> memref<80x128xf32, #tpu.memory_space<hbm>>
    %dma_wait3A_404 = arith.constant 0 : i32
    %dma_wait3A_405 = arith.constant 0 : i32
    %dma_wait3A_406 = tpu.memref_slice %arg2[%dma_wait3A_404, %dma_wait3A_405] : memref<10000x128xf32, #tpu.memory_space<hbm>> -> memref<80x128xf32, #tpu.memory_space<hbm>>
    tpu.wait_dma2 semaphore(%arg26 : memref<!tpu.dma_semaphore, #tpu.memory_space<semaphore_mem>>) src(%dma_wait3A_406 : memref<80x128xf32, #tpu.memory_space<hbm>>) dst(%arg6 : memref<80x128xf32, #tpu.memory_space<vmem>>)
    %dma_wait3A_407 = arith.constant 0 : i32
    %dma_wait3A_408 = arith.constant 0 : i32
    %dma_wait3A_409 = tpu.memref_slice %arg6[%dma_wait3A_407, %dma_wait3A_408] : memref<80x128xf32, #tpu.memory_space<vmem>> -> memref<72x128xf32, #tpu.memory_space<vmem>>
    %dma_wait3A_410 = arith.constant 0 : i32
    %dma_wait3A_411 = arith.constant 0 : i32
    %dma_wait3A_412 = tpu.memref_slice %arg2[%dma_wait3A_410, %dma_wait3A_411] : memref<10000x128xf32, #tpu.memory_space<hbm>> -> memref<72x128xf32, #tpu.memory_space<hbm>>
    %dma_wait3A_413 = arith.constant 0 : i32
    %dma_wait3A_414 = arith.constant 0 : i32
    %dma_wait3A_415 = tpu.memref_slice %arg6[%dma_wait3A_413, %dma_wait3A_414] : memref<80x128xf32, #tpu.memory_space<vmem>> -> memref<72x128xf32, #tpu.memory_space<vmem>>
    %dma_wait3A_416 = arith.constant 0 : i32
    %dma_wait3A_417 = arith.constant 0 : i32
    %dma_wait3A_418 = tpu.memref_slice %arg2[%dma_wait3A_416, %dma_wait3A_417] : memref<10000x128xf32, #tpu.memory_space<hbm>> -> memref<72x128xf32, #tpu.memory_space<hbm>>
    tpu.wait_dma2 semaphore(%arg26 : memref<!tpu.dma_semaphore, #tpu.memory_space<semaphore_mem>>) src(%dma_wait3A_418 : memref<72x128xf32, #tpu.memory_space<hbm>>) dst(%dma_wait3A_415 : memref<72x128xf32, #tpu.memory_space<vmem>>)
    %barrier3A = arith.constant 0 : index
    tpu.barrier barrier_id(%barrier3A)
    %dma_wait3A_419 = arith.constant 0 : i32
    %dma_wait3A_420 = tpu.memref_slice %arg3[%dma_wait3A_419] : memref<640000xi32, #tpu.memory_space<hbm>> -> memref<160xi32, #tpu.memory_space<hbm>>
    %dma_wait3A_421 = arith.constant 0 : i32
    %dma_wait3A_422 = tpu.memref_slice %arg3[%dma_wait3A_421] : memref<640000xi32, #tpu.memory_space<hbm>> -> memref<160xi32, #tpu.memory_space<hbm>>
    tpu.wait_dma2 semaphore(%arg17 : memref<!tpu.dma_semaphore, #tpu.memory_space<semaphore_mem>>) src(%dma_wait3A_422 : memref<160xi32, #tpu.memory_space<hbm>>) dst(%arg9 : memref<160xi32, #tpu.memory_space<vmem>>)
    %dma_start3A_423 = arith.constant 0 : i32
    %dma_start3A_424 = tpu.memref_slice %arg9[%dma_start3A_423] : memref<160xi32, #tpu.memory_space<vmem>> -> memref<80xi32, #tpu.memory_space<vmem>>
    %dma_start3A_425 = arith.constant 0 : i32
    %dma_start3A_426 = arith.constant 0 : i32
    %dma_start3A_427 = tpu.memref_slice %arg2[%dma_start3A_425, %dma_start3A_426] : memref<10000x128xf32, #tpu.memory_space<hbm>> -> memref<10000x128xf32, #tpu.memory_space<hbm>>
    tpu.enqueue_indirect_dma source(%dma_start3A_427 : memref<10000x128xf32, #tpu.memory_space<hbm>>) target(%arg6 : memref<80x128xf32, #tpu.memory_space<vmem>>) offsets(%dma_start3A_424 : memref<80xi32, #tpu.memory_space<vmem>>) semaphore(%arg20 : memref<!tpu.dma_semaphore, #tpu.memory_space<semaphore_mem>>)
    %scan3A_428 = arith.constant 0 : i32
    %scan3A_429 = arith.constant 0 : i32
    %scan3A_430 = arith.constant 41 : i32
    %scan3A_431 = arith.addi %scan3A_429, %scan3A_430 : i32
    %scan3A_432 = arith.constant 1 : i32
    scf.for %scan3A_623 = %scan3A_429 to %scan3A_431 step %scan3A_432  : i32 {
      %dma_wait3A_624 = arith.constant 0 : i32
      %dma_wait3A_625 = arith.constant 0 : i32
      %dma_wait3A_626 = tpu.memref_slice %arg2[%dma_wait3A_624, %dma_wait3A_625] : memref<10000x128xf32, #tpu.memory_space<hbm>> -> memref<80x128xf32, #tpu.memory_space<hbm>>
      %dma_wait3A_627 = arith.constant 0 : i32
      %dma_wait3A_628 = arith.constant 0 : i32
      %dma_wait3A_629 = tpu.memref_slice %arg2[%dma_wait3A_627, %dma_wait3A_628] : memref<10000x128xf32, #tpu.memory_space<hbm>> -> memref<80x128xf32, #tpu.memory_space<hbm>>
      tpu.wait_dma2 semaphore(%arg20 : memref<!tpu.dma_semaphore, #tpu.memory_space<semaphore_mem>>) src(%dma_wait3A_629 : memref<80x128xf32, #tpu.memory_space<hbm>>) dst(%arg6 : memref<80x128xf32, #tpu.memory_space<vmem>>)
      %get3A_630 = arith.constant 80 : index
      %get3A_631 = tpu.vector_load %arg9[%get3A_630] {strides = array<i32>} : memref<160xi32, #tpu.memory_space<vmem>>, vector<16xi32>,
      %get3A_632 = vector.shape_cast %get3A_631 : vector<16xi32> to vector<16xi32>
      %swap3A_633 = arith.constant 0 : index
      %swap3A_634 = tpu.vector_load %arg12[%swap3A_633] {strides = array<i32>} : memref<80xi32, #tpu.memory_space<vmem>>, vector<16xi32>,
      %swap3A_635 = vector.shape_cast %swap3A_634 : vector<16xi32> to vector<16xi32>
      %swap3A_636 = vector.shape_cast %get3A_632 : vector<16xi32> to vector<16xi32>
      tpu.vector_store %arg12[%swap3A_633], %swap3A_636 {strides = array<i32>} : memref<80xi32, #tpu.memory_space<vmem>>, vector<16xi32>,
      %get3A_637 = arith.constant 96 : index
      %get3A_638 = tpu.vector_load %arg9[%get3A_637] {strides = array<i32>} : memref<160xi32, #tpu.memory_space<vmem>>, vector<16xi32>,
      %get3A_639 = vector.shape_cast %get3A_638 : vector<16xi32> to vector<16xi32>
      %swap3A_640 = arith.constant 16 : index
      %swap3A_641 = tpu.vector_load %arg12[%swap3A_640] {strides = array<i32>} : memref<80xi32, #tpu.memory_space<vmem>>, vector<16xi32>,
      %swap3A_642 = vector.shape_cast %swap3A_641 : vector<16xi32> to vector<16xi32>
      %swap3A_643 = vector.shape_cast %get3A_639 : vector<16xi32> to vector<16xi32>
      tpu.vector_store %arg12[%swap3A_640], %swap3A_643 {strides = array<i32>} : memref<80xi32, #tpu.memory_space<vmem>>, vector<16xi32>,
      %get3A_644 = arith.constant 112 : index
      %get3A_645 = tpu.vector_load %arg9[%get3A_644] {strides = array<i32>} : memref<160xi32, #tpu.memory_space<vmem>>, vector<16xi32>,
      %get3A_646 = vector.shape_cast %get3A_645 : vector<16xi32> to vector<16xi32>
      %swap3A_647 = arith.constant 32 : index
      %swap3A_648 = tpu.vector_load %arg12[%swap3A_647] {strides = array<i32>} : memref<80xi32, #tpu.memory_space<vmem>>, vector<16xi32>,
      %swap3A_649 = vector.shape_cast %swap3A_648 : vector<16xi32> to vector<16xi32>
      %swap3A_650 = vector.shape_cast %get3A_646 : vector<16xi32> to vector<16xi32>
      tpu.vector_store %arg12[%swap3A_647], %swap3A_650 {strides = array<i32>} : memref<80xi32, #tpu.memory_space<vmem>>, vector<16xi32>,
      %get3A_651 = arith.constant 128 : index
      %get3A_652 = tpu.vector_load %arg9[%get3A_651] {strides = array<i32>} : memref<160xi32, #tpu.memory_space<vmem>>, vector<16xi32>,
      %get3A_653 = vector.shape_cast %get3A_652 : vector<16xi32> to vector<16xi32>
      %swap3A_654 = arith.constant 48 : index
      %swap3A_655 = tpu.vector_load %arg12[%swap3A_654] {strides = array<i32>} : memref<80xi32, #tpu.memory_space<vmem>>, vector<16xi32>,
      %swap3A_656 = vector.shape_cast %swap3A_655 : vector<16xi32> to vector<16xi32>
      %swap3A_657 = vector.shape_cast %get3A_653 : vector<16xi32> to vector<16xi32>
      tpu.vector_store %arg12[%swap3A_654], %swap3A_657 {strides = array<i32>} : memref<80xi32, #tpu.memory_space<vmem>>, vector<16xi32>,
      %get3A_658 = arith.constant 144 : index
      %get3A_659 = tpu.vector_load %arg9[%get3A_658] {strides = array<i32>} : memref<160xi32, #tpu.memory_space<vmem>>, vector<16xi32>,
      %get3A_660 = vector.shape_cast %get3A_659 : vector<16xi32> to vector<16xi32>
      %swap3A_661 = arith.constant 64 : index
      %swap3A_662 = tpu.vector_load %arg12[%swap3A_661] {strides = array<i32>} : memref<80xi32, #tpu.memory_space<vmem>>, vector<16xi32>,
      %swap3A_663 = vector.shape_cast %swap3A_662 : vector<16xi32> to vector<16xi32>
      %swap3A_664 = vector.shape_cast %get3A_660 : vector<16xi32> to vector<16xi32>
      tpu.vector_store %arg12[%swap3A_661], %swap3A_664 {strides = array<i32>} : memref<80xi32, #tpu.memory_space<vmem>>, vector<16xi32>,
      %dma_start3A_665 = arith.constant 0 : i32
      %dma_start3A_666 = arith.constant 0 : i32
      %dma_start3A_667 = tpu.memref_slice %arg29[%dma_start3A_665, %dma_start3A_666] : memref<10112x128xf32, #tpu.memory_space<vmem_shared>> -> memref<10112x128xf32, #tpu.memory_space<vmem_shared>>
      tpu.enqueue_indirect_dma source(%arg6 : memref<80x128xf32, #tpu.memory_space<vmem>>) target(%dma_start3A_667 : memref<10112x128xf32, #tpu.memory_space<vmem_shared>>) offsets(%arg12 : memref<80xi32, #tpu.memory_space<vmem>>) semaphore(%arg23 : memref<!tpu.dma_semaphore, #tpu.memory_space<semaphore_mem>>) {add = true}
      %dma_start3A_668 = arith.constant 0 : i32
      %dma_start3A_669 = tpu.memref_slice %arg30[%dma_start3A_668] : memref<10240xf32, #tpu.memory_space<vmem_shared>> -> memref<10240xf32, #tpu.memory_space<vmem_shared>>
      tpu.enqueue_indirect_dma source(%arg15 : memref<80xf32, #tpu.memory_space<vmem>>) target(%dma_start3A_669 : memref<10240xf32, #tpu.memory_space<vmem_shared>>) offsets(%arg12 : memref<80xi32, #tpu.memory_space<vmem>>) semaphore(%arg26 : memref<!tpu.dma_semaphore, #tpu.memory_space<semaphore_mem>>) {add = true}
      %dma_wait3A_670 = arith.constant 0 : i32
      %dma_wait3A_671 = arith.constant 0 : i32
      %dma_wait3A_672 = tpu.memref_slice %arg2[%dma_wait3A_670, %dma_wait3A_671] : memref<10000x128xf32, #tpu.memory_space<hbm>> -> memref<80x128xf32, #tpu.memory_space<hbm>>
      %dma_wait3A_673 = arith.constant 0 : i32
      %dma_wait3A_674 = arith.constant 0 : i32
      %dma_wait3A_675 = tpu.memref_slice %arg2[%dma_wait3A_673, %dma_wait3A_674] : memref<10000x128xf32, #tpu.memory_space<hbm>> -> memref<80x128xf32, #tpu.memory_space<hbm>>
      tpu.wait_dma2 semaphore(%arg21 : memref<!tpu.dma_semaphore, #tpu.memory_space<semaphore_mem>>) src(%dma_wait3A_675 : memref<80x128xf32, #tpu.memory_space<hbm>>) dst(%arg7 : memref<80x128xf32, #tpu.memory_space<vmem>>)
      %get3A_676 = arith.constant 80 : index
      %get3A_677 = tpu.vector_load %arg10[%get3A_676] {strides = array<i32>} : memref<160xi32, #tpu.memory_space<vmem>>, vector<16xi32>,
      %get3A_678 = vector.shape_cast %get3A_677 : vector<16xi32> to vector<16xi32>
      %swap3A_679 = arith.constant 0 : index
      %swap3A_680 = tpu.vector_load %arg13[%swap3A_679] {strides = array<i32>} : memref<80xi32, #tpu.memory_space<vmem>>, vector<16xi32>,
      %swap3A_681 = vector.shape_cast %swap3A_680 : vector<16xi32> to vector<16xi32>
      %swap3A_682 = vector.shape_cast %get3A_678 : vector<16xi32> to vector<16xi32>
      tpu.vector_store %arg13[%swap3A_679], %swap3A_682 {strides = array<i32>} : memref<80xi32, #tpu.memory_space<vmem>>, vector<16xi32>,
      %get3A_683 = arith.constant 96 : index
      %get3A_684 = tpu.vector_load %arg10[%get3A_683] {strides = array<i32>} : memref<160xi32, #tpu.memory_space<vmem>>, vector<16xi32>,
      %get3A_685 = vector.shape_cast %get3A_684 : vector<16xi32> to vector<16xi32>
      %swap3A_686 = arith.constant 16 : index
      %swap3A_687 = tpu.vector_load %arg13[%swap3A_686] {strides = array<i32>} : memref<80xi32, #tpu.memory_space<vmem>>, vector<16xi32>,
      %swap3A_688 = vector.shape_cast %swap3A_687 : vector<16xi32> to vector<16xi32>
      %swap3A_689 = vector.shape_cast %get3A_685 : vector<16xi32> to vector<16xi32>
      tpu.vector_store %arg13[%swap3A_686], %swap3A_689 {strides = array<i32>} : memref<80xi32, #tpu.memory_space<vmem>>, vector<16xi32>,
      %get3A_690 = arith.constant 112 : index
      %get3A_691 = tpu.vector_load %arg10[%get3A_690] {strides = array<i32>} : memref<160xi32, #tpu.memory_space<vmem>>, vector<16xi32>,
      %get3A_692 = vector.shape_cast %get3A_691 : vector<16xi32> to vector<16xi32>
      %swap3A_693 = arith.constant 32 : index
      %swap3A_694 = tpu.vector_load %arg13[%swap3A_693] {strides = array<i32>} : memref<80xi32, #tpu.memory_space<vmem>>, vector<16xi32>,
      %swap3A_695 = vector.shape_cast %swap3A_694 : vector<16xi32> to vector<16xi32>
      %swap3A_696 = vector.shape_cast %get3A_692 : vector<16xi32> to vector<16xi32>
      tpu.vector_store %arg13[%swap3A_693], %swap3A_696 {strides = array<i32>} : memref<80xi32, #tpu.memory_space<vmem>>, vector<16xi32>,
      %get3A_697 = arith.constant 128 : index
      %get3A_698 = tpu.vector_load %arg10[%get3A_697] {strides = array<i32>} : memref<160xi32, #tpu.memory_space<vmem>>, vector<16xi32>,
      %get3A_699 = vector.shape_cast %get3A_698 : vector<16xi32> to vector<16xi32>
      %swap3A_700 = arith.constant 48 : index
      %swap3A_701 = tpu.vector_load %arg13[%swap3A_700] {strides = array<i32>} : memref<80xi32, #tpu.memory_space<vmem>>, vector<16xi32>,
      %swap3A_702 = vector.shape_cast %swap3A_701 : vector<16xi32> to vector<16xi32>
      %swap3A_703 = vector.shape_cast %get3A_699 : vector<16xi32> to vector<16xi32>
      tpu.vector_store %arg13[%swap3A_700], %swap3A_703 {strides = array<i32>} : memref<80xi32, #tpu.memory_space<vmem>>, vector<16xi32>,
      %get3A_704 = arith.constant 144 : index
      %get3A_705 = tpu.vector_load %arg10[%get3A_704] {strides = array<i32>} : memref<160xi32, #tpu.memory_space<vmem>>, vector<16xi32>,
      %get3A_706 = vector.shape_cast %get3A_705 : vector<16xi32> to vector<16xi32>
      %swap3A_707 = arith.constant 64 : index
      %swap3A_708 = tpu.vector_load %arg13[%swap3A_707] {strides = array<i32>} : memref<80xi32, #tpu.memory_space<vmem>>, vector<16xi32>,
      %swap3A_709 = vector.shape_cast %swap3A_708 : vector<16xi32> to vector<16xi32>
      %swap3A_710 = vector.shape_cast %get3A_706 : vector<16xi32> to vector<16xi32>
      tpu.vector_store %arg13[%swap3A_707], %swap3A_710 {strides = array<i32>} : memref<80xi32, #tpu.memory_space<vmem>>, vector<16xi32>,
      %dma_start3A_711 = arith.constant 0 : i32
      %dma_start3A_712 = arith.constant 0 : i32
      %dma_start3A_713 = tpu.memref_slice %arg29[%dma_start3A_711, %dma_start3A_712] : memref<10112x128xf32, #tpu.memory_space<vmem_shared>> -> memref<10112x128xf32, #tpu.memory_space<vmem_shared>>
      tpu.enqueue_indirect_dma source(%arg7 : memref<80x128xf32, #tpu.memory_space<vmem>>) target(%dma_start3A_713 : memref<10112x128xf32, #tpu.memory_space<vmem_shared>>) offsets(%arg13 : memref<80xi32, #tpu.memory_space<vmem>>) semaphore(%arg24 : memref<!tpu.dma_semaphore, #tpu.memory_space<semaphore_mem>>) {add = true}
      %dma_start3A_714 = arith.constant 0 : i32
      %dma_start3A_715 = tpu.memref_slice %arg30[%dma_start3A_714] : memref<10240xf32, #tpu.memory_space<vmem_shared>> -> memref<10240xf32, #tpu.memory_space<vmem_shared>>
      tpu.enqueue_indirect_dma source(%arg15 : memref<80xf32, #tpu.memory_space<vmem>>) target(%dma_start3A_715 : memref<10240xf32, #tpu.memory_space<vmem_shared>>) offsets(%arg13 : memref<80xi32, #tpu.memory_space<vmem>>) semaphore(%arg27 : memref<!tpu.dma_semaphore, #tpu.memory_space<semaphore_mem>>) {add = true}
      %dma_wait3A_716 = arith.constant 0 : i32
      %dma_wait3A_717 = arith.constant 0 : i32
      %dma_wait3A_718 = tpu.memref_slice %arg2[%dma_wait3A_716, %dma_wait3A_717] : memref<10000x128xf32, #tpu.memory_space<hbm>> -> memref<80x128xf32, #tpu.memory_space<hbm>>
      %dma_wait3A_719 = arith.constant 0 : i32
      %dma_wait3A_720 = arith.constant 0 : i32
      %dma_wait3A_721 = tpu.memref_slice %arg2[%dma_wait3A_719, %dma_wait3A_720] : memref<10000x128xf32, #tpu.memory_space<hbm>> -> memref<80x128xf32, #tpu.memory_space<hbm>>
      tpu.wait_dma2 semaphore(%arg22 : memref<!tpu.dma_semaphore, #tpu.memory_space<semaphore_mem>>) src(%dma_wait3A_721 : memref<80x128xf32, #tpu.memory_space<hbm>>) dst(%arg8 : memref<80x128xf32, #tpu.memory_space<vmem>>)
      %get3A_722 = arith.constant 80 : index
      %get3A_723 = tpu.vector_load %arg11[%get3A_722] {strides = array<i32>} : memref<160xi32, #tpu.memory_space<vmem>>, vector<16xi32>,
      %get3A_724 = vector.shape_cast %get3A_723 : vector<16xi32> to vector<16xi32>
      %swap3A_725 = arith.constant 0 : index
      %swap3A_726 = tpu.vector_load %arg14[%swap3A_725] {strides = array<i32>} : memref<80xi32, #tpu.memory_space<vmem>>, vector<16xi32>,
      %swap3A_727 = vector.shape_cast %swap3A_726 : vector<16xi32> to vector<16xi32>
      %swap3A_728 = vector.shape_cast %get3A_724 : vector<16xi32> to vector<16xi32>
      tpu.vector_store %arg14[%swap3A_725], %swap3A_728 {strides = array<i32>} : memref<80xi32, #tpu.memory_space<vmem>>, vector<16xi32>,
      %get3A_729 = arith.constant 96 : index
      %get3A_730 = tpu.vector_load %arg11[%get3A_729] {strides = array<i32>} : memref<160xi32, #tpu.memory_space<vmem>>, vector<16xi32>,
      %get3A_731 = vector.shape_cast %get3A_730 : vector<16xi32> to vector<16xi32>
      %swap3A_732 = arith.constant 16 : index
      %swap3A_733 = tpu.vector_load %arg14[%swap3A_732] {strides = array<i32>} : memref<80xi32, #tpu.memory_space<vmem>>, vector<16xi32>,
      %swap3A_734 = vector.shape_cast %swap3A_733 : vector<16xi32> to vector<16xi32>
      %swap3A_735 = vector.shape_cast %get3A_731 : vector<16xi32> to vector<16xi32>
      tpu.vector_store %arg14[%swap3A_732], %swap3A_735 {strides = array<i32>} : memref<80xi32, #tpu.memory_space<vmem>>, vector<16xi32>,
      %get3A_736 = arith.constant 112 : index
      %get3A_737 = tpu.vector_load %arg11[%get3A_736] {strides = array<i32>} : memref<160xi32, #tpu.memory_space<vmem>>, vector<16xi32>,
      %get3A_738 = vector.shape_cast %get3A_737 : vector<16xi32> to vector<16xi32>
      %swap3A_739 = arith.constant 32 : index
      %swap3A_740 = tpu.vector_load %arg14[%swap3A_739] {strides = array<i32>} : memref<80xi32, #tpu.memory_space<vmem>>, vector<16xi32>,
      %swap3A_741 = vector.shape_cast %swap3A_740 : vector<16xi32> to vector<16xi32>
      %swap3A_742 = vector.shape_cast %get3A_738 : vector<16xi32> to vector<16xi32>
      tpu.vector_store %arg14[%swap3A_739], %swap3A_742 {strides = array<i32>} : memref<80xi32, #tpu.memory_space<vmem>>, vector<16xi32>,
      %get3A_743 = arith.constant 128 : index
      %get3A_744 = tpu.vector_load %arg11[%get3A_743] {strides = array<i32>} : memref<160xi32, #tpu.memory_space<vmem>>, vector<16xi32>,
      %get3A_745 = vector.shape_cast %get3A_744 : vector<16xi32> to vector<16xi32>
      %swap3A_746 = arith.constant 48 : index
      %swap3A_747 = tpu.vector_load %arg14[%swap3A_746] {strides = array<i32>} : memref<80xi32, #tpu.memory_space<vmem>>, vector<16xi32>,
      %swap3A_748 = vector.shape_cast %swap3A_747 : vector<16xi32> to vector<16xi32>
      %swap3A_749 = vector.shape_cast %get3A_745 : vector<16xi32> to vector<16xi32>
      tpu.vector_store %arg14[%swap3A_746], %swap3A_749 {strides = array<i32>} : memref<80xi32, #tpu.memory_space<vmem>>, vector<16xi32>,
      %get3A_750 = arith.constant 144 : index
      %get3A_751 = tpu.vector_load %arg11[%get3A_750] {strides = array<i32>} : memref<160xi32, #tpu.memory_space<vmem>>, vector<16xi32>,
      %get3A_752 = vector.shape_cast %get3A_751 : vector<16xi32> to vector<16xi32>
      %swap3A_753 = arith.constant 64 : index
      %swap3A_754 = tpu.vector_load %arg14[%swap3A_753] {strides = array<i32>} : memref<80xi32, #tpu.memory_space<vmem>>, vector<16xi32>,
      %swap3A_755 = vector.shape_cast %swap3A_754 : vector<16xi32> to vector<16xi32>
      %swap3A_756 = vector.shape_cast %get3A_752 : vector<16xi32> to vector<16xi32>
      tpu.vector_store %arg14[%swap3A_753], %swap3A_756 {strides = array<i32>} : memref<80xi32, #tpu.memory_space<vmem>>, vector<16xi32>,
      %dma_start3A_757 = arith.constant 0 : i32
      %dma_start3A_758 = arith.constant 0 : i32
      %dma_start3A_759 = tpu.memref_slice %arg29[%dma_start3A_757, %dma_start3A_758] : memref<10112x128xf32, #tpu.memory_space<vmem_shared>> -> memref<10112x128xf32, #tpu.memory_space<vmem_shared>>
      tpu.enqueue_indirect_dma source(%arg8 : memref<80x128xf32, #tpu.memory_space<vmem>>) target(%dma_start3A_759 : memref<10112x128xf32, #tpu.memory_space<vmem_shared>>) offsets(%arg14 : memref<80xi32, #tpu.memory_space<vmem>>) semaphore(%arg25 : memref<!tpu.dma_semaphore, #tpu.memory_space<semaphore_mem>>) {add = true}
      %dma_start3A_760 = arith.constant 0 : i32
      %dma_start3A_761 = tpu.memref_slice %arg30[%dma_start3A_760] : memref<10240xf32, #tpu.memory_space<vmem_shared>> -> memref<10240xf32, #tpu.memory_space<vmem_shared>>
      tpu.enqueue_indirect_dma source(%arg15 : memref<80xf32, #tpu.memory_space<vmem>>) target(%dma_start3A_761 : memref<10240xf32, #tpu.memory_space<vmem_shared>>) offsets(%arg14 : memref<80xi32, #tpu.memory_space<vmem>>) semaphore(%arg28 : memref<!tpu.dma_semaphore, #tpu.memory_space<semaphore_mem>>) {add = true}
      %lt3A_762 = arith.constant 40 : i32
      %lt3A_763 = arith.cmpi slt, %scan3A_623, %lt3A_762 : i32
      %convert_element_type3A_764 = arith.extui %lt3A_763 : i1 to i32
      %cond3A_765 = arith.constant 0 : i32
      %cond3A_766 = arith.cmpi ne, %convert_element_type3A_764, %cond3A_765 : i32
      scf.if %cond3A_766 {
        %mul3A_767 = arith.constant 3 : i32
        %mul3A_768 = arith.muli %scan3A_623, %mul3A_767 : i32
        %add3A_769 = arith.constant 0 : i32
        %add3A_770 = arith.addi %mul3A_768, %add3A_769 : i32
        %add3A_771 = arith.constant 3 : i32
        %add3A_772 = arith.addi %add3A_770, %add3A_771 : i32
        %mul3A_773 = arith.constant 2 : i32
        %mul3A_774 = arith.muli %add3A_772, %mul3A_773 : i32
        %mul3A_775 = arith.constant 80 : i32
        %mul3A_776 = arith.muli %mul3A_774, %mul3A_775 : i32
        %add3A_777 = arith.addi %multiple_of3A, %mul3A_776 : i32
        %dma_start3A_778 = tpu.memref_slice %arg3[%add3A_777] : memref<640000xi32, #tpu.memory_space<hbm>> -> memref<160xi32, #tpu.memory_space<hbm>>
        %dma_start3A_779 = tpu.memref_slice %arg3[%add3A_777] : memref<640000xi32, #tpu.memory_space<hbm>> -> memref<160xi32, #tpu.memory_space<hbm>>
        tpu.enqueue_dma source(%dma_start3A_779 : memref<160xi32, #tpu.memory_space<hbm>>) target(%arg9 : memref<160xi32, #tpu.memory_space<vmem>>) target_semaphore(%arg17 : memref<!tpu.dma_semaphore, #tpu.memory_space<semaphore_mem>>)
        %mul3A_780 = arith.constant 3 : i32
        %mul3A_781 = arith.muli %scan3A_623, %mul3A_780 : i32
        %add3A_782 = arith.constant 1 : i32
        %add3A_783 = arith.addi %mul3A_781, %add3A_782 : i32
        %add3A_784 = arith.constant 3 : i32
        %add3A_785 = arith.addi %add3A_783, %add3A_784 : i32
        %mul3A_786 = arith.constant 2 : i32
        %mul3A_787 = arith.muli %add3A_785, %mul3A_786 : i32
        %mul3A_788 = arith.constant 80 : i32
        %mul3A_789 = arith.muli %mul3A_787, %mul3A_788 : i32
        %add3A_790 = arith.addi %multiple_of3A, %mul3A_789 : i32
        %dma_start3A_791 = tpu.memref_slice %arg3[%add3A_790] : memref<640000xi32, #tpu.memory_space<hbm>> -> memref<160xi32, #tpu.memory_space<hbm>>
        %dma_start3A_792 = tpu.memref_slice %arg3[%add3A_790] : memref<640000xi32, #tpu.memory_space<hbm>> -> memref<160xi32, #tpu.memory_space<hbm>>
        tpu.enqueue_dma source(%dma_start3A_792 : memref<160xi32, #tpu.memory_space<hbm>>) target(%arg10 : memref<160xi32, #tpu.memory_space<vmem>>) target_semaphore(%arg18 : memref<!tpu.dma_semaphore, #tpu.memory_space<semaphore_mem>>)
        %mul3A_793 = arith.constant 3 : i32
        %mul3A_794 = arith.muli %scan3A_623, %mul3A_793 : i32
        %add3A_795 = arith.constant 2 : i32
        %add3A_796 = arith.addi %mul3A_794, %add3A_795 : i32
        %add3A_797 = arith.constant 3 : i32
        %add3A_798 = arith.addi %add3A_796, %add3A_797 : i32
        %mul3A_799 = arith.constant 2 : i32
        %mul3A_800 = arith.muli %add3A_798, %mul3A_799 : i32
        %mul3A_801 = arith.constant 80 : i32
        %mul3A_802 = arith.muli %mul3A_800, %mul3A_801 : i32
        %add3A_803 = arith.addi %multiple_of3A, %mul3A_802 : i32
        %dma_start3A_804 = tpu.memref_slice %arg3[%add3A_803] : memref<640000xi32, #tpu.memory_space<hbm>> -> memref<160xi32, #tpu.memory_space<hbm>>
        %dma_start3A_805 = tpu.memref_slice %arg3[%add3A_803] : memref<640000xi32, #tpu.memory_space<hbm>> -> memref<160xi32, #tpu.memory_space<hbm>>
        tpu.enqueue_dma source(%dma_start3A_805 : memref<160xi32, #tpu.memory_space<hbm>>) target(%arg11 : memref<160xi32, #tpu.memory_space<vmem>>) target_semaphore(%arg19 : memref<!tpu.dma_semaphore, #tpu.memory_space<semaphore_mem>>)
        %dma_wait3A_806 = arith.constant 0 : i32
        %dma_wait3A_807 = arith.constant 0 : i32
        %dma_wait3A_808 = tpu.memref_slice %arg2[%dma_wait3A_806, %dma_wait3A_807] : memref<10000x128xf32, #tpu.memory_space<hbm>> -> memref<80x128xf32, #tpu.memory_space<hbm>>
        %dma_wait3A_809 = arith.constant 0 : i32
        %dma_wait3A_810 = arith.constant 0 : i32
        %dma_wait3A_811 = tpu.memref_slice %arg2[%dma_wait3A_809, %dma_wait3A_810] : memref<10000x128xf32, #tpu.memory_space<hbm>> -> memref<80x128xf32, #tpu.memory_space<hbm>>
        tpu.wait_dma2 semaphore(%arg23 : memref<!tpu.dma_semaphore, #tpu.memory_space<semaphore_mem>>) src(%dma_wait3A_811 : memref<80x128xf32, #tpu.memory_space<hbm>>) dst(%arg6 : memref<80x128xf32, #tpu.memory_space<vmem>>)
        %dma_wait3A_812 = arith.constant 0 : i32
        %dma_wait3A_813 = tpu.memref_slice %arg3[%dma_wait3A_812] : memref<640000xi32, #tpu.memory_space<hbm>> -> memref<80xi32, #tpu.memory_space<hbm>>
        %dma_wait3A_814 = arith.constant 0 : i32
        %dma_wait3A_815 = tpu.memref_slice %arg3[%dma_wait3A_814] : memref<640000xi32, #tpu.memory_space<hbm>> -> memref<80xi32, #tpu.memory_space<hbm>>
        tpu.wait_dma2 semaphore(%arg26 : memref<!tpu.dma_semaphore, #tpu.memory_space<semaphore_mem>>) src(%dma_wait3A_815 : memref<80xi32, #tpu.memory_space<hbm>>) dst(%arg12 : memref<80xi32, #tpu.memory_space<vmem>>)
        %dma_wait3A_816 = arith.constant 0 : i32
        %dma_wait3A_817 = tpu.memref_slice %arg3[%dma_wait3A_816] : memref<640000xi32, #tpu.memory_space<hbm>> -> memref<160xi32, #tpu.memory_space<hbm>>
        %dma_wait3A_818 = arith.constant 0 : i32
        %dma_wait3A_819 = tpu.memref_slice %arg3[%dma_wait3A_818] : memref<640000xi32, #tpu.memory_space<hbm>> -> memref<160xi32, #tpu.memory_space<hbm>>
        tpu.wait_dma2 semaphore(%arg17 : memref<!tpu.dma_semaphore, #tpu.memory_space<semaphore_mem>>) src(%dma_wait3A_819 : memref<160xi32, #tpu.memory_space<hbm>>) dst(%arg9 : memref<160xi32, #tpu.memory_space<vmem>>)
        %mul3A_820 = arith.constant 3 : i32
        %mul3A_821 = arith.muli %scan3A_623, %mul3A_820 : i32
        %add3A_822 = arith.constant 0 : i32
        %add3A_823 = arith.addi %mul3A_821, %add3A_822 : i32
        %add3A_824 = arith.constant 3 : i32
        %add3A_825 = arith.addi %add3A_823, %add3A_824 : i32
        %dma_start3A_826 = arith.constant 0 : i32
        %dma_start3A_827 = tpu.memref_slice %arg9[%dma_start3A_826] : memref<160xi32, #tpu.memory_space<vmem>> -> memref<80xi32, #tpu.memory_space<vmem>>
        %dma_start3A_828 = arith.constant 0 : i32
        %dma_start3A_829 = arith.constant 0 : i32
        %dma_start3A_830 = tpu.memref_slice %arg2[%dma_start3A_828, %dma_start3A_829] : memref<10000x128xf32, #tpu.memory_space<hbm>> -> memref<10000x128xf32, #tpu.memory_space<hbm>>
        tpu.enqueue_indirect_dma source(%dma_start3A_830 : memref<10000x128xf32, #tpu.memory_space<hbm>>) target(%arg6 : memref<80x128xf32, #tpu.memory_space<vmem>>) offsets(%dma_start3A_827 : memref<80xi32, #tpu.memory_space<vmem>>) semaphore(%arg20 : memref<!tpu.dma_semaphore, #tpu.memory_space<semaphore_mem>>)
        %dma_wait3A_831 = arith.constant 0 : i32
        %dma_wait3A_832 = arith.constant 0 : i32
        %dma_wait3A_833 = tpu.memref_slice %arg2[%dma_wait3A_831, %dma_wait3A_832] : memref<10000x128xf32, #tpu.memory_space<hbm>> -> memref<80x128xf32, #tpu.memory_space<hbm>>
        %dma_wait3A_834 = arith.constant 0 : i32
        %dma_wait3A_835 = arith.constant 0 : i32
        %dma_wait3A_836 = tpu.memref_slice %arg2[%dma_wait3A_834, %dma_wait3A_835] : memref<10000x128xf32, #tpu.memory_space<hbm>> -> memref<80x128xf32, #tpu.memory_space<hbm>>
        tpu.wait_dma2 semaphore(%arg24 : memref<!tpu.dma_semaphore, #tpu.memory_space<semaphore_mem>>) src(%dma_wait3A_836 : memref<80x128xf32, #tpu.memory_space<hbm>>) dst(%arg7 : memref<80x128xf32, #tpu.memory_space<vmem>>)
        %dma_wait3A_837 = arith.constant 0 : i32
        %dma_wait3A_838 = tpu.memref_slice %arg3[%dma_wait3A_837] : memref<640000xi32, #tpu.memory_space<hbm>> -> memref<80xi32, #tpu.memory_space<hbm>>
        %dma_wait3A_839 = arith.constant 0 : i32
        %dma_wait3A_840 = tpu.memref_slice %arg3[%dma_wait3A_839] : memref<640000xi32, #tpu.memory_space<hbm>> -> memref<80xi32, #tpu.memory_space<hbm>>
        tpu.wait_dma2 semaphore(%arg27 : memref<!tpu.dma_semaphore, #tpu.memory_space<semaphore_mem>>) src(%dma_wait3A_840 : memref<80xi32, #tpu.memory_space<hbm>>) dst(%arg13 : memref<80xi32, #tpu.memory_space<vmem>>)
        %dma_wait3A_841 = arith.constant 0 : i32
        %dma_wait3A_842 = tpu.memref_slice %arg3[%dma_wait3A_841] : memref<640000xi32, #tpu.memory_space<hbm>> -> memref<160xi32, #tpu.memory_space<hbm>>
        %dma_wait3A_843 = arith.constant 0 : i32
        %dma_wait3A_844 = tpu.memref_slice %arg3[%dma_wait3A_843] : memref<640000xi32, #tpu.memory_space<hbm>> -> memref<160xi32, #tpu.memory_space<hbm>>
        tpu.wait_dma2 semaphore(%arg18 : memref<!tpu.dma_semaphore, #tpu.memory_space<semaphore_mem>>) src(%dma_wait3A_844 : memref<160xi32, #tpu.memory_space<hbm>>) dst(%arg10 : memref<160xi32, #tpu.memory_space<vmem>>)
        %mul3A_845 = arith.constant 3 : i32
        %mul3A_846 = arith.muli %scan3A_623, %mul3A_845 : i32
        %add3A_847 = arith.constant 1 : i32
        %add3A_848 = arith.addi %mul3A_846, %add3A_847 : i32
        %add3A_849 = arith.constant 3 : i32
        %add3A_850 = arith.addi %add3A_848, %add3A_849 : i32
        %dma_start3A_851 = arith.constant 0 : i32
        %dma_start3A_852 = tpu.memref_slice %arg10[%dma_start3A_851] : memref<160xi32, #tpu.memory_space<vmem>> -> memref<80xi32, #tpu.memory_space<vmem>>
        %dma_start3A_853 = arith.constant 0 : i32
        %dma_start3A_854 = arith.constant 0 : i32
        %dma_start3A_855 = tpu.memref_slice %arg2[%dma_start3A_853, %dma_start3A_854] : memref<10000x128xf32, #tpu.memory_space<hbm>> -> memref<10000x128xf32, #tpu.memory_space<hbm>>
        tpu.enqueue_indirect_dma source(%dma_start3A_855 : memref<10000x128xf32, #tpu.memory_space<hbm>>) target(%arg7 : memref<80x128xf32, #tpu.memory_space<vmem>>) offsets(%dma_start3A_852 : memref<80xi32, #tpu.memory_space<vmem>>) semaphore(%arg21 : memref<!tpu.dma_semaphore, #tpu.memory_space<semaphore_mem>>)
        %dma_wait3A_856 = arith.constant 0 : i32
        %dma_wait3A_857 = arith.constant 0 : i32
        %dma_wait3A_858 = tpu.memref_slice %arg2[%dma_wait3A_856, %dma_wait3A_857] : memref<10000x128xf32, #tpu.memory_space<hbm>> -> memref<80x128xf32, #tpu.memory_space<hbm>>
        %dma_wait3A_859 = arith.constant 0 : i32
        %dma_wait3A_860 = arith.constant 0 : i32
        %dma_wait3A_861 = tpu.memref_slice %arg2[%dma_wait3A_859, %dma_wait3A_860] : memref<10000x128xf32, #tpu.memory_space<hbm>> -> memref<80x128xf32, #tpu.memory_space<hbm>>
        tpu.wait_dma2 semaphore(%arg25 : memref<!tpu.dma_semaphore, #tpu.memory_space<semaphore_mem>>) src(%dma_wait3A_861 : memref<80x128xf32, #tpu.memory_space<hbm>>) dst(%arg8 : memref<80x128xf32, #tpu.memory_space<vmem>>)
        %dma_wait3A_862 = arith.constant 0 : i32
        %dma_wait3A_863 = tpu.memref_slice %arg3[%dma_wait3A_862] : memref<640000xi32, #tpu.memory_space<hbm>> -> memref<80xi32, #tpu.memory_space<hbm>>
        %dma_wait3A_864 = arith.constant 0 : i32
        %dma_wait3A_865 = tpu.memref_slice %arg3[%dma_wait3A_864] : memref<640000xi32, #tpu.memory_space<hbm>> -> memref<80xi32, #tpu.memory_space<hbm>>
        tpu.wait_dma2 semaphore(%arg28 : memref<!tpu.dma_semaphore, #tpu.memory_space<semaphore_mem>>) src(%dma_wait3A_865 : memref<80xi32, #tpu.memory_space<hbm>>) dst(%arg14 : memref<80xi32, #tpu.memory_space<vmem>>)
        %dma_wait3A_866 = arith.constant 0 : i32
        %dma_wait3A_867 = tpu.memref_slice %arg3[%dma_wait3A_866] : memref<640000xi32, #tpu.memory_space<hbm>> -> memref<160xi32, #tpu.memory_space<hbm>>
        %dma_wait3A_868 = arith.constant 0 : i32
        %dma_wait3A_869 = tpu.memref_slice %arg3[%dma_wait3A_868] : memref<640000xi32, #tpu.memory_space<hbm>> -> memref<160xi32, #tpu.memory_space<hbm>>
        tpu.wait_dma2 semaphore(%arg19 : memref<!tpu.dma_semaphore, #tpu.memory_space<semaphore_mem>>) src(%dma_wait3A_869 : memref<160xi32, #tpu.memory_space<hbm>>) dst(%arg11 : memref<160xi32, #tpu.memory_space<vmem>>)
        %mul3A_870 = arith.constant 3 : i32
        %mul3A_871 = arith.muli %scan3A_623, %mul3A_870 : i32
        %add3A_872 = arith.constant 2 : i32
        %add3A_873 = arith.addi %mul3A_871, %add3A_872 : i32
        %add3A_874 = arith.constant 3 : i32
        %add3A_875 = arith.addi %add3A_873, %add3A_874 : i32
        %dma_start3A_876 = arith.constant 0 : i32
        %dma_start3A_877 = tpu.memref_slice %arg11[%dma_start3A_876] : memref<160xi32, #tpu.memory_space<vmem>> -> memref<80xi32, #tpu.memory_space<vmem>>
        %dma_start3A_878 = arith.constant 0 : i32
        %dma_start3A_879 = arith.constant 0 : i32
        %dma_start3A_880 = tpu.memref_slice %arg2[%dma_start3A_878, %dma_start3A_879] : memref<10000x128xf32, #tpu.memory_space<hbm>> -> memref<10000x128xf32, #tpu.memory_space<hbm>>
        tpu.enqueue_indirect_dma source(%dma_start3A_880 : memref<10000x128xf32, #tpu.memory_space<hbm>>) target(%arg8 : memref<80x128xf32, #tpu.memory_space<vmem>>) offsets(%dma_start3A_877 : memref<80xi32, #tpu.memory_space<vmem>>) semaphore(%arg22 : memref<!tpu.dma_semaphore, #tpu.memory_space<semaphore_mem>>)
      } else {
      }
    }
    %scan3A_433 = arith.constant 41 : i32
    %add3A_434 = arith.constant 19680 : i32
    %add3A_435 = arith.addi %multiple_of3A, %add3A_434 : i32
    %dma_start3A_436 = tpu.memref_slice %arg3[%add3A_435] : memref<640000xi32, #tpu.memory_space<hbm>> -> memref<160xi32, #tpu.memory_space<hbm>>
    %dma_start3A_437 = tpu.memref_slice %arg3[%add3A_435] : memref<640000xi32, #tpu.memory_space<hbm>> -> memref<160xi32, #tpu.memory_space<hbm>>
    tpu.enqueue_dma source(%dma_start3A_437 : memref<160xi32, #tpu.memory_space<hbm>>) target(%arg9 : memref<160xi32, #tpu.memory_space<vmem>>) target_semaphore(%arg17 : memref<!tpu.dma_semaphore, #tpu.memory_space<semaphore_mem>>)
    %add3A_438 = arith.constant 19840 : i32
    %add3A_439 = arith.addi %multiple_of3A, %add3A_438 : i32
    %dma_start3A_440 = tpu.memref_slice %arg3[%add3A_439] : memref<640000xi32, #tpu.memory_space<hbm>> -> memref<160xi32, #tpu.memory_space<hbm>>
    %dma_start3A_441 = tpu.memref_slice %arg3[%add3A_439] : memref<640000xi32, #tpu.memory_space<hbm>> -> memref<160xi32, #tpu.memory_space<hbm>>
    tpu.enqueue_dma source(%dma_start3A_441 : memref<160xi32, #tpu.memory_space<hbm>>) target(%arg10 : memref<160xi32, #tpu.memory_space<vmem>>) target_semaphore(%arg18 : memref<!tpu.dma_semaphore, #tpu.memory_space<semaphore_mem>>)
    %dma_wait3A_442 = arith.constant 0 : i32
    %dma_wait3A_443 = arith.constant 0 : i32
    %dma_wait3A_444 = tpu.memref_slice %arg2[%dma_wait3A_442, %dma_wait3A_443] : memref<10000x128xf32, #tpu.memory_space<hbm>> -> memref<80x128xf32, #tpu.memory_space<hbm>>
    %dma_wait3A_445 = arith.constant 0 : i32
    %dma_wait3A_446 = arith.constant 0 : i32
    %dma_wait3A_447 = tpu.memref_slice %arg2[%dma_wait3A_445, %dma_wait3A_446] : memref<10000x128xf32, #tpu.memory_space<hbm>> -> memref<80x128xf32, #tpu.memory_space<hbm>>
    tpu.wait_dma2 semaphore(%arg23 : memref<!tpu.dma_semaphore, #tpu.memory_space<semaphore_mem>>) src(%dma_wait3A_447 : memref<80x128xf32, #tpu.memory_space<hbm>>) dst(%arg6 : memref<80x128xf32, #tpu.memory_space<vmem>>)
    %dma_wait3A_448 = arith.constant 0 : i32
    %dma_wait3A_449 = tpu.memref_slice %arg3[%dma_wait3A_448] : memref<640000xi32, #tpu.memory_space<hbm>> -> memref<80xi32, #tpu.memory_space<hbm>>
    %dma_wait3A_450 = arith.constant 0 : i32
    %dma_wait3A_451 = tpu.memref_slice %arg3[%dma_wait3A_450] : memref<640000xi32, #tpu.memory_space<hbm>> -> memref<80xi32, #tpu.memory_space<hbm>>
    tpu.wait_dma2 semaphore(%arg26 : memref<!tpu.dma_semaphore, #tpu.memory_space<semaphore_mem>>) src(%dma_wait3A_451 : memref<80xi32, #tpu.memory_space<hbm>>) dst(%arg12 : memref<80xi32, #tpu.memory_space<vmem>>)
    %dma_wait3A_452 = arith.constant 0 : i32
    %dma_wait3A_453 = tpu.memref_slice %arg3[%dma_wait3A_452] : memref<640000xi32, #tpu.memory_space<hbm>> -> memref<160xi32, #tpu.memory_space<hbm>>
    %dma_wait3A_454 = arith.constant 0 : i32
    %dma_wait3A_455 = tpu.memref_slice %arg3[%dma_wait3A_454] : memref<640000xi32, #tpu.memory_space<hbm>> -> memref<160xi32, #tpu.memory_space<hbm>>
    tpu.wait_dma2 semaphore(%arg17 : memref<!tpu.dma_semaphore, #tpu.memory_space<semaphore_mem>>) src(%dma_wait3A_455 : memref<160xi32, #tpu.memory_space<hbm>>) dst(%arg9 : memref<160xi32, #tpu.memory_space<vmem>>)
    %dma_start3A_456 = arith.constant 0 : i32
    %dma_start3A_457 = tpu.memref_slice %arg9[%dma_start3A_456] : memref<160xi32, #tpu.memory_space<vmem>> -> memref<80xi32, #tpu.memory_space<vmem>>
    %dma_start3A_458 = arith.constant 0 : i32
    %dma_start3A_459 = arith.constant 0 : i32
    %dma_start3A_460 = tpu.memref_slice %arg2[%dma_start3A_458, %dma_start3A_459] : memref<10000x128xf32, #tpu.memory_space<hbm>> -> memref<10000x128xf32, #tpu.memory_space<hbm>>
    tpu.enqueue_indirect_dma source(%dma_start3A_460 : memref<10000x128xf32, #tpu.memory_space<hbm>>) target(%arg6 : memref<80x128xf32, #tpu.memory_space<vmem>>) offsets(%dma_start3A_457 : memref<80xi32, #tpu.memory_space<vmem>>) semaphore(%arg20 : memref<!tpu.dma_semaphore, #tpu.memory_space<semaphore_mem>>)
    %dma_wait3A_461 = arith.constant 0 : i32
    %dma_wait3A_462 = arith.constant 0 : i32
    %dma_wait3A_463 = tpu.memref_slice %arg2[%dma_wait3A_461, %dma_wait3A_462] : memref<10000x128xf32, #tpu.memory_space<hbm>> -> memref<80x128xf32, #tpu.memory_space<hbm>>
    %dma_wait3A_464 = arith.constant 0 : i32
    %dma_wait3A_465 = arith.constant 0 : i32
    %dma_wait3A_466 = tpu.memref_slice %arg2[%dma_wait3A_464, %dma_wait3A_465] : memref<10000x128xf32, #tpu.memory_space<hbm>> -> memref<80x128xf32, #tpu.memory_space<hbm>>
    tpu.wait_dma2 semaphore(%arg24 : memref<!tpu.dma_semaphore, #tpu.memory_space<semaphore_mem>>) src(%dma_wait3A_466 : memref<80x128xf32, #tpu.memory_space<hbm>>) dst(%arg7 : memref<80x128xf32, #tpu.memory_space<vmem>>)
    %dma_wait3A_467 = arith.constant 0 : i32
    %dma_wait3A_468 = tpu.memref_slice %arg3[%dma_wait3A_467] : memref<640000xi32, #tpu.memory_space<hbm>> -> memref<80xi32, #tpu.memory_space<hbm>>
    %dma_wait3A_469 = arith.constant 0 : i32
    %dma_wait3A_470 = tpu.memref_slice %arg3[%dma_wait3A_469] : memref<640000xi32, #tpu.memory_space<hbm>> -> memref<80xi32, #tpu.memory_space<hbm>>
    tpu.wait_dma2 semaphore(%arg27 : memref<!tpu.dma_semaphore, #tpu.memory_space<semaphore_mem>>) src(%dma_wait3A_470 : memref<80xi32, #tpu.memory_space<hbm>>) dst(%arg13 : memref<80xi32, #tpu.memory_space<vmem>>)
    %dma_wait3A_471 = arith.constant 0 : i32
    %dma_wait3A_472 = tpu.memref_slice %arg3[%dma_wait3A_471] : memref<640000xi32, #tpu.memory_space<hbm>> -> memref<160xi32, #tpu.memory_space<hbm>>
    %dma_wait3A_473 = arith.constant 0 : i32
    %dma_wait3A_474 = tpu.memref_slice %arg3[%dma_wait3A_473] : memref<640000xi32, #tpu.memory_space<hbm>> -> memref<160xi32, #tpu.memory_space<hbm>>
    tpu.wait_dma2 semaphore(%arg18 : memref<!tpu.dma_semaphore, #tpu.memory_space<semaphore_mem>>) src(%dma_wait3A_474 : memref<160xi32, #tpu.memory_space<hbm>>) dst(%arg10 : memref<160xi32, #tpu.memory_space<vmem>>)
    %dma_start3A_475 = arith.constant 0 : i32
    %dma_start3A_476 = tpu.memref_slice %arg10[%dma_start3A_475] : memref<160xi32, #tpu.memory_space<vmem>> -> memref<80xi32, #tpu.memory_space<vmem>>
    %dma_start3A_477 = arith.constant 0 : i32
    %dma_start3A_478 = arith.constant 0 : i32
    %dma_start3A_479 = tpu.memref_slice %arg2[%dma_start3A_477, %dma_start3A_478] : memref<10000x128xf32, #tpu.memory_space<hbm>> -> memref<10000x128xf32, #tpu.memory_space<hbm>>
    tpu.enqueue_indirect_dma source(%dma_start3A_479 : memref<10000x128xf32, #tpu.memory_space<hbm>>) target(%arg7 : memref<80x128xf32, #tpu.memory_space<vmem>>) offsets(%dma_start3A_476 : memref<80xi32, #tpu.memory_space<vmem>>) semaphore(%arg21 : memref<!tpu.dma_semaphore, #tpu.memory_space<semaphore_mem>>)
    %dma_wait3A_480 = arith.constant 0 : i32
    %dma_wait3A_481 = arith.constant 0 : i32
    %dma_wait3A_482 = tpu.memref_slice %arg2[%dma_wait3A_480, %dma_wait3A_481] : memref<10000x128xf32, #tpu.memory_space<hbm>> -> memref<80x128xf32, #tpu.memory_space<hbm>>
    %dma_wait3A_483 = arith.constant 0 : i32
    %dma_wait3A_484 = arith.constant 0 : i32
    %dma_wait3A_485 = tpu.memref_slice %arg2[%dma_wait3A_483, %dma_wait3A_484] : memref<10000x128xf32, #tpu.memory_space<hbm>> -> memref<80x128xf32, #tpu.memory_space<hbm>>
    tpu.wait_dma2 semaphore(%arg20 : memref<!tpu.dma_semaphore, #tpu.memory_space<semaphore_mem>>) src(%dma_wait3A_485 : memref<80x128xf32, #tpu.memory_space<hbm>>) dst(%arg6 : memref<80x128xf32, #tpu.memory_space<vmem>>)
    %get3A = arith.constant 80 : index
    %get3A_486 = tpu.vector_load %arg9[%get3A] {strides = array<i32>} : memref<160xi32, #tpu.memory_space<vmem>>, vector<16xi32>,
    %get3A_487 = vector.shape_cast %get3A_486 : vector<16xi32> to vector<16xi32>
    %swap3A_488 = arith.constant 0 : index
    %swap3A_489 = tpu.vector_load %arg12[%swap3A_488] {strides = array<i32>} : memref<80xi32, #tpu.memory_space<vmem>>, vector<16xi32>,
    %swap3A_490 = vector.shape_cast %swap3A_489 : vector<16xi32> to vector<16xi32>
    %swap3A_491 = vector.shape_cast %get3A_487 : vector<16xi32> to vector<16xi32>
    tpu.vector_store %arg12[%swap3A_488], %swap3A_491 {strides = array<i32>} : memref<80xi32, #tpu.memory_space<vmem>>, vector<16xi32>,
    %get3A_492 = arith.constant 96 : index
    %get3A_493 = tpu.vector_load %arg9[%get3A_492] {strides = array<i32>} : memref<160xi32, #tpu.memory_space<vmem>>, vector<16xi32>,
    %get3A_494 = vector.shape_cast %get3A_493 : vector<16xi32> to vector<16xi32>
    %swap3A_495 = arith.constant 16 : index
    %swap3A_496 = tpu.vector_load %arg12[%swap3A_495] {strides = array<i32>} : memref<80xi32, #tpu.memory_space<vmem>>, vector<16xi32>,
    %swap3A_497 = vector.shape_cast %swap3A_496 : vector<16xi32> to vector<16xi32>
    %swap3A_498 = vector.shape_cast %get3A_494 : vector<16xi32> to vector<16xi32>
    tpu.vector_store %arg12[%swap3A_495], %swap3A_498 {strides = array<i32>} : memref<80xi32, #tpu.memory_space<vmem>>, vector<16xi32>,
    %get3A_499 = arith.constant 112 : index
    %get3A_500 = tpu.vector_load %arg9[%get3A_499] {strides = array<i32>} : memref<160xi32, #tpu.memory_space<vmem>>, vector<16xi32>,
    %get3A_501 = vector.shape_cast %get3A_500 : vector<16xi32> to vector<16xi32>
    %swap3A_502 = arith.constant 32 : index
    %swap3A_503 = tpu.vector_load %arg12[%swap3A_502] {strides = array<i32>} : memref<80xi32, #tpu.memory_space<vmem>>, vector<16xi32>,
    %swap3A_504 = vector.shape_cast %swap3A_503 : vector<16xi32> to vector<16xi32>
    %swap3A_505 = vector.shape_cast %get3A_501 : vector<16xi32> to vector<16xi32>
    tpu.vector_store %arg12[%swap3A_502], %swap3A_505 {strides = array<i32>} : memref<80xi32, #tpu.memory_space<vmem>>, vector<16xi32>,
    %get3A_506 = arith.constant 128 : index
    %get3A_507 = tpu.vector_load %arg9[%get3A_506] {strides = array<i32>} : memref<160xi32, #tpu.memory_space<vmem>>, vector<16xi32>,
    %get3A_508 = vector.shape_cast %get3A_507 : vector<16xi32> to vector<16xi32>
    %swap3A_509 = arith.constant 48 : index
    %swap3A_510 = tpu.vector_load %arg12[%swap3A_509] {strides = array<i32>} : memref<80xi32, #tpu.memory_space<vmem>>, vector<16xi32>,
    %swap3A_511 = vector.shape_cast %swap3A_510 : vector<16xi32> to vector<16xi32>
    %swap3A_512 = vector.shape_cast %get3A_508 : vector<16xi32> to vector<16xi32>
    tpu.vector_store %arg12[%swap3A_509], %swap3A_512 {strides = array<i32>} : memref<80xi32, #tpu.memory_space<vmem>>, vector<16xi32>,
    %get3A_513 = arith.constant 144 : index
    %get3A_514 = tpu.vector_load %arg9[%get3A_513] {strides = array<i32>} : memref<160xi32, #tpu.memory_space<vmem>>, vector<16xi32>,
    %get3A_515 = vector.shape_cast %get3A_514 : vector<16xi32> to vector<16xi32>
    %swap3A_516 = arith.constant 64 : index
    %swap3A_517 = tpu.vector_load %arg12[%swap3A_516] {strides = array<i32>} : memref<80xi32, #tpu.memory_space<vmem>>, vector<16xi32>,
    %swap3A_518 = vector.shape_cast %swap3A_517 : vector<16xi32> to vector<16xi32>
    %swap3A_519 = vector.shape_cast %get3A_515 : vector<16xi32> to vector<16xi32>
    tpu.vector_store %arg12[%swap3A_516], %swap3A_519 {strides = array<i32>} : memref<80xi32, #tpu.memory_space<vmem>>, vector<16xi32>,
    %dma_start3A_520 = arith.constant 0 : i32
    %dma_start3A_521 = arith.constant 0 : i32
    %dma_start3A_522 = tpu.memref_slice %arg29[%dma_start3A_520, %dma_start3A_521] : memref<10112x128xf32, #tpu.memory_space<vmem_shared>> -> memref<10112x128xf32, #tpu.memory_space<vmem_shared>>
    tpu.enqueue_indirect_dma source(%arg6 : memref<80x128xf32, #tpu.memory_space<vmem>>) target(%dma_start3A_522 : memref<10112x128xf32, #tpu.memory_space<vmem_shared>>) offsets(%arg12 : memref<80xi32, #tpu.memory_space<vmem>>) semaphore(%arg23 : memref<!tpu.dma_semaphore, #tpu.memory_space<semaphore_mem>>) {add = true}
    %dma_start3A_523 = arith.constant 0 : i32
    %dma_start3A_524 = tpu.memref_slice %arg30[%dma_start3A_523] : memref<10240xf32, #tpu.memory_space<vmem_shared>> -> memref<10240xf32, #tpu.memory_space<vmem_shared>>
    tpu.enqueue_indirect_dma source(%arg15 : memref<80xf32, #tpu.memory_space<vmem>>) target(%dma_start3A_524 : memref<10240xf32, #tpu.memory_space<vmem_shared>>) offsets(%arg12 : memref<80xi32, #tpu.memory_space<vmem>>) semaphore(%arg26 : memref<!tpu.dma_semaphore, #tpu.memory_space<semaphore_mem>>) {add = true}
    %dma_wait3A_525 = arith.constant 0 : i32
    %dma_wait3A_526 = arith.constant 0 : i32
    %dma_wait3A_527 = tpu.memref_slice %arg2[%dma_wait3A_525, %dma_wait3A_526] : memref<10000x128xf32, #tpu.memory_space<hbm>> -> memref<80x128xf32, #tpu.memory_space<hbm>>
    %dma_wait3A_528 = arith.constant 0 : i32
    %dma_wait3A_529 = arith.constant 0 : i32
    %dma_wait3A_530 = tpu.memref_slice %arg2[%dma_wait3A_528, %dma_wait3A_529] : memref<10000x128xf32, #tpu.memory_space<hbm>> -> memref<80x128xf32, #tpu.memory_space<hbm>>
    tpu.wait_dma2 semaphore(%arg21 : memref<!tpu.dma_semaphore, #tpu.memory_space<semaphore_mem>>) src(%dma_wait3A_530 : memref<80x128xf32, #tpu.memory_space<hbm>>) dst(%arg7 : memref<80x128xf32, #tpu.memory_space<vmem>>)
    %get3A_531 = arith.constant 80 : index
    %get3A_532 = tpu.vector_load %arg10[%get3A_531] {strides = array<i32>} : memref<160xi32, #tpu.memory_space<vmem>>, vector<16xi32>,
    %get3A_533 = vector.shape_cast %get3A_532 : vector<16xi32> to vector<16xi32>
    %swap3A_534 = arith.constant 0 : index
    %swap3A_535 = tpu.vector_load %arg13[%swap3A_534] {strides = array<i32>} : memref<80xi32, #tpu.memory_space<vmem>>, vector<16xi32>,
    %swap3A_536 = vector.shape_cast %swap3A_535 : vector<16xi32> to vector<16xi32>
    %swap3A_537 = vector.shape_cast %get3A_533 : vector<16xi32> to vector<16xi32>
    tpu.vector_store %arg13[%swap3A_534], %swap3A_537 {strides = array<i32>} : memref<80xi32, #tpu.memory_space<vmem>>, vector<16xi32>,
    %get3A_538 = arith.constant 96 : index
    %get3A_539 = tpu.vector_load %arg10[%get3A_538] {strides = array<i32>} : memref<160xi32, #tpu.memory_space<vmem>>, vector<16xi32>,
    %get3A_540 = vector.shape_cast %get3A_539 : vector<16xi32> to vector<16xi32>
    %swap3A_541 = arith.constant 16 : index
    %swap3A_542 = tpu.vector_load %arg13[%swap3A_541] {strides = array<i32>} : memref<80xi32, #tpu.memory_space<vmem>>, vector<16xi32>,
    %swap3A_543 = vector.shape_cast %swap3A_542 : vector<16xi32> to vector<16xi32>
    %swap3A_544 = vector.shape_cast %get3A_540 : vector<16xi32> to vector<16xi32>
    tpu.vector_store %arg13[%swap3A_541], %swap3A_544 {strides = array<i32>} : memref<80xi32, #tpu.memory_space<vmem>>, vector<16xi32>,
    %get3A_545 = arith.constant 112 : index
    %get3A_546 = tpu.vector_load %arg10[%get3A_545] {strides = array<i32>} : memref<160xi32, #tpu.memory_space<vmem>>, vector<16xi32>,
    %get3A_547 = vector.shape_cast %get3A_546 : vector<16xi32> to vector<16xi32>
    %swap3A_548 = arith.constant 32 : index
    %swap3A_549 = tpu.vector_load %arg13[%swap3A_548] {strides = array<i32>} : memref<80xi32, #tpu.memory_space<vmem>>, vector<16xi32>,
    %swap3A_550 = vector.shape_cast %swap3A_549 : vector<16xi32> to vector<16xi32>
    %swap3A_551 = vector.shape_cast %get3A_547 : vector<16xi32> to vector<16xi32>
    tpu.vector_store %arg13[%swap3A_548], %swap3A_551 {strides = array<i32>} : memref<80xi32, #tpu.memory_space<vmem>>, vector<16xi32>,
    %get3A_552 = arith.constant 128 : index
    %get3A_553 = tpu.vector_load %arg10[%get3A_552] {strides = array<i32>} : memref<160xi32, #tpu.memory_space<vmem>>, vector<16xi32>,
    %get3A_554 = vector.shape_cast %get3A_553 : vector<16xi32> to vector<16xi32>
    %swap3A_555 = arith.constant 48 : index
    %swap3A_556 = tpu.vector_load %arg13[%swap3A_555] {strides = array<i32>} : memref<80xi32, #tpu.memory_space<vmem>>, vector<16xi32>,
    %swap3A_557 = vector.shape_cast %swap3A_556 : vector<16xi32> to vector<16xi32>
    %swap3A_558 = vector.shape_cast %get3A_554 : vector<16xi32> to vector<16xi32>
    tpu.vector_store %arg13[%swap3A_555], %swap3A_558 {strides = array<i32>} : memref<80xi32, #tpu.memory_space<vmem>>, vector<16xi32>,
    %get3A_559 = arith.constant 144 : index
    %get3A_560 = tpu.vector_load %arg10[%get3A_559] {strides = array<i32>} : memref<160xi32, #tpu.memory_space<vmem>>, vector<16xi32>,
    %get3A_561 = vector.shape_cast %get3A_560 : vector<16xi32> to vector<16xi32>
    %swap3A_562 = arith.constant 64 : index
    %swap3A_563 = tpu.vector_load %arg13[%swap3A_562] {strides = array<i32>} : memref<80xi32, #tpu.memory_space<vmem>>, vector<16xi32>,
    %swap3A_564 = vector.shape_cast %swap3A_563 : vector<16xi32> to vector<16xi32>
    %swap3A_565 = vector.shape_cast %get3A_561 : vector<16xi32> to vector<16xi32>
    tpu.vector_store %arg13[%swap3A_562], %swap3A_565 {strides = array<i32>} : memref<80xi32, #tpu.memory_space<vmem>>, vector<16xi32>,
    %dma_start3A_566 = arith.constant 0 : i32
    %dma_start3A_567 = arith.constant 0 : i32
    %dma_start3A_568 = tpu.memref_slice %arg29[%dma_start3A_566, %dma_start3A_567] : memref<10112x128xf32, #tpu.memory_space<vmem_shared>> -> memref<10112x128xf32, #tpu.memory_space<vmem_shared>>
    tpu.enqueue_indirect_dma source(%arg7 : memref<80x128xf32, #tpu.memory_space<vmem>>) target(%dma_start3A_568 : memref<10112x128xf32, #tpu.memory_space<vmem_shared>>) offsets(%arg13 : memref<80xi32, #tpu.memory_space<vmem>>) semaphore(%arg24 : memref<!tpu.dma_semaphore, #tpu.memory_space<semaphore_mem>>) {add = true}
    %dma_start3A_569 = arith.constant 0 : i32
    %dma_start3A_570 = tpu.memref_slice %arg30[%dma_start3A_569] : memref<10240xf32, #tpu.memory_space<vmem_shared>> -> memref<10240xf32, #tpu.memory_space<vmem_shared>>
    tpu.enqueue_indirect_dma source(%arg15 : memref<80xf32, #tpu.memory_space<vmem>>) target(%dma_start3A_570 : memref<10240xf32, #tpu.memory_space<vmem_shared>>) offsets(%arg13 : memref<80xi32, #tpu.memory_space<vmem>>) semaphore(%arg27 : memref<!tpu.dma_semaphore, #tpu.memory_space<semaphore_mem>>) {add = true}
    %dma_wait3A_571 = arith.constant 0 : i32
    %dma_wait3A_572 = arith.constant 0 : i32
    %dma_wait3A_573 = tpu.memref_slice %arg2[%dma_wait3A_571, %dma_wait3A_572] : memref<10000x128xf32, #tpu.memory_space<hbm>> -> memref<80x128xf32, #tpu.memory_space<hbm>>
    %dma_wait3A_574 = arith.constant 0 : i32
    %dma_wait3A_575 = arith.constant 0 : i32
    %dma_wait3A_576 = tpu.memref_slice %arg2[%dma_wait3A_574, %dma_wait3A_575] : memref<10000x128xf32, #tpu.memory_space<hbm>> -> memref<80x128xf32, #tpu.memory_space<hbm>>
    tpu.wait_dma2 semaphore(%arg23 : memref<!tpu.dma_semaphore, #tpu.memory_space<semaphore_mem>>) src(%dma_wait3A_576 : memref<80x128xf32, #tpu.memory_space<hbm>>) dst(%arg6 : memref<80x128xf32, #tpu.memory_space<vmem>>)
    %dma_wait3A_577 = arith.constant 0 : i32
    %dma_wait3A_578 = tpu.memref_slice %arg3[%dma_wait3A_577] : memref<640000xi32, #tpu.memory_space<hbm>> -> memref<80xi32, #tpu.memory_space<hbm>>
    %dma_wait3A_579 = arith.constant 0 : i32
    %dma_wait3A_580 = tpu.memref_slice %arg3[%dma_wait3A_579] : memref<640000xi32, #tpu.memory_space<hbm>> -> memref<80xi32, #tpu.memory_space<hbm>>
    tpu.wait_dma2 semaphore(%arg26 : memref<!tpu.dma_semaphore, #tpu.memory_space<semaphore_mem>>) src(%dma_wait3A_580 : memref<80xi32, #tpu.memory_space<hbm>>) dst(%arg12 : memref<80xi32, #tpu.memory_space<vmem>>)
    %dma_wait3A_581 = arith.constant 0 : i32
    %dma_wait3A_582 = arith.constant 0 : i32
    %dma_wait3A_583 = tpu.memref_slice %arg2[%dma_wait3A_581, %dma_wait3A_582] : memref<10000x128xf32, #tpu.memory_space<hbm>> -> memref<80x128xf32, #tpu.memory_space<hbm>>
    %dma_wait3A_584 = arith.constant 0 : i32
    %dma_wait3A_585 = arith.constant 0 : i32
    %dma_wait3A_586 = tpu.memref_slice %arg2[%dma_wait3A_584, %dma_wait3A_585] : memref<10000x128xf32, #tpu.memory_space<hbm>> -> memref<80x128xf32, #tpu.memory_space<hbm>>
    tpu.wait_dma2 semaphore(%arg24 : memref<!tpu.dma_semaphore, #tpu.memory_space<semaphore_mem>>) src(%dma_wait3A_586 : memref<80x128xf32, #tpu.memory_space<hbm>>) dst(%arg7 : memref<80x128xf32, #tpu.memory_space<vmem>>)
    %dma_wait3A_587 = arith.constant 0 : i32
    %dma_wait3A_588 = tpu.memref_slice %arg3[%dma_wait3A_587] : memref<640000xi32, #tpu.memory_space<hbm>> -> memref<80xi32, #tpu.memory_space<hbm>>
    %dma_wait3A_589 = arith.constant 0 : i32
    %dma_wait3A_590 = tpu.memref_slice %arg3[%dma_wait3A_589] : memref<640000xi32, #tpu.memory_space<hbm>> -> memref<80xi32, #tpu.memory_space<hbm>>
    tpu.wait_dma2 semaphore(%arg27 : memref<!tpu.dma_semaphore, #tpu.memory_space<semaphore_mem>>) src(%dma_wait3A_590 : memref<80xi32, #tpu.memory_space<hbm>>) dst(%arg13 : memref<80xi32, #tpu.memory_space<vmem>>)
    %dma_wait3A_591 = arith.constant 0 : i32
    %dma_wait3A_592 = arith.constant 0 : i32
    %dma_wait3A_593 = tpu.memref_slice %arg2[%dma_wait3A_591, %dma_wait3A_592] : memref<10000x128xf32, #tpu.memory_space<hbm>> -> memref<80x128xf32, #tpu.memory_space<hbm>>
    %dma_wait3A_594 = arith.constant 0 : i32
    %dma_wait3A_595 = arith.constant 0 : i32
    %dma_wait3A_596 = tpu.memref_slice %arg2[%dma_wait3A_594, %dma_wait3A_595] : memref<10000x128xf32, #tpu.memory_space<hbm>> -> memref<80x128xf32, #tpu.memory_space<hbm>>
    tpu.wait_dma2 semaphore(%arg25 : memref<!tpu.dma_semaphore, #tpu.memory_space<semaphore_mem>>) src(%dma_wait3A_596 : memref<80x128xf32, #tpu.memory_space<hbm>>) dst(%arg8 : memref<80x128xf32, #tpu.memory_space<vmem>>)
    %dma_wait3A_597 = arith.constant 0 : i32
    %dma_wait3A_598 = tpu.memref_slice %arg3[%dma_wait3A_597] : memref<640000xi32, #tpu.memory_space<hbm>> -> memref<80xi32, #tpu.memory_space<hbm>>
    %dma_wait3A_599 = arith.constant 0 : i32
    %dma_wait3A_600 = tpu.memref_slice %arg3[%dma_wait3A_599] : memref<640000xi32, #tpu.memory_space<hbm>> -> memref<80xi32, #tpu.memory_space<hbm>>
    tpu.wait_dma2 semaphore(%arg28 : memref<!tpu.dma_semaphore, #tpu.memory_space<semaphore_mem>>) src(%dma_wait3A_600 : memref<80xi32, #tpu.memory_space<hbm>>) dst(%arg14 : memref<80xi32, #tpu.memory_space<vmem>>)
    %barrier3A_601 = arith.constant 0 : index
    tpu.barrier barrier_id(%barrier3A_601)
    %dma_start3A_602 = arith.constant 0 : i32
    %dma_start3A_603 = tpu.memref_slice %arg4[%arg0, %multiple_of3A_282, %dma_start3A_602] : memref<2x10000x128xf32, #tpu.memory_space<hbm>> -> memref<1x520x128xf32, #tpu.memory_space<hbm>>
    %dma_start3A_604 = tpu.memref_squeeze %dma_start3A_603 : memref<1x520x128xf32, #tpu.memory_space<hbm>> -> memref<520x128xf32, #tpu.memory_space<hbm>>
    %dma_start3A_605 = arith.constant 0 : i32
    %dma_start3A_606 = tpu.memref_slice %arg29[%multiple_of3A_282, %dma_start3A_605] : memref<10112x128xf32, #tpu.memory_space<vmem_shared>> -> memref<520x128xf32, #tpu.memory_space<vmem_shared>>
    tpu.enqueue_dma source(%dma_start3A_606 : memref<520x128xf32, #tpu.memory_space<vmem_shared>>) target(%dma_start3A_604 : memref<520x128xf32, #tpu.memory_space<hbm>>) target_semaphore(%arg17 : memref<!tpu.dma_semaphore, #tpu.memory_space<semaphore_mem>>)
    %mul3A_607 = arith.constant 640 : i32
    %mul3A_608 = arith.muli %arg1, %mul3A_607 : i32
    %multiple_of3A_609 = tpu.assume_multiple %mul3A_608, 8 : i32
    %dma_start3A_610 = tpu.memref_slice %arg5[%arg0, %multiple_of3A_609] : memref<2x10240xf32, #tpu.memory_space<hbm>> -> memref<1x640xf32, #tpu.memory_space<hbm>>
    %dma_start3A_611 = tpu.memref_squeeze %dma_start3A_610 : memref<1x640xf32, #tpu.memory_space<hbm>> -> memref<640xf32, #tpu.memory_space<hbm>>
    %dma_start3A_612 = tpu.memref_slice %arg30[%multiple_of3A_609] : memref<10240xf32, #tpu.memory_space<vmem_shared>> -> memref<640xf32, #tpu.memory_space<vmem_shared>>
    tpu.enqueue_dma source(%dma_start3A_612 : memref<640xf32, #tpu.memory_space<vmem_shared>>) target(%dma_start3A_611 : memref<640xf32, #tpu.memory_space<hbm>>) target_semaphore(%arg18 : memref<!tpu.dma_semaphore, #tpu.memory_space<semaphore_mem>>)
    %lt3A = arith.constant 15 : i32
    %lt3A_613 = arith.cmpi slt, %arg1, %lt3A : i32
    %convert_element_type3A = arith.extui %lt3A_613 : i1 to i32
    %cond3A = arith.constant 0 : i32
    %cond3A_614 = arith.cmpi ne, %convert_element_type3A, %cond3A : i32
    scf.if %cond3A_614 {
      %add3A_623 = arith.constant 520 : i32
      %add3A_624 = arith.addi %multiple_of3A_282, %add3A_623 : i32
      %multiple_of3A_625 = tpu.assume_multiple %add3A_624, 8 : i32
      "tpu.region"() ({
        %run_scoped3A = tpu.sem_alloc : memref<!tpu.dma_semaphore, #tpu.memory_space<semaphore_mem>>
        %dma_start3A_626 = arith.constant 0 : i32
        %dma_start3A_627 = tpu.memref_slice %arg4[%arg0, %multiple_of3A_625, %dma_start3A_626] : memref<2x10000x128xf32, #tpu.memory_space<hbm>> -> memref<1x112x128xf32, #tpu.memory_space<hbm>>
        %dma_start3A_628 = tpu.memref_squeeze %dma_start3A_627 : memref<1x112x128xf32, #tpu.memory_space<hbm>> -> memref<112x128xf32, #tpu.memory_space<hbm>>
        %dma_start3A_629 = arith.constant 0 : i32
        %dma_start3A_630 = tpu.memref_slice %arg29[%multiple_of3A_625, %dma_start3A_629] : memref<10112x128xf32, #tpu.memory_space<vmem_shared>> -> memref<112x128xf32, #tpu.memory_space<vmem_shared>>
        tpu.enqueue_dma source(%dma_start3A_630 : memref<112x128xf32, #tpu.memory_space<vmem_shared>>) target(%dma_start3A_628 : memref<112x128xf32, #tpu.memory_space<hbm>>) target_semaphore(%run_scoped3A : memref<!tpu.dma_semaphore, #tpu.memory_space<semaphore_mem>>)
        %dma_wait3A_631 = arith.constant 0 : i32
        %dma_wait3A_632 = tpu.memref_slice %arg4[%arg0, %multiple_of3A_625, %dma_wait3A_631] : memref<2x10000x128xf32, #tpu.memory_space<hbm>> -> memref<1x112x128xf32, #tpu.memory_space<hbm>>
        %dma_wait3A_633 = tpu.memref_squeeze %dma_wait3A_632 : memref<1x112x128xf32, #tpu.memory_space<hbm>> -> memref<112x128xf32, #tpu.memory_space<hbm>>
        %dma_wait3A_634 = arith.constant 0 : i32
        %dma_wait3A_635 = tpu.memref_slice %arg29[%multiple_of3A_625, %dma_wait3A_634] : memref<10112x128xf32, #tpu.memory_space<vmem_shared>> -> memref<112x128xf32, #tpu.memory_space<vmem_shared>>
        tpu.wait_dma2 semaphore(%run_scoped3A : memref<!tpu.dma_semaphore, #tpu.memory_space<semaphore_mem>>) src(%dma_wait3A_635 : memref<112x128xf32, #tpu.memory_space<vmem_shared>>) dst(%dma_wait3A_633 : memref<112x128xf32, #tpu.memory_space<hbm>>)
        tpu.yield
      }) : () -> ()
    } else {
    }
    %dma_wait3A_615 = arith.constant 0 : i32
    %dma_wait3A_616 = tpu.memref_slice %arg4[%arg0, %multiple_of3A_282, %dma_wait3A_615] : memref<2x10000x128xf32, #tpu.memory_space<hbm>> -> memref<1x520x128xf32, #tpu.memory_space<hbm>>
    %dma_wait3A_617 = tpu.memref_squeeze %dma_wait3A_616 : memref<1x520x128xf32, #tpu.memory_space<hbm>> -> memref<520x128xf32, #tpu.memory_space<hbm>>
    %dma_wait3A_618 = arith.constant 0 : i32
    %dma_wait3A_619 = tpu.memref_slice %arg29[%multiple_of3A_282, %dma_wait3A_618] : memref<10112x128xf32, #tpu.memory_space<vmem_shared>> -> memref<520x128xf32, #tpu.memory_space<vmem_shared>>
    tpu.wait_dma2 semaphore(%arg17 : memref<!tpu.dma_semaphore, #tpu.memory_space<semaphore_mem>>) src(%dma_wait3A_619 : memref<520x128xf32, #tpu.memory_space<vmem_shared>>) dst(%dma_wait3A_617 : memref<520x128xf32, #tpu.memory_space<hbm>>)
    %dma_wait3A_620 = tpu.memref_slice %arg5[%arg0, %multiple_of3A_609] : memref<2x10240xf32, #tpu.memory_space<hbm>> -> memref<1x640xf32, #tpu.memory_space<hbm>>
    %dma_wait3A_621 = tpu.memref_squeeze %dma_wait3A_620 : memref<1x640xf32, #tpu.memory_space<hbm>> -> memref<640xf32, #tpu.memory_space<hbm>>
    %dma_wait3A_622 = tpu.memref_slice %arg30[%multiple_of3A_609] : memref<10240xf32, #tpu.memory_space<vmem_shared>> -> memref<640xf32, #tpu.memory_space<vmem_shared>>
    tpu.wait_dma2 semaphore(%arg18 : memref<!tpu.dma_semaphore, #tpu.memory_space<semaphore_mem>>) src(%dma_wait3A_622 : memref<640xf32, #tpu.memory_space<vmem_shared>>) dst(%dma_wait3A_621 : memref<640xf32, #tpu.memory_space<hbm>>)
    return
  }
}

#map = affine_map<(d0, d1) -> (0, 0)>
#map1 = affine_map<(d0, d1) -> (0)>
#map2 = affine_map<(d0, d1) -> (0, 0, 0)>
module attributes {stable_mosaic.version = 14 : i64} {
  func.func @_sc_agg_body(%arg0: i32, %arg1: i32, %arg2: memref<10000x128xf32, #tpu.memory_space<hbm>>, %arg3: memref<640000xi32, #tpu.memory_space<hbm>>, %arg4: memref<2x10000x128xf32, #tpu.memory_space<hbm>>, %arg5: memref<2x10240xf32, #tpu.memory_space<hbm>>, %arg6: memref<80x128xf32, #tpu.memory_space<vmem>>, %arg7: memref<80x128xf32, #tpu.memory_space<vmem>>, %arg8: memref<80x128xf32, #tpu.memory_space<vmem>>, %arg9: memref<160xi32, #tpu.memory_space<vmem>>, %arg10: memref<160xi32, #tpu.memory_space<vmem>>, %arg11: memref<160xi32, #tpu.memory_space<vmem>>, %arg12: memref<80xi32, #tpu.memory_space<vmem>>, %arg13: memref<80xi32, #tpu.memory_space<vmem>>, %arg14: memref<80xi32, #tpu.memory_space<vmem>>, %arg15: memref<80xf32, #tpu.memory_space<vmem>>, %arg16: memref<632xf32, #tpu.memory_space<vmem>>, %arg17: memref<!tpu.dma_semaphore, #tpu.memory_space<semaphore_mem>>, %arg18: memref<!tpu.dma_semaphore, #tpu.memory_space<semaphore_mem>>, %arg19: memref<!tpu.dma_semaphore, #tpu.memory_space<semaphore_mem>>, %arg20: memref<!tpu.dma_semaphore, #tpu.memory_space<semaphore_mem>>, %arg21: memref<!tpu.dma_semaphore, #tpu.memory_space<semaphore_mem>>, %arg22: memref<!tpu.dma_semaphore, #tpu.memory_space<semaphore_mem>>, %arg23: memref<!tpu.dma_semaphore, #tpu.memory_space<semaphore_mem>>, %arg24: memref<!tpu.dma_semaphore, #tpu.memory_space<semaphore_mem>>, %arg25: memref<!tpu.dma_semaphore, #tpu.memory_space<semaphore_mem>>, %arg26: memref<!tpu.dma_semaphore, #tpu.memory_space<semaphore_mem>>, %arg27: memref<!tpu.dma_semaphore, #tpu.memory_space<semaphore_mem>>, %arg28: memref<!tpu.dma_semaphore, #tpu.memory_space<semaphore_mem>>, %arg29: memref<10112x128xf32, #tpu.memory_space<vmem_shared>>, %arg30: memref<10240xf32, #tpu.memory_space<vmem_shared>>) attributes {dimension_semantics = [#tpu.dimension_semantics<core_parallel>, #tpu.dimension_semantics<subcore_parallel>], iteration_bounds = array<i64: 2, 16>, scalar_prefetch = 0 : i64, scratch_operands = 25 : i64, tpu.core_type = #tpu.core_type<sc_vector_subcore>, window_params = [{transform_indices = #map}, {transform_indices = #map1}, {transform_indices = #map2}, {transform_indices = #map}]} {
    %mul3A = arith.constant 2 : i32
    %mul3A_0 = arith.muli %arg1, %mul3A : i32
    %add3A = arith.addi %mul3A_0, %arg0 : i32
    %scan3A = arith.constant 0 : i32
    %scan3A_1 = arith.constant 0 : i32
    %scan3A_2 = arith.constant 80 : i32
    %scan3A_3 = arith.addi %scan3A_1, %scan3A_2 : i32
    %scan3A_4 = arith.constant 1 : i32
    scf.for %scan3A_623 = %scan3A_1 to %scan3A_3 step %scan3A_4  : i32 {
      %broadcast_in_dim3A_624 = arith.constant 0.000000e+00 : f32
      %broadcast_in_dim3A_625 = vector.broadcast %broadcast_in_dim3A_624 : f32 to vector<16xf32>
      %swap3A_626 = arith.index_cast %scan3A_623 : i32 to index
      %swap3A_627 = arith.constant 0 : index
      %swap3A_628 = tpu.vector_load %arg6[%swap3A_626, %swap3A_627] {strides = array<i32>} : memref<80x128xf32, #tpu.memory_space<vmem>>, vector<1x16xf32>,
      %swap3A_629 = vector.shape_cast %swap3A_628 : vector<1x16xf32> to vector<16xf32>
      %swap3A_630 = vector.shape_cast %broadcast_in_dim3A_625 : vector<16xf32> to vector<1x16xf32>
      tpu.vector_store %arg6[%swap3A_626, %swap3A_627], %swap3A_630 {strides = array<i32>} : memref<80x128xf32, #tpu.memory_space<vmem>>, vector<1x16xf32>,
      %broadcast_in_dim3A_631 = arith.constant 0.000000e+00 : f32
      %broadcast_in_dim3A_632 = vector.broadcast %broadcast_in_dim3A_631 : f32 to vector<16xf32>
      %swap3A_633 = arith.index_cast %scan3A_623 : i32 to index
      %swap3A_634 = arith.constant 16 : index
      %swap3A_635 = tpu.vector_load %arg6[%swap3A_633, %swap3A_634] {strides = array<i32>} : memref<80x128xf32, #tpu.memory_space<vmem>>, vector<1x16xf32>,
      %swap3A_636 = vector.shape_cast %swap3A_635 : vector<1x16xf32> to vector<16xf32>
      %swap3A_637 = vector.shape_cast %broadcast_in_dim3A_632 : vector<16xf32> to vector<1x16xf32>
      tpu.vector_store %arg6[%swap3A_633, %swap3A_634], %swap3A_637 {strides = array<i32>} : memref<80x128xf32, #tpu.memory_space<vmem>>, vector<1x16xf32>,
      %broadcast_in_dim3A_638 = arith.constant 0.000000e+00 : f32
      %broadcast_in_dim3A_639 = vector.broadcast %broadcast_in_dim3A_638 : f32 to vector<16xf32>
      %swap3A_640 = arith.index_cast %scan3A_623 : i32 to index
      %swap3A_641 = arith.constant 32 : index
      %swap3A_642 = tpu.vector_load %arg6[%swap3A_640, %swap3A_641] {strides = array<i32>} : memref<80x128xf32, #tpu.memory_space<vmem>>, vector<1x16xf32>,
      %swap3A_643 = vector.shape_cast %swap3A_642 : vector<1x16xf32> to vector<16xf32>
      %swap3A_644 = vector.shape_cast %broadcast_in_dim3A_639 : vector<16xf32> to vector<1x16xf32>
      tpu.vector_store %arg6[%swap3A_640, %swap3A_641], %swap3A_644 {strides = array<i32>} : memref<80x128xf32, #tpu.memory_space<vmem>>, vector<1x16xf32>,
      %broadcast_in_dim3A_645 = arith.constant 0.000000e+00 : f32
      %broadcast_in_dim3A_646 = vector.broadcast %broadcast_in_dim3A_645 : f32 to vector<16xf32>
      %swap3A_647 = arith.index_cast %scan3A_623 : i32 to index
      %swap3A_648 = arith.constant 48 : index
      %swap3A_649 = tpu.vector_load %arg6[%swap3A_647, %swap3A_648] {strides = array<i32>} : memref<80x128xf32, #tpu.memory_space<vmem>>, vector<1x16xf32>,
      %swap3A_650 = vector.shape_cast %swap3A_649 : vector<1x16xf32> to vector<16xf32>
      %swap3A_651 = vector.shape_cast %broadcast_in_dim3A_646 : vector<16xf32> to vector<1x16xf32>
      tpu.vector_store %arg6[%swap3A_647, %swap3A_648], %swap3A_651 {strides = array<i32>} : memref<80x128xf32, #tpu.memory_space<vmem>>, vector<1x16xf32>,
      %broadcast_in_dim3A_652 = arith.constant 0.000000e+00 : f32
      %broadcast_in_dim3A_653 = vector.broadcast %broadcast_in_dim3A_652 : f32 to vector<16xf32>
      %swap3A_654 = arith.index_cast %scan3A_623 : i32 to index
      %swap3A_655 = arith.constant 64 : index
      %swap3A_656 = tpu.vector_load %arg6[%swap3A_654, %swap3A_655] {strides = array<i32>} : memref<80x128xf32, #tpu.memory_space<vmem>>, vector<1x16xf32>,
      %swap3A_657 = vector.shape_cast %swap3A_656 : vector<1x16xf32> to vector<16xf32>
      %swap3A_658 = vector.shape_cast %broadcast_in_dim3A_653 : vector<16xf32> to vector<1x16xf32>
      tpu.vector_store %arg6[%swap3A_654, %swap3A_655], %swap3A_658 {strides = array<i32>} : memref<80x128xf32, #tpu.memory_space<vmem>>, vector<1x16xf32>,
      %broadcast_in_dim3A_659 = arith.constant 0.000000e+00 : f32
      %broadcast_in_dim3A_660 = vector.broadcast %broadcast_in_dim3A_659 : f32 to vector<16xf32>
      %swap3A_661 = arith.index_cast %scan3A_623 : i32 to index
      %swap3A_662 = arith.constant 80 : index
      %swap3A_663 = tpu.vector_load %arg6[%swap3A_661, %swap3A_662] {strides = array<i32>} : memref<80x128xf32, #tpu.memory_space<vmem>>, vector<1x16xf32>,
      %swap3A_664 = vector.shape_cast %swap3A_663 : vector<1x16xf32> to vector<16xf32>
      %swap3A_665 = vector.shape_cast %broadcast_in_dim3A_660 : vector<16xf32> to vector<1x16xf32>
      tpu.vector_store %arg6[%swap3A_661, %swap3A_662], %swap3A_665 {strides = array<i32>} : memref<80x128xf32, #tpu.memory_space<vmem>>, vector<1x16xf32>,
      %broadcast_in_dim3A_666 = arith.constant 0.000000e+00 : f32
      %broadcast_in_dim3A_667 = vector.broadcast %broadcast_in_dim3A_666 : f32 to vector<16xf32>
      %swap3A_668 = arith.index_cast %scan3A_623 : i32 to index
      %swap3A_669 = arith.constant 96 : index
      %swap3A_670 = tpu.vector_load %arg6[%swap3A_668, %swap3A_669] {strides = array<i32>} : memref<80x128xf32, #tpu.memory_space<vmem>>, vector<1x16xf32>,
      %swap3A_671 = vector.shape_cast %swap3A_670 : vector<1x16xf32> to vector<16xf32>
      %swap3A_672 = vector.shape_cast %broadcast_in_dim3A_667 : vector<16xf32> to vector<1x16xf32>
      tpu.vector_store %arg6[%swap3A_668, %swap3A_669], %swap3A_672 {strides = array<i32>} : memref<80x128xf32, #tpu.memory_space<vmem>>, vector<1x16xf32>,
      %broadcast_in_dim3A_673 = arith.constant 0.000000e+00 : f32
      %broadcast_in_dim3A_674 = vector.broadcast %broadcast_in_dim3A_673 : f32 to vector<16xf32>
      %swap3A_675 = arith.index_cast %scan3A_623 : i32 to index
      %swap3A_676 = arith.constant 112 : index
      %swap3A_677 = tpu.vector_load %arg6[%swap3A_675, %swap3A_676] {strides = array<i32>} : memref<80x128xf32, #tpu.memory_space<vmem>>, vector<1x16xf32>,
      %swap3A_678 = vector.shape_cast %swap3A_677 : vector<1x16xf32> to vector<16xf32>
      %swap3A_679 = vector.shape_cast %broadcast_in_dim3A_674 : vector<16xf32> to vector<1x16xf32>
      tpu.vector_store %arg6[%swap3A_675, %swap3A_676], %swap3A_679 {strides = array<i32>} : memref<80x128xf32, #tpu.memory_space<vmem>>, vector<1x16xf32>,
    }
    %scan3A_5 = arith.constant 80 : i32
    %broadcast_in_dim3A = arith.constant 1.000000e+00 : f32
    %broadcast_in_dim3A_6 = vector.broadcast %broadcast_in_dim3A : f32 to vector<16xf32>
    %swap3A = arith.constant 0 : index
    %swap3A_7 = tpu.vector_load %arg15[%swap3A] {strides = array<i32>} : memref<80xf32, #tpu.memory_space<vmem>>, vector<16xf32>,
    %swap3A_8 = vector.shape_cast %swap3A_7 : vector<16xf32> to vector<16xf32>
    %swap3A_9 = vector.shape_cast %broadcast_in_dim3A_6 : vector<16xf32> to vector<16xf32>
    tpu.vector_store %arg15[%swap3A], %swap3A_9 {strides = array<i32>} : memref<80xf32, #tpu.memory_space<vmem>>, vector<16xf32>,
    %broadcast_in_dim3A_10 = arith.constant 1.000000e+00 : f32
    %broadcast_in_dim3A_11 = vector.broadcast %broadcast_in_dim3A_10 : f32 to vector<16xf32>
    %swap3A_12 = arith.constant 16 : index
    %swap3A_13 = tpu.vector_load %arg15[%swap3A_12] {strides = array<i32>} : memref<80xf32, #tpu.memory_space<vmem>>, vector<16xf32>,
    %swap3A_14 = vector.shape_cast %swap3A_13 : vector<16xf32> to vector<16xf32>
    %swap3A_15 = vector.shape_cast %broadcast_in_dim3A_11 : vector<16xf32> to vector<16xf32>
    tpu.vector_store %arg15[%swap3A_12], %swap3A_15 {strides = array<i32>} : memref<80xf32, #tpu.memory_space<vmem>>, vector<16xf32>,
    %broadcast_in_dim3A_16 = arith.constant 1.000000e+00 : f32
    %broadcast_in_dim3A_17 = vector.broadcast %broadcast_in_dim3A_16 : f32 to vector<16xf32>
    %swap3A_18 = arith.constant 32 : index
    %swap3A_19 = tpu.vector_load %arg15[%swap3A_18] {strides = array<i32>} : memref<80xf32, #tpu.memory_space<vmem>>, vector<16xf32>,
    %swap3A_20 = vector.shape_cast %swap3A_19 : vector<16xf32> to vector<16xf32>
    %swap3A_21 = vector.shape_cast %broadcast_in_dim3A_17 : vector<16xf32> to vector<16xf32>
    tpu.vector_store %arg15[%swap3A_18], %swap3A_21 {strides = array<i32>} : memref<80xf32, #tpu.memory_space<vmem>>, vector<16xf32>,
    %broadcast_in_dim3A_22 = arith.constant 1.000000e+00 : f32
    %broadcast_in_dim3A_23 = vector.broadcast %broadcast_in_dim3A_22 : f32 to vector<16xf32>
    %swap3A_24 = arith.constant 48 : index
    %swap3A_25 = tpu.vector_load %arg15[%swap3A_24] {strides = array<i32>} : memref<80xf32, #tpu.memory_space<vmem>>, vector<16xf32>,
    %swap3A_26 = vector.shape_cast %swap3A_25 : vector<16xf32> to vector<16xf32>
    %swap3A_27 = vector.shape_cast %broadcast_in_dim3A_23 : vector<16xf32> to vector<16xf32>
    tpu.vector_store %arg15[%swap3A_24], %swap3A_27 {strides = array<i32>} : memref<80xf32, #tpu.memory_space<vmem>>, vector<16xf32>,
    %broadcast_in_dim3A_28 = arith.constant 1.000000e+00 : f32
    %broadcast_in_dim3A_29 = vector.broadcast %broadcast_in_dim3A_28 : f32 to vector<16xf32>
    %swap3A_30 = arith.constant 64 : index
    %swap3A_31 = tpu.vector_load %arg15[%swap3A_30] {strides = array<i32>} : memref<80xf32, #tpu.memory_space<vmem>>, vector<16xf32>,
    %swap3A_32 = vector.shape_cast %swap3A_31 : vector<16xf32> to vector<16xf32>
    %swap3A_33 = vector.shape_cast %broadcast_in_dim3A_29 : vector<16xf32> to vector<16xf32>
    tpu.vector_store %arg15[%swap3A_30], %swap3A_33 {strides = array<i32>} : memref<80xf32, #tpu.memory_space<vmem>>, vector<16xf32>,
    %broadcast_in_dim3A_34 = arith.constant 0.000000e+00 : f32
    %broadcast_in_dim3A_35 = vector.broadcast %broadcast_in_dim3A_34 : f32 to vector<16xf32>
    %swap3A_36 = arith.constant 0 : index
    %swap3A_37 = tpu.vector_load %arg16[%swap3A_36] {strides = array<i32>} : memref<632xf32, #tpu.memory_space<vmem>>, vector<16xf32>,
    %swap3A_38 = vector.shape_cast %swap3A_37 : vector<16xf32> to vector<16xf32>
    %swap3A_39 = vector.shape_cast %broadcast_in_dim3A_35 : vector<16xf32> to vector<16xf32>
    tpu.vector_store %arg16[%swap3A_36], %swap3A_39 {strides = array<i32>} : memref<632xf32, #tpu.memory_space<vmem>>, vector<16xf32>,
    %broadcast_in_dim3A_40 = arith.constant 0.000000e+00 : f32
    %broadcast_in_dim3A_41 = vector.broadcast %broadcast_in_dim3A_40 : f32 to vector<16xf32>
    %swap3A_42 = arith.constant 16 : index
    %swap3A_43 = tpu.vector_load %arg16[%swap3A_42] {strides = array<i32>} : memref<632xf32, #tpu.memory_space<vmem>>, vector<16xf32>,
    %swap3A_44 = vector.shape_cast %swap3A_43 : vector<16xf32> to vector<16xf32>
    %swap3A_45 = vector.shape_cast %broadcast_in_dim3A_41 : vector<16xf32> to vector<16xf32>
    tpu.vector_store %arg16[%swap3A_42], %swap3A_45 {strides = array<i32>} : memref<632xf32, #tpu.memory_space<vmem>>, vector<16xf32>,
    %broadcast_in_dim3A_46 = arith.constant 0.000000e+00 : f32
    %broadcast_in_dim3A_47 = vector.broadcast %broadcast_in_dim3A_46 : f32 to vector<16xf32>
    %swap3A_48 = arith.constant 32 : index
    %swap3A_49 = tpu.vector_load %arg16[%swap3A_48] {strides = array<i32>} : memref<632xf32, #tpu.memory_space<vmem>>, vector<16xf32>,
    %swap3A_50 = vector.shape_cast %swap3A_49 : vector<16xf32> to vector<16xf32>
    %swap3A_51 = vector.shape_cast %broadcast_in_dim3A_47 : vector<16xf32> to vector<16xf32>
    tpu.vector_store %arg16[%swap3A_48], %swap3A_51 {strides = array<i32>} : memref<632xf32, #tpu.memory_space<vmem>>, vector<16xf32>,
    %broadcast_in_dim3A_52 = arith.constant 0.000000e+00 : f32
    %broadcast_in_dim3A_53 = vector.broadcast %broadcast_in_dim3A_52 : f32 to vector<16xf32>
    %swap3A_54 = arith.constant 48 : index
    %swap3A_55 = tpu.vector_load %arg16[%swap3A_54] {strides = array<i32>} : memref<632xf32, #tpu.memory_space<vmem>>, vector<16xf32>,
    %swap3A_56 = vector.shape_cast %swap3A_55 : vector<16xf32> to vector<16xf32>
    %swap3A_57 = vector.shape_cast %broadcast_in_dim3A_53 : vector<16xf32> to vector<16xf32>
    tpu.vector_store %arg16[%swap3A_54], %swap3A_57 {strides = array<i32>} : memref<632xf32, #tpu.memory_space<vmem>>, vector<16xf32>,
    %broadcast_in_dim3A_58 = arith.constant 0.000000e+00 : f32
    %broadcast_in_dim3A_59 = vector.broadcast %broadcast_in_dim3A_58 : f32 to vector<16xf32>
    %swap3A_60 = arith.constant 64 : index
    %swap3A_61 = tpu.vector_load %arg16[%swap3A_60] {strides = array<i32>} : memref<632xf32, #tpu.memory_space<vmem>>, vector<16xf32>,
    %swap3A_62 = vector.shape_cast %swap3A_61 : vector<16xf32> to vector<16xf32>
    %swap3A_63 = vector.shape_cast %broadcast_in_dim3A_59 : vector<16xf32> to vector<16xf32>
    tpu.vector_store %arg16[%swap3A_60], %swap3A_63 {strides = array<i32>} : memref<632xf32, #tpu.memory_space<vmem>>, vector<16xf32>,
    %broadcast_in_dim3A_64 = arith.constant 0.000000e+00 : f32
    %broadcast_in_dim3A_65 = vector.broadcast %broadcast_in_dim3A_64 : f32 to vector<16xf32>
    %swap3A_66 = arith.constant 80 : index
    %swap3A_67 = tpu.vector_load %arg16[%swap3A_66] {strides = array<i32>} : memref<632xf32, #tpu.memory_space<vmem>>, vector<16xf32>,
    %swap3A_68 = vector.shape_cast %swap3A_67 : vector<16xf32> to vector<16xf32>
    %swap3A_69 = vector.shape_cast %broadcast_in_dim3A_65 : vector<16xf32> to vector<16xf32>
    tpu.vector_store %arg16[%swap3A_66], %swap3A_69 {strides = array<i32>} : memref<632xf32, #tpu.memory_space<vmem>>, vector<16xf32>,
    %broadcast_in_dim3A_70 = arith.constant 0.000000e+00 : f32
    %broadcast_in_dim3A_71 = vector.broadcast %broadcast_in_dim3A_70 : f32 to vector<16xf32>
    %swap3A_72 = arith.constant 96 : index
    %swap3A_73 = tpu.vector_load %arg16[%swap3A_72] {strides = array<i32>} : memref<632xf32, #tpu.memory_space<vmem>>, vector<16xf32>,
    %swap3A_74 = vector.shape_cast %swap3A_73 : vector<16xf32> to vector<16xf32>
    %swap3A_75 = vector.shape_cast %broadcast_in_dim3A_71 : vector<16xf32> to vector<16xf32>
    tpu.vector_store %arg16[%swap3A_72], %swap3A_75 {strides = array<i32>} : memref<632xf32, #tpu.memory_space<vmem>>, vector<16xf32>,
    %broadcast_in_dim3A_76 = arith.constant 0.000000e+00 : f32
    %broadcast_in_dim3A_77 = vector.broadcast %broadcast_in_dim3A_76 : f32 to vector<16xf32>
    %swap3A_78 = arith.constant 112 : index
    %swap3A_79 = tpu.vector_load %arg16[%swap3A_78] {strides = array<i32>} : memref<632xf32, #tpu.memory_space<vmem>>, vector<16xf32>,
    %swap3A_80 = vector.shape_cast %swap3A_79 : vector<16xf32> to vector<16xf32>
    %swap3A_81 = vector.shape_cast %broadcast_in_dim3A_77 : vector<16xf32> to vector<16xf32>
    tpu.vector_store %arg16[%swap3A_78], %swap3A_81 {strides = array<i32>} : memref<632xf32, #tpu.memory_space<vmem>>, vector<16xf32>,
    %broadcast_in_dim3A_82 = arith.constant 0.000000e+00 : f32
    %broadcast_in_dim3A_83 = vector.broadcast %broadcast_in_dim3A_82 : f32 to vector<16xf32>
    %swap3A_84 = arith.constant 128 : index
    %swap3A_85 = tpu.vector_load %arg16[%swap3A_84] {strides = array<i32>} : memref<632xf32, #tpu.memory_space<vmem>>, vector<16xf32>,
    %swap3A_86 = vector.shape_cast %swap3A_85 : vector<16xf32> to vector<16xf32>
    %swap3A_87 = vector.shape_cast %broadcast_in_dim3A_83 : vector<16xf32> to vector<16xf32>
    tpu.vector_store %arg16[%swap3A_84], %swap3A_87 {strides = array<i32>} : memref<632xf32, #tpu.memory_space<vmem>>, vector<16xf32>,
    %broadcast_in_dim3A_88 = arith.constant 0.000000e+00 : f32
    %broadcast_in_dim3A_89 = vector.broadcast %broadcast_in_dim3A_88 : f32 to vector<16xf32>
    %swap3A_90 = arith.constant 144 : index
    %swap3A_91 = tpu.vector_load %arg16[%swap3A_90] {strides = array<i32>} : memref<632xf32, #tpu.memory_space<vmem>>, vector<16xf32>,
    %swap3A_92 = vector.shape_cast %swap3A_91 : vector<16xf32> to vector<16xf32>
    %swap3A_93 = vector.shape_cast %broadcast_in_dim3A_89 : vector<16xf32> to vector<16xf32>
    tpu.vector_store %arg16[%swap3A_90], %swap3A_93 {strides = array<i32>} : memref<632xf32, #tpu.memory_space<vmem>>, vector<16xf32>,
    %broadcast_in_dim3A_94 = arith.constant 0.000000e+00 : f32
    %broadcast_in_dim3A_95 = vector.broadcast %broadcast_in_dim3A_94 : f32 to vector<16xf32>
    %swap3A_96 = arith.constant 160 : index
    %swap3A_97 = tpu.vector_load %arg16[%swap3A_96] {strides = array<i32>} : memref<632xf32, #tpu.memory_space<vmem>>, vector<16xf32>,
    %swap3A_98 = vector.shape_cast %swap3A_97 : vector<16xf32> to vector<16xf32>
    %swap3A_99 = vector.shape_cast %broadcast_in_dim3A_95 : vector<16xf32> to vector<16xf32>
    tpu.vector_store %arg16[%swap3A_96], %swap3A_99 {strides = array<i32>} : memref<632xf32, #tpu.memory_space<vmem>>, vector<16xf32>,
    %broadcast_in_dim3A_100 = arith.constant 0.000000e+00 : f32
    %broadcast_in_dim3A_101 = vector.broadcast %broadcast_in_dim3A_100 : f32 to vector<16xf32>
    %swap3A_102 = arith.constant 176 : index
    %swap3A_103 = tpu.vector_load %arg16[%swap3A_102] {strides = array<i32>} : memref<632xf32, #tpu.memory_space<vmem>>, vector<16xf32>,
    %swap3A_104 = vector.shape_cast %swap3A_103 : vector<16xf32> to vector<16xf32>
    %swap3A_105 = vector.shape_cast %broadcast_in_dim3A_101 : vector<16xf32> to vector<16xf32>
    tpu.vector_store %arg16[%swap3A_102], %swap3A_105 {strides = array<i32>} : memref<632xf32, #tpu.memory_space<vmem>>, vector<16xf32>,
    %broadcast_in_dim3A_106 = arith.constant 0.000000e+00 : f32
    %broadcast_in_dim3A_107 = vector.broadcast %broadcast_in_dim3A_106 : f32 to vector<16xf32>
    %swap3A_108 = arith.constant 192 : index
    %swap3A_109 = tpu.vector_load %arg16[%swap3A_108] {strides = array<i32>} : memref<632xf32, #tpu.memory_space<vmem>>, vector<16xf32>,
    %swap3A_110 = vector.shape_cast %swap3A_109 : vector<16xf32> to vector<16xf32>
    %swap3A_111 = vector.shape_cast %broadcast_in_dim3A_107 : vector<16xf32> to vector<16xf32>
    tpu.vector_store %arg16[%swap3A_108], %swap3A_111 {strides = array<i32>} : memref<632xf32, #tpu.memory_space<vmem>>, vector<16xf32>,
    %broadcast_in_dim3A_112 = arith.constant 0.000000e+00 : f32
    %broadcast_in_dim3A_113 = vector.broadcast %broadcast_in_dim3A_112 : f32 to vector<16xf32>
    %swap3A_114 = arith.constant 208 : index
    %swap3A_115 = tpu.vector_load %arg16[%swap3A_114] {strides = array<i32>} : memref<632xf32, #tpu.memory_space<vmem>>, vector<16xf32>,
    %swap3A_116 = vector.shape_cast %swap3A_115 : vector<16xf32> to vector<16xf32>
    %swap3A_117 = vector.shape_cast %broadcast_in_dim3A_113 : vector<16xf32> to vector<16xf32>
    tpu.vector_store %arg16[%swap3A_114], %swap3A_117 {strides = array<i32>} : memref<632xf32, #tpu.memory_space<vmem>>, vector<16xf32>,
    %broadcast_in_dim3A_118 = arith.constant 0.000000e+00 : f32
    %broadcast_in_dim3A_119 = vector.broadcast %broadcast_in_dim3A_118 : f32 to vector<16xf32>
    %swap3A_120 = arith.constant 224 : index
    %swap3A_121 = tpu.vector_load %arg16[%swap3A_120] {strides = array<i32>} : memref<632xf32, #tpu.memory_space<vmem>>, vector<16xf32>,
    %swap3A_122 = vector.shape_cast %swap3A_121 : vector<16xf32> to vector<16xf32>
    %swap3A_123 = vector.shape_cast %broadcast_in_dim3A_119 : vector<16xf32> to vector<16xf32>
    tpu.vector_store %arg16[%swap3A_120], %swap3A_123 {strides = array<i32>} : memref<632xf32, #tpu.memory_space<vmem>>, vector<16xf32>,
    %broadcast_in_dim3A_124 = arith.constant 0.000000e+00 : f32
    %broadcast_in_dim3A_125 = vector.broadcast %broadcast_in_dim3A_124 : f32 to vector<16xf32>
    %swap3A_126 = arith.constant 240 : index
    %swap3A_127 = tpu.vector_load %arg16[%swap3A_126] {strides = array<i32>} : memref<632xf32, #tpu.memory_space<vmem>>, vector<16xf32>,
    %swap3A_128 = vector.shape_cast %swap3A_127 : vector<16xf32> to vector<16xf32>
    %swap3A_129 = vector.shape_cast %broadcast_in_dim3A_125 : vector<16xf32> to vector<16xf32>
    tpu.vector_store %arg16[%swap3A_126], %swap3A_129 {strides = array<i32>} : memref<632xf32, #tpu.memory_space<vmem>>, vector<16xf32>,
    %broadcast_in_dim3A_130 = arith.constant 0.000000e+00 : f32
    %broadcast_in_dim3A_131 = vector.broadcast %broadcast_in_dim3A_130 : f32 to vector<16xf32>
    %swap3A_132 = arith.constant 256 : index
    %swap3A_133 = tpu.vector_load %arg16[%swap3A_132] {strides = array<i32>} : memref<632xf32, #tpu.memory_space<vmem>>, vector<16xf32>,
    %swap3A_134 = vector.shape_cast %swap3A_133 : vector<16xf32> to vector<16xf32>
    %swap3A_135 = vector.shape_cast %broadcast_in_dim3A_131 : vector<16xf32> to vector<16xf32>
    tpu.vector_store %arg16[%swap3A_132], %swap3A_135 {strides = array<i32>} : memref<632xf32, #tpu.memory_space<vmem>>, vector<16xf32>,
    %broadcast_in_dim3A_136 = arith.constant 0.000000e+00 : f32
    %broadcast_in_dim3A_137 = vector.broadcast %broadcast_in_dim3A_136 : f32 to vector<16xf32>
    %swap3A_138 = arith.constant 272 : index
    %swap3A_139 = tpu.vector_load %arg16[%swap3A_138] {strides = array<i32>} : memref<632xf32, #tpu.memory_space<vmem>>, vector<16xf32>,
    %swap3A_140 = vector.shape_cast %swap3A_139 : vector<16xf32> to vector<16xf32>
    %swap3A_141 = vector.shape_cast %broadcast_in_dim3A_137 : vector<16xf32> to vector<16xf32>
    tpu.vector_store %arg16[%swap3A_138], %swap3A_141 {strides = array<i32>} : memref<632xf32, #tpu.memory_space<vmem>>, vector<16xf32>,
    %broadcast_in_dim3A_142 = arith.constant 0.000000e+00 : f32
    %broadcast_in_dim3A_143 = vector.broadcast %broadcast_in_dim3A_142 : f32 to vector<16xf32>
    %swap3A_144 = arith.constant 288 : index
    %swap3A_145 = tpu.vector_load %arg16[%swap3A_144] {strides = array<i32>} : memref<632xf32, #tpu.memory_space<vmem>>, vector<16xf32>,
    %swap3A_146 = vector.shape_cast %swap3A_145 : vector<16xf32> to vector<16xf32>
    %swap3A_147 = vector.shape_cast %broadcast_in_dim3A_143 : vector<16xf32> to vector<16xf32>
    tpu.vector_store %arg16[%swap3A_144], %swap3A_147 {strides = array<i32>} : memref<632xf32, #tpu.memory_space<vmem>>, vector<16xf32>,
    %broadcast_in_dim3A_148 = arith.constant 0.000000e+00 : f32
    %broadcast_in_dim3A_149 = vector.broadcast %broadcast_in_dim3A_148 : f32 to vector<16xf32>
    %swap3A_150 = arith.constant 304 : index
    %swap3A_151 = tpu.vector_load %arg16[%swap3A_150] {strides = array<i32>} : memref<632xf32, #tpu.memory_space<vmem>>, vector<16xf32>,
    %swap3A_152 = vector.shape_cast %swap3A_151 : vector<16xf32> to vector<16xf32>
    %swap3A_153 = vector.shape_cast %broadcast_in_dim3A_149 : vector<16xf32> to vector<16xf32>
    tpu.vector_store %arg16[%swap3A_150], %swap3A_153 {strides = array<i32>} : memref<632xf32, #tpu.memory_space<vmem>>, vector<16xf32>,
    %broadcast_in_dim3A_154 = arith.constant 0.000000e+00 : f32
    %broadcast_in_dim3A_155 = vector.broadcast %broadcast_in_dim3A_154 : f32 to vector<16xf32>
    %swap3A_156 = arith.constant 320 : index
    %swap3A_157 = tpu.vector_load %arg16[%swap3A_156] {strides = array<i32>} : memref<632xf32, #tpu.memory_space<vmem>>, vector<16xf32>,
    %swap3A_158 = vector.shape_cast %swap3A_157 : vector<16xf32> to vector<16xf32>
    %swap3A_159 = vector.shape_cast %broadcast_in_dim3A_155 : vector<16xf32> to vector<16xf32>
    tpu.vector_store %arg16[%swap3A_156], %swap3A_159 {strides = array<i32>} : memref<632xf32, #tpu.memory_space<vmem>>, vector<16xf32>,
    %broadcast_in_dim3A_160 = arith.constant 0.000000e+00 : f32
    %broadcast_in_dim3A_161 = vector.broadcast %broadcast_in_dim3A_160 : f32 to vector<16xf32>
    %swap3A_162 = arith.constant 336 : index
    %swap3A_163 = tpu.vector_load %arg16[%swap3A_162] {strides = array<i32>} : memref<632xf32, #tpu.memory_space<vmem>>, vector<16xf32>,
    %swap3A_164 = vector.shape_cast %swap3A_163 : vector<16xf32> to vector<16xf32>
    %swap3A_165 = vector.shape_cast %broadcast_in_dim3A_161 : vector<16xf32> to vector<16xf32>
    tpu.vector_store %arg16[%swap3A_162], %swap3A_165 {strides = array<i32>} : memref<632xf32, #tpu.memory_space<vmem>>, vector<16xf32>,
    %broadcast_in_dim3A_166 = arith.constant 0.000000e+00 : f32
    %broadcast_in_dim3A_167 = vector.broadcast %broadcast_in_dim3A_166 : f32 to vector<16xf32>
    %swap3A_168 = arith.constant 352 : index
    %swap3A_169 = tpu.vector_load %arg16[%swap3A_168] {strides = array<i32>} : memref<632xf32, #tpu.memory_space<vmem>>, vector<16xf32>,
    %swap3A_170 = vector.shape_cast %swap3A_169 : vector<16xf32> to vector<16xf32>
    %swap3A_171 = vector.shape_cast %broadcast_in_dim3A_167 : vector<16xf32> to vector<16xf32>
    tpu.vector_store %arg16[%swap3A_168], %swap3A_171 {strides = array<i32>} : memref<632xf32, #tpu.memory_space<vmem>>, vector<16xf32>,
    %broadcast_in_dim3A_172 = arith.constant 0.000000e+00 : f32
    %broadcast_in_dim3A_173 = vector.broadcast %broadcast_in_dim3A_172 : f32 to vector<16xf32>
    %swap3A_174 = arith.constant 368 : index
    %swap3A_175 = tpu.vector_load %arg16[%swap3A_174] {strides = array<i32>} : memref<632xf32, #tpu.memory_space<vmem>>, vector<16xf32>,
    %swap3A_176 = vector.shape_cast %swap3A_175 : vector<16xf32> to vector<16xf32>
    %swap3A_177 = vector.shape_cast %broadcast_in_dim3A_173 : vector<16xf32> to vector<16xf32>
    tpu.vector_store %arg16[%swap3A_174], %swap3A_177 {strides = array<i32>} : memref<632xf32, #tpu.memory_space<vmem>>, vector<16xf32>,
    %broadcast_in_dim3A_178 = arith.constant 0.000000e+00 : f32
    %broadcast_in_dim3A_179 = vector.broadcast %broadcast_in_dim3A_178 : f32 to vector<16xf32>
    %swap3A_180 = arith.constant 384 : index
    %swap3A_181 = tpu.vector_load %arg16[%swap3A_180] {strides = array<i32>} : memref<632xf32, #tpu.memory_space<vmem>>, vector<16xf32>,
    %swap3A_182 = vector.shape_cast %swap3A_181 : vector<16xf32> to vector<16xf32>
    %swap3A_183 = vector.shape_cast %broadcast_in_dim3A_179 : vector<16xf32> to vector<16xf32>
    tpu.vector_store %arg16[%swap3A_180], %swap3A_183 {strides = array<i32>} : memref<632xf32, #tpu.memory_space<vmem>>, vector<16xf32>,
    %broadcast_in_dim3A_184 = arith.constant 0.000000e+00 : f32
    %broadcast_in_dim3A_185 = vector.broadcast %broadcast_in_dim3A_184 : f32 to vector<16xf32>
    %swap3A_186 = arith.constant 400 : index
    %swap3A_187 = tpu.vector_load %arg16[%swap3A_186] {strides = array<i32>} : memref<632xf32, #tpu.memory_space<vmem>>, vector<16xf32>,
    %swap3A_188 = vector.shape_cast %swap3A_187 : vector<16xf32> to vector<16xf32>
    %swap3A_189 = vector.shape_cast %broadcast_in_dim3A_185 : vector<16xf32> to vector<16xf32>
    tpu.vector_store %arg16[%swap3A_186], %swap3A_189 {strides = array<i32>} : memref<632xf32, #tpu.memory_space<vmem>>, vector<16xf32>,
    %broadcast_in_dim3A_190 = arith.constant 0.000000e+00 : f32
    %broadcast_in_dim3A_191 = vector.broadcast %broadcast_in_dim3A_190 : f32 to vector<16xf32>
    %swap3A_192 = arith.constant 416 : index
    %swap3A_193 = tpu.vector_load %arg16[%swap3A_192] {strides = array<i32>} : memref<632xf32, #tpu.memory_space<vmem>>, vector<16xf32>,
    %swap3A_194 = vector.shape_cast %swap3A_193 : vector<16xf32> to vector<16xf32>
    %swap3A_195 = vector.shape_cast %broadcast_in_dim3A_191 : vector<16xf32> to vector<16xf32>
    tpu.vector_store %arg16[%swap3A_192], %swap3A_195 {strides = array<i32>} : memref<632xf32, #tpu.memory_space<vmem>>, vector<16xf32>,
    %broadcast_in_dim3A_196 = arith.constant 0.000000e+00 : f32
    %broadcast_in_dim3A_197 = vector.broadcast %broadcast_in_dim3A_196 : f32 to vector<16xf32>
    %swap3A_198 = arith.constant 432 : index
    %swap3A_199 = tpu.vector_load %arg16[%swap3A_198] {strides = array<i32>} : memref<632xf32, #tpu.memory_space<vmem>>, vector<16xf32>,
    %swap3A_200 = vector.shape_cast %swap3A_199 : vector<16xf32> to vector<16xf32>
    %swap3A_201 = vector.shape_cast %broadcast_in_dim3A_197 : vector<16xf32> to vector<16xf32>
    tpu.vector_store %arg16[%swap3A_198], %swap3A_201 {strides = array<i32>} : memref<632xf32, #tpu.memory_space<vmem>>, vector<16xf32>,
    %broadcast_in_dim3A_202 = arith.constant 0.000000e+00 : f32
    %broadcast_in_dim3A_203 = vector.broadcast %broadcast_in_dim3A_202 : f32 to vector<16xf32>
    %swap3A_204 = arith.constant 448 : index
    %swap3A_205 = tpu.vector_load %arg16[%swap3A_204] {strides = array<i32>} : memref<632xf32, #tpu.memory_space<vmem>>, vector<16xf32>,
    %swap3A_206 = vector.shape_cast %swap3A_205 : vector<16xf32> to vector<16xf32>
    %swap3A_207 = vector.shape_cast %broadcast_in_dim3A_203 : vector<16xf32> to vector<16xf32>
    tpu.vector_store %arg16[%swap3A_204], %swap3A_207 {strides = array<i32>} : memref<632xf32, #tpu.memory_space<vmem>>, vector<16xf32>,
    %broadcast_in_dim3A_208 = arith.constant 0.000000e+00 : f32
    %broadcast_in_dim3A_209 = vector.broadcast %broadcast_in_dim3A_208 : f32 to vector<16xf32>
    %swap3A_210 = arith.constant 464 : index
    %swap3A_211 = tpu.vector_load %arg16[%swap3A_210] {strides = array<i32>} : memref<632xf32, #tpu.memory_space<vmem>>, vector<16xf32>,
    %swap3A_212 = vector.shape_cast %swap3A_211 : vector<16xf32> to vector<16xf32>
    %swap3A_213 = vector.shape_cast %broadcast_in_dim3A_209 : vector<16xf32> to vector<16xf32>
    tpu.vector_store %arg16[%swap3A_210], %swap3A_213 {strides = array<i32>} : memref<632xf32, #tpu.memory_space<vmem>>, vector<16xf32>,
    %broadcast_in_dim3A_214 = arith.constant 0.000000e+00 : f32
    %broadcast_in_dim3A_215 = vector.broadcast %broadcast_in_dim3A_214 : f32 to vector<16xf32>
    %swap3A_216 = arith.constant 480 : index
    %swap3A_217 = tpu.vector_load %arg16[%swap3A_216] {strides = array<i32>} : memref<632xf32, #tpu.memory_space<vmem>>, vector<16xf32>,
    %swap3A_218 = vector.shape_cast %swap3A_217 : vector<16xf32> to vector<16xf32>
    %swap3A_219 = vector.shape_cast %broadcast_in_dim3A_215 : vector<16xf32> to vector<16xf32>
    tpu.vector_store %arg16[%swap3A_216], %swap3A_219 {strides = array<i32>} : memref<632xf32, #tpu.memory_space<vmem>>, vector<16xf32>,
    %broadcast_in_dim3A_220 = arith.constant 0.000000e+00 : f32
    %broadcast_in_dim3A_221 = vector.broadcast %broadcast_in_dim3A_220 : f32 to vector<16xf32>
    %swap3A_222 = arith.constant 496 : index
    %swap3A_223 = tpu.vector_load %arg16[%swap3A_222] {strides = array<i32>} : memref<632xf32, #tpu.memory_space<vmem>>, vector<16xf32>,
    %swap3A_224 = vector.shape_cast %swap3A_223 : vector<16xf32> to vector<16xf32>
    %swap3A_225 = vector.shape_cast %broadcast_in_dim3A_221 : vector<16xf32> to vector<16xf32>
    tpu.vector_store %arg16[%swap3A_222], %swap3A_225 {strides = array<i32>} : memref<632xf32, #tpu.memory_space<vmem>>, vector<16xf32>,
    %broadcast_in_dim3A_226 = arith.constant 0.000000e+00 : f32
    %broadcast_in_dim3A_227 = vector.broadcast %broadcast_in_dim3A_226 : f32 to vector<16xf32>
    %swap3A_228 = arith.constant 512 : index
    %swap3A_229 = tpu.vector_load %arg16[%swap3A_228] {strides = array<i32>} : memref<632xf32, #tpu.memory_space<vmem>>, vector<16xf32>,
    %swap3A_230 = vector.shape_cast %swap3A_229 : vector<16xf32> to vector<16xf32>
    %swap3A_231 = vector.shape_cast %broadcast_in_dim3A_227 : vector<16xf32> to vector<16xf32>
    tpu.vector_store %arg16[%swap3A_228], %swap3A_231 {strides = array<i32>} : memref<632xf32, #tpu.memory_space<vmem>>, vector<16xf32>,
    %broadcast_in_dim3A_232 = arith.constant 0.000000e+00 : f32
    %broadcast_in_dim3A_233 = vector.broadcast %broadcast_in_dim3A_232 : f32 to vector<16xf32>
    %swap3A_234 = arith.constant 528 : index
    %swap3A_235 = tpu.vector_load %arg16[%swap3A_234] {strides = array<i32>} : memref<632xf32, #tpu.memory_space<vmem>>, vector<16xf32>,
    %swap3A_236 = vector.shape_cast %swap3A_235 : vector<16xf32> to vector<16xf32>
    %swap3A_237 = vector.shape_cast %broadcast_in_dim3A_233 : vector<16xf32> to vector<16xf32>
    tpu.vector_store %arg16[%swap3A_234], %swap3A_237 {strides = array<i32>} : memref<632xf32, #tpu.memory_space<vmem>>, vector<16xf32>,
    %broadcast_in_dim3A_238 = arith.constant 0.000000e+00 : f32
    %broadcast_in_dim3A_239 = vector.broadcast %broadcast_in_dim3A_238 : f32 to vector<16xf32>
    %swap3A_240 = arith.constant 544 : index
    %swap3A_241 = tpu.vector_load %arg16[%swap3A_240] {strides = array<i32>} : memref<632xf32, #tpu.memory_space<vmem>>, vector<16xf32>,
    %swap3A_242 = vector.shape_cast %swap3A_241 : vector<16xf32> to vector<16xf32>
    %swap3A_243 = vector.shape_cast %broadcast_in_dim3A_239 : vector<16xf32> to vector<16xf32>
    tpu.vector_store %arg16[%swap3A_240], %swap3A_243 {strides = array<i32>} : memref<632xf32, #tpu.memory_space<vmem>>, vector<16xf32>,
    %broadcast_in_dim3A_244 = arith.constant 0.000000e+00 : f32
    %broadcast_in_dim3A_245 = vector.broadcast %broadcast_in_dim3A_244 : f32 to vector<16xf32>
    %swap3A_246 = arith.constant 560 : index
    %swap3A_247 = tpu.vector_load %arg16[%swap3A_246] {strides = array<i32>} : memref<632xf32, #tpu.memory_space<vmem>>, vector<16xf32>,
    %swap3A_248 = vector.shape_cast %swap3A_247 : vector<16xf32> to vector<16xf32>
    %swap3A_249 = vector.shape_cast %broadcast_in_dim3A_245 : vector<16xf32> to vector<16xf32>
    tpu.vector_store %arg16[%swap3A_246], %swap3A_249 {strides = array<i32>} : memref<632xf32, #tpu.memory_space<vmem>>, vector<16xf32>,
    %broadcast_in_dim3A_250 = arith.constant 0.000000e+00 : f32
    %broadcast_in_dim3A_251 = vector.broadcast %broadcast_in_dim3A_250 : f32 to vector<16xf32>
    %swap3A_252 = arith.constant 576 : index
    %swap3A_253 = tpu.vector_load %arg16[%swap3A_252] {strides = array<i32>} : memref<632xf32, #tpu.memory_space<vmem>>, vector<16xf32>,
    %swap3A_254 = vector.shape_cast %swap3A_253 : vector<16xf32> to vector<16xf32>
    %swap3A_255 = vector.shape_cast %broadcast_in_dim3A_251 : vector<16xf32> to vector<16xf32>
    tpu.vector_store %arg16[%swap3A_252], %swap3A_255 {strides = array<i32>} : memref<632xf32, #tpu.memory_space<vmem>>, vector<16xf32>,
    %broadcast_in_dim3A_256 = arith.constant 0.000000e+00 : f32
    %broadcast_in_dim3A_257 = vector.broadcast %broadcast_in_dim3A_256 : f32 to vector<16xf32>
    %swap3A_258 = arith.constant 592 : index
    %swap3A_259 = tpu.vector_load %arg16[%swap3A_258] {strides = array<i32>} : memref<632xf32, #tpu.memory_space<vmem>>, vector<16xf32>,
    %swap3A_260 = vector.shape_cast %swap3A_259 : vector<16xf32> to vector<16xf32>
    %swap3A_261 = vector.shape_cast %broadcast_in_dim3A_257 : vector<16xf32> to vector<16xf32>
    tpu.vector_store %arg16[%swap3A_258], %swap3A_261 {strides = array<i32>} : memref<632xf32, #tpu.memory_space<vmem>>, vector<16xf32>,
    %broadcast_in_dim3A_262 = arith.constant 0.000000e+00 : f32
    %broadcast_in_dim3A_263 = vector.broadcast %broadcast_in_dim3A_262 : f32 to vector<16xf32>
    %swap3A_264 = arith.constant 608 : index
    %swap3A_265 = tpu.vector_load %arg16[%swap3A_264] {strides = array<i32>} : memref<632xf32, #tpu.memory_space<vmem>>, vector<16xf32>,
    %swap3A_266 = vector.shape_cast %swap3A_265 : vector<16xf32> to vector<16xf32>
    %swap3A_267 = vector.shape_cast %broadcast_in_dim3A_263 : vector<16xf32> to vector<16xf32>
    tpu.vector_store %arg16[%swap3A_264], %swap3A_267 {strides = array<i32>} : memref<632xf32, #tpu.memory_space<vmem>>, vector<16xf32>,
    %broadcast_in_dim3A_268 = arith.constant 0.000000e+00 : f32
    %broadcast_in_dim3A_269 = vector.broadcast %broadcast_in_dim3A_268 : f32 to vector<16xf32>
    %swap3A_270 = arith.constant 616 : index
    %swap3A_271 = tpu.vector_load %arg16[%swap3A_270] {strides = array<i32>} : memref<632xf32, #tpu.memory_space<vmem>>, vector<16xf32>,
    %swap3A_272 = vector.shape_cast %swap3A_271 : vector<16xf32> to vector<16xf32>
    %swap3A_273 = vector.shape_cast %broadcast_in_dim3A_269 : vector<16xf32> to vector<16xf32>
    tpu.vector_store %arg16[%swap3A_270], %swap3A_273 {strides = array<i32>} : memref<632xf32, #tpu.memory_space<vmem>>, vector<16xf32>,
    %mul3A_274 = arith.constant 125 : i32
    %mul3A_275 = arith.muli %add3A, %mul3A_274 : i32
    %mul3A_276 = arith.constant 2 : i32
    %mul3A_277 = arith.muli %mul3A_275, %mul3A_276 : i32
    %mul3A_278 = arith.constant 80 : i32
    %mul3A_279 = arith.muli %mul3A_277, %mul3A_278 : i32
    %multiple_of3A = tpu.assume_multiple %mul3A_279, 8 : i32
    %mul3A_280 = arith.constant 632 : i32
    %mul3A_281 = arith.muli %arg1, %mul3A_280 : i32
    %multiple_of3A_282 = tpu.assume_multiple %mul3A_281, 8 : i32
    %add3A_283 = arith.constant 0 : i32
    %add3A_284 = arith.addi %multiple_of3A, %add3A_283 : i32
    %dma_start3A = tpu.memref_slice %arg3[%add3A_284] : memref<640000xi32, #tpu.memory_space<hbm>> -> memref<160xi32, #tpu.memory_space<hbm>>
    %dma_start3A_285 = tpu.memref_slice %arg3[%add3A_284] : memref<640000xi32, #tpu.memory_space<hbm>> -> memref<160xi32, #tpu.memory_space<hbm>>
    tpu.enqueue_dma source(%dma_start3A_285 : memref<160xi32, #tpu.memory_space<hbm>>) target(%arg9 : memref<160xi32, #tpu.memory_space<vmem>>) target_semaphore(%arg17 : memref<!tpu.dma_semaphore, #tpu.memory_space<semaphore_mem>>)
    %add3A_286 = arith.constant 160 : i32
    %add3A_287 = arith.addi %multiple_of3A, %add3A_286 : i32
    %dma_start3A_288 = tpu.memref_slice %arg3[%add3A_287] : memref<640000xi32, #tpu.memory_space<hbm>> -> memref<160xi32, #tpu.memory_space<hbm>>
    %dma_start3A_289 = tpu.memref_slice %arg3[%add3A_287] : memref<640000xi32, #tpu.memory_space<hbm>> -> memref<160xi32, #tpu.memory_space<hbm>>
    tpu.enqueue_dma source(%dma_start3A_289 : memref<160xi32, #tpu.memory_space<hbm>>) target(%arg10 : memref<160xi32, #tpu.memory_space<vmem>>) target_semaphore(%arg18 : memref<!tpu.dma_semaphore, #tpu.memory_space<semaphore_mem>>)
    %add3A_290 = arith.constant 320 : i32
    %add3A_291 = arith.addi %multiple_of3A, %add3A_290 : i32
    %dma_start3A_292 = tpu.memref_slice %arg3[%add3A_291] : memref<640000xi32, #tpu.memory_space<hbm>> -> memref<160xi32, #tpu.memory_space<hbm>>
    %dma_start3A_293 = tpu.memref_slice %arg3[%add3A_291] : memref<640000xi32, #tpu.memory_space<hbm>> -> memref<160xi32, #tpu.memory_space<hbm>>
    tpu.enqueue_dma source(%dma_start3A_293 : memref<160xi32, #tpu.memory_space<hbm>>) target(%arg11 : memref<160xi32, #tpu.memory_space<vmem>>) target_semaphore(%arg19 : memref<!tpu.dma_semaphore, #tpu.memory_space<semaphore_mem>>)
    %add3A_294 = arith.constant 0 : i32
    %add3A_295 = arith.addi %multiple_of3A_282, %add3A_294 : i32
    %dma_start3A_296 = arith.constant 0 : i32
    %dma_start3A_297 = tpu.memref_slice %arg29[%add3A_295, %dma_start3A_296] : memref<10112x128xf32, #tpu.memory_space<vmem_shared>> -> memref<80x128xf32, #tpu.memory_space<vmem_shared>>
    %dma_start3A_298 = arith.constant 0 : i32
    %dma_start3A_299 = tpu.memref_slice %arg29[%add3A_295, %dma_start3A_298] : memref<10112x128xf32, #tpu.memory_space<vmem_shared>> -> memref<80x128xf32, #tpu.memory_space<vmem_shared>>
    tpu.enqueue_dma source(%arg6 : memref<80x128xf32, #tpu.memory_space<vmem>>) target(%dma_start3A_299 : memref<80x128xf32, #tpu.memory_space<vmem_shared>>) target_semaphore(%arg26 : memref<!tpu.dma_semaphore, #tpu.memory_space<semaphore_mem>>)
    %add3A_300 = arith.constant 80 : i32
    %add3A_301 = arith.addi %multiple_of3A_282, %add3A_300 : i32
    %dma_start3A_302 = arith.constant 0 : i32
    %dma_start3A_303 = tpu.memref_slice %arg29[%add3A_301, %dma_start3A_302] : memref<10112x128xf32, #tpu.memory_space<vmem_shared>> -> memref<80x128xf32, #tpu.memory_space<vmem_shared>>
    %dma_start3A_304 = arith.constant 0 : i32
    %dma_start3A_305 = tpu.memref_slice %arg29[%add3A_301, %dma_start3A_304] : memref<10112x128xf32, #tpu.memory_space<vmem_shared>> -> memref<80x128xf32, #tpu.memory_space<vmem_shared>>
    tpu.enqueue_dma source(%arg6 : memref<80x128xf32, #tpu.memory_space<vmem>>) target(%dma_start3A_305 : memref<80x128xf32, #tpu.memory_space<vmem_shared>>) target_semaphore(%arg26 : memref<!tpu.dma_semaphore, #tpu.memory_space<semaphore_mem>>)
    %add3A_306 = arith.constant 160 : i32
    %add3A_307 = arith.addi %multiple_of3A_282, %add3A_306 : i32
    %dma_start3A_308 = arith.constant 0 : i32
    %dma_start3A_309 = tpu.memref_slice %arg29[%add3A_307, %dma_start3A_308] : memref<10112x128xf32, #tpu.memory_space<vmem_shared>> -> memref<80x128xf32, #tpu.memory_space<vmem_shared>>
    %dma_start3A_310 = arith.constant 0 : i32
    %dma_start3A_311 = tpu.memref_slice %arg29[%add3A_307, %dma_start3A_310] : memref<10112x128xf32, #tpu.memory_space<vmem_shared>> -> memref<80x128xf32, #tpu.memory_space<vmem_shared>>
    tpu.enqueue_dma source(%arg6 : memref<80x128xf32, #tpu.memory_space<vmem>>) target(%dma_start3A_311 : memref<80x128xf32, #tpu.memory_space<vmem_shared>>) target_semaphore(%arg26 : memref<!tpu.dma_semaphore, #tpu.memory_space<semaphore_mem>>)
    %add3A_312 = arith.constant 240 : i32
    %add3A_313 = arith.addi %multiple_of3A_282, %add3A_312 : i32
    %dma_start3A_314 = arith.constant 0 : i32
    %dma_start3A_315 = tpu.memref_slice %arg29[%add3A_313, %dma_start3A_314] : memref<10112x128xf32, #tpu.memory_space<vmem_shared>> -> memref<80x128xf32, #tpu.memory_space<vmem_shared>>
    %dma_start3A_316 = arith.constant 0 : i32
    %dma_start3A_317 = tpu.memref_slice %arg29[%add3A_313, %dma_start3A_316] : memref<10112x128xf32, #tpu.memory_space<vmem_shared>> -> memref<80x128xf32, #tpu.memory_space<vmem_shared>>
    tpu.enqueue_dma source(%arg6 : memref<80x128xf32, #tpu.memory_space<vmem>>) target(%dma_start3A_317 : memref<80x128xf32, #tpu.memory_space<vmem_shared>>) target_semaphore(%arg26 : memref<!tpu.dma_semaphore, #tpu.memory_space<semaphore_mem>>)
    %add3A_318 = arith.constant 320 : i32
    %add3A_319 = arith.addi %multiple_of3A_282, %add3A_318 : i32
    %dma_start3A_320 = arith.constant 0 : i32
    %dma_start3A_321 = tpu.memref_slice %arg29[%add3A_319, %dma_start3A_320] : memref<10112x128xf32, #tpu.memory_space<vmem_shared>> -> memref<80x128xf32, #tpu.memory_space<vmem_shared>>
    %dma_start3A_322 = arith.constant 0 : i32
    %dma_start3A_323 = tpu.memref_slice %arg29[%add3A_319, %dma_start3A_322] : memref<10112x128xf32, #tpu.memory_space<vmem_shared>> -> memref<80x128xf32, #tpu.memory_space<vmem_shared>>
    tpu.enqueue_dma source(%arg6 : memref<80x128xf32, #tpu.memory_space<vmem>>) target(%dma_start3A_323 : memref<80x128xf32, #tpu.memory_space<vmem_shared>>) target_semaphore(%arg26 : memref<!tpu.dma_semaphore, #tpu.memory_space<semaphore_mem>>)
    %add3A_324 = arith.constant 400 : i32
    %add3A_325 = arith.addi %multiple_of3A_282, %add3A_324 : i32
    %dma_start3A_326 = arith.constant 0 : i32
    %dma_start3A_327 = tpu.memref_slice %arg29[%add3A_325, %dma_start3A_326] : memref<10112x128xf32, #tpu.memory_space<vmem_shared>> -> memref<80x128xf32, #tpu.memory_space<vmem_shared>>
    %dma_start3A_328 = arith.constant 0 : i32
    %dma_start3A_329 = tpu.memref_slice %arg29[%add3A_325, %dma_start3A_328] : memref<10112x128xf32, #tpu.memory_space<vmem_shared>> -> memref<80x128xf32, #tpu.memory_space<vmem_shared>>
    tpu.enqueue_dma source(%arg6 : memref<80x128xf32, #tpu.memory_space<vmem>>) target(%dma_start3A_329 : memref<80x128xf32, #tpu.memory_space<vmem_shared>>) target_semaphore(%arg26 : memref<!tpu.dma_semaphore, #tpu.memory_space<semaphore_mem>>)
    %add3A_330 = arith.constant 480 : i32
    %add3A_331 = arith.addi %multiple_of3A_282, %add3A_330 : i32
    %dma_start3A_332 = arith.constant 0 : i32
    %dma_start3A_333 = tpu.memref_slice %arg29[%add3A_331, %dma_start3A_332] : memref<10112x128xf32, #tpu.memory_space<vmem_shared>> -> memref<80x128xf32, #tpu.memory_space<vmem_shared>>
    %dma_start3A_334 = arith.constant 0 : i32
    %dma_start3A_335 = tpu.memref_slice %arg29[%add3A_331, %dma_start3A_334] : memref<10112x128xf32, #tpu.memory_space<vmem_shared>> -> memref<80x128xf32, #tpu.memory_space<vmem_shared>>
    tpu.enqueue_dma source(%arg6 : memref<80x128xf32, #tpu.memory_space<vmem>>) target(%dma_start3A_335 : memref<80x128xf32, #tpu.memory_space<vmem_shared>>) target_semaphore(%arg26 : memref<!tpu.dma_semaphore, #tpu.memory_space<semaphore_mem>>)
    %add3A_336 = arith.constant 560 : i32
    %add3A_337 = arith.addi %multiple_of3A_282, %add3A_336 : i32
    %dma_start3A_338 = arith.constant 0 : i32
    %dma_start3A_339 = arith.constant 0 : i32
    %dma_start3A_340 = tpu.memref_slice %arg6[%dma_start3A_338, %dma_start3A_339] : memref<80x128xf32, #tpu.memory_space<vmem>> -> memref<72x128xf32, #tpu.memory_space<vmem>>
    %dma_start3A_341 = arith.constant 0 : i32
    %dma_start3A_342 = tpu.memref_slice %arg29[%add3A_337, %dma_start3A_341] : memref<10112x128xf32, #tpu.memory_space<vmem_shared>> -> memref<72x128xf32, #tpu.memory_space<vmem_shared>>
    %dma_start3A_343 = arith.constant 0 : i32
    %dma_start3A_344 = tpu.memref_slice %arg29[%add3A_337, %dma_start3A_343] : memref<10112x128xf32, #tpu.memory_space<vmem_shared>> -> memref<72x128xf32, #tpu.memory_space<vmem_shared>>
    %dma_start3A_345 = arith.constant 0 : i32
    %dma_start3A_346 = arith.constant 0 : i32
    %dma_start3A_347 = tpu.memref_slice %arg6[%dma_start3A_345, %dma_start3A_346] : memref<80x128xf32, #tpu.memory_space<vmem>> -> memref<72x128xf32, #tpu.memory_space<vmem>>
    tpu.enqueue_dma source(%dma_start3A_347 : memref<72x128xf32, #tpu.memory_space<vmem>>) target(%dma_start3A_344 : memref<72x128xf32, #tpu.memory_space<vmem_shared>>) target_semaphore(%arg26 : memref<!tpu.dma_semaphore, #tpu.memory_space<semaphore_mem>>)
    "tpu.region"() ({
      %run_scoped3A = tpu.sem_alloc : memref<!tpu.dma_semaphore, #tpu.memory_space<semaphore_mem>>
      %dma_start3A_623 = tpu.memref_slice %arg30[%multiple_of3A_282] : memref<10240xf32, #tpu.memory_space<vmem_shared>> -> memref<632xf32, #tpu.memory_space<vmem_shared>>
      %dma_start3A_624 = tpu.memref_slice %arg30[%multiple_of3A_282] : memref<10240xf32, #tpu.memory_space<vmem_shared>> -> memref<632xf32, #tpu.memory_space<vmem_shared>>
      tpu.enqueue_dma source(%arg16 : memref<632xf32, #tpu.memory_space<vmem>>) target(%dma_start3A_624 : memref<632xf32, #tpu.memory_space<vmem_shared>>) target_semaphore(%run_scoped3A : memref<!tpu.dma_semaphore, #tpu.memory_space<semaphore_mem>>)
      %dma_wait3A_625 = tpu.memref_slice %arg30[%multiple_of3A_282] : memref<10240xf32, #tpu.memory_space<vmem_shared>> -> memref<632xf32, #tpu.memory_space<vmem_shared>>
      %dma_wait3A_626 = tpu.memref_slice %arg30[%multiple_of3A_282] : memref<10240xf32, #tpu.memory_space<vmem_shared>> -> memref<632xf32, #tpu.memory_space<vmem_shared>>
      tpu.wait_dma2 semaphore(%run_scoped3A : memref<!tpu.dma_semaphore, #tpu.memory_space<semaphore_mem>>) src(%arg16 : memref<632xf32, #tpu.memory_space<vmem>>) dst(%dma_wait3A_626 : memref<632xf32, #tpu.memory_space<vmem_shared>>)
      tpu.yield
    }) : () -> ()
    %dma_wait3A = arith.constant 0 : i32
    %dma_wait3A_348 = tpu.memref_slice %arg3[%dma_wait3A] : memref<640000xi32, #tpu.memory_space<hbm>> -> memref<160xi32, #tpu.memory_space<hbm>>
    %dma_wait3A_349 = arith.constant 0 : i32
    %dma_wait3A_350 = tpu.memref_slice %arg3[%dma_wait3A_349] : memref<640000xi32, #tpu.memory_space<hbm>> -> memref<160xi32, #tpu.memory_space<hbm>>
    tpu.wait_dma2 semaphore(%arg18 : memref<!tpu.dma_semaphore, #tpu.memory_space<semaphore_mem>>) src(%dma_wait3A_350 : memref<160xi32, #tpu.memory_space<hbm>>) dst(%arg10 : memref<160xi32, #tpu.memory_space<vmem>>)
    %dma_start3A_351 = arith.constant 0 : i32
    %dma_start3A_352 = tpu.memref_slice %arg10[%dma_start3A_351] : memref<160xi32, #tpu.memory_space<vmem>> -> memref<80xi32, #tpu.memory_space<vmem>>
    %dma_start3A_353 = arith.constant 0 : i32
    %dma_start3A_354 = arith.constant 0 : i32
    %dma_start3A_355 = tpu.memref_slice %arg2[%dma_start3A_353, %dma_start3A_354] : memref<10000x128xf32, #tpu.memory_space<hbm>> -> memref<10000x128xf32, #tpu.memory_space<hbm>>
    tpu.enqueue_indirect_dma source(%dma_start3A_355 : memref<10000x128xf32, #tpu.memory_space<hbm>>) target(%arg7 : memref<80x128xf32, #tpu.memory_space<vmem>>) offsets(%dma_start3A_352 : memref<80xi32, #tpu.memory_space<vmem>>) semaphore(%arg21 : memref<!tpu.dma_semaphore, #tpu.memory_space<semaphore_mem>>)
    %dma_wait3A_356 = arith.constant 0 : i32
    %dma_wait3A_357 = tpu.memref_slice %arg3[%dma_wait3A_356] : memref<640000xi32, #tpu.memory_space<hbm>> -> memref<160xi32, #tpu.memory_space<hbm>>
    %dma_wait3A_358 = arith.constant 0 : i32
    %dma_wait3A_359 = tpu.memref_slice %arg3[%dma_wait3A_358] : memref<640000xi32, #tpu.memory_space<hbm>> -> memref<160xi32, #tpu.memory_space<hbm>>
    tpu.wait_dma2 semaphore(%arg19 : memref<!tpu.dma_semaphore, #tpu.memory_space<semaphore_mem>>) src(%dma_wait3A_359 : memref<160xi32, #tpu.memory_space<hbm>>) dst(%arg11 : memref<160xi32, #tpu.memory_space<vmem>>)
    %dma_start3A_360 = arith.constant 0 : i32
    %dma_start3A_361 = tpu.memref_slice %arg11[%dma_start3A_360] : memref<160xi32, #tpu.memory_space<vmem>> -> memref<80xi32, #tpu.memory_space<vmem>>
    %dma_start3A_362 = arith.constant 0 : i32
    %dma_start3A_363 = arith.constant 0 : i32
    %dma_start3A_364 = tpu.memref_slice %arg2[%dma_start3A_362, %dma_start3A_363] : memref<10000x128xf32, #tpu.memory_space<hbm>> -> memref<10000x128xf32, #tpu.memory_space<hbm>>
    tpu.enqueue_indirect_dma source(%dma_start3A_364 : memref<10000x128xf32, #tpu.memory_space<hbm>>) target(%arg8 : memref<80x128xf32, #tpu.memory_space<vmem>>) offsets(%dma_start3A_361 : memref<80xi32, #tpu.memory_space<vmem>>) semaphore(%arg22 : memref<!tpu.dma_semaphore, #tpu.memory_space<semaphore_mem>>)
    %dma_wait3A_365 = arith.constant 0 : i32
    %dma_wait3A_366 = arith.constant 0 : i32
    %dma_wait3A_367 = tpu.memref_slice %arg2[%dma_wait3A_365, %dma_wait3A_366] : memref<10000x128xf32, #tpu.memory_space<hbm>> -> memref<80x128xf32, #tpu.memory_space<hbm>>
    %dma_wait3A_368 = arith.constant 0 : i32
    %dma_wait3A_369 = arith.constant 0 : i32
    %dma_wait3A_370 = tpu.memref_slice %arg2[%dma_wait3A_368, %dma_wait3A_369] : memref<10000x128xf32, #tpu.memory_space<hbm>> -> memref<80x128xf32, #tpu.memory_space<hbm>>
    tpu.wait_dma2 semaphore(%arg26 : memref<!tpu.dma_semaphore, #tpu.memory_space<semaphore_mem>>) src(%dma_wait3A_370 : memref<80x128xf32, #tpu.memory_space<hbm>>) dst(%arg6 : memref<80x128xf32, #tpu.memory_space<vmem>>)
    %dma_wait3A_371 = arith.constant 0 : i32
    %dma_wait3A_372 = arith.constant 0 : i32
    %dma_wait3A_373 = tpu.memref_slice %arg2[%dma_wait3A_371, %dma_wait3A_372] : memref<10000x128xf32, #tpu.memory_space<hbm>> -> memref<80x128xf32, #tpu.memory_space<hbm>>
    %dma_wait3A_374 = arith.constant 0 : i32
    %dma_wait3A_375 = arith.constant 0 : i32
    %dma_wait3A_376 = tpu.memref_slice %arg2[%dma_wait3A_374, %dma_wait3A_375] : memref<10000x128xf32, #tpu.memory_space<hbm>> -> memref<80x128xf32, #tpu.memory_space<hbm>>
    tpu.wait_dma2 semaphore(%arg26 : memref<!tpu.dma_semaphore, #tpu.memory_space<semaphore_mem>>) src(%dma_wait3A_376 : memref<80x128xf32, #tpu.memory_space<hbm>>) dst(%arg6 : memref<80x128xf32, #tpu.memory_space<vmem>>)
    %dma_wait3A_377 = arith.constant 0 : i32
    %dma_wait3A_378 = arith.constant 0 : i32
    %dma_wait3A_379 = tpu.memref_slice %arg2[%dma_wait3A_377, %dma_wait3A_378] : memref<10000x128xf32, #tpu.memory_space<hbm>> -> memref<80x128xf32, #tpu.memory_space<hbm>>
    %dma_wait3A_380 = arith.constant 0 : i32
    %dma_wait3A_381 = arith.constant 0 : i32
    %dma_wait3A_382 = tpu.memref_slice %arg2[%dma_wait3A_380, %dma_wait3A_381] : memref<10000x128xf32, #tpu.memory_space<hbm>> -> memref<80x128xf32, #tpu.memory_space<hbm>>
    tpu.wait_dma2 semaphore(%arg26 : memref<!tpu.dma_semaphore, #tpu.memory_space<semaphore_mem>>) src(%dma_wait3A_382 : memref<80x128xf32, #tpu.memory_space<hbm>>) dst(%arg6 : memref<80x128xf32, #tpu.memory_space<vmem>>)
    %dma_wait3A_383 = arith.constant 0 : i32
    %dma_wait3A_384 = arith.constant 0 : i32
    %dma_wait3A_385 = tpu.memref_slice %arg2[%dma_wait3A_383, %dma_wait3A_384] : memref<10000x128xf32, #tpu.memory_space<hbm>> -> memref<80x128xf32, #tpu.memory_space<hbm>>
    %dma_wait3A_386 = arith.constant 0 : i32
    %dma_wait3A_387 = arith.constant 0 : i32
    %dma_wait3A_388 = tpu.memref_slice %arg2[%dma_wait3A_386, %dma_wait3A_387] : memref<10000x128xf32, #tpu.memory_space<hbm>> -> memref<80x128xf32, #tpu.memory_space<hbm>>
    tpu.wait_dma2 semaphore(%arg26 : memref<!tpu.dma_semaphore, #tpu.memory_space<semaphore_mem>>) src(%dma_wait3A_388 : memref<80x128xf32, #tpu.memory_space<hbm>>) dst(%arg6 : memref<80x128xf32, #tpu.memory_space<vmem>>)
    %dma_wait3A_389 = arith.constant 0 : i32
    %dma_wait3A_390 = arith.constant 0 : i32
    %dma_wait3A_391 = tpu.memref_slice %arg2[%dma_wait3A_389, %dma_wait3A_390] : memref<10000x128xf32, #tpu.memory_space<hbm>> -> memref<80x128xf32, #tpu.memory_space<hbm>>
    %dma_wait3A_392 = arith.constant 0 : i32
    %dma_wait3A_393 = arith.constant 0 : i32
    %dma_wait3A_394 = tpu.memref_slice %arg2[%dma_wait3A_392, %dma_wait3A_393] : memref<10000x128xf32, #tpu.memory_space<hbm>> -> memref<80x128xf32, #tpu.memory_space<hbm>>
    tpu.wait_dma2 semaphore(%arg26 : memref<!tpu.dma_semaphore, #tpu.memory_space<semaphore_mem>>) src(%dma_wait3A_394 : memref<80x128xf32, #tpu.memory_space<hbm>>) dst(%arg6 : memref<80x128xf32, #tpu.memory_space<vmem>>)
    %dma_wait3A_395 = arith.constant 0 : i32
    %dma_wait3A_396 = arith.constant 0 : i32
    %dma_wait3A_397 = tpu.memref_slice %arg2[%dma_wait3A_395, %dma_wait3A_396] : memref<10000x128xf32, #tpu.memory_space<hbm>> -> memref<80x128xf32, #tpu.memory_space<hbm>>
    %dma_wait3A_398 = arith.constant 0 : i32
    %dma_wait3A_399 = arith.constant 0 : i32
    %dma_wait3A_400 = tpu.memref_slice %arg2[%dma_wait3A_398, %dma_wait3A_399] : memref<10000x128xf32, #tpu.memory_space<hbm>> -> memref<80x128xf32, #tpu.memory_space<hbm>>
    tpu.wait_dma2 semaphore(%arg26 : memref<!tpu.dma_semaphore, #tpu.memory_space<semaphore_mem>>) src(%dma_wait3A_400 : memref<80x128xf32, #tpu.memory_space<hbm>>) dst(%arg6 : memref<80x128xf32, #tpu.memory_space<vmem>>)
    %dma_wait3A_401 = arith.constant 0 : i32
    %dma_wait3A_402 = arith.constant 0 : i32
    %dma_wait3A_403 = tpu.memref_slice %arg2[%dma_wait3A_401, %dma_wait3A_402] : memref<10000x128xf32, #tpu.memory_space<hbm>> -> memref<80x128xf32, #tpu.memory_space<hbm>>
    %dma_wait3A_404 = arith.constant 0 : i32
    %dma_wait3A_405 = arith.constant 0 : i32
    %dma_wait3A_406 = tpu.memref_slice %arg2[%dma_wait3A_404, %dma_wait3A_405] : memref<10000x128xf32, #tpu.memory_space<hbm>> -> memref<80x128xf32, #tpu.memory_space<hbm>>
    tpu.wait_dma2 semaphore(%arg26 : memref<!tpu.dma_semaphore, #tpu.memory_space<semaphore_mem>>) src(%dma_wait3A_406 : memref<80x128xf32, #tpu.memory_space<hbm>>) dst(%arg6 : memref<80x128xf32, #tpu.memory_space<vmem>>)
    %dma_wait3A_407 = arith.constant 0 : i32
    %dma_wait3A_408 = arith.constant 0 : i32
    %dma_wait3A_409 = tpu.memref_slice %arg6[%dma_wait3A_407, %dma_wait3A_408] : memref<80x128xf32, #tpu.memory_space<vmem>> -> memref<72x128xf32, #tpu.memory_space<vmem>>
    %dma_wait3A_410 = arith.constant 0 : i32
    %dma_wait3A_411 = arith.constant 0 : i32
    %dma_wait3A_412 = tpu.memref_slice %arg2[%dma_wait3A_410, %dma_wait3A_411] : memref<10000x128xf32, #tpu.memory_space<hbm>> -> memref<72x128xf32, #tpu.memory_space<hbm>>
    %dma_wait3A_413 = arith.constant 0 : i32
    %dma_wait3A_414 = arith.constant 0 : i32
    %dma_wait3A_415 = tpu.memref_slice %arg6[%dma_wait3A_413, %dma_wait3A_414] : memref<80x128xf32, #tpu.memory_space<vmem>> -> memref<72x128xf32, #tpu.memory_space<vmem>>
    %dma_wait3A_416 = arith.constant 0 : i32
    %dma_wait3A_417 = arith.constant 0 : i32
    %dma_wait3A_418 = tpu.memref_slice %arg2[%dma_wait3A_416, %dma_wait3A_417] : memref<10000x128xf32, #tpu.memory_space<hbm>> -> memref<72x128xf32, #tpu.memory_space<hbm>>
    tpu.wait_dma2 semaphore(%arg26 : memref<!tpu.dma_semaphore, #tpu.memory_space<semaphore_mem>>) src(%dma_wait3A_418 : memref<72x128xf32, #tpu.memory_space<hbm>>) dst(%dma_wait3A_415 : memref<72x128xf32, #tpu.memory_space<vmem>>)
    %barrier3A = arith.constant 0 : index
    tpu.barrier barrier_id(%barrier3A)
    %dma_wait3A_419 = arith.constant 0 : i32
    %dma_wait3A_420 = tpu.memref_slice %arg3[%dma_wait3A_419] : memref<640000xi32, #tpu.memory_space<hbm>> -> memref<160xi32, #tpu.memory_space<hbm>>
    %dma_wait3A_421 = arith.constant 0 : i32
    %dma_wait3A_422 = tpu.memref_slice %arg3[%dma_wait3A_421] : memref<640000xi32, #tpu.memory_space<hbm>> -> memref<160xi32, #tpu.memory_space<hbm>>
    tpu.wait_dma2 semaphore(%arg17 : memref<!tpu.dma_semaphore, #tpu.memory_space<semaphore_mem>>) src(%dma_wait3A_422 : memref<160xi32, #tpu.memory_space<hbm>>) dst(%arg9 : memref<160xi32, #tpu.memory_space<vmem>>)
    %dma_start3A_423 = arith.constant 0 : i32
    %dma_start3A_424 = tpu.memref_slice %arg9[%dma_start3A_423] : memref<160xi32, #tpu.memory_space<vmem>> -> memref<80xi32, #tpu.memory_space<vmem>>
    %dma_start3A_425 = arith.constant 0 : i32
    %dma_start3A_426 = arith.constant 0 : i32
    %dma_start3A_427 = tpu.memref_slice %arg2[%dma_start3A_425, %dma_start3A_426] : memref<10000x128xf32, #tpu.memory_space<hbm>> -> memref<10000x128xf32, #tpu.memory_space<hbm>>
    tpu.enqueue_indirect_dma source(%dma_start3A_427 : memref<10000x128xf32, #tpu.memory_space<hbm>>) target(%arg6 : memref<80x128xf32, #tpu.memory_space<vmem>>) offsets(%dma_start3A_424 : memref<80xi32, #tpu.memory_space<vmem>>) semaphore(%arg20 : memref<!tpu.dma_semaphore, #tpu.memory_space<semaphore_mem>>)
    %scan3A_428 = arith.constant 0 : i32
    %scan3A_429 = arith.constant 0 : i32
    %scan3A_430 = arith.constant 41 : i32
    %scan3A_431 = arith.addi %scan3A_429, %scan3A_430 : i32
    %scan3A_432 = arith.constant 1 : i32
    scf.for %scan3A_623 = %scan3A_429 to %scan3A_431 step %scan3A_432  : i32 {
      %dma_wait3A_624 = arith.constant 0 : i32
      %dma_wait3A_625 = arith.constant 0 : i32
      %dma_wait3A_626 = tpu.memref_slice %arg2[%dma_wait3A_624, %dma_wait3A_625] : memref<10000x128xf32, #tpu.memory_space<hbm>> -> memref<80x128xf32, #tpu.memory_space<hbm>>
      %dma_wait3A_627 = arith.constant 0 : i32
      %dma_wait3A_628 = arith.constant 0 : i32
      %dma_wait3A_629 = tpu.memref_slice %arg2[%dma_wait3A_627, %dma_wait3A_628] : memref<10000x128xf32, #tpu.memory_space<hbm>> -> memref<80x128xf32, #tpu.memory_space<hbm>>
      tpu.wait_dma2 semaphore(%arg20 : memref<!tpu.dma_semaphore, #tpu.memory_space<semaphore_mem>>) src(%dma_wait3A_629 : memref<80x128xf32, #tpu.memory_space<hbm>>) dst(%arg6 : memref<80x128xf32, #tpu.memory_space<vmem>>)
      %get3A_630 = arith.constant 80 : index
      %get3A_631 = tpu.vector_load %arg9[%get3A_630] {strides = array<i32>} : memref<160xi32, #tpu.memory_space<vmem>>, vector<16xi32>,
      %get3A_632 = vector.shape_cast %get3A_631 : vector<16xi32> to vector<16xi32>
      %swap3A_633 = arith.constant 0 : index
      %swap3A_634 = tpu.vector_load %arg12[%swap3A_633] {strides = array<i32>} : memref<80xi32, #tpu.memory_space<vmem>>, vector<16xi32>,
      %swap3A_635 = vector.shape_cast %swap3A_634 : vector<16xi32> to vector<16xi32>
      %swap3A_636 = vector.shape_cast %get3A_632 : vector<16xi32> to vector<16xi32>
      tpu.vector_store %arg12[%swap3A_633], %swap3A_636 {strides = array<i32>} : memref<80xi32, #tpu.memory_space<vmem>>, vector<16xi32>,
      %get3A_637 = arith.constant 96 : index
      %get3A_638 = tpu.vector_load %arg9[%get3A_637] {strides = array<i32>} : memref<160xi32, #tpu.memory_space<vmem>>, vector<16xi32>,
      %get3A_639 = vector.shape_cast %get3A_638 : vector<16xi32> to vector<16xi32>
      %swap3A_640 = arith.constant 16 : index
      %swap3A_641 = tpu.vector_load %arg12[%swap3A_640] {strides = array<i32>} : memref<80xi32, #tpu.memory_space<vmem>>, vector<16xi32>,
      %swap3A_642 = vector.shape_cast %swap3A_641 : vector<16xi32> to vector<16xi32>
      %swap3A_643 = vector.shape_cast %get3A_639 : vector<16xi32> to vector<16xi32>
      tpu.vector_store %arg12[%swap3A_640], %swap3A_643 {strides = array<i32>} : memref<80xi32, #tpu.memory_space<vmem>>, vector<16xi32>,
      %get3A_644 = arith.constant 112 : index
      %get3A_645 = tpu.vector_load %arg9[%get3A_644] {strides = array<i32>} : memref<160xi32, #tpu.memory_space<vmem>>, vector<16xi32>,
      %get3A_646 = vector.shape_cast %get3A_645 : vector<16xi32> to vector<16xi32>
      %swap3A_647 = arith.constant 32 : index
      %swap3A_648 = tpu.vector_load %arg12[%swap3A_647] {strides = array<i32>} : memref<80xi32, #tpu.memory_space<vmem>>, vector<16xi32>,
      %swap3A_649 = vector.shape_cast %swap3A_648 : vector<16xi32> to vector<16xi32>
      %swap3A_650 = vector.shape_cast %get3A_646 : vector<16xi32> to vector<16xi32>
      tpu.vector_store %arg12[%swap3A_647], %swap3A_650 {strides = array<i32>} : memref<80xi32, #tpu.memory_space<vmem>>, vector<16xi32>,
      %get3A_651 = arith.constant 128 : index
      %get3A_652 = tpu.vector_load %arg9[%get3A_651] {strides = array<i32>} : memref<160xi32, #tpu.memory_space<vmem>>, vector<16xi32>,
      %get3A_653 = vector.shape_cast %get3A_652 : vector<16xi32> to vector<16xi32>
      %swap3A_654 = arith.constant 48 : index
      %swap3A_655 = tpu.vector_load %arg12[%swap3A_654] {strides = array<i32>} : memref<80xi32, #tpu.memory_space<vmem>>, vector<16xi32>,
      %swap3A_656 = vector.shape_cast %swap3A_655 : vector<16xi32> to vector<16xi32>
      %swap3A_657 = vector.shape_cast %get3A_653 : vector<16xi32> to vector<16xi32>
      tpu.vector_store %arg12[%swap3A_654], %swap3A_657 {strides = array<i32>} : memref<80xi32, #tpu.memory_space<vmem>>, vector<16xi32>,
      %get3A_658 = arith.constant 144 : index
      %get3A_659 = tpu.vector_load %arg9[%get3A_658] {strides = array<i32>} : memref<160xi32, #tpu.memory_space<vmem>>, vector<16xi32>,
      %get3A_660 = vector.shape_cast %get3A_659 : vector<16xi32> to vector<16xi32>
      %swap3A_661 = arith.constant 64 : index
      %swap3A_662 = tpu.vector_load %arg12[%swap3A_661] {strides = array<i32>} : memref<80xi32, #tpu.memory_space<vmem>>, vector<16xi32>,
      %swap3A_663 = vector.shape_cast %swap3A_662 : vector<16xi32> to vector<16xi32>
      %swap3A_664 = vector.shape_cast %get3A_660 : vector<16xi32> to vector<16xi32>
      tpu.vector_store %arg12[%swap3A_661], %swap3A_664 {strides = array<i32>} : memref<80xi32, #tpu.memory_space<vmem>>, vector<16xi32>,
      %dma_start3A_665 = arith.constant 0 : i32
      %dma_start3A_666 = arith.constant 0 : i32
      %dma_start3A_667 = tpu.memref_slice %arg29[%dma_start3A_665, %dma_start3A_666] : memref<10112x128xf32, #tpu.memory_space<vmem_shared>> -> memref<10112x128xf32, #tpu.memory_space<vmem_shared>>
      tpu.enqueue_indirect_dma source(%arg6 : memref<80x128xf32, #tpu.memory_space<vmem>>) target(%dma_start3A_667 : memref<10112x128xf32, #tpu.memory_space<vmem_shared>>) offsets(%arg12 : memref<80xi32, #tpu.memory_space<vmem>>) semaphore(%arg23 : memref<!tpu.dma_semaphore, #tpu.memory_space<semaphore_mem>>) {add = true}
      %dma_start3A_668 = arith.constant 0 : i32
      %dma_start3A_669 = tpu.memref_slice %arg30[%dma_start3A_668] : memref<10240xf32, #tpu.memory_space<vmem_shared>> -> memref<10240xf32, #tpu.memory_space<vmem_shared>>
      tpu.enqueue_indirect_dma source(%arg15 : memref<80xf32, #tpu.memory_space<vmem>>) target(%dma_start3A_669 : memref<10240xf32, #tpu.memory_space<vmem_shared>>) offsets(%arg12 : memref<80xi32, #tpu.memory_space<vmem>>) semaphore(%arg26 : memref<!tpu.dma_semaphore, #tpu.memory_space<semaphore_mem>>) {add = true}
      %dma_wait3A_670 = arith.constant 0 : i32
      %dma_wait3A_671 = arith.constant 0 : i32
      %dma_wait3A_672 = tpu.memref_slice %arg2[%dma_wait3A_670, %dma_wait3A_671] : memref<10000x128xf32, #tpu.memory_space<hbm>> -> memref<80x128xf32, #tpu.memory_space<hbm>>
      %dma_wait3A_673 = arith.constant 0 : i32
      %dma_wait3A_674 = arith.constant 0 : i32
      %dma_wait3A_675 = tpu.memref_slice %arg2[%dma_wait3A_673, %dma_wait3A_674] : memref<10000x128xf32, #tpu.memory_space<hbm>> -> memref<80x128xf32, #tpu.memory_space<hbm>>
      tpu.wait_dma2 semaphore(%arg21 : memref<!tpu.dma_semaphore, #tpu.memory_space<semaphore_mem>>) src(%dma_wait3A_675 : memref<80x128xf32, #tpu.memory_space<hbm>>) dst(%arg7 : memref<80x128xf32, #tpu.memory_space<vmem>>)
      %get3A_676 = arith.constant 80 : index
      %get3A_677 = tpu.vector_load %arg10[%get3A_676] {strides = array<i32>} : memref<160xi32, #tpu.memory_space<vmem>>, vector<16xi32>,
      %get3A_678 = vector.shape_cast %get3A_677 : vector<16xi32> to vector<16xi32>
      %swap3A_679 = arith.constant 0 : index
      %swap3A_680 = tpu.vector_load %arg13[%swap3A_679] {strides = array<i32>} : memref<80xi32, #tpu.memory_space<vmem>>, vector<16xi32>,
      %swap3A_681 = vector.shape_cast %swap3A_680 : vector<16xi32> to vector<16xi32>
      %swap3A_682 = vector.shape_cast %get3A_678 : vector<16xi32> to vector<16xi32>
      tpu.vector_store %arg13[%swap3A_679], %swap3A_682 {strides = array<i32>} : memref<80xi32, #tpu.memory_space<vmem>>, vector<16xi32>,
      %get3A_683 = arith.constant 96 : index
      %get3A_684 = tpu.vector_load %arg10[%get3A_683] {strides = array<i32>} : memref<160xi32, #tpu.memory_space<vmem>>, vector<16xi32>,
      %get3A_685 = vector.shape_cast %get3A_684 : vector<16xi32> to vector<16xi32>
      %swap3A_686 = arith.constant 16 : index
      %swap3A_687 = tpu.vector_load %arg13[%swap3A_686] {strides = array<i32>} : memref<80xi32, #tpu.memory_space<vmem>>, vector<16xi32>,
      %swap3A_688 = vector.shape_cast %swap3A_687 : vector<16xi32> to vector<16xi32>
      %swap3A_689 = vector.shape_cast %get3A_685 : vector<16xi32> to vector<16xi32>
      tpu.vector_store %arg13[%swap3A_686], %swap3A_689 {strides = array<i32>} : memref<80xi32, #tpu.memory_space<vmem>>, vector<16xi32>,
      %get3A_690 = arith.constant 112 : index
      %get3A_691 = tpu.vector_load %arg10[%get3A_690] {strides = array<i32>} : memref<160xi32, #tpu.memory_space<vmem>>, vector<16xi32>,
      %get3A_692 = vector.shape_cast %get3A_691 : vector<16xi32> to vector<16xi32>
      %swap3A_693 = arith.constant 32 : index
      %swap3A_694 = tpu.vector_load %arg13[%swap3A_693] {strides = array<i32>} : memref<80xi32, #tpu.memory_space<vmem>>, vector<16xi32>,
      %swap3A_695 = vector.shape_cast %swap3A_694 : vector<16xi32> to vector<16xi32>
      %swap3A_696 = vector.shape_cast %get3A_692 : vector<16xi32> to vector<16xi32>
      tpu.vector_store %arg13[%swap3A_693], %swap3A_696 {strides = array<i32>} : memref<80xi32, #tpu.memory_space<vmem>>, vector<16xi32>,
      %get3A_697 = arith.constant 128 : index
      %get3A_698 = tpu.vector_load %arg10[%get3A_697] {strides = array<i32>} : memref<160xi32, #tpu.memory_space<vmem>>, vector<16xi32>,
      %get3A_699 = vector.shape_cast %get3A_698 : vector<16xi32> to vector<16xi32>
      %swap3A_700 = arith.constant 48 : index
      %swap3A_701 = tpu.vector_load %arg13[%swap3A_700] {strides = array<i32>} : memref<80xi32, #tpu.memory_space<vmem>>, vector<16xi32>,
      %swap3A_702 = vector.shape_cast %swap3A_701 : vector<16xi32> to vector<16xi32>
      %swap3A_703 = vector.shape_cast %get3A_699 : vector<16xi32> to vector<16xi32>
      tpu.vector_store %arg13[%swap3A_700], %swap3A_703 {strides = array<i32>} : memref<80xi32, #tpu.memory_space<vmem>>, vector<16xi32>,
      %get3A_704 = arith.constant 144 : index
      %get3A_705 = tpu.vector_load %arg10[%get3A_704] {strides = array<i32>} : memref<160xi32, #tpu.memory_space<vmem>>, vector<16xi32>,
      %get3A_706 = vector.shape_cast %get3A_705 : vector<16xi32> to vector<16xi32>
      %swap3A_707 = arith.constant 64 : index
      %swap3A_708 = tpu.vector_load %arg13[%swap3A_707] {strides = array<i32>} : memref<80xi32, #tpu.memory_space<vmem>>, vector<16xi32>,
      %swap3A_709 = vector.shape_cast %swap3A_708 : vector<16xi32> to vector<16xi32>
      %swap3A_710 = vector.shape_cast %get3A_706 : vector<16xi32> to vector<16xi32>
      tpu.vector_store %arg13[%swap3A_707], %swap3A_710 {strides = array<i32>} : memref<80xi32, #tpu.memory_space<vmem>>, vector<16xi32>,
      %dma_start3A_711 = arith.constant 0 : i32
      %dma_start3A_712 = arith.constant 0 : i32
      %dma_start3A_713 = tpu.memref_slice %arg29[%dma_start3A_711, %dma_start3A_712] : memref<10112x128xf32, #tpu.memory_space<vmem_shared>> -> memref<10112x128xf32, #tpu.memory_space<vmem_shared>>
      tpu.enqueue_indirect_dma source(%arg7 : memref<80x128xf32, #tpu.memory_space<vmem>>) target(%dma_start3A_713 : memref<10112x128xf32, #tpu.memory_space<vmem_shared>>) offsets(%arg13 : memref<80xi32, #tpu.memory_space<vmem>>) semaphore(%arg24 : memref<!tpu.dma_semaphore, #tpu.memory_space<semaphore_mem>>) {add = true}
      %dma_start3A_714 = arith.constant 0 : i32
      %dma_start3A_715 = tpu.memref_slice %arg30[%dma_start3A_714] : memref<10240xf32, #tpu.memory_space<vmem_shared>> -> memref<10240xf32, #tpu.memory_space<vmem_shared>>
      tpu.enqueue_indirect_dma source(%arg15 : memref<80xf32, #tpu.memory_space<vmem>>) target(%dma_start3A_715 : memref<10240xf32, #tpu.memory_space<vmem_shared>>) offsets(%arg13 : memref<80xi32, #tpu.memory_space<vmem>>) semaphore(%arg27 : memref<!tpu.dma_semaphore, #tpu.memory_space<semaphore_mem>>) {add = true}
      %dma_wait3A_716 = arith.constant 0 : i32
      %dma_wait3A_717 = arith.constant 0 : i32
      %dma_wait3A_718 = tpu.memref_slice %arg2[%dma_wait3A_716, %dma_wait3A_717] : memref<10000x128xf32, #tpu.memory_space<hbm>> -> memref<80x128xf32, #tpu.memory_space<hbm>>
      %dma_wait3A_719 = arith.constant 0 : i32
      %dma_wait3A_720 = arith.constant 0 : i32
      %dma_wait3A_721 = tpu.memref_slice %arg2[%dma_wait3A_719, %dma_wait3A_720] : memref<10000x128xf32, #tpu.memory_space<hbm>> -> memref<80x128xf32, #tpu.memory_space<hbm>>
      tpu.wait_dma2 semaphore(%arg22 : memref<!tpu.dma_semaphore, #tpu.memory_space<semaphore_mem>>) src(%dma_wait3A_721 : memref<80x128xf32, #tpu.memory_space<hbm>>) dst(%arg8 : memref<80x128xf32, #tpu.memory_space<vmem>>)
      %get3A_722 = arith.constant 80 : index
      %get3A_723 = tpu.vector_load %arg11[%get3A_722] {strides = array<i32>} : memref<160xi32, #tpu.memory_space<vmem>>, vector<16xi32>,
      %get3A_724 = vector.shape_cast %get3A_723 : vector<16xi32> to vector<16xi32>
      %swap3A_725 = arith.constant 0 : index
      %swap3A_726 = tpu.vector_load %arg14[%swap3A_725] {strides = array<i32>} : memref<80xi32, #tpu.memory_space<vmem>>, vector<16xi32>,
      %swap3A_727 = vector.shape_cast %swap3A_726 : vector<16xi32> to vector<16xi32>
      %swap3A_728 = vector.shape_cast %get3A_724 : vector<16xi32> to vector<16xi32>
      tpu.vector_store %arg14[%swap3A_725], %swap3A_728 {strides = array<i32>} : memref<80xi32, #tpu.memory_space<vmem>>, vector<16xi32>,
      %get3A_729 = arith.constant 96 : index
      %get3A_730 = tpu.vector_load %arg11[%get3A_729] {strides = array<i32>} : memref<160xi32, #tpu.memory_space<vmem>>, vector<16xi32>,
      %get3A_731 = vector.shape_cast %get3A_730 : vector<16xi32> to vector<16xi32>
      %swap3A_732 = arith.constant 16 : index
      %swap3A_733 = tpu.vector_load %arg14[%swap3A_732] {strides = array<i32>} : memref<80xi32, #tpu.memory_space<vmem>>, vector<16xi32>,
      %swap3A_734 = vector.shape_cast %swap3A_733 : vector<16xi32> to vector<16xi32>
      %swap3A_735 = vector.shape_cast %get3A_731 : vector<16xi32> to vector<16xi32>
      tpu.vector_store %arg14[%swap3A_732], %swap3A_735 {strides = array<i32>} : memref<80xi32, #tpu.memory_space<vmem>>, vector<16xi32>,
      %get3A_736 = arith.constant 112 : index
      %get3A_737 = tpu.vector_load %arg11[%get3A_736] {strides = array<i32>} : memref<160xi32, #tpu.memory_space<vmem>>, vector<16xi32>,
      %get3A_738 = vector.shape_cast %get3A_737 : vector<16xi32> to vector<16xi32>
      %swap3A_739 = arith.constant 32 : index
      %swap3A_740 = tpu.vector_load %arg14[%swap3A_739] {strides = array<i32>} : memref<80xi32, #tpu.memory_space<vmem>>, vector<16xi32>,
      %swap3A_741 = vector.shape_cast %swap3A_740 : vector<16xi32> to vector<16xi32>
      %swap3A_742 = vector.shape_cast %get3A_738 : vector<16xi32> to vector<16xi32>
      tpu.vector_store %arg14[%swap3A_739], %swap3A_742 {strides = array<i32>} : memref<80xi32, #tpu.memory_space<vmem>>, vector<16xi32>,
      %get3A_743 = arith.constant 128 : index
      %get3A_744 = tpu.vector_load %arg11[%get3A_743] {strides = array<i32>} : memref<160xi32, #tpu.memory_space<vmem>>, vector<16xi32>,
      %get3A_745 = vector.shape_cast %get3A_744 : vector<16xi32> to vector<16xi32>
      %swap3A_746 = arith.constant 48 : index
      %swap3A_747 = tpu.vector_load %arg14[%swap3A_746] {strides = array<i32>} : memref<80xi32, #tpu.memory_space<vmem>>, vector<16xi32>,
      %swap3A_748 = vector.shape_cast %swap3A_747 : vector<16xi32> to vector<16xi32>
      %swap3A_749 = vector.shape_cast %get3A_745 : vector<16xi32> to vector<16xi32>
      tpu.vector_store %arg14[%swap3A_746], %swap3A_749 {strides = array<i32>} : memref<80xi32, #tpu.memory_space<vmem>>, vector<16xi32>,
      %get3A_750 = arith.constant 144 : index
      %get3A_751 = tpu.vector_load %arg11[%get3A_750] {strides = array<i32>} : memref<160xi32, #tpu.memory_space<vmem>>, vector<16xi32>,
      %get3A_752 = vector.shape_cast %get3A_751 : vector<16xi32> to vector<16xi32>
      %swap3A_753 = arith.constant 64 : index
      %swap3A_754 = tpu.vector_load %arg14[%swap3A_753] {strides = array<i32>} : memref<80xi32, #tpu.memory_space<vmem>>, vector<16xi32>,
      %swap3A_755 = vector.shape_cast %swap3A_754 : vector<16xi32> to vector<16xi32>
      %swap3A_756 = vector.shape_cast %get3A_752 : vector<16xi32> to vector<16xi32>
      tpu.vector_store %arg14[%swap3A_753], %swap3A_756 {strides = array<i32>} : memref<80xi32, #tpu.memory_space<vmem>>, vector<16xi32>,
      %dma_start3A_757 = arith.constant 0 : i32
      %dma_start3A_758 = arith.constant 0 : i32
      %dma_start3A_759 = tpu.memref_slice %arg29[%dma_start3A_757, %dma_start3A_758] : memref<10112x128xf32, #tpu.memory_space<vmem_shared>> -> memref<10112x128xf32, #tpu.memory_space<vmem_shared>>
      tpu.enqueue_indirect_dma source(%arg8 : memref<80x128xf32, #tpu.memory_space<vmem>>) target(%dma_start3A_759 : memref<10112x128xf32, #tpu.memory_space<vmem_shared>>) offsets(%arg14 : memref<80xi32, #tpu.memory_space<vmem>>) semaphore(%arg25 : memref<!tpu.dma_semaphore, #tpu.memory_space<semaphore_mem>>) {add = true}
      %dma_start3A_760 = arith.constant 0 : i32
      %dma_start3A_761 = tpu.memref_slice %arg30[%dma_start3A_760] : memref<10240xf32, #tpu.memory_space<vmem_shared>> -> memref<10240xf32, #tpu.memory_space<vmem_shared>>
      tpu.enqueue_indirect_dma source(%arg15 : memref<80xf32, #tpu.memory_space<vmem>>) target(%dma_start3A_761 : memref<10240xf32, #tpu.memory_space<vmem_shared>>) offsets(%arg14 : memref<80xi32, #tpu.memory_space<vmem>>) semaphore(%arg28 : memref<!tpu.dma_semaphore, #tpu.memory_space<semaphore_mem>>) {add = true}
      %lt3A_762 = arith.constant 40 : i32
      %lt3A_763 = arith.cmpi slt, %scan3A_623, %lt3A_762 : i32
      %convert_element_type3A_764 = arith.extui %lt3A_763 : i1 to i32
      %cond3A_765 = arith.constant 0 : i32
      %cond3A_766 = arith.cmpi ne, %convert_element_type3A_764, %cond3A_765 : i32
      scf.if %cond3A_766 {
        %mul3A_767 = arith.constant 3 : i32
        %mul3A_768 = arith.muli %scan3A_623, %mul3A_767 : i32
        %add3A_769 = arith.constant 0 : i32
        %add3A_770 = arith.addi %mul3A_768, %add3A_769 : i32
        %add3A_771 = arith.constant 3 : i32
        %add3A_772 = arith.addi %add3A_770, %add3A_771 : i32
        %mul3A_773 = arith.constant 2 : i32
        %mul3A_774 = arith.muli %add3A_772, %mul3A_773 : i32
        %mul3A_775 = arith.constant 80 : i32
        %mul3A_776 = arith.muli %mul3A_774, %mul3A_775 : i32
        %add3A_777 = arith.addi %multiple_of3A, %mul3A_776 : i32
        %dma_start3A_778 = tpu.memref_slice %arg3[%add3A_777] : memref<640000xi32, #tpu.memory_space<hbm>> -> memref<160xi32, #tpu.memory_space<hbm>>
        %dma_start3A_779 = tpu.memref_slice %arg3[%add3A_777] : memref<640000xi32, #tpu.memory_space<hbm>> -> memref<160xi32, #tpu.memory_space<hbm>>
        tpu.enqueue_dma source(%dma_start3A_779 : memref<160xi32, #tpu.memory_space<hbm>>) target(%arg9 : memref<160xi32, #tpu.memory_space<vmem>>) target_semaphore(%arg17 : memref<!tpu.dma_semaphore, #tpu.memory_space<semaphore_mem>>)
        %mul3A_780 = arith.constant 3 : i32
        %mul3A_781 = arith.muli %scan3A_623, %mul3A_780 : i32
        %add3A_782 = arith.constant 1 : i32
        %add3A_783 = arith.addi %mul3A_781, %add3A_782 : i32
        %add3A_784 = arith.constant 3 : i32
        %add3A_785 = arith.addi %add3A_783, %add3A_784 : i32
        %mul3A_786 = arith.constant 2 : i32
        %mul3A_787 = arith.muli %add3A_785, %mul3A_786 : i32
        %mul3A_788 = arith.constant 80 : i32
        %mul3A_789 = arith.muli %mul3A_787, %mul3A_788 : i32
        %add3A_790 = arith.addi %multiple_of3A, %mul3A_789 : i32
        %dma_start3A_791 = tpu.memref_slice %arg3[%add3A_790] : memref<640000xi32, #tpu.memory_space<hbm>> -> memref<160xi32, #tpu.memory_space<hbm>>
        %dma_start3A_792 = tpu.memref_slice %arg3[%add3A_790] : memref<640000xi32, #tpu.memory_space<hbm>> -> memref<160xi32, #tpu.memory_space<hbm>>
        tpu.enqueue_dma source(%dma_start3A_792 : memref<160xi32, #tpu.memory_space<hbm>>) target(%arg10 : memref<160xi32, #tpu.memory_space<vmem>>) target_semaphore(%arg18 : memref<!tpu.dma_semaphore, #tpu.memory_space<semaphore_mem>>)
        %mul3A_793 = arith.constant 3 : i32
        %mul3A_794 = arith.muli %scan3A_623, %mul3A_793 : i32
        %add3A_795 = arith.constant 2 : i32
        %add3A_796 = arith.addi %mul3A_794, %add3A_795 : i32
        %add3A_797 = arith.constant 3 : i32
        %add3A_798 = arith.addi %add3A_796, %add3A_797 : i32
        %mul3A_799 = arith.constant 2 : i32
        %mul3A_800 = arith.muli %add3A_798, %mul3A_799 : i32
        %mul3A_801 = arith.constant 80 : i32
        %mul3A_802 = arith.muli %mul3A_800, %mul3A_801 : i32
        %add3A_803 = arith.addi %multiple_of3A, %mul3A_802 : i32
        %dma_start3A_804 = tpu.memref_slice %arg3[%add3A_803] : memref<640000xi32, #tpu.memory_space<hbm>> -> memref<160xi32, #tpu.memory_space<hbm>>
        %dma_start3A_805 = tpu.memref_slice %arg3[%add3A_803] : memref<640000xi32, #tpu.memory_space<hbm>> -> memref<160xi32, #tpu.memory_space<hbm>>
        tpu.enqueue_dma source(%dma_start3A_805 : memref<160xi32, #tpu.memory_space<hbm>>) target(%arg11 : memref<160xi32, #tpu.memory_space<vmem>>) target_semaphore(%arg19 : memref<!tpu.dma_semaphore, #tpu.memory_space<semaphore_mem>>)
        %dma_wait3A_806 = arith.constant 0 : i32
        %dma_wait3A_807 = arith.constant 0 : i32
        %dma_wait3A_808 = tpu.memref_slice %arg2[%dma_wait3A_806, %dma_wait3A_807] : memref<10000x128xf32, #tpu.memory_space<hbm>> -> memref<80x128xf32, #tpu.memory_space<hbm>>
        %dma_wait3A_809 = arith.constant 0 : i32
        %dma_wait3A_810 = arith.constant 0 : i32
        %dma_wait3A_811 = tpu.memref_slice %arg2[%dma_wait3A_809, %dma_wait3A_810] : memref<10000x128xf32, #tpu.memory_space<hbm>> -> memref<80x128xf32, #tpu.memory_space<hbm>>
        tpu.wait_dma2 semaphore(%arg23 : memref<!tpu.dma_semaphore, #tpu.memory_space<semaphore_mem>>) src(%dma_wait3A_811 : memref<80x128xf32, #tpu.memory_space<hbm>>) dst(%arg6 : memref<80x128xf32, #tpu.memory_space<vmem>>)
        %dma_wait3A_812 = arith.constant 0 : i32
        %dma_wait3A_813 = tpu.memref_slice %arg3[%dma_wait3A_812] : memref<640000xi32, #tpu.memory_space<hbm>> -> memref<80xi32, #tpu.memory_space<hbm>>
        %dma_wait3A_814 = arith.constant 0 : i32
        %dma_wait3A_815 = tpu.memref_slice %arg3[%dma_wait3A_814] : memref<640000xi32, #tpu.memory_space<hbm>> -> memref<80xi32, #tpu.memory_space<hbm>>
        tpu.wait_dma2 semaphore(%arg26 : memref<!tpu.dma_semaphore, #tpu.memory_space<semaphore_mem>>) src(%dma_wait3A_815 : memref<80xi32, #tpu.memory_space<hbm>>) dst(%arg12 : memref<80xi32, #tpu.memory_space<vmem>>)
        %dma_wait3A_816 = arith.constant 0 : i32
        %dma_wait3A_817 = tpu.memref_slice %arg3[%dma_wait3A_816] : memref<640000xi32, #tpu.memory_space<hbm>> -> memref<160xi32, #tpu.memory_space<hbm>>
        %dma_wait3A_818 = arith.constant 0 : i32
        %dma_wait3A_819 = tpu.memref_slice %arg3[%dma_wait3A_818] : memref<640000xi32, #tpu.memory_space<hbm>> -> memref<160xi32, #tpu.memory_space<hbm>>
        tpu.wait_dma2 semaphore(%arg17 : memref<!tpu.dma_semaphore, #tpu.memory_space<semaphore_mem>>) src(%dma_wait3A_819 : memref<160xi32, #tpu.memory_space<hbm>>) dst(%arg9 : memref<160xi32, #tpu.memory_space<vmem>>)
        %mul3A_820 = arith.constant 3 : i32
        %mul3A_821 = arith.muli %scan3A_623, %mul3A_820 : i32
        %add3A_822 = arith.constant 0 : i32
        %add3A_823 = arith.addi %mul3A_821, %add3A_822 : i32
        %add3A_824 = arith.constant 3 : i32
        %add3A_825 = arith.addi %add3A_823, %add3A_824 : i32
        %dma_start3A_826 = arith.constant 0 : i32
        %dma_start3A_827 = tpu.memref_slice %arg9[%dma_start3A_826] : memref<160xi32, #tpu.memory_space<vmem>> -> memref<80xi32, #tpu.memory_space<vmem>>
        %dma_start3A_828 = arith.constant 0 : i32
        %dma_start3A_829 = arith.constant 0 : i32
        %dma_start3A_830 = tpu.memref_slice %arg2[%dma_start3A_828, %dma_start3A_829] : memref<10000x128xf32, #tpu.memory_space<hbm>> -> memref<10000x128xf32, #tpu.memory_space<hbm>>
        tpu.enqueue_indirect_dma source(%dma_start3A_830 : memref<10000x128xf32, #tpu.memory_space<hbm>>) target(%arg6 : memref<80x128xf32, #tpu.memory_space<vmem>>) offsets(%dma_start3A_827 : memref<80xi32, #tpu.memory_space<vmem>>) semaphore(%arg20 : memref<!tpu.dma_semaphore, #tpu.memory_space<semaphore_mem>>)
        %dma_wait3A_831 = arith.constant 0 : i32
        %dma_wait3A_832 = arith.constant 0 : i32
        %dma_wait3A_833 = tpu.memref_slice %arg2[%dma_wait3A_831, %dma_wait3A_832] : memref<10000x128xf32, #tpu.memory_space<hbm>> -> memref<80x128xf32, #tpu.memory_space<hbm>>
        %dma_wait3A_834 = arith.constant 0 : i32
        %dma_wait3A_835 = arith.constant 0 : i32
        %dma_wait3A_836 = tpu.memref_slice %arg2[%dma_wait3A_834, %dma_wait3A_835] : memref<10000x128xf32, #tpu.memory_space<hbm>> -> memref<80x128xf32, #tpu.memory_space<hbm>>
        tpu.wait_dma2 semaphore(%arg24 : memref<!tpu.dma_semaphore, #tpu.memory_space<semaphore_mem>>) src(%dma_wait3A_836 : memref<80x128xf32, #tpu.memory_space<hbm>>) dst(%arg7 : memref<80x128xf32, #tpu.memory_space<vmem>>)
        %dma_wait3A_837 = arith.constant 0 : i32
        %dma_wait3A_838 = tpu.memref_slice %arg3[%dma_wait3A_837] : memref<640000xi32, #tpu.memory_space<hbm>> -> memref<80xi32, #tpu.memory_space<hbm>>
        %dma_wait3A_839 = arith.constant 0 : i32
        %dma_wait3A_840 = tpu.memref_slice %arg3[%dma_wait3A_839] : memref<640000xi32, #tpu.memory_space<hbm>> -> memref<80xi32, #tpu.memory_space<hbm>>
        tpu.wait_dma2 semaphore(%arg27 : memref<!tpu.dma_semaphore, #tpu.memory_space<semaphore_mem>>) src(%dma_wait3A_840 : memref<80xi32, #tpu.memory_space<hbm>>) dst(%arg13 : memref<80xi32, #tpu.memory_space<vmem>>)
        %dma_wait3A_841 = arith.constant 0 : i32
        %dma_wait3A_842 = tpu.memref_slice %arg3[%dma_wait3A_841] : memref<640000xi32, #tpu.memory_space<hbm>> -> memref<160xi32, #tpu.memory_space<hbm>>
        %dma_wait3A_843 = arith.constant 0 : i32
        %dma_wait3A_844 = tpu.memref_slice %arg3[%dma_wait3A_843] : memref<640000xi32, #tpu.memory_space<hbm>> -> memref<160xi32, #tpu.memory_space<hbm>>
        tpu.wait_dma2 semaphore(%arg18 : memref<!tpu.dma_semaphore, #tpu.memory_space<semaphore_mem>>) src(%dma_wait3A_844 : memref<160xi32, #tpu.memory_space<hbm>>) dst(%arg10 : memref<160xi32, #tpu.memory_space<vmem>>)
        %mul3A_845 = arith.constant 3 : i32
        %mul3A_846 = arith.muli %scan3A_623, %mul3A_845 : i32
        %add3A_847 = arith.constant 1 : i32
        %add3A_848 = arith.addi %mul3A_846, %add3A_847 : i32
        %add3A_849 = arith.constant 3 : i32
        %add3A_850 = arith.addi %add3A_848, %add3A_849 : i32
        %dma_start3A_851 = arith.constant 0 : i32
        %dma_start3A_852 = tpu.memref_slice %arg10[%dma_start3A_851] : memref<160xi32, #tpu.memory_space<vmem>> -> memref<80xi32, #tpu.memory_space<vmem>>
        %dma_start3A_853 = arith.constant 0 : i32
        %dma_start3A_854 = arith.constant 0 : i32
        %dma_start3A_855 = tpu.memref_slice %arg2[%dma_start3A_853, %dma_start3A_854] : memref<10000x128xf32, #tpu.memory_space<hbm>> -> memref<10000x128xf32, #tpu.memory_space<hbm>>
        tpu.enqueue_indirect_dma source(%dma_start3A_855 : memref<10000x128xf32, #tpu.memory_space<hbm>>) target(%arg7 : memref<80x128xf32, #tpu.memory_space<vmem>>) offsets(%dma_start3A_852 : memref<80xi32, #tpu.memory_space<vmem>>) semaphore(%arg21 : memref<!tpu.dma_semaphore, #tpu.memory_space<semaphore_mem>>)
        %dma_wait3A_856 = arith.constant 0 : i32
        %dma_wait3A_857 = arith.constant 0 : i32
        %dma_wait3A_858 = tpu.memref_slice %arg2[%dma_wait3A_856, %dma_wait3A_857] : memref<10000x128xf32, #tpu.memory_space<hbm>> -> memref<80x128xf32, #tpu.memory_space<hbm>>
        %dma_wait3A_859 = arith.constant 0 : i32
        %dma_wait3A_860 = arith.constant 0 : i32
        %dma_wait3A_861 = tpu.memref_slice %arg2[%dma_wait3A_859, %dma_wait3A_860] : memref<10000x128xf32, #tpu.memory_space<hbm>> -> memref<80x128xf32, #tpu.memory_space<hbm>>
        tpu.wait_dma2 semaphore(%arg25 : memref<!tpu.dma_semaphore, #tpu.memory_space<semaphore_mem>>) src(%dma_wait3A_861 : memref<80x128xf32, #tpu.memory_space<hbm>>) dst(%arg8 : memref<80x128xf32, #tpu.memory_space<vmem>>)
        %dma_wait3A_862 = arith.constant 0 : i32
        %dma_wait3A_863 = tpu.memref_slice %arg3[%dma_wait3A_862] : memref<640000xi32, #tpu.memory_space<hbm>> -> memref<80xi32, #tpu.memory_space<hbm>>
        %dma_wait3A_864 = arith.constant 0 : i32
        %dma_wait3A_865 = tpu.memref_slice %arg3[%dma_wait3A_864] : memref<640000xi32, #tpu.memory_space<hbm>> -> memref<80xi32, #tpu.memory_space<hbm>>
        tpu.wait_dma2 semaphore(%arg28 : memref<!tpu.dma_semaphore, #tpu.memory_space<semaphore_mem>>) src(%dma_wait3A_865 : memref<80xi32, #tpu.memory_space<hbm>>) dst(%arg14 : memref<80xi32, #tpu.memory_space<vmem>>)
        %dma_wait3A_866 = arith.constant 0 : i32
        %dma_wait3A_867 = tpu.memref_slice %arg3[%dma_wait3A_866] : memref<640000xi32, #tpu.memory_space<hbm>> -> memref<160xi32, #tpu.memory_space<hbm>>
        %dma_wait3A_868 = arith.constant 0 : i32
        %dma_wait3A_869 = tpu.memref_slice %arg3[%dma_wait3A_868] : memref<640000xi32, #tpu.memory_space<hbm>> -> memref<160xi32, #tpu.memory_space<hbm>>
        tpu.wait_dma2 semaphore(%arg19 : memref<!tpu.dma_semaphore, #tpu.memory_space<semaphore_mem>>) src(%dma_wait3A_869 : memref<160xi32, #tpu.memory_space<hbm>>) dst(%arg11 : memref<160xi32, #tpu.memory_space<vmem>>)
        %mul3A_870 = arith.constant 3 : i32
        %mul3A_871 = arith.muli %scan3A_623, %mul3A_870 : i32
        %add3A_872 = arith.constant 2 : i32
        %add3A_873 = arith.addi %mul3A_871, %add3A_872 : i32
        %add3A_874 = arith.constant 3 : i32
        %add3A_875 = arith.addi %add3A_873, %add3A_874 : i32
        %dma_start3A_876 = arith.constant 0 : i32
        %dma_start3A_877 = tpu.memref_slice %arg11[%dma_start3A_876] : memref<160xi32, #tpu.memory_space<vmem>> -> memref<80xi32, #tpu.memory_space<vmem>>
        %dma_start3A_878 = arith.constant 0 : i32
        %dma_start3A_879 = arith.constant 0 : i32
        %dma_start3A_880 = tpu.memref_slice %arg2[%dma_start3A_878, %dma_start3A_879] : memref<10000x128xf32, #tpu.memory_space<hbm>> -> memref<10000x128xf32, #tpu.memory_space<hbm>>
        tpu.enqueue_indirect_dma source(%dma_start3A_880 : memref<10000x128xf32, #tpu.memory_space<hbm>>) target(%arg8 : memref<80x128xf32, #tpu.memory_space<vmem>>) offsets(%dma_start3A_877 : memref<80xi32, #tpu.memory_space<vmem>>) semaphore(%arg22 : memref<!tpu.dma_semaphore, #tpu.memory_space<semaphore_mem>>)
      } else {
      }
    }
    %scan3A_433 = arith.constant 41 : i32
    %add3A_434 = arith.constant 19680 : i32
    %add3A_435 = arith.addi %multiple_of3A, %add3A_434 : i32
    %dma_start3A_436 = tpu.memref_slice %arg3[%add3A_435] : memref<640000xi32, #tpu.memory_space<hbm>> -> memref<160xi32, #tpu.memory_space<hbm>>
    %dma_start3A_437 = tpu.memref_slice %arg3[%add3A_435] : memref<640000xi32, #tpu.memory_space<hbm>> -> memref<160xi32, #tpu.memory_space<hbm>>
    tpu.enqueue_dma source(%dma_start3A_437 : memref<160xi32, #tpu.memory_space<hbm>>) target(%arg9 : memref<160xi32, #tpu.memory_space<vmem>>) target_semaphore(%arg17 : memref<!tpu.dma_semaphore, #tpu.memory_space<semaphore_mem>>)
    %add3A_438 = arith.constant 19840 : i32
    %add3A_439 = arith.addi %multiple_of3A, %add3A_438 : i32
    %dma_start3A_440 = tpu.memref_slice %arg3[%add3A_439] : memref<640000xi32, #tpu.memory_space<hbm>> -> memref<160xi32, #tpu.memory_space<hbm>>
    %dma_start3A_441 = tpu.memref_slice %arg3[%add3A_439] : memref<640000xi32, #tpu.memory_space<hbm>> -> memref<160xi32, #tpu.memory_space<hbm>>
    tpu.enqueue_dma source(%dma_start3A_441 : memref<160xi32, #tpu.memory_space<hbm>>) target(%arg10 : memref<160xi32, #tpu.memory_space<vmem>>) target_semaphore(%arg18 : memref<!tpu.dma_semaphore, #tpu.memory_space<semaphore_mem>>)
    %dma_wait3A_442 = arith.constant 0 : i32
    %dma_wait3A_443 = arith.constant 0 : i32
    %dma_wait3A_444 = tpu.memref_slice %arg2[%dma_wait3A_442, %dma_wait3A_443] : memref<10000x128xf32, #tpu.memory_space<hbm>> -> memref<80x128xf32, #tpu.memory_space<hbm>>
    %dma_wait3A_445 = arith.constant 0 : i32
    %dma_wait3A_446 = arith.constant 0 : i32
    %dma_wait3A_447 = tpu.memref_slice %arg2[%dma_wait3A_445, %dma_wait3A_446] : memref<10000x128xf32, #tpu.memory_space<hbm>> -> memref<80x128xf32, #tpu.memory_space<hbm>>
    tpu.wait_dma2 semaphore(%arg23 : memref<!tpu.dma_semaphore, #tpu.memory_space<semaphore_mem>>) src(%dma_wait3A_447 : memref<80x128xf32, #tpu.memory_space<hbm>>) dst(%arg6 : memref<80x128xf32, #tpu.memory_space<vmem>>)
    %dma_wait3A_448 = arith.constant 0 : i32
    %dma_wait3A_449 = tpu.memref_slice %arg3[%dma_wait3A_448] : memref<640000xi32, #tpu.memory_space<hbm>> -> memref<80xi32, #tpu.memory_space<hbm>>
    %dma_wait3A_450 = arith.constant 0 : i32
    %dma_wait3A_451 = tpu.memref_slice %arg3[%dma_wait3A_450] : memref<640000xi32, #tpu.memory_space<hbm>> -> memref<80xi32, #tpu.memory_space<hbm>>
    tpu.wait_dma2 semaphore(%arg26 : memref<!tpu.dma_semaphore, #tpu.memory_space<semaphore_mem>>) src(%dma_wait3A_451 : memref<80xi32, #tpu.memory_space<hbm>>) dst(%arg12 : memref<80xi32, #tpu.memory_space<vmem>>)
    %dma_wait3A_452 = arith.constant 0 : i32
    %dma_wait3A_453 = tpu.memref_slice %arg3[%dma_wait3A_452] : memref<640000xi32, #tpu.memory_space<hbm>> -> memref<160xi32, #tpu.memory_space<hbm>>
    %dma_wait3A_454 = arith.constant 0 : i32
    %dma_wait3A_455 = tpu.memref_slice %arg3[%dma_wait3A_454] : memref<640000xi32, #tpu.memory_space<hbm>> -> memref<160xi32, #tpu.memory_space<hbm>>
    tpu.wait_dma2 semaphore(%arg17 : memref<!tpu.dma_semaphore, #tpu.memory_space<semaphore_mem>>) src(%dma_wait3A_455 : memref<160xi32, #tpu.memory_space<hbm>>) dst(%arg9 : memref<160xi32, #tpu.memory_space<vmem>>)
    %dma_start3A_456 = arith.constant 0 : i32
    %dma_start3A_457 = tpu.memref_slice %arg9[%dma_start3A_456] : memref<160xi32, #tpu.memory_space<vmem>> -> memref<80xi32, #tpu.memory_space<vmem>>
    %dma_start3A_458 = arith.constant 0 : i32
    %dma_start3A_459 = arith.constant 0 : i32
    %dma_start3A_460 = tpu.memref_slice %arg2[%dma_start3A_458, %dma_start3A_459] : memref<10000x128xf32, #tpu.memory_space<hbm>> -> memref<10000x128xf32, #tpu.memory_space<hbm>>
    tpu.enqueue_indirect_dma source(%dma_start3A_460 : memref<10000x128xf32, #tpu.memory_space<hbm>>) target(%arg6 : memref<80x128xf32, #tpu.memory_space<vmem>>) offsets(%dma_start3A_457 : memref<80xi32, #tpu.memory_space<vmem>>) semaphore(%arg20 : memref<!tpu.dma_semaphore, #tpu.memory_space<semaphore_mem>>)
    %dma_wait3A_461 = arith.constant 0 : i32
    %dma_wait3A_462 = arith.constant 0 : i32
    %dma_wait3A_463 = tpu.memref_slice %arg2[%dma_wait3A_461, %dma_wait3A_462] : memref<10000x128xf32, #tpu.memory_space<hbm>> -> memref<80x128xf32, #tpu.memory_space<hbm>>
    %dma_wait3A_464 = arith.constant 0 : i32
    %dma_wait3A_465 = arith.constant 0 : i32
    %dma_wait3A_466 = tpu.memref_slice %arg2[%dma_wait3A_464, %dma_wait3A_465] : memref<10000x128xf32, #tpu.memory_space<hbm>> -> memref<80x128xf32, #tpu.memory_space<hbm>>
    tpu.wait_dma2 semaphore(%arg24 : memref<!tpu.dma_semaphore, #tpu.memory_space<semaphore_mem>>) src(%dma_wait3A_466 : memref<80x128xf32, #tpu.memory_space<hbm>>) dst(%arg7 : memref<80x128xf32, #tpu.memory_space<vmem>>)
    %dma_wait3A_467 = arith.constant 0 : i32
    %dma_wait3A_468 = tpu.memref_slice %arg3[%dma_wait3A_467] : memref<640000xi32, #tpu.memory_space<hbm>> -> memref<80xi32, #tpu.memory_space<hbm>>
    %dma_wait3A_469 = arith.constant 0 : i32
    %dma_wait3A_470 = tpu.memref_slice %arg3[%dma_wait3A_469] : memref<640000xi32, #tpu.memory_space<hbm>> -> memref<80xi32, #tpu.memory_space<hbm>>
    tpu.wait_dma2 semaphore(%arg27 : memref<!tpu.dma_semaphore, #tpu.memory_space<semaphore_mem>>) src(%dma_wait3A_470 : memref<80xi32, #tpu.memory_space<hbm>>) dst(%arg13 : memref<80xi32, #tpu.memory_space<vmem>>)
    %dma_wait3A_471 = arith.constant 0 : i32
    %dma_wait3A_472 = tpu.memref_slice %arg3[%dma_wait3A_471] : memref<640000xi32, #tpu.memory_space<hbm>> -> memref<160xi32, #tpu.memory_space<hbm>>
    %dma_wait3A_473 = arith.constant 0 : i32
    %dma_wait3A_474 = tpu.memref_slice %arg3[%dma_wait3A_473] : memref<640000xi32, #tpu.memory_space<hbm>> -> memref<160xi32, #tpu.memory_space<hbm>>
    tpu.wait_dma2 semaphore(%arg18 : memref<!tpu.dma_semaphore, #tpu.memory_space<semaphore_mem>>) src(%dma_wait3A_474 : memref<160xi32, #tpu.memory_space<hbm>>) dst(%arg10 : memref<160xi32, #tpu.memory_space<vmem>>)
    %dma_start3A_475 = arith.constant 0 : i32
    %dma_start3A_476 = tpu.memref_slice %arg10[%dma_start3A_475] : memref<160xi32, #tpu.memory_space<vmem>> -> memref<80xi32, #tpu.memory_space<vmem>>
    %dma_start3A_477 = arith.constant 0 : i32
    %dma_start3A_478 = arith.constant 0 : i32
    %dma_start3A_479 = tpu.memref_slice %arg2[%dma_start3A_477, %dma_start3A_478] : memref<10000x128xf32, #tpu.memory_space<hbm>> -> memref<10000x128xf32, #tpu.memory_space<hbm>>
    tpu.enqueue_indirect_dma source(%dma_start3A_479 : memref<10000x128xf32, #tpu.memory_space<hbm>>) target(%arg7 : memref<80x128xf32, #tpu.memory_space<vmem>>) offsets(%dma_start3A_476 : memref<80xi32, #tpu.memory_space<vmem>>) semaphore(%arg21 : memref<!tpu.dma_semaphore, #tpu.memory_space<semaphore_mem>>)
    %dma_wait3A_480 = arith.constant 0 : i32
    %dma_wait3A_481 = arith.constant 0 : i32
    %dma_wait3A_482 = tpu.memref_slice %arg2[%dma_wait3A_480, %dma_wait3A_481] : memref<10000x128xf32, #tpu.memory_space<hbm>> -> memref<80x128xf32, #tpu.memory_space<hbm>>
    %dma_wait3A_483 = arith.constant 0 : i32
    %dma_wait3A_484 = arith.constant 0 : i32
    %dma_wait3A_485 = tpu.memref_slice %arg2[%dma_wait3A_483, %dma_wait3A_484] : memref<10000x128xf32, #tpu.memory_space<hbm>> -> memref<80x128xf32, #tpu.memory_space<hbm>>
    tpu.wait_dma2 semaphore(%arg20 : memref<!tpu.dma_semaphore, #tpu.memory_space<semaphore_mem>>) src(%dma_wait3A_485 : memref<80x128xf32, #tpu.memory_space<hbm>>) dst(%arg6 : memref<80x128xf32, #tpu.memory_space<vmem>>)
    %get3A = arith.constant 80 : index
    %get3A_486 = tpu.vector_load %arg9[%get3A] {strides = array<i32>} : memref<160xi32, #tpu.memory_space<vmem>>, vector<16xi32>,
    %get3A_487 = vector.shape_cast %get3A_486 : vector<16xi32> to vector<16xi32>
    %swap3A_488 = arith.constant 0 : index
    %swap3A_489 = tpu.vector_load %arg12[%swap3A_488] {strides = array<i32>} : memref<80xi32, #tpu.memory_space<vmem>>, vector<16xi32>,
    %swap3A_490 = vector.shape_cast %swap3A_489 : vector<16xi32> to vector<16xi32>
    %swap3A_491 = vector.shape_cast %get3A_487 : vector<16xi32> to vector<16xi32>
    tpu.vector_store %arg12[%swap3A_488], %swap3A_491 {strides = array<i32>} : memref<80xi32, #tpu.memory_space<vmem>>, vector<16xi32>,
    %get3A_492 = arith.constant 96 : index
    %get3A_493 = tpu.vector_load %arg9[%get3A_492] {strides = array<i32>} : memref<160xi32, #tpu.memory_space<vmem>>, vector<16xi32>,
    %get3A_494 = vector.shape_cast %get3A_493 : vector<16xi32> to vector<16xi32>
    %swap3A_495 = arith.constant 16 : index
    %swap3A_496 = tpu.vector_load %arg12[%swap3A_495] {strides = array<i32>} : memref<80xi32, #tpu.memory_space<vmem>>, vector<16xi32>,
    %swap3A_497 = vector.shape_cast %swap3A_496 : vector<16xi32> to vector<16xi32>
    %swap3A_498 = vector.shape_cast %get3A_494 : vector<16xi32> to vector<16xi32>
    tpu.vector_store %arg12[%swap3A_495], %swap3A_498 {strides = array<i32>} : memref<80xi32, #tpu.memory_space<vmem>>, vector<16xi32>,
    %get3A_499 = arith.constant 112 : index
    %get3A_500 = tpu.vector_load %arg9[%get3A_499] {strides = array<i32>} : memref<160xi32, #tpu.memory_space<vmem>>, vector<16xi32>,
    %get3A_501 = vector.shape_cast %get3A_500 : vector<16xi32> to vector<16xi32>
    %swap3A_502 = arith.constant 32 : index
    %swap3A_503 = tpu.vector_load %arg12[%swap3A_502] {strides = array<i32>} : memref<80xi32, #tpu.memory_space<vmem>>, vector<16xi32>,
    %swap3A_504 = vector.shape_cast %swap3A_503 : vector<16xi32> to vector<16xi32>
    %swap3A_505 = vector.shape_cast %get3A_501 : vector<16xi32> to vector<16xi32>
    tpu.vector_store %arg12[%swap3A_502], %swap3A_505 {strides = array<i32>} : memref<80xi32, #tpu.memory_space<vmem>>, vector<16xi32>,
    %get3A_506 = arith.constant 128 : index
    %get3A_507 = tpu.vector_load %arg9[%get3A_506] {strides = array<i32>} : memref<160xi32, #tpu.memory_space<vmem>>, vector<16xi32>,
    %get3A_508 = vector.shape_cast %get3A_507 : vector<16xi32> to vector<16xi32>
    %swap3A_509 = arith.constant 48 : index
    %swap3A_510 = tpu.vector_load %arg12[%swap3A_509] {strides = array<i32>} : memref<80xi32, #tpu.memory_space<vmem>>, vector<16xi32>,
    %swap3A_511 = vector.shape_cast %swap3A_510 : vector<16xi32> to vector<16xi32>
    %swap3A_512 = vector.shape_cast %get3A_508 : vector<16xi32> to vector<16xi32>
    tpu.vector_store %arg12[%swap3A_509], %swap3A_512 {strides = array<i32>} : memref<80xi32, #tpu.memory_space<vmem>>, vector<16xi32>,
    %get3A_513 = arith.constant 144 : index
    %get3A_514 = tpu.vector_load %arg9[%get3A_513] {strides = array<i32>} : memref<160xi32, #tpu.memory_space<vmem>>, vector<16xi32>,
    %get3A_515 = vector.shape_cast %get3A_514 : vector<16xi32> to vector<16xi32>
    %swap3A_516 = arith.constant 64 : index
    %swap3A_517 = tpu.vector_load %arg12[%swap3A_516] {strides = array<i32>} : memref<80xi32, #tpu.memory_space<vmem>>, vector<16xi32>,
    %swap3A_518 = vector.shape_cast %swap3A_517 : vector<16xi32> to vector<16xi32>
    %swap3A_519 = vector.shape_cast %get3A_515 : vector<16xi32> to vector<16xi32>
    tpu.vector_store %arg12[%swap3A_516], %swap3A_519 {strides = array<i32>} : memref<80xi32, #tpu.memory_space<vmem>>, vector<16xi32>,
    %dma_start3A_520 = arith.constant 0 : i32
    %dma_start3A_521 = arith.constant 0 : i32
    %dma_start3A_522 = tpu.memref_slice %arg29[%dma_start3A_520, %dma_start3A_521] : memref<10112x128xf32, #tpu.memory_space<vmem_shared>> -> memref<10112x128xf32, #tpu.memory_space<vmem_shared>>
    tpu.enqueue_indirect_dma source(%arg6 : memref<80x128xf32, #tpu.memory_space<vmem>>) target(%dma_start3A_522 : memref<10112x128xf32, #tpu.memory_space<vmem_shared>>) offsets(%arg12 : memref<80xi32, #tpu.memory_space<vmem>>) semaphore(%arg23 : memref<!tpu.dma_semaphore, #tpu.memory_space<semaphore_mem>>) {add = true}
    %dma_start3A_523 = arith.constant 0 : i32
    %dma_start3A_524 = tpu.memref_slice %arg30[%dma_start3A_523] : memref<10240xf32, #tpu.memory_space<vmem_shared>> -> memref<10240xf32, #tpu.memory_space<vmem_shared>>
    tpu.enqueue_indirect_dma source(%arg15 : memref<80xf32, #tpu.memory_space<vmem>>) target(%dma_start3A_524 : memref<10240xf32, #tpu.memory_space<vmem_shared>>) offsets(%arg12 : memref<80xi32, #tpu.memory_space<vmem>>) semaphore(%arg26 : memref<!tpu.dma_semaphore, #tpu.memory_space<semaphore_mem>>) {add = true}
    %dma_wait3A_525 = arith.constant 0 : i32
    %dma_wait3A_526 = arith.constant 0 : i32
    %dma_wait3A_527 = tpu.memref_slice %arg2[%dma_wait3A_525, %dma_wait3A_526] : memref<10000x128xf32, #tpu.memory_space<hbm>> -> memref<80x128xf32, #tpu.memory_space<hbm>>
    %dma_wait3A_528 = arith.constant 0 : i32
    %dma_wait3A_529 = arith.constant 0 : i32
    %dma_wait3A_530 = tpu.memref_slice %arg2[%dma_wait3A_528, %dma_wait3A_529] : memref<10000x128xf32, #tpu.memory_space<hbm>> -> memref<80x128xf32, #tpu.memory_space<hbm>>
    tpu.wait_dma2 semaphore(%arg21 : memref<!tpu.dma_semaphore, #tpu.memory_space<semaphore_mem>>) src(%dma_wait3A_530 : memref<80x128xf32, #tpu.memory_space<hbm>>) dst(%arg7 : memref<80x128xf32, #tpu.memory_space<vmem>>)
    %get3A_531 = arith.constant 80 : index
    %get3A_532 = tpu.vector_load %arg10[%get3A_531] {strides = array<i32>} : memref<160xi32, #tpu.memory_space<vmem>>, vector<16xi32>,
    %get3A_533 = vector.shape_cast %get3A_532 : vector<16xi32> to vector<16xi32>
    %swap3A_534 = arith.constant 0 : index
    %swap3A_535 = tpu.vector_load %arg13[%swap3A_534] {strides = array<i32>} : memref<80xi32, #tpu.memory_space<vmem>>, vector<16xi32>,
    %swap3A_536 = vector.shape_cast %swap3A_535 : vector<16xi32> to vector<16xi32>
    %swap3A_537 = vector.shape_cast %get3A_533 : vector<16xi32> to vector<16xi32>
    tpu.vector_store %arg13[%swap3A_534], %swap3A_537 {strides = array<i32>} : memref<80xi32, #tpu.memory_space<vmem>>, vector<16xi32>,
    %get3A_538 = arith.constant 96 : index
    %get3A_539 = tpu.vector_load %arg10[%get3A_538] {strides = array<i32>} : memref<160xi32, #tpu.memory_space<vmem>>, vector<16xi32>,
    %get3A_540 = vector.shape_cast %get3A_539 : vector<16xi32> to vector<16xi32>
    %swap3A_541 = arith.constant 16 : index
    %swap3A_542 = tpu.vector_load %arg13[%swap3A_541] {strides = array<i32>} : memref<80xi32, #tpu.memory_space<vmem>>, vector<16xi32>,
    %swap3A_543 = vector.shape_cast %swap3A_542 : vector<16xi32> to vector<16xi32>
    %swap3A_544 = vector.shape_cast %get3A_540 : vector<16xi32> to vector<16xi32>
    tpu.vector_store %arg13[%swap3A_541], %swap3A_544 {strides = array<i32>} : memref<80xi32, #tpu.memory_space<vmem>>, vector<16xi32>,
    %get3A_545 = arith.constant 112 : index
    %get3A_546 = tpu.vector_load %arg10[%get3A_545] {strides = array<i32>} : memref<160xi32, #tpu.memory_space<vmem>>, vector<16xi32>,
    %get3A_547 = vector.shape_cast %get3A_546 : vector<16xi32> to vector<16xi32>
    %swap3A_548 = arith.constant 32 : index
    %swap3A_549 = tpu.vector_load %arg13[%swap3A_548] {strides = array<i32>} : memref<80xi32, #tpu.memory_space<vmem>>, vector<16xi32>,
    %swap3A_550 = vector.shape_cast %swap3A_549 : vector<16xi32> to vector<16xi32>
    %swap3A_551 = vector.shape_cast %get3A_547 : vector<16xi32> to vector<16xi32>
    tpu.vector_store %arg13[%swap3A_548], %swap3A_551 {strides = array<i32>} : memref<80xi32, #tpu.memory_space<vmem>>, vector<16xi32>,
    %get3A_552 = arith.constant 128 : index
    %get3A_553 = tpu.vector_load %arg10[%get3A_552] {strides = array<i32>} : memref<160xi32, #tpu.memory_space<vmem>>, vector<16xi32>,
    %get3A_554 = vector.shape_cast %get3A_553 : vector<16xi32> to vector<16xi32>
    %swap3A_555 = arith.constant 48 : index
    %swap3A_556 = tpu.vector_load %arg13[%swap3A_555] {strides = array<i32>} : memref<80xi32, #tpu.memory_space<vmem>>, vector<16xi32>,
    %swap3A_557 = vector.shape_cast %swap3A_556 : vector<16xi32> to vector<16xi32>
    %swap3A_558 = vector.shape_cast %get3A_554 : vector<16xi32> to vector<16xi32>
    tpu.vector_store %arg13[%swap3A_555], %swap3A_558 {strides = array<i32>} : memref<80xi32, #tpu.memory_space<vmem>>, vector<16xi32>,
    %get3A_559 = arith.constant 144 : index
    %get3A_560 = tpu.vector_load %arg10[%get3A_559] {strides = array<i32>} : memref<160xi32, #tpu.memory_space<vmem>>, vector<16xi32>,
    %get3A_561 = vector.shape_cast %get3A_560 : vector<16xi32> to vector<16xi32>
    %swap3A_562 = arith.constant 64 : index
    %swap3A_563 = tpu.vector_load %arg13[%swap3A_562] {strides = array<i32>} : memref<80xi32, #tpu.memory_space<vmem>>, vector<16xi32>,
    %swap3A_564 = vector.shape_cast %swap3A_563 : vector<16xi32> to vector<16xi32>
    %swap3A_565 = vector.shape_cast %get3A_561 : vector<16xi32> to vector<16xi32>
    tpu.vector_store %arg13[%swap3A_562], %swap3A_565 {strides = array<i32>} : memref<80xi32, #tpu.memory_space<vmem>>, vector<16xi32>,
    %dma_start3A_566 = arith.constant 0 : i32
    %dma_start3A_567 = arith.constant 0 : i32
    %dma_start3A_568 = tpu.memref_slice %arg29[%dma_start3A_566, %dma_start3A_567] : memref<10112x128xf32, #tpu.memory_space<vmem_shared>> -> memref<10112x128xf32, #tpu.memory_space<vmem_shared>>
    tpu.enqueue_indirect_dma source(%arg7 : memref<80x128xf32, #tpu.memory_space<vmem>>) target(%dma_start3A_568 : memref<10112x128xf32, #tpu.memory_space<vmem_shared>>) offsets(%arg13 : memref<80xi32, #tpu.memory_space<vmem>>) semaphore(%arg24 : memref<!tpu.dma_semaphore, #tpu.memory_space<semaphore_mem>>) {add = true}
    %dma_start3A_569 = arith.constant 0 : i32
    %dma_start3A_570 = tpu.memref_slice %arg30[%dma_start3A_569] : memref<10240xf32, #tpu.memory_space<vmem_shared>> -> memref<10240xf32, #tpu.memory_space<vmem_shared>>
    tpu.enqueue_indirect_dma source(%arg15 : memref<80xf32, #tpu.memory_space<vmem>>) target(%dma_start3A_570 : memref<10240xf32, #tpu.memory_space<vmem_shared>>) offsets(%arg13 : memref<80xi32, #tpu.memory_space<vmem>>) semaphore(%arg27 : memref<!tpu.dma_semaphore, #tpu.memory_space<semaphore_mem>>) {add = true}
    %dma_wait3A_571 = arith.constant 0 : i32
    %dma_wait3A_572 = arith.constant 0 : i32
    %dma_wait3A_573 = tpu.memref_slice %arg2[%dma_wait3A_571, %dma_wait3A_572] : memref<10000x128xf32, #tpu.memory_space<hbm>> -> memref<80x128xf32, #tpu.memory_space<hbm>>
    %dma_wait3A_574 = arith.constant 0 : i32
    %dma_wait3A_575 = arith.constant 0 : i32
    %dma_wait3A_576 = tpu.memref_slice %arg2[%dma_wait3A_574, %dma_wait3A_575] : memref<10000x128xf32, #tpu.memory_space<hbm>> -> memref<80x128xf32, #tpu.memory_space<hbm>>
    tpu.wait_dma2 semaphore(%arg23 : memref<!tpu.dma_semaphore, #tpu.memory_space<semaphore_mem>>) src(%dma_wait3A_576 : memref<80x128xf32, #tpu.memory_space<hbm>>) dst(%arg6 : memref<80x128xf32, #tpu.memory_space<vmem>>)
    %dma_wait3A_577 = arith.constant 0 : i32
    %dma_wait3A_578 = tpu.memref_slice %arg3[%dma_wait3A_577] : memref<640000xi32, #tpu.memory_space<hbm>> -> memref<80xi32, #tpu.memory_space<hbm>>
    %dma_wait3A_579 = arith.constant 0 : i32
    %dma_wait3A_580 = tpu.memref_slice %arg3[%dma_wait3A_579] : memref<640000xi32, #tpu.memory_space<hbm>> -> memref<80xi32, #tpu.memory_space<hbm>>
    tpu.wait_dma2 semaphore(%arg26 : memref<!tpu.dma_semaphore, #tpu.memory_space<semaphore_mem>>) src(%dma_wait3A_580 : memref<80xi32, #tpu.memory_space<hbm>>) dst(%arg12 : memref<80xi32, #tpu.memory_space<vmem>>)
    %dma_wait3A_581 = arith.constant 0 : i32
    %dma_wait3A_582 = arith.constant 0 : i32
    %dma_wait3A_583 = tpu.memref_slice %arg2[%dma_wait3A_581, %dma_wait3A_582] : memref<10000x128xf32, #tpu.memory_space<hbm>> -> memref<80x128xf32, #tpu.memory_space<hbm>>
    %dma_wait3A_584 = arith.constant 0 : i32
    %dma_wait3A_585 = arith.constant 0 : i32
    %dma_wait3A_586 = tpu.memref_slice %arg2[%dma_wait3A_584, %dma_wait3A_585] : memref<10000x128xf32, #tpu.memory_space<hbm>> -> memref<80x128xf32, #tpu.memory_space<hbm>>
    tpu.wait_dma2 semaphore(%arg24 : memref<!tpu.dma_semaphore, #tpu.memory_space<semaphore_mem>>) src(%dma_wait3A_586 : memref<80x128xf32, #tpu.memory_space<hbm>>) dst(%arg7 : memref<80x128xf32, #tpu.memory_space<vmem>>)
    %dma_wait3A_587 = arith.constant 0 : i32
    %dma_wait3A_588 = tpu.memref_slice %arg3[%dma_wait3A_587] : memref<640000xi32, #tpu.memory_space<hbm>> -> memref<80xi32, #tpu.memory_space<hbm>>
    %dma_wait3A_589 = arith.constant 0 : i32
    %dma_wait3A_590 = tpu.memref_slice %arg3[%dma_wait3A_589] : memref<640000xi32, #tpu.memory_space<hbm>> -> memref<80xi32, #tpu.memory_space<hbm>>
    tpu.wait_dma2 semaphore(%arg27 : memref<!tpu.dma_semaphore, #tpu.memory_space<semaphore_mem>>) src(%dma_wait3A_590 : memref<80xi32, #tpu.memory_space<hbm>>) dst(%arg13 : memref<80xi32, #tpu.memory_space<vmem>>)
    %dma_wait3A_591 = arith.constant 0 : i32
    %dma_wait3A_592 = arith.constant 0 : i32
    %dma_wait3A_593 = tpu.memref_slice %arg2[%dma_wait3A_591, %dma_wait3A_592] : memref<10000x128xf32, #tpu.memory_space<hbm>> -> memref<80x128xf32, #tpu.memory_space<hbm>>
    %dma_wait3A_594 = arith.constant 0 : i32
    %dma_wait3A_595 = arith.constant 0 : i32
    %dma_wait3A_596 = tpu.memref_slice %arg2[%dma_wait3A_594, %dma_wait3A_595] : memref<10000x128xf32, #tpu.memory_space<hbm>> -> memref<80x128xf32, #tpu.memory_space<hbm>>
    tpu.wait_dma2 semaphore(%arg25 : memref<!tpu.dma_semaphore, #tpu.memory_space<semaphore_mem>>) src(%dma_wait3A_596 : memref<80x128xf32, #tpu.memory_space<hbm>>) dst(%arg8 : memref<80x128xf32, #tpu.memory_space<vmem>>)
    %dma_wait3A_597 = arith.constant 0 : i32
    %dma_wait3A_598 = tpu.memref_slice %arg3[%dma_wait3A_597] : memref<640000xi32, #tpu.memory_space<hbm>> -> memref<80xi32, #tpu.memory_space<hbm>>
    %dma_wait3A_599 = arith.constant 0 : i32
    %dma_wait3A_600 = tpu.memref_slice %arg3[%dma_wait3A_599] : memref<640000xi32, #tpu.memory_space<hbm>> -> memref<80xi32, #tpu.memory_space<hbm>>
    tpu.wait_dma2 semaphore(%arg28 : memref<!tpu.dma_semaphore, #tpu.memory_space<semaphore_mem>>) src(%dma_wait3A_600 : memref<80xi32, #tpu.memory_space<hbm>>) dst(%arg14 : memref<80xi32, #tpu.memory_space<vmem>>)
    %barrier3A_601 = arith.constant 0 : index
    tpu.barrier barrier_id(%barrier3A_601)
    %dma_start3A_602 = arith.constant 0 : i32
    %dma_start3A_603 = tpu.memref_slice %arg4[%arg0, %multiple_of3A_282, %dma_start3A_602] : memref<2x10000x128xf32, #tpu.memory_space<hbm>> -> memref<1x520x128xf32, #tpu.memory_space<hbm>>
    %dma_start3A_604 = tpu.memref_squeeze %dma_start3A_603 : memref<1x520x128xf32, #tpu.memory_space<hbm>> -> memref<520x128xf32, #tpu.memory_space<hbm>>
    %dma_start3A_605 = arith.constant 0 : i32
    %dma_start3A_606 = tpu.memref_slice %arg29[%multiple_of3A_282, %dma_start3A_605] : memref<10112x128xf32, #tpu.memory_space<vmem_shared>> -> memref<520x128xf32, #tpu.memory_space<vmem_shared>>
    tpu.enqueue_dma source(%dma_start3A_606 : memref<520x128xf32, #tpu.memory_space<vmem_shared>>) target(%dma_start3A_604 : memref<520x128xf32, #tpu.memory_space<hbm>>) target_semaphore(%arg17 : memref<!tpu.dma_semaphore, #tpu.memory_space<semaphore_mem>>)
    %mul3A_607 = arith.constant 640 : i32
    %mul3A_608 = arith.muli %arg1, %mul3A_607 : i32
    %multiple_of3A_609 = tpu.assume_multiple %mul3A_608, 8 : i32
    %dma_start3A_610 = tpu.memref_slice %arg5[%arg0, %multiple_of3A_609] : memref<2x10240xf32, #tpu.memory_space<hbm>> -> memref<1x640xf32, #tpu.memory_space<hbm>>
    %dma_start3A_611 = tpu.memref_squeeze %dma_start3A_610 : memref<1x640xf32, #tpu.memory_space<hbm>> -> memref<640xf32, #tpu.memory_space<hbm>>
    %dma_start3A_612 = tpu.memref_slice %arg30[%multiple_of3A_609] : memref<10240xf32, #tpu.memory_space<vmem_shared>> -> memref<640xf32, #tpu.memory_space<vmem_shared>>
    tpu.enqueue_dma source(%dma_start3A_612 : memref<640xf32, #tpu.memory_space<vmem_shared>>) target(%dma_start3A_611 : memref<640xf32, #tpu.memory_space<hbm>>) target_semaphore(%arg18 : memref<!tpu.dma_semaphore, #tpu.memory_space<semaphore_mem>>)
    %lt3A = arith.constant 15 : i32
    %lt3A_613 = arith.cmpi slt, %arg1, %lt3A : i32
    %convert_element_type3A = arith.extui %lt3A_613 : i1 to i32
    %cond3A = arith.constant 0 : i32
    %cond3A_614 = arith.cmpi ne, %convert_element_type3A, %cond3A : i32
    scf.if %cond3A_614 {
      %add3A_623 = arith.constant 520 : i32
      %add3A_624 = arith.addi %multiple_of3A_282, %add3A_623 : i32
      %multiple_of3A_625 = tpu.assume_multiple %add3A_624, 8 : i32
      "tpu.region"() ({
        %run_scoped3A = tpu.sem_alloc : memref<!tpu.dma_semaphore, #tpu.memory_space<semaphore_mem>>
        %dma_start3A_626 = arith.constant 0 : i32
        %dma_start3A_627 = tpu.memref_slice %arg4[%arg0, %multiple_of3A_625, %dma_start3A_626] : memref<2x10000x128xf32, #tpu.memory_space<hbm>> -> memref<1x112x128xf32, #tpu.memory_space<hbm>>
        %dma_start3A_628 = tpu.memref_squeeze %dma_start3A_627 : memref<1x112x128xf32, #tpu.memory_space<hbm>> -> memref<112x128xf32, #tpu.memory_space<hbm>>
        %dma_start3A_629 = arith.constant 0 : i32
        %dma_start3A_630 = tpu.memref_slice %arg29[%multiple_of3A_625, %dma_start3A_629] : memref<10112x128xf32, #tpu.memory_space<vmem_shared>> -> memref<112x128xf32, #tpu.memory_space<vmem_shared>>
        tpu.enqueue_dma source(%dma_start3A_630 : memref<112x128xf32, #tpu.memory_space<vmem_shared>>) target(%dma_start3A_628 : memref<112x128xf32, #tpu.memory_space<hbm>>) target_semaphore(%run_scoped3A : memref<!tpu.dma_semaphore, #tpu.memory_space<semaphore_mem>>)
        %dma_wait3A_631 = arith.constant 0 : i32
        %dma_wait3A_632 = tpu.memref_slice %arg4[%arg0, %multiple_of3A_625, %dma_wait3A_631] : memref<2x10000x128xf32, #tpu.memory_space<hbm>> -> memref<1x112x128xf32, #tpu.memory_space<hbm>>
        %dma_wait3A_633 = tpu.memref_squeeze %dma_wait3A_632 : memref<1x112x128xf32, #tpu.memory_space<hbm>> -> memref<112x128xf32, #tpu.memory_space<hbm>>
        %dma_wait3A_634 = arith.constant 0 : i32
        %dma_wait3A_635 = tpu.memref_slice %arg29[%multiple_of3A_625, %dma_wait3A_634] : memref<10112x128xf32, #tpu.memory_space<vmem_shared>> -> memref<112x128xf32, #tpu.memory_space<vmem_shared>>
        tpu.wait_dma2 semaphore(%run_scoped3A : memref<!tpu.dma_semaphore, #tpu.memory_space<semaphore_mem>>) src(%dma_wait3A_635 : memref<112x128xf32, #tpu.memory_space<vmem_shared>>) dst(%dma_wait3A_633 : memref<112x128xf32, #tpu.memory_space<hbm>>)
        tpu.yield
      }) : () -> ()
    } else {
    }
    %dma_wait3A_615 = arith.constant 0 : i32
    %dma_wait3A_616 = tpu.memref_slice %arg4[%arg0, %multiple_of3A_282, %dma_wait3A_615] : memref<2x10000x128xf32, #tpu.memory_space<hbm>> -> memref<1x520x128xf32, #tpu.memory_space<hbm>>
    %dma_wait3A_617 = tpu.memref_squeeze %dma_wait3A_616 : memref<1x520x128xf32, #tpu.memory_space<hbm>> -> memref<520x128xf32, #tpu.memory_space<hbm>>
    %dma_wait3A_618 = arith.constant 0 : i32
    %dma_wait3A_619 = tpu.memref_slice %arg29[%multiple_of3A_282, %dma_wait3A_618] : memref<10112x128xf32, #tpu.memory_space<vmem_shared>> -> memref<520x128xf32, #tpu.memory_space<vmem_shared>>
    tpu.wait_dma2 semaphore(%arg17 : memref<!tpu.dma_semaphore, #tpu.memory_space<semaphore_mem>>) src(%dma_wait3A_619 : memref<520x128xf32, #tpu.memory_space<vmem_shared>>) dst(%dma_wait3A_617 : memref<520x128xf32, #tpu.memory_space<hbm>>)
    %dma_wait3A_620 = tpu.memref_slice %arg5[%arg0, %multiple_of3A_609] : memref<2x10240xf32, #tpu.memory_space<hbm>> -> memref<1x640xf32, #tpu.memory_space<hbm>>
    %dma_wait3A_621 = tpu.memref_squeeze %dma_wait3A_620 : memref<1x640xf32, #tpu.memory_space<hbm>> -> memref<640xf32, #tpu.memory_space<hbm>>
    %dma_wait3A_622 = tpu.memref_slice %arg30[%multiple_of3A_609] : memref<10240xf32, #tpu.memory_space<vmem_shared>> -> memref<640xf32, #tpu.memory_space<vmem_shared>>
    tpu.wait_dma2 semaphore(%arg18 : memref<!tpu.dma_semaphore, #tpu.memory_space<semaphore_mem>>) src(%dma_wait3A_622 : memref<640xf32, #tpu.memory_space<vmem_shared>>) dst(%dma_wait3A_621 : memref<640xf32, #tpu.memory_space<hbm>>)
    return
  }
}

module attributes {stable_mosaic.version = 14 : i64} {
  func.func @body(%arg0: i32, %arg1: memref<2x1000x128xf32, #tpu.memory_space<vmem>>, %arg2: memref<1000x128xf32, #tpu.memory_space<vmem>>, %arg3: memref<1000x128xf32, #tpu.memory_space<vmem>>, %arg4: memref<128x128xf32, #tpu.memory_space<vmem>>, %arg5: memref<1x128xf32, #tpu.memory_space<vmem>>, %arg6: memref<128x128xf32, #tpu.memory_space<vmem>>, %arg7: memref<1000x128xf32, #tpu.memory_space<vmem>>) attributes {dimension_semantics = [#tpu.dimension_semantics<arbitrary>], iteration_bounds = array<i64: 10>, scalar_prefetch = 0 : i64, scratch_operands = 0 : i64, tpu.core_type = #tpu.core_type<tc>, window_params = [{transform_indices = @transform_0, window_bounds = array<i64: 2, 1000, 128>}, {transform_indices = @transform_1, window_bounds = array<i64: 1000, 128>}, {transform_indices = @transform_2, window_bounds = array<i64: 1000, 128>}, {pipeline_mode = #tpu.pipeline_mode<synchronous>, transform_indices = @transform_3, window_bounds = array<i64: 128, 128>}, {pipeline_mode = #tpu.pipeline_mode<synchronous>, transform_indices = @transform_4, window_bounds = array<i64: 1, 128>}, {pipeline_mode = #tpu.pipeline_mode<synchronous>, transform_indices = @transform_5, window_bounds = array<i64: 128, 128>}, {transform_indices = @transform_6, window_bounds = array<i64: 1000, 128>}]} {
    %get3A = arith.constant 0 : index
    %get3A_0 = arith.constant 0 : index
    %get3A_1 = arith.constant 0 : index
    %get3A_2 = vector.load %arg1[%get3A, %get3A_0, %get3A_1] : memref<2x1000x128xf32, #tpu.memory_space<vmem>>, vector<1x1000x128xf32>
    %get3A_3 = vector.shape_cast %get3A_2 : vector<1x1000x128xf32> to vector<1000x128xf32>
    %get3A_4 = arith.constant 1 : index
    %get3A_5 = arith.constant 0 : index
    %get3A_6 = arith.constant 0 : index
    %get3A_7 = vector.load %arg1[%get3A_4, %get3A_5, %get3A_6] : memref<2x1000x128xf32, #tpu.memory_space<vmem>>, vector<1x1000x128xf32>
    %get3A_8 = vector.shape_cast %get3A_7 : vector<1x1000x128xf32> to vector<1000x128xf32>
    %add3A = arith.addf %get3A_3, %get3A_8 : vector<1000x128xf32>
    %get3A_9 = arith.constant 0 : index
    %get3A_10 = arith.constant 0 : index
    %get3A_11 = vector.load %arg2[%get3A_9, %get3A_10] : memref<1000x128xf32, #tpu.memory_space<vmem>>, vector<1000x128xf32>
    %max3A = arith.constant 1.000000e+00 : f32
    %max3A_12 = vector.broadcast %max3A : f32 to vector<1000x128xf32>
    %max3A_13 = arith.maximumf %get3A_11, %max3A_12 : vector<1000x128xf32>
    %div3A = arith.divf %add3A, %max3A_13 : vector<1000x128xf32>
    %get3A_14 = arith.constant 0 : index
    %get3A_15 = arith.constant 0 : index
    %get3A_16 = vector.load %arg4[%get3A_14, %get3A_15] : memref<128x128xf32, #tpu.memory_space<vmem>>, vector<128x128xf32>
    %dot_general3A = arith.constant dense<0.000000e+00> : vector<1000x128xf32>
    %dot_general3A_17 = tpu.matmul %div3A, %get3A_16, %dot_general3A {dimension_numbers = #tpu.dot_dimension_numbers<[1], [1], [0], [0], [0, 0, 1, 0], [], []>, transpose_lhs_hint = false} : vector<1000x128xf32>, vector<128x128xf32>, vector<1000x128xf32> -> vector<1000x128xf32>
    %get3A_18 = arith.constant 0 : index
    %get3A_19 = arith.constant 0 : index
    %get3A_20 = vector.load %arg5[%get3A_18, %get3A_19] : memref<1x128xf32, #tpu.memory_space<vmem>>, vector<1x128xf32>
    %add3A_21 = vector.broadcast %get3A_20 : vector<1x128xf32> to vector<1000x128xf32>
    %add3A_22 = arith.addf %dot_general3A_17, %add3A_21 : vector<1000x128xf32>
    %get3A_23 = arith.constant 0 : index
    %get3A_24 = arith.constant 0 : index
    %get3A_25 = vector.load %arg3[%get3A_23, %get3A_24] : memref<1000x128xf32, #tpu.memory_space<vmem>>, vector<1000x128xf32>
    %get3A_26 = arith.constant 0 : index
    %get3A_27 = arith.constant 0 : index
    %get3A_28 = vector.load %arg6[%get3A_26, %get3A_27] : memref<128x128xf32, #tpu.memory_space<vmem>>, vector<128x128xf32>
    %dot_general3A_29 = arith.constant dense<0.000000e+00> : vector<1000x128xf32>
    %dot_general3A_30 = tpu.matmul %get3A_25, %get3A_28, %dot_general3A_29 {dimension_numbers = #tpu.dot_dimension_numbers<[1], [1], [0], [0], [0, 0, 1, 0], [], []>, transpose_lhs_hint = false} : vector<1000x128xf32>, vector<128x128xf32>, vector<1000x128xf32> -> vector<1000x128xf32>
    %add3A_31 = arith.addf %add3A_22, %dot_general3A_30 : vector<1000x128xf32>
    %max3A_32 = arith.constant 0.000000e+00 : f32
    %max3A_33 = vector.broadcast %max3A_32 : f32 to vector<1000x128xf32>
    %max3A_34 = arith.maximumf %add3A_31, %max3A_33 : vector<1000x128xf32>
    %swap3A = arith.constant 0 : index
    %swap3A_35 = arith.constant 0 : index
    %swap3A_36 = vector.load %arg7[%swap3A, %swap3A_35] : memref<1000x128xf32, #tpu.memory_space<vmem>>, vector<1000x128xf32>
    tpu.vector_store %arg7[%swap3A, %swap3A_35], %max3A_34 {strides = array<i32>} : memref<1000x128xf32, #tpu.memory_space<vmem>>, vector<1000x128xf32>,
    return
  }
  func.func @transform_0(%arg0: i32) -> (i32, i32, i32) {
    %c0_i32 = arith.constant 0 : i32
    %c0_i32_0 = arith.constant 0 : i32
    %c0_i32_1 = arith.constant 0 : i32
    return %c0_i32, %arg0, %c0_i32_0 : i32, i32, i32
  }
  func.func @transform_1(%arg0: i32) -> (i32, i32) {
    %c0_i32 = arith.constant 0 : i32
    %c0_i32_0 = arith.constant 0 : i32
    return %arg0, %c0_i32 : i32, i32
  }
  func.func @transform_2(%arg0: i32) -> (i32, i32) {
    %c0_i32 = arith.constant 0 : i32
    %c0_i32_0 = arith.constant 0 : i32
    return %arg0, %c0_i32 : i32, i32
  }
  func.func @transform_3(%arg0: i32) -> (i32, i32) {
    %c0_i32 = arith.constant 0 : i32
    %c0_i32_0 = arith.constant 0 : i32
    %c0_i32_1 = arith.constant 0 : i32
    return %c0_i32, %c0_i32_0 : i32, i32
  }
  func.func @transform_4(%arg0: i32) -> (i32, i32) {
    %c0_i32 = arith.constant 0 : i32
    %c0_i32_0 = arith.constant 0 : i32
    %c0_i32_1 = arith.constant 0 : i32
    return %c0_i32, %c0_i32_0 : i32, i32
  }
  func.func @transform_5(%arg0: i32) -> (i32, i32) {
    %c0_i32 = arith.constant 0 : i32
    %c0_i32_0 = arith.constant 0 : i32
    %c0_i32_1 = arith.constant 0 : i32
    return %c0_i32, %c0_i32_0 : i32, i32
  }
  func.func @transform_6(%arg0: i32) -> (i32, i32) {
    %c0_i32 = arith.constant 0 : i32
    %c0_i32_0 = arith.constant 0 : i32
    return %arg0, %c0_i32 : i32, i32
  }
}

module attributes {stable_mosaic.version = 14 : i64} {
  func.func @body(%arg0: i32, %arg1: memref<2x1000x128xf32, #tpu.memory_space<vmem>>, %arg2: memref<1000x128xf32, #tpu.memory_space<vmem>>, %arg3: memref<1000x128xf32, #tpu.memory_space<vmem>>, %arg4: memref<128x128xf32, #tpu.memory_space<vmem>>, %arg5: memref<1x128xf32, #tpu.memory_space<vmem>>, %arg6: memref<128x128xf32, #tpu.memory_space<vmem>>, %arg7: memref<1000x128xf32, #tpu.memory_space<vmem>>) attributes {dimension_semantics = [#tpu.dimension_semantics<arbitrary>], iteration_bounds = array<i64: 10>, scalar_prefetch = 0 : i64, scratch_operands = 0 : i64, tpu.core_type = #tpu.core_type<tc>, window_params = [{transform_indices = @transform_0, window_bounds = array<i64: 2, 1000, 128>}, {transform_indices = @transform_1, window_bounds = array<i64: 1000, 128>}, {transform_indices = @transform_2, window_bounds = array<i64: 1000, 128>}, {pipeline_mode = #tpu.pipeline_mode<synchronous>, transform_indices = @transform_3, window_bounds = array<i64: 128, 128>}, {pipeline_mode = #tpu.pipeline_mode<synchronous>, transform_indices = @transform_4, window_bounds = array<i64: 1, 128>}, {pipeline_mode = #tpu.pipeline_mode<synchronous>, transform_indices = @transform_5, window_bounds = array<i64: 128, 128>}, {transform_indices = @transform_6, window_bounds = array<i64: 1000, 128>}]} {
    %get3A = arith.constant 0 : index
    %get3A_0 = arith.constant 0 : index
    %get3A_1 = arith.constant 0 : index
    %get3A_2 = vector.load %arg1[%get3A, %get3A_0, %get3A_1] : memref<2x1000x128xf32, #tpu.memory_space<vmem>>, vector<1x1000x128xf32>
    %get3A_3 = vector.shape_cast %get3A_2 : vector<1x1000x128xf32> to vector<1000x128xf32>
    %get3A_4 = arith.constant 1 : index
    %get3A_5 = arith.constant 0 : index
    %get3A_6 = arith.constant 0 : index
    %get3A_7 = vector.load %arg1[%get3A_4, %get3A_5, %get3A_6] : memref<2x1000x128xf32, #tpu.memory_space<vmem>>, vector<1x1000x128xf32>
    %get3A_8 = vector.shape_cast %get3A_7 : vector<1x1000x128xf32> to vector<1000x128xf32>
    %add3A = arith.addf %get3A_3, %get3A_8 : vector<1000x128xf32>
    %get3A_9 = arith.constant 0 : index
    %get3A_10 = arith.constant 0 : index
    %get3A_11 = vector.load %arg2[%get3A_9, %get3A_10] : memref<1000x128xf32, #tpu.memory_space<vmem>>, vector<1000x128xf32>
    %max3A = arith.constant 1.000000e+00 : f32
    %max3A_12 = vector.broadcast %max3A : f32 to vector<1000x128xf32>
    %max3A_13 = arith.maximumf %get3A_11, %max3A_12 : vector<1000x128xf32>
    %div3A = arith.divf %add3A, %max3A_13 : vector<1000x128xf32>
    %get3A_14 = arith.constant 0 : index
    %get3A_15 = arith.constant 0 : index
    %get3A_16 = vector.load %arg4[%get3A_14, %get3A_15] : memref<128x128xf32, #tpu.memory_space<vmem>>, vector<128x128xf32>
    %dot_general3A = arith.constant dense<0.000000e+00> : vector<1000x128xf32>
    %dot_general3A_17 = tpu.matmul %div3A, %get3A_16, %dot_general3A {dimension_numbers = #tpu.dot_dimension_numbers<[1], [1], [0], [0], [0, 0, 1, 0], [], []>, transpose_lhs_hint = false} : vector<1000x128xf32>, vector<128x128xf32>, vector<1000x128xf32> -> vector<1000x128xf32>
    %get3A_18 = arith.constant 0 : index
    %get3A_19 = arith.constant 0 : index
    %get3A_20 = vector.load %arg5[%get3A_18, %get3A_19] : memref<1x128xf32, #tpu.memory_space<vmem>>, vector<1x128xf32>
    %add3A_21 = vector.broadcast %get3A_20 : vector<1x128xf32> to vector<1000x128xf32>
    %add3A_22 = arith.addf %dot_general3A_17, %add3A_21 : vector<1000x128xf32>
    %get3A_23 = arith.constant 0 : index
    %get3A_24 = arith.constant 0 : index
    %get3A_25 = vector.load %arg3[%get3A_23, %get3A_24] : memref<1000x128xf32, #tpu.memory_space<vmem>>, vector<1000x128xf32>
    %get3A_26 = arith.constant 0 : index
    %get3A_27 = arith.constant 0 : index
    %get3A_28 = vector.load %arg6[%get3A_26, %get3A_27] : memref<128x128xf32, #tpu.memory_space<vmem>>, vector<128x128xf32>
    %dot_general3A_29 = arith.constant dense<0.000000e+00> : vector<1000x128xf32>
    %dot_general3A_30 = tpu.matmul %get3A_25, %get3A_28, %dot_general3A_29 {dimension_numbers = #tpu.dot_dimension_numbers<[1], [1], [0], [0], [0, 0, 1, 0], [], []>, transpose_lhs_hint = false} : vector<1000x128xf32>, vector<128x128xf32>, vector<1000x128xf32> -> vector<1000x128xf32>
    %add3A_31 = arith.addf %add3A_22, %dot_general3A_30 : vector<1000x128xf32>
    %swap3A = arith.constant 0 : index
    %swap3A_32 = arith.constant 0 : index
    %swap3A_33 = vector.load %arg7[%swap3A, %swap3A_32] : memref<1000x128xf32, #tpu.memory_space<vmem>>, vector<1000x128xf32>
    tpu.vector_store %arg7[%swap3A, %swap3A_32], %add3A_31 {strides = array<i32>} : memref<1000x128xf32, #tpu.memory_space<vmem>>, vector<1000x128xf32>,
    return
  }
  func.func @transform_0(%arg0: i32) -> (i32, i32, i32) {
    %c0_i32 = arith.constant 0 : i32
    %c0_i32_0 = arith.constant 0 : i32
    %c0_i32_1 = arith.constant 0 : i32
    return %c0_i32, %arg0, %c0_i32_0 : i32, i32, i32
  }
  func.func @transform_1(%arg0: i32) -> (i32, i32) {
    %c0_i32 = arith.constant 0 : i32
    %c0_i32_0 = arith.constant 0 : i32
    return %arg0, %c0_i32 : i32, i32
  }
  func.func @transform_2(%arg0: i32) -> (i32, i32) {
    %c0_i32 = arith.constant 0 : i32
    %c0_i32_0 = arith.constant 0 : i32
    return %arg0, %c0_i32 : i32, i32
  }
  func.func @transform_3(%arg0: i32) -> (i32, i32) {
    %c0_i32 = arith.constant 0 : i32
    %c0_i32_0 = arith.constant 0 : i32
    %c0_i32_1 = arith.constant 0 : i32
    return %c0_i32, %c0_i32_0 : i32, i32
  }
  func.func @transform_4(%arg0: i32) -> (i32, i32) {
    %c0_i32 = arith.constant 0 : i32
    %c0_i32_0 = arith.constant 0 : i32
    %c0_i32_1 = arith.constant 0 : i32
    return %c0_i32, %c0_i32_0 : i32, i32
  }
  func.func @transform_5(%arg0: i32) -> (i32, i32) {
    %c0_i32 = arith.constant 0 : i32
    %c0_i32_0 = arith.constant 0 : i32
    %c0_i32_1 = arith.constant 0 : i32
    return %c0_i32, %c0_i32_0 : i32, i32
  }
  func.func @transform_6(%arg0: i32) -> (i32, i32) {
    %c0_i32 = arith.constant 0 : i32
    %c0_i32_0 = arith.constant 0 : i32
    return %arg0, %c0_i32 : i32, i32
  }
}

</mosaic_0001>

<sc_bundles>
// kernel: kernel.6.cloned.1.call-start
scs
__scs_entry_jumppad:
0x0: {  	(pc) =	sbr.rel $0x88, $3  }
0x1: {  	(tag) =	ssettag $0x0;
	lr =	simm.s32 $0x1  }
0x2: {  	[smem:$0x3F99] =	sst lr;
	_ =	strace $0xD0000000  }
0x3: {  	_ = 	snop  }
0x4: {  	_ = 	snop  }
0x5: {  	_ = 	snop  }
0x6: {  	_ = 	snop  }
0x7: {  	_ = 	snop  }
__scs_overlays_trampoline_lowered:
0x8: {  	[smem:$0x3FA8] =	sst s0  }
0x9: {  	[smem:$0x3FA9] =	sst s1  }
0xa: {  	[smem:$0x3FAA] =	sst s2  }
0xb: {  	[smem:$0x3FAB] =	sst s3  }
0xc: {  	[smem:$0x3FAC] =	sst s4  }
0xd: {  	[smem:$0x3FAD] =	sst s5  }
0xe: {  	[smem:$0x3FAE] =	sst s6  }
0xf: {  	[smem:$0x3FAF] =	sst s7  }
0x10: {  	[smem:$0x3FB0] =	sst s8  }
0x11: {  	[smem:$0x3FB1] =	sst s9;
	s0 =	simm.s32 @!p0 $0x0  }
0x12: {  	s1 =	sld [smem:$0x3F97];
	s0 =	simm.s32 @p0 $0x1  }
0x13: {  	[smem:$0x3FB2] =	sst s0;
	s0 =	simm.s32 @!p1 $0x0  }
0x14: {  	s2 =	sld [smem:$0x3F96];
	s0 =	simm.s32 @p1 $0x1  }
0x15: {  	[smem:$0x3FB3] =	sst s0;
	s0 =	simm.s32 @!p2 $0x0  }
0x16: {  	s3 =	sld [smem:$0x3FDB];
	s0 =	simm.s32 @p2 $0x1  }
0x17: {  	s4 =	simm.s32 $0x1BF5;
	[smem:$0x3FB5] =	sst s0  }
0x18: {  	s0 =	sld [smem:$0x3F98];
	_ =	swait.ge [sflag:s4], $0x0  }
0x19: {  	s7 =	sld [smem:$0x3F99]  }
0x1a: {  	s8 =	sadd.s32 $0xFFFFE003, lr  }
0x1b: {  	s9 =	sadd.s32 $0xFFFFFEF7, lr;
	s5 =	simm.s32 $0xFFFFFFFF;
	p2 =	slt.u32 s8, $0xFFFFF086  }
0x1c: {  	p1 =	slt.u32 s9, $0xF7A;
	s5 =	simm.s32 @!p2 $0x0  }
0x1d: {  	s5 =	simm.s32 @p1 $0x1;
	p0 =	seq.s32 s7, s2  }
0x1e: {  	s7 =	smul.u32 @!p0 $0xF7A, s2;
	p2 =	seq.s32 @!p0 s5, $0x0  }
0x1f: {  	s9 =	smul.u32 $0xF7A, s1;
	s8 =	simm.s32 @!p0 $0x1BF5;
	p2 =	por !p2, p0  }
0x20: {  	[sflag:s8] =	ssyncset.s32 @!p0 $0xFFFFF086;
	s6 =	sadd.s32 @!p0 s3, s7;
	s7 =	simm.s32 @!p0 $0x108  }
0x21: {  	s3 =	sadd.s32 s3, s9;
	s6 =	sadd.s32 @!p0 $0x88, s6;
	s7 =	simm.s32 @p2 $0x1082  }
0x22: {  	[simem:s7], [sflag:s8] =	dma.local @!p0 [hbm:s6], $0xF7A  }
0x23: {  	s9 =	sor.u32 $0xD0000000, s2;
	s6 =	simm.s32 $0x108;
	_ =	swait.ge @!p0 [sflag:s8], $0x0  }
0x24: {  	s3 =	sadd.s32 $0x88, s3;
	s6 =	simm.s32 @!p1 $0x1082;
	[sflag:s4] =	ssyncset.s32 $0xFFFFF086  }
0x25: {  	[simem:s6], [sflag:s4] =	dma.local [hbm:s3], $0xF7A  }
0x26: {  	[smem:$0x3F99] =	sst s1;
	(tag) =	ssettag s2;
	_ =	strace s9  }
0x27: {  	s1 =	sld [smem:$0x3FA9]  }
0x28: {  	s2 =	sld [smem:$0x3FAA]  }
0x29: {  	s4 =	sld [smem:$0x3FAC]  }
0x2a: {  	p0 =	seq.s32 s5, $0x0;
	s5 =	sld [smem:$0x3FAD]  }
0x2b: {  	s6 =	sld [smem:$0x3FAE]  }
0x2c: {  	s7 =	sld [smem:$0x3FAF]  }
0x2d: {  	s3 =	simm.s32 $0x108;
	s8 =	sld [smem:$0x3FB0]  }
0x2e: {  	s3 =	simm.s32 @!p0 $0x1082;
	s9 =	sld [smem:$0x3FB1]  }
0x2f: {  	lr =	sadd.s32 s0, s3;
	s0 =	sld [smem:$0x3FA8]  }
0x30: {  	s3 =	sld [smem:$0x3FAB]  }
0x31: {  	[smem:$0x3FB4] =	sst s10  }
0x32: {  	s10 =	sld [smem:$0x3FB2];
	_ =	sdelay $0x3  }
0x33: {  	p0 =	seq.s32 s10, $0x1;
	s10 =	sld [smem:$0x3FB4];
	_ =	sdelay $0x3  }
0x34: {  	[smem:$0x3FB4] =	sst s10  }
0x35: {  	s10 =	sld [smem:$0x3FB3];
	_ =	sdelay $0x3  }
0x36: {  	p1 =	seq.s32 s10, $0x1;
	s10 =	sld [smem:$0x3FB4];
	_ =	sdelay $0x3  }
0x37: {  	[smem:$0x3FB4] =	sst s10  }
0x38: {  	s10 =	sld [smem:$0x3FB5]  }
0x39: {  	_ = 	snop;
	(pc) =	sbr.ind lr, $3  }
0x3a: {  	_ = 	snop  }
0x3b: {  	_ = 	snop  }
0x3c: {  	p2 =	seq.s32 s10, $0x1;
	s10 =	sld [smem:$0x3FB4]  }
0x3d: {  	_ =	shalt  }
0x3e: {  	_ =	shalt  }
0x3f: {  	_ =	shalt  }
0x40: {  	_ =	shalt  }
0x41: {  	_ =	shalt  }
0x42: {  	_ =	shalt  }
0x43: {  	_ =	shalt  }
0x44: {  	_ =	shalt  }
0x45: {  	_ =	shalt  }
0x46: {  	_ =	shalt  }
0x47: {  	_ =	shalt  }
0x48: {  	_ =	shalt  }
0x49: {  	_ =	shalt  }
0x4a: {  	_ =	shalt  }
0x4b: {  	_ =	shalt  }
0x4c: {  	_ =	shalt  }
0x4d: {  	_ =	shalt  }
0x4e: {  	_ =	shalt  }
0x4f: {  	_ =	shalt  }
0x50: {  	_ =	shalt  }
0x51: {  	_ =	shalt  }
0x52: {  	_ =	shalt  }
0x53: {  	_ =	shalt  }
0x54: {  	_ =	shalt  }
0x55: {  	_ =	shalt  }
0x56: {  	_ =	shalt  }
0x57: {  	_ =	shalt  }
0x58: {  	_ =	shalt  }
0x59: {  	_ =	shalt  }
0x5a: {  	_ =	shalt  }
0x5b: {  	_ =	shalt  }
0x5c: {  	_ =	shalt  }
0x5d: {  	_ =	shalt  }
0x5e: {  	_ =	shalt  }
0x5f: {  	_ =	shalt  }
0x60: {  	_ =	shalt  }
0x61: {  	_ =	shalt  }
0x62: {  	_ =	shalt  }
0x63: {  	_ =	shalt  }
0x64: {  	_ =	shalt  }
0x65: {  	_ =	shalt  }
0x66: {  	_ =	shalt  }
0x67: {  	_ =	shalt  }
0x68: {  	_ =	shalt  }
0x69: {  	_ =	shalt  }
0x6a: {  	_ =	shalt  }
0x6b: {  	_ =	shalt  }
0x6c: {  	_ =	shalt  }
0x6d: {  	_ =	shalt  }
0x6e: {  	_ =	shalt  }
0x6f: {  	_ =	shalt  }
0x70: {  	_ =	shalt  }
0x71: {  	_ =	shalt  }
0x72: {  	_ =	shalt  }
0x73: {  	_ =	shalt  }
0x74: {  	_ =	shalt  }
0x75: {  	_ =	shalt  }
0x76: {  	_ =	shalt  }
0x77: {  	_ =	shalt  }
0x78: {  	_ =	shalt  }
0x79: {  	_ =	shalt  }
0x7a: {  	_ =	shalt  }
0x7b: {  	_ =	shalt  }
0x7c: {  	_ =	shalt  }
0x7d: {  	_ =	shalt  }
0x7e: {  	_ =	shalt  }
0x7f: {  	_ =	shalt  }
0x80: {  	_ =	shalt  }
0x81: {  	_ =	shalt  }
0x82: {  	_ =	shalt  }
0x83: {  	_ =	shalt  }
0x84: {  	_ =	shalt  }
0x85: {  	_ =	shalt  }
0x86: {  	_ =	shalt  }
0x87: {  	_ =	shalt  }
.Lfunc_end0:
.L_simem_size_0:
called_computation_lowered:
.L_overlay_start_0:
0x88: {  	s2 =	sld [smem:$0x3FD9]  }
0x89: {  	s3 =	sld [smem:$0x3FFE];
	_ =	sdelay $0x1  }
0x8a: {  	s1 =	srdreg.scid  }
0x8b: {  	s0 =	sand.u32 $0x1, s1  }
0x8c: {  	s17 =	sshll.u32 s0, $0xA;
	s2 =	sadd.s32 s3, s2  }
0x8d: {  	s2 =	sadd.s32 s2, s17  }
0x8e: {  	[smem:$0x3FC0] =	sst s2  }
0x8f: {  	_ = 	snop  }
0x90: {  	s2 =	sld [smem:$0x3FC9]  }
0x91: {  	s18 =	sld [smem:$0x3FD0];
	(tm) =	ssettm $0x1  }
0x92: {  	s4 =	sld [smem:$0x3FFB];
	_ =	sdelay $0x3  }
0x93: {  	_ =	strace s4  }
0x94: {  	s4 =	sld [smem:$0x3FFC];
	_ =	sdelay $0x3  }
0x95: {  	_ =	strace s4  }
0x96: {  	s4 =	sld [smem:$0x3FFD];
	_ =	sdelay $0x3  }
0x97: {  	_ =	strace s4  }
0x98: {  	_ =	strace $0x8FFFFFFF  }
0x99: {  	s19 =	sld [smem:$0x3FDB];
	_ =	sdelay $0x1  }
0x9a: {  	s5 =	simm.s32 $_scs_section_size  }
0x9b: {  	s6 =	simm.s32 $_size__tile_overlayer_lowered;
	s7 =	simm.s32 $_tile_overlayer_lowered  }
0x9c: {  	s22 =	simm.s32 $0x1BFF;
	s21 =	sshll.u32 s7, $0x1;
	s4 =	sadd.s32 s5, s19  }
0x9d: {  	s8 =	simm.s32 $0x0;
	s20 =	sshll.u32 s6, $0x1;
	s6 =	sadd.s32 s21, s4  }
0x9e: {  	[timem:s8], [sflag:s22] =	dma.local [hbm:s6], s20  }
0x9f: {  	_ =	swait.ge [sflag:s22], s20  }
0xa0: {  	s5 =	ssub.s32 $0x0, s20;
	[sflag:s22] =	ssyncset.done $0x0  }
0xa1: {  	[sflag:s22] =	ssyncadd.s32 s5;
	_ =	sdelay $0x1  }
0xa2: {  	s23 =	simm.s32 $0x1B8B  }
0xa3: {  	_ =	swait.ge [sflag:s23], $0x1  }
0xa4: {  	[sflag:s23] =	ssyncset.done $0x0  }
0xa5: {  	s25 =	simm.s32 $0x1B8E;
	s24 =	sld [smem:$0x3FFE];
	[sflag:s23] =	ssyncadd.s32 $0xFFFFFFFF  }
0xa6: {  	s26 =	simm.s32 $execute0_lowered;
	[smem:$0x3FD2] =	sst s25  }
0xa7: {  	s6 =	sshll.u32 s26, $0x1;
	_ =	strace $0x80000046;
	[dreg:$0x1] =	wrdreg $0xFFFFFFFF  }
0xa8: {  	s28 =	simm.s32 $_size_execute0_lowered;
	s4 =	sadd.s32 s4, s6;
	[dreg:$0x0] =	wrdreg $0x0  }
0xa9: {  	s6 =	sshll.u32 s28, $0x1;
	[dreg:$0x2] =	wrdreg s4  }
0xaa: {  	[dreg:$0x3] =	wrdreg s6  }
0xab: {  	[dreg:$0x4] =	wrdreg $0xC0  }
0xac: {  	_ =	task [dreg:s8], $0x5FFFF  }
0xad: {  	[dreg:$0x1] =	wrdreg $0xFFFFFFFF  }
0xae: {  	[dreg:$0x0] =	wrdreg $0x60  }
0xaf: {  	[dreg:$0x2] =	wrdreg s2  }
0xb0: {  	[dreg:$0x3] =	wrdreg s24  }
0xb1: {  	[dreg:$0x4] =	wrdreg s18  }
0xb2: {  	[dreg:$0x5] =	wrdreg $0x7F800  }
0xb3: {  	[dreg:$0x6] =	wrdreg $0x1BB800  }
0xb4: {  	[dreg:$0x7] =	wrdreg $0x9  }
0xb5: {  	_ =	task.clear_ibuf [dreg:s8], $0x8FFFF;
	_ =	strace $0x90000046  }
0xb6: {  	s29 =	simm.s32 $0x9;
	_ =	strace $0x80000048  }
0xb7: {  	_ =	swait.ge [sflag:s29], $0x1  }
0xb8: {  	[sflag:s29] =	ssyncadd.s32 $0xFFFFFFFF  }
0xb9: {  	_ =	strace $0x90000048  }
0xba: {  	_ =	sfence  }
0xbb: {  	s30 =	sld [smem:$0x0];
	_ =	sdelay $0x2  }
0xbc: {  	s31 =	sshll.u32 s1, $0xD;
	s1 =	sshrl.u32 s1, $0x2  }
0xbd: {  	s3 =	sand.u32 $0x4000, s31;
	s1 =	sadd.s32 s1, s30  }
0xbe: {  	s0 =	sor.u32 s3, s0;
	s1 =	sshll.u32 s1, $0x11  }
0xbf: {  	s0 =	sor.u32 s1, s0  }
0xc0: {  	s0 =	sadd.s32 $0x8F2B, s0  }
0xc1: {  	[sflag:s0] =	ssyncadd.remote.s32 $0x1  }
0xc2: {  	_ =	sfence.sel $0xFFFF  }
0xc3: {  	[dreg:$0x0] =	wrdreg $0xFFFFFFFF;
	(pc) =	sbr.abs _section_cstart, $3  }
0xc4: {  	[dreg:$0x1] =	wrdreg $0xFFFFFFFF  }
0xc5: {  	_ =	task.clear_ibuf [dreg:s8], $0x2FFFF;
	_ =	strace $0x9FFFFFFF  }
0xc6: {  	(tm) =	ssettm $0x7FFFFFFF  }
0xc7: {  	_ =	shalt  }
tec
execute0_lowered:
.L_overlay_start_1:
0x0: {  	(tag) =	ssettag $0x1  }
0x1: {  	s0 =	rddreg [dreg:$0x0]  }
0x2: {  	s1 =	rddreg [dreg:$0x1]  }
0x3: {  	s2 =	rddreg [dreg:$0x2]  }
0x4: {  	s3 =	rddreg [dreg:$0x3];
	s14 =	stileid.u32  }
0x5: {  	s5 =	srdreg.scid;
	s11 =	smul.u32 $0x4F000, s14  }
0x6: {  	s4 =	rddreg [dreg:$0x4];
	s31 =	simm.s32 $0x7800;
	s26 =	smul.u32 $0x278, s14  }
0x7: {  	s28 =	simm.s32 $0xB;
	s29 =	simm.s32 $0x9;
	s20 =	smul.u32 $0x500, s14  }
0x8: {  	s30 =	simm.s32 $0xC;
	s7 =	sand.u32 $0x1, s5;
	s21 =	smul.u32 $0x13C00, s14  }
0x9: {  	s6 =	sshll.u32 s14, $0x1;
	s5 =	simm.s32 $0x0;
	s23 =	smul.u32 $0xA00, s14  }
0xa: {  	s25 =	smul.u32 $0x9C40, s14;
	p0 =	seq.s32 s14, $0xF;
	s14 =	simm.s32 $0x3  }
0xb: {  	s6 =	sor.u32 s7, s6;
	[smem:$0x7FF] =	sst s5;
	s9 =	ssub.s32 $0x2, s7  }
0xc: {  	s8 =	smul.u32 $0x4E20, s6;
	s6 =	sadd.s32 $0x1C00, s1;
	s16 =	sshrl.u32 s11, $0x2  }
0xd: {  	_ =	strace $0x80000047;
	s16 =	sadd.s32 s16, s3;
	[dreg:$0x1d] =	wrdreg s6  }
0xe: {  	s10 =	sshrl.u32 s9, $0x1;
	s18 =	sadd.s32 $0x2800, s16;
	[dreg:$0x9] =	wrdreg s16  }
0xf: {  	s1 =	sadd.s32 $0x15600, s1;
	s19 =	sadd.s32 $0x5000, s16;
	[dreg:$0xa] =	wrdreg s18  }
0x10: {  	s9 =	ssub.s32 s9, s10;
	s12 =	sadd.s32 $0x7800, s16;
	[dreg:$0xb] =	wrdreg s19  }
0x11: {  	s10 =	smul.u32 $0x138800, s7;
	s22 =	sadd.s32 $0xC800, s16;
	[dreg:$0xc] =	wrdreg s12  }
0x12: {  	s8 =	sshrl.u32 s8, $0x3;
	s9 =	smax.u32 s9, $0x1;
	[dreg:$0xe] =	wrdreg s22  }
0x13: {  	s15 =	sadd.s32 s6, s8;
	s8 =	sadd.s32 s26, s4;
	[dreg:$0x13] =	wrdreg s9  }
0x14: {  	s24 =	sshll.u32 s26, $0x7;
	s12 =	sadd.s32 s21, s10;
	[dreg:$0x10] =	wrdreg s8  }
0x15: {  	s9 =	simm.s32 $0x0;
	s13 =	sadd.s32 $0x14, s15;
	[dreg:$0x6] =	wrdreg s15  }
0x16: {  	s17 =	sadd.s32 $0x28, s15;
	s12 =	sshrl.u32 s12, $0x3;
	[dreg:$0x7] =	wrdreg s13  }
0x17: {  	[dreg:$0x8] =	wrdreg s17;
	s13 =	sshll.u32 s7, $0x7;
	s17 =	sadd.s32 $0xA000, s16  }
0x18: {  	s7 =	smul.u32 $0x4E20, s7;
	s26 =	sadd.s32 s1, s12;
	[dreg:$0xd] =	wrdreg s17  }
0x19: {  	s11 =	sor.u32 s13, s20;
	[dreg:$0x11] =	wrdreg s26;
	s13 =	sshrl.u32 s23, $0x2  }
0x1a: {  	s23 =	sadd.s32 $0xF000, s16;
	s26 =	sadd.s32 $0x9B0, s15;
	s11 =	sshrl.u32 s11, $0x3  }
0x1b: {  	s7 =	sadd.s32 s7, s25;
	[dreg:$0x18] =	wrdreg s23;
	s25 =	sadd.s32 $0x99C, s15  }
0x1c: {  	[dreg:$0x1b] =	wrdreg s26;
	s15 =	simm.s32 $0x5000;
	s23 =	simm.s32 $0x7C00  }
0x1d: {  	s26 =	simm.s32 $0x7;
	s2 =	sadd.s32 s2, s11;
	s17 =	sadd.s32 $0x320, s7  }
0x1e: {  	s18 =	sadd.s32 $0x280, s7;
	s20 =	sadd.s32 $0x1E0, s7;
	[dreg:$0x1a] =	wrdreg s25  }
0x1f: {  	s11 =	simm.s32 $0x2;
	s25 =	simm.s32 $0x6;
	s7 =	simm.s32 $0x8  }
0x20: {  	[dreg:$0xf] =	wrdreg s2;
	s2 =	sadd.s32 $0x10400, s24;
	s19 =	sshrl.u32 s18, $0x3  }
0x21: {  	[dreg:$0x15] =	wrdreg s20;
	s24 =	sadd.s32 $0x11800, s16;
	s16 =	simm.s32 $0xA  }
0x22: {  	s18 =	simm.s32 $0x4;
	s20 =	simm.s32 $0x5;
	s12 =	sadd.s32 s10, s2  }
0x23: {  	s10 =	sadd.s32 s13, s4;
	s2 =	sadd.s32 s2, s3;
	s22 =	sadd.s32 s19, s6  }
0x24: {  	[dreg:$0x19] =	wrdreg s24;
	s13 =	simm.s32 $0x2800;
	s19 =	simm.s32 $0x7C80  }
0x25: {  	s24 =	simm.s32 $0x7B80;
	s8 =	sshrl.u32 s12, $0x3;
	s21 =	sshrl.u32 s10, $0x3  }
.Ltmp0:
0x26: {  	[dreg:$0x1c] =	wrdreg s22;
	s1 =	sadd.s32 s1, s8;
	(pc) =	sbr.rel .LBB2_1-.Ltmp0, $4  }
0x27: {  	s12 =	simm.s32 $0x50;
	[dreg:$0x12] =	wrdreg s1;
	s1 =	sshrl.u32 s17, $0x3  }
0x28: {  	[dreg:$0x16] =	wrdreg s21;
	s8 =	simm.s32 $0x7A00;
	s1 =	sadd.s32 s1, s6  }
0x29: {  	s17 =	simm.s32 $0x1;
	[dreg:$0x14] =	wrdreg s1;
	s1 =	sshrl.u32 @!p0 s2, $0x3  }
0x2a: {  	v0 =	vimm.f32 $0.0e+00;
	v1 =	vimm.f32 $1.000000000e+00;
	s2 =	simm.s32 $0x7900;
	[dreg:$0x17] =	wrdreg s1;
	s1 =	simm.s32 $0x7B00  }
.LBB2_6:
0x2b: {  	s6 =	rddreg [dreg:$0x1a]  }
0x2c: {  	[tilespmem:s31], [sflag:$0x1] =	stream.linear.gather [hbm4b:s6+s5], $0xA0, $0x38;
	[tilespmem:$0x1BE00] =	vst v63  }
0x2d: {  	s22 =	rddreg [dreg:$0x1b]  }
0x2e: {  	[tilespmem:s2], [sflag:$0x2] =	stream.linear.gather [hbm4b:s22+s5], $0xA0, $0x38;
	[tilespmem:$0x1BE00] =	vst v63  }
0x2f: {  	_ =	swait.ge [sflag:s26], $0x2800  }
0x30: {  	[sflag:s26] =	ssyncset.done $0x0  }
0x31: {  	[sflag:s26] =	ssyncadd.s32 $0xFFFFD800  }
0x32: {  	_ =	swait.ge [sflag:s16], $0x50  }
0x33: {  	[sflag:s16] =	ssyncset.done $0x0  }
0x34: {  	[sflag:s16] =	ssyncadd.s32 $0xFFFFFFB0  }
0x35: {  	_ =	swait.ge [sflag:s17], $0xA0  }
0x36: {  	[sflag:s17] =	ssyncset.done $0x0  }
0x37: {  	[sflag:s17] =	ssyncadd.s32 $0xFFFFFF60  }
0x38: {  	[tilespmem:s5], [sflag:$0x4] =	stream.indirect.gather [hbm4b:s0+s12], $0x80, s31, s12, $0xb8;
	[tilespmem:$0x1BE00] =	vst v63  }
0x39: {  	_ =	swait.ge [sflag:s7], $0x2800  }
0x3a: {  	[sflag:s7] =	ssyncset.done $0x0  }
0x3b: {  	[sflag:s7] =	ssyncadd.s32 $0xFFFFD800  }
0x3c: {  	_ =	swait.ge [sflag:s28], $0x50  }
0x3d: {  	[sflag:s28] =	ssyncset.done $0x0  }
0x3e: {  	[sflag:s28] =	ssyncadd.s32 $0xFFFFFFB0  }
0x3f: {  	_ =	swait.ge [sflag:s11], $0xA0  }
0x40: {  	[sflag:s11] =	ssyncset.done $0x0  }
0x41: {  	[sflag:s11] =	ssyncadd.s32 $0xFFFFFF60  }
0x42: {  	[tilespmem:s13], [sflag:$0x5] =	stream.indirect.gather [hbm4b:s0+s12], $0x80, s2, s12, $0xb8;
	[tilespmem:$0x1BE00] =	vst v63  }
0x43: {  	_ =	swait.ge [sflag:s18], $0x2800  }
0x44: {  	[sflag:s18] =	ssyncset.done $0x0  }
0x45: {  	[sflag:s18] =	ssyncadd.s32 $0xFFFFD800  }
0x46: {  	v2 =	vld [tilespmem:$0x7850]  }
0x47: {  	v3 =	vld [tilespmem:$0x7860]  }
0x48: {  	v4 =	vld [tilespmem:$0x7870]  }
0x49: {  	v5 =	vld [tilespmem:$0x7880]  }
0x4a: {  	v6 =	vld [tilespmem:$0x7890]  }
0x4b: {  	[tilespmem:$0x7B00] =	vst v2  }
0x4c: {  	[tilespmem:$0x7B10] =	vst v3  }
0x4d: {  	[tilespmem:$0x7B20] =	vst v4  }
0x4e: {  	[tilespmem:$0x7B30] =	vst v5  }
0x4f: {  	[tilespmem:$0x7B40] =	vst v6  }
0x50: {  	[spmem:s3] =	stream.indirect.scatter.add.f32 [tilespmem:s5], [sflag:$0x7], $0x80, s1, s12, $0xb8;
	[tilespmem:$0x1BE00] =	vst v63  }
0x51: {  	_ = 	snop  }
0x52: {  	[spmem:s4] =	stream.indirect.scatter.add.f32 [tilespmem:s19], [sflag:$0xA], $0x1, s1, s12, $0xb8;
	[tilespmem:$0x1BE00] =	vst v63  }
0x53: {  	_ =	swait.ge [sflag:s20], $0x2800  }
0x54: {  	[sflag:s20] =	ssyncset.done $0x0  }
0x55: {  	[sflag:s20] =	ssyncadd.s32 $0xFFFFD800  }
0x56: {  	v2 =	vld [tilespmem:$0x7950]  }
0x57: {  	v3 =	vld [tilespmem:$0x7960]  }
0x58: {  	v61 =	vld [tilespmem:$0x7970]  }
0x59: {  	v62 =	vld [tilespmem:$0x7980]  }
0x5a: {  	v63 =	vld [tilespmem:$0x7990]  }
0x5b: {  	[tilespmem:$0x7B80] =	vst v2  }
0x5c: {  	[tilespmem:$0x7B90] =	vst v3  }
0x5d: {  	[tilespmem:$0x7BA0] =	vst v61  }
0x5e: {  	[tilespmem:$0x7BB0] =	vst v62  }
0x5f: {  	[tilespmem:$0x7BC0] =	vst v63  }
0x60: {  	[spmem:s3] =	stream.indirect.scatter.add.f32 [tilespmem:s13], [sflag:$0x8], $0x80, s24, s12, $0xb8;
	[tilespmem:$0x1BE00] =	vst v63  }
0x61: {  	_ = 	snop  }
0x62: {  	[spmem:s4] =	stream.indirect.scatter.add.f32 [tilespmem:s19], [sflag:$0xB], $0x1, s24, s12, $0xb8;
	[tilespmem:$0x1BE00] =	vst v63  }
0x63: {  	_ =	swait.ge [sflag:s26], $0x2800  }
0x64: {  	[sflag:s26] =	ssyncset.done $0x0  }
0x65: {  	[sflag:s26] =	ssyncadd.s32 $0xFFFFD800  }
0x66: {  	_ =	swait.ge [sflag:s16], $0x50  }
0x67: {  	[sflag:s16] =	ssyncset.done $0x0  }
0x68: {  	[sflag:s16] =	ssyncadd.s32 $0xFFFFFFB0  }
0x69: {  	_ =	swait.ge [sflag:s7], $0x2800  }
0x6a: {  	[sflag:s7] =	ssyncset.done $0x0  }
0x6b: {  	[sflag:s7] =	ssyncadd.s32 $0xFFFFD800  }
0x6c: {  	_ =	swait.ge [sflag:s28], $0x50  }
0x6d: {  	[sflag:s28] =	ssyncset.done $0x0  }
0x6e: {  	[sflag:s28] =	ssyncadd.s32 $0xFFFFFFB0  }
0x6f: {  	_ =	swait.ge [sflag:s29], $0x2800  }
0x70: {  	[sflag:s29] =	ssyncset.done $0x0  }
0x71: {  	[sflag:s29] =	ssyncadd.s32 $0xFFFFD800  }
0x72: {  	_ =	swait.ge [sflag:s30], $0x50  }
0x73: {  	[sflag:s30] =	ssyncset.done $0x0  }
0x74: {  	[sflag:s30] =	ssyncadd.s32 $0xFFFFFFB0  }
0x75: {  	s9 =	stileid.u32;
	[bflag:$0x0] =	sbarrier.arrive $0xFFFF  }
0x76: {  	s6 =	sshll.u32 s9, $0x6;
	s10 =	rddreg [dreg:$0x9]  }
0x77: {  	s21 =	sor.u32 $0x1C01, s6;
	s9 =	rddreg [dreg:$0x11];
	s10 =	sshrl.u32 s10, $0x3  }
0x78: {  	[hbm:s9], [sflag:s21] =	dma.local [spmem:s10], $0x2080  }
0x79: {  	s6 =	sor.u32 $0x1C02, s6;
	s9 =	rddreg [dreg:$0xf]  }
0x7a: {  	s22 =	simm.s32 $0x20;
	s21 =	simm.s32 $0x10;
	s10 =	rddreg [dreg:$0x16]  }
0x7b: {  	[hbm:s9@s22], [sflag:s6] =	dma.strided [spmem:s10@s21], $0x50, s17, $0x10   }
0x7c: {  	s6 =	stileid.u32;
	s22 =	rddreg [dreg:$0x1c]  }
0x7d: {  	s6 =	sshll.u32 @!p0 s6, $0x6;
	s10 =	rddreg [dreg:$0x12]  }
0x7e: {  	s9 =	rddreg [dreg:$0x17];
	s6 =	sor.u32 @!p0 $0x1C0D, s6  }
0x7f: {  	[hbm:s10], [sflag:s6] =	dma.local @!p0 [spmem:s9], $0x700  }
0x80: {  	s6 =	simm.s32 @!p0 $0xD  }
0x81: {  	_ =	swait.ge @!p0 [sflag:s6], $0x700  }
0x82: {  	[sflag:s6] =	ssyncset.done @!p0 $0x0  }
0x83: {  	[sflag:s6] =	ssyncadd.s32 @!p0 $0xFFFFF900  }
0x84: {  	_ =	swait.ge [sflag:s17], $0x2080  }
0x85: {  	[sflag:s17] =	ssyncset.done $0x0  }
0x86: {  	[sflag:s17] =	ssyncadd.s32 $0xFFFFDF80  }
0x87: {  	_ =	swait.ge [sflag:s11], $0x50  }
0x88: {  	s10 =	rddreg [dreg:$0x1e]  }
0x89: {  	s21 =	rddreg [dreg:$0x13];
	s9 =	sadd.s32 $0x1, s10  }
0x8a: {  	p1 =	sne.s32 s9, s21  }
.Ltmp1:
0x8b: {  	_ = 	snop;
	(pc) =	sbr.rel @!p1 .LBB2_7-.Ltmp1, $3  }
0x8c: {  	_ =	sdelay $0x1  }
0x8d: {  	[sflag:s11] =	ssyncset.done $0x0  }
0x8e: {  	[sflag:s11] =	ssyncadd.s32 $0xFFFFFFB0  }
.LBB2_1:
0x8f: {  	[dreg:$0x1e] =	wrdreg s9;
	s9 =	simm.s32 $0x0;
	s10 =	simm.s32 $0x200  }
.LBB2_2:
0x90: {  	p1 =	sne.s32 s10, $0x9E00;
	[tilespmem:s9+$0x70] =	vst v0  }
0x91: {  	[tilespmem:s9+$0x0] =	vst v0  }
0x92: {  	[tilespmem:s9+$0x10] =	vst v0  }
.Ltmp2:
0x93: {  	[tilespmem:s9+$0x20] =	vst v0;
	(pc) =	sbr.rel @p1 .LBB2_2-.Ltmp2, $4  }
0x94: {  	[tilespmem:s9+$0x30] =	vst v0  }
0x95: {  	[tilespmem:s9+$0x40] =	vst v0  }
0x96: {  	[tilespmem:s9+$0x50] =	vst v0  }
0x97: {  	[tilespmem:s9+$0x60] =	vst v0;
	s9 =	sshra.s32 s10, $0x2;
	s10 =	sadd.s32 $0x200, s10  }
0x98: {  	[tilespmem:s9+$0x70] =	vst v0  }
0x99: {  	[tilespmem:s9+$0x0] =	vst v0  }
0x9a: {  	[tilespmem:s9+$0x10] =	vst v0  }
0x9b: {  	[tilespmem:s9+$0x20] =	vst v0  }
0x9c: {  	[tilespmem:s9+$0x30] =	vst v0  }
0x9d: {  	[tilespmem:s9+$0x40] =	vst v0  }
0x9e: {  	[tilespmem:s9+$0x50] =	vst v0  }
0x9f: {  	[tilespmem:s9+$0x60] =	vst v0  }
0xa0: {  	[tilespmem:$0x7C80] =	vst v1  }
0xa1: {  	[tilespmem:$0x7C90] =	vst v1  }
0xa2: {  	[tilespmem:$0x7CA0] =	vst v1  }
0xa3: {  	[tilespmem:$0x7CB0] =	vst v1  }
0xa4: {  	[tilespmem:$0x7CC0] =	vst v1  }
0xa5: {  	[tilespmem:$0x7D00] =	vst v0  }
0xa6: {  	[tilespmem:$0x7D10] =	vst v0  }
0xa7: {  	[tilespmem:$0x7D20] =	vst v0  }
0xa8: {  	[tilespmem:$0x7D30] =	vst v0  }
0xa9: {  	[tilespmem:$0x7D40] =	vst v0  }
0xaa: {  	[tilespmem:$0x7D50] =	vst v0  }
0xab: {  	[tilespmem:$0x7D60] =	vst v0  }
0xac: {  	[tilespmem:$0x7D70] =	vst v0  }
0xad: {  	[tilespmem:$0x7D80] =	vst v0  }
0xae: {  	[tilespmem:$0x7D90] =	vst v0  }
0xaf: {  	[tilespmem:$0x7DA0] =	vst v0  }
0xb0: {  	[tilespmem:$0x7DB0] =	vst v0  }
0xb1: {  	[tilespmem:$0x7DC0] =	vst v0  }
0xb2: {  	[tilespmem:$0x7DD0] =	vst v0  }
0xb3: {  	[tilespmem:$0x7DE0] =	vst v0  }
0xb4: {  	[tilespmem:$0x7DF0] =	vst v0  }
0xb5: {  	[tilespmem:$0x7E00] =	vst v0  }
0xb6: {  	[tilespmem:$0x7E10] =	vst v0  }
0xb7: {  	[tilespmem:$0x7E20] =	vst v0  }
0xb8: {  	[tilespmem:$0x7E30] =	vst v0  }
0xb9: {  	[tilespmem:$0x7E40] =	vst v0  }
0xba: {  	[tilespmem:$0x7E50] =	vst v0  }
0xbb: {  	[tilespmem:$0x7E60] =	vst v0  }
0xbc: {  	[tilespmem:$0x7E70] =	vst v0  }
0xbd: {  	[tilespmem:$0x7E80] =	vst v0  }
0xbe: {  	[tilespmem:$0x7E90] =	vst v0  }
0xbf: {  	[tilespmem:$0x7EA0] =	vst v0  }
0xc0: {  	[tilespmem:$0x7EB0] =	vst v0  }
0xc1: {  	[tilespmem:$0x7EC0] =	vst v0  }
0xc2: {  	[tilespmem:$0x7ED0] =	vst v0  }
0xc3: {  	[tilespmem:$0x7EE0] =	vst v0  }
0xc4: {  	[tilespmem:$0x7EF0] =	vst v0  }
0xc5: {  	[tilespmem:$0x7F00] =	vst v0  }
0xc6: {  	[tilespmem:$0x7F10] =	vst v0  }
0xc7: {  	[tilespmem:$0x7F20] =	vst v0  }
0xc8: {  	[tilespmem:$0x7F30] =	vst v0  }
0xc9: {  	[tilespmem:$0x7F40] =	vst v0  }
0xca: {  	[tilespmem:$0x7F50] =	vst v0  }
0xcb: {  	[tilespmem:$0x7F60] =	vst v0  }
0xcc: {  	s10 =	simm.s32 $0x0;
	s6 =	rddreg [dreg:$0x6];
	[tilespmem:$0x7F68] =	vst v0  }
0xcd: {  	[tilespmem:s31], [sflag:$0x1] =	stream.linear.gather [hbm4b:s6+s10], $0xA0, $0x38;
	[tilespmem:$0x1BE00] =	vst v63  }
0xce: {  	s9 =	rddreg [dreg:$0x7]  }
0xcf: {  	[tilespmem:s2], [sflag:$0x2] =	stream.linear.gather [hbm4b:s9+s10], $0xA0, $0x38;
	[tilespmem:$0x1BE00] =	vst v63  }
0xd0: {  	s21 =	rddreg [dreg:$0x8]  }
0xd1: {  	[tilespmem:s8], [sflag:$0x3] =	stream.linear.gather [hbm4b:s21+s10], $0xA0, $0x38;
	[tilespmem:$0x1BE00] =	vst v63  }
0xd2: {  	s9 =	rddreg [dreg:$0x9]  }
0xd3: {  	[spmem:s9] =	stream.linear.scatter [tilespmem:s10], [sflag:$0xA], $0x2800, $0x38;
	[tilespmem:$0x1BE00] =	vst v63  }
0xd4: {  	s21 =	rddreg [dreg:$0xa]  }
0xd5: {  	[spmem:s21] =	stream.linear.scatter [tilespmem:s10], [sflag:$0xA], $0x2800, $0x38;
	[tilespmem:$0x1BE00] =	vst v63  }
0xd6: {  	s9 =	rddreg [dreg:$0xb]  }
0xd7: {  	[spmem:s9] =	stream.linear.scatter [tilespmem:s10], [sflag:$0xA], $0x2800, $0x38;
	[tilespmem:$0x1BE00] =	vst v63  }
0xd8: {  	s21 =	rddreg [dreg:$0xc]  }
0xd9: {  	[spmem:s21] =	stream.linear.scatter [tilespmem:s10], [sflag:$0xA], $0x2800, $0x38;
	[tilespmem:$0x1BE00] =	vst v63  }
0xda: {  	s9 =	rddreg [dreg:$0xd]  }
0xdb: {  	[spmem:s9] =	stream.linear.scatter [tilespmem:s10], [sflag:$0xA], $0x2800, $0x38;
	[tilespmem:$0x1BE00] =	vst v63  }
0xdc: {  	s21 =	rddreg [dreg:$0xe]  }
0xdd: {  	[spmem:s21] =	stream.linear.scatter [tilespmem:s10], [sflag:$0xA], $0x2800, $0x38;
	[tilespmem:$0x1BE00] =	vst v63  }
0xde: {  	s9 =	rddreg [dreg:$0x18]  }
0xdf: {  	[spmem:s9] =	stream.linear.scatter [tilespmem:s10], [sflag:$0xA], $0x2800, $0x38;
	[tilespmem:$0x1BE00] =	vst v63  }
0xe0: {  	s21 =	rddreg [dreg:$0x19]  }
0xe1: {  	[spmem:s21] =	stream.linear.scatter [tilespmem:s10], [sflag:$0xA], $0x2400, $0x38;
	[tilespmem:$0x1BE00] =	vst v63  }
0xe2: {  	s9 =	rddreg [dreg:$0x10];
	s21 =	simm.s32 $0x7D00  }
0xe3: {  	[spmem:s9] =	stream.linear.scatter [tilespmem:s21], [sflag:$0xD], $0x278, $0x38;
	[tilespmem:$0x1BE00] =	vst v63  }
0xe4: {  	s21 =	simm.s32 $0xD  }
0xe5: {  	_ =	swait.ge [sflag:s21], $0x278  }
0xe6: {  	[sflag:s21] =	ssyncset.done $0x0  }
0xe7: {  	[sflag:s21] =	ssyncadd.s32 $0xFFFFFD88  }
0xe8: {  	_ =	swait.ge [sflag:s11], $0xA0  }
0xe9: {  	[sflag:s11] =	ssyncset.done $0x0  }
0xea: {  	[sflag:s11] =	ssyncadd.s32 $0xFFFFFF60  }
0xeb: {  	[tilespmem:s13], [sflag:$0x5] =	stream.indirect.gather [hbm4b:s0+s12], $0x80, s2, s12, $0xb8;
	[tilespmem:$0x1BE00] =	vst v63  }
0xec: {  	_ =	swait.ge [sflag:s14], $0xA0  }
0xed: {  	[sflag:s14] =	ssyncset.done $0x0  }
0xee: {  	[sflag:s14] =	ssyncadd.s32 $0xFFFFFF60  }
0xef: {  	[tilespmem:s15], [sflag:$0x6] =	stream.indirect.gather [hbm4b:s0+s12], $0x80, s8, s12, $0xb8;
	[tilespmem:$0x1BE00] =	vst v63  }
0xf0: {  	_ =	swait.ge [sflag:s16], $0x2800  }
0xf1: {  	[sflag:s16] =	ssyncset.done $0x0  }
0xf2: {  	[sflag:s16] =	ssyncadd.s32 $0xFFFFD800  }
0xf3: {  	_ =	swait.ge [sflag:s16], $0x2800  }
0xf4: {  	[sflag:s16] =	ssyncset.done $0x0  }
0xf5: {  	[sflag:s16] =	ssyncadd.s32 $0xFFFFD800  }
0xf6: {  	_ =	swait.ge [sflag:s16], $0x2800  }
0xf7: {  	[sflag:s16] =	ssyncset.done $0x0  }
0xf8: {  	[sflag:s16] =	ssyncadd.s32 $0xFFFFD800  }
0xf9: {  	_ =	swait.ge [sflag:s16], $0x2800  }
0xfa: {  	[sflag:s16] =	ssyncset.done $0x0  }
0xfb: {  	[sflag:s16] =	ssyncadd.s32 $0xFFFFD800  }
0xfc: {  	_ =	swait.ge [sflag:s16], $0x2800  }
0xfd: {  	[sflag:s16] =	ssyncset.done $0x0  }
0xfe: {  	[sflag:s16] =	ssyncadd.s32 $0xFFFFD800  }
0xff: {  	_ =	swait.ge [sflag:s16], $0x2800  }
0x100: {  	[sflag:s16] =	ssyncset.done $0x0  }
0x101: {  	[sflag:s16] =	ssyncadd.s32 $0xFFFFD800  }
0x102: {  	_ =	swait.ge [sflag:s16], $0x2800  }
0x103: {  	[sflag:s16] =	ssyncset.done $0x0  }
0x104: {  	[sflag:s16] =	ssyncadd.s32 $0xFFFFD800  }
0x105: {  	_ =	swait.ge [sflag:s16], $0x2400  }
0x106: {  	[sflag:s16] =	ssyncset.done $0x0  }
0x107: {  	[sflag:s16] =	ssyncadd.s32 $0xFFFFDC00  }
0x108: {  	[bflag:$0x0] =	sbarrier.arrive $0xFFFF  }
0x109: {  	_ =	swait.ge [sflag:s17], $0xA0  }
0x10a: {  	[sflag:s17] =	ssyncset.done $0x0  }
0x10b: {  	s9 =	rddreg [dreg:$0x15];
	[sflag:s17] =	ssyncadd.s32 $0xFFFFFF60  }
0x10c: {  	[tilespmem:s10], [sflag:$0x4] =	stream.indirect.gather [hbm4b:s0+s12], $0x80, s31, s12, $0xb8;
	[tilespmem:$0x1BE00] =	vst v63  }
.LBB2_4:
0x10d: {  	_ =	swait.ge [sflag:s18], $0x2800  }
0x10e: {  	[sflag:s18] =	ssyncset.done $0x0  }
0x10f: {  	[sflag:s18] =	ssyncadd.s32 $0xFFFFD800  }
0x110: {  	v2 =	vld [tilespmem:$0x7850]  }
0x111: {  	v3 =	vld [tilespmem:$0x7860]  }
0x112: {  	v4 =	vld [tilespmem:$0x7870]  }
0x113: {  	v5 =	vld [tilespmem:$0x7880]  }
0x114: {  	v6 =	vld [tilespmem:$0x7890]  }
0x115: {  	[tilespmem:$0x7B00] =	vst v2  }
0x116: {  	[tilespmem:$0x7B10] =	vst v3  }
0x117: {  	[tilespmem:$0x7B20] =	vst v4  }
0x118: {  	[tilespmem:$0x7B30] =	vst v5  }
0x119: {  	[tilespmem:$0x7B40] =	vst v6  }
0x11a: {  	[spmem:s3] =	stream.indirect.scatter.add.f32 [tilespmem:s5], [sflag:$0x7], $0x80, s1, s12, $0xb8;
	[tilespmem:$0x1BE00] =	vst v63  }
0x11b: {  	_ = 	snop  }
0x11c: {  	[spmem:s4] =	stream.indirect.scatter.add.f32 [tilespmem:s19], [sflag:$0xA], $0x1, s1, s12, $0xb8;
	[tilespmem:$0x1BE00] =	vst v63  }
0x11d: {  	_ =	swait.ge [sflag:s20], $0x2800  }
0x11e: {  	[sflag:s20] =	ssyncset.done $0x0  }
0x11f: {  	[sflag:s20] =	ssyncadd.s32 $0xFFFFD800  }
0x120: {  	v2 =	vld [tilespmem:$0x7950]  }
0x121: {  	v3 =	vld [tilespmem:$0x7960]  }
0x122: {  	v58 =	vld [tilespmem:$0x7970]  }
0x123: {  	v59 =	vld [tilespmem:$0x7980]  }
0x124: {  	v60 =	vld [tilespmem:$0x7990]  }
0x125: {  	[tilespmem:$0x7B80] =	vst v2  }
0x126: {  	[tilespmem:$0x7B90] =	vst v3  }
0x127: {  	[tilespmem:$0x7BA0] =	vst v58  }
0x128: {  	[tilespmem:$0x7BB0] =	vst v59  }
0x129: {  	[tilespmem:$0x7BC0] =	vst v60  }
0x12a: {  	[spmem:s3] =	stream.indirect.scatter.add.f32 [tilespmem:s13], [sflag:$0x8], $0x80, s24, s12, $0xb8;
	[tilespmem:$0x1BE00] =	vst v63  }
0x12b: {  	_ = 	snop  }
0x12c: {  	[spmem:s4] =	stream.indirect.scatter.add.f32 [tilespmem:s19], [sflag:$0xB], $0x1, s24, s12, $0xb8;
	[tilespmem:$0x1BE00] =	vst v63  }
0x12d: {  	_ =	swait.ge [sflag:s25], $0x2800  }
0x12e: {  	[sflag:s25] =	ssyncset.done $0x0  }
0x12f: {  	[sflag:s25] =	ssyncadd.s32 $0xFFFFD800  }
0x130: {  	v2 =	vld [tilespmem:$0x7A50]  }
0x131: {  	v3 =	vld [tilespmem:$0x7A60]  }
0x132: {  	v61 =	vld [tilespmem:$0x7A70]  }
0x133: {  	v62 =	vld [tilespmem:$0x7A80]  }
0x134: {  	v63 =	vld [tilespmem:$0x7A90]  }
0x135: {  	[tilespmem:$0x7C00] =	vst v2  }
0x136: {  	[tilespmem:$0x7C10] =	vst v3  }
0x137: {  	p1 =	seq.s32 s10, $0x960;
	[tilespmem:$0x7C20] =	vst v61  }
.Ltmp3:
0x138: {  	[tilespmem:$0x7C30] =	vst v62;
	(pc) =	sbr.rel @p1 .LBB2_6-.Ltmp3, $4  }
0x139: {  	[tilespmem:$0x7C40] =	vst v63  }
0x13a: {  	[spmem:s3] =	stream.indirect.scatter.add.f32 [tilespmem:s15], [sflag:$0x9], $0x80, s23, s12, $0xb8;
	[tilespmem:$0x1BE00] =	vst v63  }
0x13b: {  	_ = 	snop  }
0x13c: {  	[spmem:s4] =	stream.indirect.scatter.add.f32 [tilespmem:s19], [sflag:$0xC], $0x1, s23, s12, $0xb8;
	[tilespmem:$0x1BE00] =	vst v63  }
0x13d: {  	s6 =	sshrl.u32 s9, $0x3;
	s21 =	rddreg [dreg:$0x1d]  }
0x13e: {  	s6 =	sadd.s32 s21, s6  }
0x13f: {  	[tilespmem:s31], [sflag:$0x1] =	stream.linear.gather [hbm4b:s6+s5], $0xA0, $0x38;
	[tilespmem:$0x1BE00] =	vst v63  }
0x140: {  	s21 =	sadd.s32 s10, s22  }
0x141: {  	[tilespmem:s2], [sflag:$0x2] =	stream.linear.gather [hbm4b:s21+s5], $0xA0, $0x38;
	[tilespmem:$0x1BE00] =	vst v63  }
0x142: {  	s21 =	rddreg [dreg:$0x14]  }
0x143: {  	s6 =	sadd.s32 s10, s21  }
0x144: {  	[tilespmem:s8], [sflag:$0x3] =	stream.linear.gather [hbm4b:s6+s5], $0xA0, $0x38;
	[tilespmem:$0x1BE00] =	vst v63  }
0x145: {  	_ =	swait.ge [sflag:s26], $0x2800  }
0x146: {  	[sflag:s26] =	ssyncset.done $0x0  }
0x147: {  	[sflag:s26] =	ssyncadd.s32 $0xFFFFD800  }
0x148: {  	_ =	swait.ge [sflag:s16], $0x50  }
0x149: {  	[sflag:s16] =	ssyncset.done $0x0  }
0x14a: {  	[sflag:s16] =	ssyncadd.s32 $0xFFFFFFB0  }
0x14b: {  	_ =	swait.ge [sflag:s17], $0xA0  }
0x14c: {  	[sflag:s17] =	ssyncset.done $0x0  }
0x14d: {  	[sflag:s17] =	ssyncadd.s32 $0xFFFFFF60  }
0x14e: {  	[tilespmem:s5], [sflag:$0x4] =	stream.indirect.gather [hbm4b:s0+s12], $0x80, s31, s12, $0xb8;
	[tilespmem:$0x1BE00] =	vst v63  }
0x14f: {  	_ =	swait.ge [sflag:s7], $0x2800  }
0x150: {  	[sflag:s7] =	ssyncset.done $0x0  }
0x151: {  	[sflag:s7] =	ssyncadd.s32 $0xFFFFD800  }
0x152: {  	_ =	swait.ge [sflag:s28], $0x50  }
0x153: {  	[sflag:s28] =	ssyncset.done $0x0  }
0x154: {  	[sflag:s28] =	ssyncadd.s32 $0xFFFFFFB0  }
0x155: {  	_ =	swait.ge [sflag:s11], $0xA0  }
0x156: {  	[sflag:s11] =	ssyncset.done $0x0  }
0x157: {  	[sflag:s11] =	ssyncadd.s32 $0xFFFFFF60  }
0x158: {  	[tilespmem:s13], [sflag:$0x5] =	stream.indirect.gather [hbm4b:s0+s12], $0x80, s2, s12, $0xb8;
	[tilespmem:$0x1BE00] =	vst v63  }
0x159: {  	_ =	swait.ge [sflag:s29], $0x2800  }
0x15a: {  	[sflag:s29] =	ssyncset.done $0x0  }
0x15b: {  	[sflag:s29] =	ssyncadd.s32 $0xFFFFD800  }
0x15c: {  	_ =	swait.ge [sflag:s30], $0x50  }
0x15d: {  	[sflag:s30] =	ssyncset.done $0x0  }
.Ltmp4:
0x15e: {  	[sflag:s30] =	ssyncadd.s32 $0xFFFFFFB0;
	(pc) =	sbr.rel .LBB2_4-.Ltmp4, $4  }
0x15f: {  	_ =	swait.ge [sflag:s14], $0xA0  }
0x160: {  	[sflag:s14] =	ssyncset.done $0x0  }
0x161: {  	s9 =	sadd.s32 $0x1E0, s9;
	s10 =	sadd.s32 $0x3C, s10;
	[sflag:s14] =	ssyncadd.s32 $0xFFFFFF60  }
0x162: {  	[tilespmem:s15], [sflag:$0x6] =	stream.indirect.gather [hbm4b:s0+s12], $0x80, s8, s12, $0xb8;
	[tilespmem:$0x1BE00] =	vst v63  }
.LBB2_7:
0x163: {  	_ =	sfence.sel $0x180000  }
0x164: {  	[bflag:$0x0] =	sbarrier.arrive $0xFFFF  }
0x165: {  	_ =	strace $0x90000047  }
0x166: {  	s0 =	stileid.u32;
	[bflag:$0x2] =	sbarrier.arrive $0xFFFF  }
0x167: {  	p0 =	sne.s32 s0, $0x0;
	s0 =	rddreg [dreg:$0x5]  }
0x168: {  	s0 =	sadd.s32 @!p0 $0x100000, s0  }
0x169: {  	[sflag:s0] =	ssyncadd.tile.s32 @!p0 $0x1;
	_ =	shalt  }
.Lfunc_end2:
_tile_overlayer_lowered:
.L_overlay_start_2:
0x16a: {  	(tag) =	ssettag $0x2  }
0x16b: {  	s0 =	rddreg [dreg:$0x0];
	s2 =	stileid.u32  }
0x16c: {  	s1 =	rddreg [dreg:$0x1];
	p0 =	sne.s32 s2, $0x0  }
0x16d: {  	s3 =	rddreg [dreg:$0x2];
	[bflag:$0x3] =	sbarrier.arrive $0xFFFF;
	s2 =	simm.s32 @!p0 $0x1C0D  }
0x16e: {  	[timem:s3], [sflag:s2] =	dma.local @!p0 [hbm:s0], s1  }
0x16f: {  	s0 =	simm.s32 @!p0 $0xD  }
0x170: {  	_ =	swait.ge @!p0 [sflag:s0], s1  }
0x171: {  	s1 =	ssub.s32 @!p0 $0x0, s1;
	[sflag:s0] =	ssyncset.done @!p0 $0x0  }
0x172: {  	[sflag:s0] =	ssyncadd.s32 @!p0 s1  }
0x173: {  	[bflag:$0x3] =	sbarrier.arrive $0xFFFF  }
0x174: {  	_ =	shalt  }

// kernel: kernel.9.cloned.1.call-start
scs
__scs_entry_jumppad:
0x0: {  	(pc) =	sbr.rel $0x88, $3  }
0x1: {  	(tag) =	ssettag $0x0;
	lr =	simm.s32 $0x1  }
0x2: {  	[smem:$0x3F99] =	sst lr;
	_ =	strace $0xD0000000  }
0x3: {  	_ = 	snop  }
0x4: {  	_ = 	snop  }
0x5: {  	_ = 	snop  }
0x6: {  	_ = 	snop  }
0x7: {  	_ = 	snop  }
__scs_overlays_trampoline_lowered:
0x8: {  	[smem:$0x3FA8] =	sst s0  }
0x9: {  	[smem:$0x3FA9] =	sst s1  }
0xa: {  	[smem:$0x3FAA] =	sst s2  }
0xb: {  	[smem:$0x3FAB] =	sst s3  }
0xc: {  	[smem:$0x3FAC] =	sst s4  }
0xd: {  	[smem:$0x3FAD] =	sst s5  }
0xe: {  	[smem:$0x3FAE] =	sst s6  }
0xf: {  	[smem:$0x3FAF] =	sst s7  }
0x10: {  	[smem:$0x3FB0] =	sst s8  }
0x11: {  	[smem:$0x3FB1] =	sst s9;
	s0 =	simm.s32 @!p0 $0x0  }
0x12: {  	s1 =	sld [smem:$0x3F97];
	s0 =	simm.s32 @p0 $0x1  }
0x13: {  	[smem:$0x3FB2] =	sst s0;
	s0 =	simm.s32 @!p1 $0x0  }
0x14: {  	s2 =	sld [smem:$0x3F96];
	s0 =	simm.s32 @p1 $0x1  }
0x15: {  	[smem:$0x3FB3] =	sst s0;
	s0 =	simm.s32 @!p2 $0x0  }
0x16: {  	s3 =	sld [smem:$0x3FDB];
	s0 =	simm.s32 @p2 $0x1  }
0x17: {  	s4 =	simm.s32 $0x1BF5;
	[smem:$0x3FB5] =	sst s0  }
0x18: {  	s0 =	sld [smem:$0x3F98];
	_ =	swait.ge [sflag:s4], $0x0  }
0x19: {  	s7 =	sld [smem:$0x3F99]  }
0x1a: {  	s8 =	sadd.s32 $0xFFFFE003, lr  }
0x1b: {  	s9 =	sadd.s32 $0xFFFFFEF7, lr;
	s5 =	simm.s32 $0xFFFFFFFF;
	p2 =	slt.u32 s8, $0xFFFFF086  }
0x1c: {  	p1 =	slt.u32 s9, $0xF7A;
	s5 =	simm.s32 @!p2 $0x0  }
0x1d: {  	s5 =	simm.s32 @p1 $0x1;
	p0 =	seq.s32 s7, s2  }
0x1e: {  	s7 =	smul.u32 @!p0 $0xF7A, s2;
	p2 =	seq.s32 @!p0 s5, $0x0  }
0x1f: {  	s9 =	smul.u32 $0xF7A, s1;
	s8 =	simm.s32 @!p0 $0x1BF5;
	p2 =	por !p2, p0  }
0x20: {  	[sflag:s8] =	ssyncset.s32 @!p0 $0xFFFFF086;
	s6 =	sadd.s32 @!p0 s3, s7;
	s7 =	simm.s32 @!p0 $0x108  }
0x21: {  	s3 =	sadd.s32 s3, s9;
	s6 =	sadd.s32 @!p0 $0x88, s6;
	s7 =	simm.s32 @p2 $0x1082  }
0x22: {  	[simem:s7], [sflag:s8] =	dma.local @!p0 [hbm:s6], $0xF7A  }
0x23: {  	s9 =	sor.u32 $0xD0000000, s2;
	s6 =	simm.s32 $0x108;
	_ =	swait.ge @!p0 [sflag:s8], $0x0  }
0x24: {  	s3 =	sadd.s32 $0x88, s3;
	s6 =	simm.s32 @!p1 $0x1082;
	[sflag:s4] =	ssyncset.s32 $0xFFFFF086  }
0x25: {  	[simem:s6], [sflag:s4] =	dma.local [hbm:s3], $0xF7A  }
0x26: {  	[smem:$0x3F99] =	sst s1;
	(tag) =	ssettag s2;
	_ =	strace s9  }
0x27: {  	s1 =	sld [smem:$0x3FA9]  }
0x28: {  	s2 =	sld [smem:$0x3FAA]  }
0x29: {  	s4 =	sld [smem:$0x3FAC]  }
0x2a: {  	p0 =	seq.s32 s5, $0x0;
	s5 =	sld [smem:$0x3FAD]  }
0x2b: {  	s6 =	sld [smem:$0x3FAE]  }
0x2c: {  	s7 =	sld [smem:$0x3FAF]  }
0x2d: {  	s3 =	simm.s32 $0x108;
	s8 =	sld [smem:$0x3FB0]  }
0x2e: {  	s3 =	simm.s32 @!p0 $0x1082;
	s9 =	sld [smem:$0x3FB1]  }
0x2f: {  	lr =	sadd.s32 s0, s3;
	s0 =	sld [smem:$0x3FA8]  }
0x30: {  	s3 =	sld [smem:$0x3FAB]  }
0x31: {  	[smem:$0x3FB4] =	sst s10  }
0x32: {  	s10 =	sld [smem:$0x3FB2];
	_ =	sdelay $0x3  }
0x33: {  	p0 =	seq.s32 s10, $0x1;
	s10 =	sld [smem:$0x3FB4];
	_ =	sdelay $0x3  }
0x34: {  	[smem:$0x3FB4] =	sst s10  }
0x35: {  	s10 =	sld [smem:$0x3FB3];
	_ =	sdelay $0x3  }
0x36: {  	p1 =	seq.s32 s10, $0x1;
	s10 =	sld [smem:$0x3FB4];
	_ =	sdelay $0x3  }
0x37: {  	[smem:$0x3FB4] =	sst s10  }
0x38: {  	s10 =	sld [smem:$0x3FB5]  }
0x39: {  	_ = 	snop;
	(pc) =	sbr.ind lr, $3  }
0x3a: {  	_ = 	snop  }
0x3b: {  	_ = 	snop  }
0x3c: {  	p2 =	seq.s32 s10, $0x1;
	s10 =	sld [smem:$0x3FB4]  }
0x3d: {  	_ =	shalt  }
0x3e: {  	_ =	shalt  }
0x3f: {  	_ =	shalt  }
0x40: {  	_ =	shalt  }
0x41: {  	_ =	shalt  }
0x42: {  	_ =	shalt  }
0x43: {  	_ =	shalt  }
0x44: {  	_ =	shalt  }
0x45: {  	_ =	shalt  }
0x46: {  	_ =	shalt  }
0x47: {  	_ =	shalt  }
0x48: {  	_ =	shalt  }
0x49: {  	_ =	shalt  }
0x4a: {  	_ =	shalt  }
0x4b: {  	_ =	shalt  }
0x4c: {  	_ =	shalt  }
0x4d: {  	_ =	shalt  }
0x4e: {  	_ =	shalt  }
0x4f: {  	_ =	shalt  }
0x50: {  	_ =	shalt  }
0x51: {  	_ =	shalt  }
0x52: {  	_ =	shalt  }
0x53: {  	_ =	shalt  }
0x54: {  	_ =	shalt  }
0x55: {  	_ =	shalt  }
0x56: {  	_ =	shalt  }
0x57: {  	_ =	shalt  }
0x58: {  	_ =	shalt  }
0x59: {  	_ =	shalt  }
0x5a: {  	_ =	shalt  }
0x5b: {  	_ =	shalt  }
0x5c: {  	_ =	shalt  }
0x5d: {  	_ =	shalt  }
0x5e: {  	_ =	shalt  }
0x5f: {  	_ =	shalt  }
0x60: {  	_ =	shalt  }
0x61: {  	_ =	shalt  }
0x62: {  	_ =	shalt  }
0x63: {  	_ =	shalt  }
0x64: {  	_ =	shalt  }
0x65: {  	_ =	shalt  }
0x66: {  	_ =	shalt  }
0x67: {  	_ =	shalt  }
0x68: {  	_ =	shalt  }
0x69: {  	_ =	shalt  }
0x6a: {  	_ =	shalt  }
0x6b: {  	_ =	shalt  }
0x6c: {  	_ =	shalt  }
0x6d: {  	_ =	shalt  }
0x6e: {  	_ =	shalt  }
0x6f: {  	_ =	shalt  }
0x70: {  	_ =	shalt  }
0x71: {  	_ =	shalt  }
0x72: {  	_ =	shalt  }
0x73: {  	_ =	shalt  }
0x74: {  	_ =	shalt  }
0x75: {  	_ =	shalt  }
0x76: {  	_ =	shalt  }
0x77: {  	_ =	shalt  }
0x78: {  	_ =	shalt  }
0x79: {  	_ =	shalt  }
0x7a: {  	_ =	shalt  }
0x7b: {  	_ =	shalt  }
0x7c: {  	_ =	shalt  }
0x7d: {  	_ =	shalt  }
0x7e: {  	_ =	shalt  }
0x7f: {  	_ =	shalt  }
0x80: {  	_ =	shalt  }
0x81: {  	_ =	shalt  }
0x82: {  	_ =	shalt  }
0x83: {  	_ =	shalt  }
0x84: {  	_ =	shalt  }
0x85: {  	_ =	shalt  }
0x86: {  	_ =	shalt  }
0x87: {  	_ =	shalt  }
.Lfunc_end0:
.L_simem_size_0:
called_computation.1_lowered:
.L_overlay_start_0:
0x88: {  	s2 =	sld [smem:$0x3FD9]  }
0x89: {  	s3 =	sld [smem:$0x3FFE];
	_ =	sdelay $0x1  }
0x8a: {  	s1 =	srdreg.scid  }
0x8b: {  	s0 =	sand.u32 $0x1, s1  }
0x8c: {  	s17 =	sshll.u32 s0, $0xA;
	s2 =	sadd.s32 s3, s2  }
0x8d: {  	s2 =	sadd.s32 s2, s17  }
0x8e: {  	[smem:$0x3FC0] =	sst s2  }
0x8f: {  	_ = 	snop  }
0x90: {  	s2 =	sld [smem:$0x3FD0];
	(tm) =	ssettm $0x1  }
0x91: {  	s18 =	sld [smem:$0x3FFB];
	_ =	sdelay $0x3  }
0x92: {  	_ =	strace s18  }
0x93: {  	s3 =	sld [smem:$0x3FFC];
	_ =	sdelay $0x3  }
0x94: {  	_ =	strace s3  }
0x95: {  	s3 =	sld [smem:$0x3FFD];
	_ =	sdelay $0x3  }
0x96: {  	_ =	strace s3  }
0x97: {  	_ =	strace $0x8FFFFFFF  }
0x98: {  	s19 =	sld [smem:$0x3FDB];
	_ =	sdelay $0x1  }
0x99: {  	s4 =	simm.s32 $_scs_section_size  }
0x9a: {  	s5 =	simm.s32 $_size__tile_overlayer_lowered;
	s6 =	simm.s32 $_tile_overlayer_lowered  }
0x9b: {  	s22 =	simm.s32 $0x1BFF;
	s21 =	sshll.u32 s6, $0x1;
	s3 =	sadd.s32 s4, s19  }
0x9c: {  	s7 =	simm.s32 $0x0;
	s20 =	sshll.u32 s5, $0x1;
	s5 =	sadd.s32 s21, s3  }
0x9d: {  	[timem:s7], [sflag:s22] =	dma.local [hbm:s5], s20  }
0x9e: {  	_ =	swait.ge [sflag:s22], s20  }
0x9f: {  	s4 =	ssub.s32 $0x0, s20;
	[sflag:s22] =	ssyncset.done $0x0  }
0xa0: {  	[sflag:s22] =	ssyncadd.s32 s4;
	_ =	sdelay $0x1  }
0xa1: {  	s23 =	simm.s32 $0x1B8B  }
0xa2: {  	_ =	swait.ge [sflag:s23], $0x1  }
0xa3: {  	[sflag:s23] =	ssyncset.done $0x0  }
0xa4: {  	s25 =	simm.s32 $0x1B8E;
	s24 =	sld [smem:$0x3FFE];
	[sflag:s23] =	ssyncadd.s32 $0xFFFFFFFF  }
0xa5: {  	s26 =	simm.s32 $execute0_lowered;
	[smem:$0x3FD2] =	sst s25  }
0xa6: {  	s5 =	sshll.u32 s26, $0x1;
	_ =	strace $0x80000049;
	[dreg:$0x1] =	wrdreg $0xFFFFFFFF  }
0xa7: {  	s28 =	simm.s32 $_size_execute0_lowered;
	s3 =	sadd.s32 s3, s5;
	[dreg:$0x0] =	wrdreg $0x0  }
0xa8: {  	s5 =	sshll.u32 s28, $0x1;
	[dreg:$0x2] =	wrdreg s3  }
0xa9: {  	[dreg:$0x3] =	wrdreg s5  }
0xaa: {  	[dreg:$0x4] =	wrdreg $0xC0  }
0xab: {  	_ =	task [dreg:s7], $0x5FFFF  }
0xac: {  	[dreg:$0x1] =	wrdreg $0xFFFFFFFF  }
0xad: {  	[dreg:$0x0] =	wrdreg $0x60  }
0xae: {  	[dreg:$0x2] =	wrdreg s2  }
0xaf: {  	[dreg:$0x3] =	wrdreg s24  }
0xb0: {  	[dreg:$0x4] =	wrdreg $0x7F800  }
0xb1: {  	[dreg:$0x5] =	wrdreg $0x1BB800  }
0xb2: {  	[dreg:$0x6] =	wrdreg $0x9  }
0xb3: {  	_ =	task.clear_ibuf [dreg:s7], $0x7FFFF;
	_ =	strace $0x90000049  }
0xb4: {  	s29 =	simm.s32 $0x9;
	_ =	strace $0x8000004B  }
0xb5: {  	_ =	swait.ge [sflag:s29], $0x1  }
0xb6: {  	[sflag:s29] =	ssyncadd.s32 $0xFFFFFFFF  }
0xb7: {  	_ =	strace $0x9000004B  }
0xb8: {  	_ =	sfence  }
0xb9: {  	s30 =	sld [smem:$0x0];
	_ =	sdelay $0x2  }
0xba: {  	s31 =	sshll.u32 s1, $0xD;
	s1 =	sshrl.u32 s1, $0x2  }
0xbb: {  	s3 =	sand.u32 $0x4000, s31;
	s1 =	sadd.s32 s1, s30  }
0xbc: {  	s0 =	sor.u32 s3, s0;
	s1 =	sshll.u32 s1, $0x11  }
0xbd: {  	s0 =	sor.u32 s1, s0  }
0xbe: {  	s0 =	sadd.s32 $0x8F2B, s0  }
0xbf: {  	[sflag:s0] =	ssyncadd.remote.s32 $0x1  }
0xc0: {  	_ =	sfence.sel $0xFFFF  }
0xc1: {  	[dreg:$0x0] =	wrdreg $0xFFFFFFFF;
	(pc) =	sbr.abs _section_cstart, $3  }
0xc2: {  	[dreg:$0x1] =	wrdreg $0xFFFFFFFF  }
0xc3: {  	_ =	task.clear_ibuf [dreg:s7], $0x2FFFF;
	_ =	strace $0x9FFFFFFF  }
0xc4: {  	(tm) =	ssettm $0x7FFFFFFF  }
0xc5: {  	_ =	shalt  }
tec
execute0_lowered:
.L_overlay_start_1:
0x0: {  	(tag) =	ssettag $0x1  }
0x1: {  	s1 =	rddreg [dreg:$0x0]  }
0x2: {  	s0 =	rddreg [dreg:$0x1]  }
0x3: {  	s2 =	rddreg [dreg:$0x2]  }
0x4: {  	s3 =	rddreg [dreg:$0x3]  }
0x5: {  	s4 =	simm.s32 $0x0;
	s5 =	srdreg.scid;
	s6 =	stileid.u32  }
0x6: {  	s31 =	simm.s32 $0x7800;
	s28 =	simm.s32 $0x8;
	s29 =	simm.s32 $0xB  }
0x7: {  	s30 =	simm.s32 $0x9;
	[smem:$0x7FF] =	sst s4;
	s7 =	smul.u32 $0x500, s6  }
0x8: {  	s14 =	sadd.s32 $0x1C00, s0;
	s5 =	sand.u32 $0x1, s5;
	s12 =	smul.u32 $0x4F000, s6  }
0x9: {  	s8 =	sshll.u32 s6, $0x1;
	s9 =	sadd.s32 $0x16000, s0;
	s13 =	smul.u32 $0x278, s6  }
0xa: {  	s23 =	smul.u32 $0x13C00, s6;
	p0 =	seq.s32 s6, $0xF;
	_ =	strace $0x8000004A  }
0xb: {  	s10 =	sshll.u32 s5, $0x7;
	s8 =	sor.u32 s5, s8;
	s20 =	smul.u32 $0x138800, s5  }
0xc: {  	s26 =	ssub.s32 $0x2, s5;
	s5 =	smul.u32 $0x4E20, s5;
	[dreg:$0x1c] =	wrdreg s14  }
0xd: {  	s7 =	sor.u32 s10, s7;
	s8 =	smul.u32 $0x4E20, s8;
	s11 =	sshrl.u32 s26, $0x1  }
0xe: {  	s16 =	sshrl.u32 s12, $0x2;
	s25 =	sadd.s32 s13, s3;
	s10 =	sshll.u32 s13, $0x7  }
0xf: {  	s13 =	smul.u32 $0x9C40, s6;
	s7 =	sshrl.u32 s7, $0x3;
	s16 =	sadd.s32 s16, s2  }
0x10: {  	[dreg:$0xe] =	wrdreg s25;
	s10 =	sadd.s32 $0x10400, s10;
	s0 =	sadd.s32 s7, s0  }
0x11: {  	s7 =	ssub.s32 s26, s11;
	s19 =	sadd.s32 $0x5000, s16;
	[dreg:$0x8] =	wrdreg s16  }
0x12: {  	s8 =	sshrl.u32 s8, $0x3;
	s21 =	sadd.s32 $0x7800, s16;
	[dreg:$0xa] =	wrdreg s19  }
0x13: {  	s22 =	sadd.s32 $0xA000, s16;
	s24 =	sadd.s32 $0xC800, s16;
	[dreg:$0xb] =	wrdreg s21  }
0x14: {  	s26 =	smul.u32 $0xA00, s6;
	s11 =	sadd.s32 s23, s20;
	[dreg:$0xc] =	wrdreg s22  }
0x15: {  	s5 =	sadd.s32 s5, s13;
	s23 =	sadd.s32 $0xF000, s16;
	[dreg:$0xd] =	wrdreg s24  }
0x16: {  	s15 =	sadd.s32 s14, s8;
	s8 =	sadd.s32 $0x2800, s16;
	[dreg:$0x17] =	wrdreg s23  }
0x17: {  	s13 =	simm.s32 $0x2800;
	s0 =	sadd.s32 $0x15600, s0;
	[dreg:$0x9] =	wrdreg s8  }
0x18: {  	s11 =	sshrl.u32 s11, $0x3;
	s7 =	smax.u32 s7, $0x1;
	[dreg:$0x10] =	wrdreg s0  }
0x19: {  	s24 =	sadd.s32 $0x11800, s16;
	s16 =	simm.s32 $0xA;
	[dreg:$0x12] =	wrdreg s7  }
0x1a: {  	s23 =	simm.s32 $0x7C00;
	s17 =	sadd.s32 $0x14, s15;
	[dreg:$0x18] =	wrdreg s24  }
0x1b: {  	s18 =	sadd.s32 $0x28, s15;
	s11 =	sadd.s32 s9, s11;
	[dreg:$0x5] =	wrdreg s15  }
0x1c: {  	s12 =	sshrl.u32 s26, $0x2;
	s25 =	sadd.s32 $0x99C, s15;
	[dreg:$0x6] =	wrdreg s17  }
0x1d: {  	s26 =	sadd.s32 $0x9B0, s15;
	s15 =	simm.s32 $0x5000;
	[dreg:$0x7] =	wrdreg s18  }
0x1e: {  	s24 =	simm.s32 $0x7B80;
	s7 =	simm.s32 $0xC;
	[dreg:$0xf] =	wrdreg s11  }
0x1f: {  	s11 =	sadd.s32 s20, s10;
	s8 =	sadd.s32 s12, s3;
	s17 =	sadd.s32 $0x320, s5  }
0x20: {  	s18 =	sadd.s32 $0x280, s5;
	s20 =	sadd.s32 $0x1E0, s5;
	[dreg:$0x19] =	wrdreg s25  }
0x21: {  	[dreg:$0x1a] =	wrdreg s26;
	s12 =	simm.s32 $0x50;
	s5 =	simm.s32 $0x7B00  }
0x22: {  	s25 =	simm.s32 $0x6;
	s26 =	simm.s32 $0x7;
	s0 =	sshrl.u32 s11, $0x3  }
0x23: {  	s19 =	sshrl.u32 s18, $0x3;
	[dreg:$0x14] =	wrdreg s20;
	s21 =	sshrl.u32 s8, $0x3  }
0x24: {  	s8 =	simm.s32 $0x7A00;
	s11 =	simm.s32 $0x2;
	s18 =	simm.s32 $0x4  }
0x25: {  	s20 =	simm.s32 $0x5;
	s0 =	sadd.s32 s9, s0;
	s9 =	sadd.s32 s10, s2  }
.Ltmp0:
0x26: {  	s22 =	sadd.s32 s19, s14;
	[dreg:$0x15] =	wrdreg s21;
	(pc) =	sbr.rel .LBB2_1-.Ltmp0, $4  }
0x27: {  	s19 =	simm.s32 $0x7C80;
	[dreg:$0x11] =	wrdreg s0;
	s0 =	sshrl.u32 s17, $0x3  }
0x28: {  	s17 =	simm.s32 $0x1;
	[dreg:$0x1b] =	wrdreg s22;
	s0 =	sadd.s32 s0, s14  }
0x29: {  	s14 =	simm.s32 $0x3;
	[dreg:$0x13] =	wrdreg s0;
	s0 =	sshrl.u32 @!p0 s9, $0x3  }
0x2a: {  	v0 =	vimm.f32 $0.0e+00;
	v1 =	vimm.f32 $1.000000000e+00;
	s9 =	simm.s32 $0x0;
	[dreg:$0x16] =	wrdreg s0;
	s0 =	simm.s32 $0x7900  }
.LBB2_6:
0x2b: {  	s6 =	rddreg [dreg:$0x19]  }
0x2c: {  	[tilespmem:s31], [sflag:$0x1] =	stream.linear.gather [hbm4b:s6+s4], $0xA0, $0x38;
	[tilespmem:$0x1BE00] =	vst v63  }
0x2d: {  	s22 =	rddreg [dreg:$0x1a]  }
0x2e: {  	[tilespmem:s0], [sflag:$0x2] =	stream.linear.gather [hbm4b:s22+s4], $0xA0, $0x38;
	[tilespmem:$0x1BE00] =	vst v63  }
0x2f: {  	_ =	swait.ge [sflag:s26], $0x2800  }
0x30: {  	[sflag:s26] =	ssyncset.done $0x0  }
0x31: {  	[sflag:s26] =	ssyncadd.s32 $0xFFFFD800  }
0x32: {  	_ =	swait.ge [sflag:s16], $0x50  }
0x33: {  	[sflag:s16] =	ssyncset.done $0x0  }
0x34: {  	[sflag:s16] =	ssyncadd.s32 $0xFFFFFFB0  }
0x35: {  	_ =	swait.ge [sflag:s17], $0xA0  }
0x36: {  	[sflag:s17] =	ssyncset.done $0x0  }
0x37: {  	[sflag:s17] =	ssyncadd.s32 $0xFFFFFF60  }
0x38: {  	[tilespmem:s4], [sflag:$0x4] =	stream.indirect.gather [hbm4b:s1+s12], $0x80, s31, s12, $0xb8;
	[tilespmem:$0x1BE00] =	vst v63  }
0x39: {  	_ =	swait.ge [sflag:s28], $0x2800  }
0x3a: {  	[sflag:s28] =	ssyncset.done $0x0  }
0x3b: {  	[sflag:s28] =	ssyncadd.s32 $0xFFFFD800  }
0x3c: {  	_ =	swait.ge [sflag:s29], $0x50  }
0x3d: {  	[sflag:s29] =	ssyncset.done $0x0  }
0x3e: {  	[sflag:s29] =	ssyncadd.s32 $0xFFFFFFB0  }
0x3f: {  	_ =	swait.ge [sflag:s11], $0xA0  }
0x40: {  	[sflag:s11] =	ssyncset.done $0x0  }
0x41: {  	[sflag:s11] =	ssyncadd.s32 $0xFFFFFF60  }
0x42: {  	[tilespmem:s13], [sflag:$0x5] =	stream.indirect.gather [hbm4b:s1+s12], $0x80, s0, s12, $0xb8;
	[tilespmem:$0x1BE00] =	vst v63  }
0x43: {  	_ =	swait.ge [sflag:s18], $0x2800  }
0x44: {  	[sflag:s18] =	ssyncset.done $0x0  }
0x45: {  	[sflag:s18] =	ssyncadd.s32 $0xFFFFD800  }
0x46: {  	v2 =	vld [tilespmem:$0x7850]  }
0x47: {  	v3 =	vld [tilespmem:$0x7860]  }
0x48: {  	v4 =	vld [tilespmem:$0x7870]  }
0x49: {  	v5 =	vld [tilespmem:$0x7880]  }
0x4a: {  	v6 =	vld [tilespmem:$0x7890]  }
0x4b: {  	[tilespmem:$0x7B00] =	vst v2  }
0x4c: {  	[tilespmem:$0x7B10] =	vst v3  }
0x4d: {  	[tilespmem:$0x7B20] =	vst v4  }
0x4e: {  	[tilespmem:$0x7B30] =	vst v5  }
0x4f: {  	[tilespmem:$0x7B40] =	vst v6  }
0x50: {  	[spmem:s2] =	stream.indirect.scatter.add.f32 [tilespmem:s4], [sflag:$0x7], $0x80, s5, s12, $0xb8;
	[tilespmem:$0x1BE00] =	vst v63  }
0x51: {  	_ = 	snop  }
0x52: {  	[spmem:s3] =	stream.indirect.scatter.add.f32 [tilespmem:s19], [sflag:$0xA], $0x1, s5, s12, $0xb8;
	[tilespmem:$0x1BE00] =	vst v63  }
0x53: {  	_ =	swait.ge [sflag:s20], $0x2800  }
0x54: {  	[sflag:s20] =	ssyncset.done $0x0  }
0x55: {  	[sflag:s20] =	ssyncadd.s32 $0xFFFFD800  }
0x56: {  	v2 =	vld [tilespmem:$0x7950]  }
0x57: {  	v3 =	vld [tilespmem:$0x7960]  }
0x58: {  	v61 =	vld [tilespmem:$0x7970]  }
0x59: {  	v62 =	vld [tilespmem:$0x7980]  }
0x5a: {  	v63 =	vld [tilespmem:$0x7990]  }
0x5b: {  	[tilespmem:$0x7B80] =	vst v2  }
0x5c: {  	[tilespmem:$0x7B90] =	vst v3  }
0x5d: {  	[tilespmem:$0x7BA0] =	vst v61  }
0x5e: {  	[tilespmem:$0x7BB0] =	vst v62  }
0x5f: {  	[tilespmem:$0x7BC0] =	vst v63  }
0x60: {  	[spmem:s2] =	stream.indirect.scatter.add.f32 [tilespmem:s13], [sflag:$0x8], $0x80, s24, s12, $0xb8;
	[tilespmem:$0x1BE00] =	vst v63  }
0x61: {  	_ = 	snop  }
0x62: {  	[spmem:s3] =	stream.indirect.scatter.add.f32 [tilespmem:s19], [sflag:$0xB], $0x1, s24, s12, $0xb8;
	[tilespmem:$0x1BE00] =	vst v63  }
0x63: {  	_ =	swait.ge [sflag:s26], $0x2800  }
0x64: {  	[sflag:s26] =	ssyncset.done $0x0  }
0x65: {  	[sflag:s26] =	ssyncadd.s32 $0xFFFFD800  }
0x66: {  	_ =	swait.ge [sflag:s16], $0x50  }
0x67: {  	[sflag:s16] =	ssyncset.done $0x0  }
0x68: {  	[sflag:s16] =	ssyncadd.s32 $0xFFFFFFB0  }
0x69: {  	_ =	swait.ge [sflag:s28], $0x2800  }
0x6a: {  	[sflag:s28] =	ssyncset.done $0x0  }
0x6b: {  	[sflag:s28] =	ssyncadd.s32 $0xFFFFD800  }
0x6c: {  	_ =	swait.ge [sflag:s29], $0x50  }
0x6d: {  	[sflag:s29] =	ssyncset.done $0x0  }
0x6e: {  	[sflag:s29] =	ssyncadd.s32 $0xFFFFFFB0  }
0x6f: {  	_ =	swait.ge [sflag:s30], $0x2800  }
0x70: {  	[sflag:s30] =	ssyncset.done $0x0  }
0x71: {  	[sflag:s30] =	ssyncadd.s32 $0xFFFFD800  }
0x72: {  	_ =	swait.ge [sflag:s7], $0x50  }
0x73: {  	[sflag:s7] =	ssyncset.done $0x0  }
0x74: {  	[sflag:s7] =	ssyncadd.s32 $0xFFFFFFB0  }
0x75: {  	s9 =	stileid.u32;
	[bflag:$0x0] =	sbarrier.arrive $0xFFFF  }
0x76: {  	s6 =	sshll.u32 s9, $0x6;
	s10 =	rddreg [dreg:$0x8]  }
0x77: {  	s21 =	sor.u32 $0x1C01, s6;
	s9 =	rddreg [dreg:$0xf];
	s10 =	sshrl.u32 s10, $0x3  }
0x78: {  	[hbm:s9], [sflag:s21] =	dma.local [spmem:s10], $0x2080  }
0x79: {  	s6 =	sor.u32 $0x1C02, s6;
	s9 =	rddreg [dreg:$0x10]  }
0x7a: {  	s22 =	simm.s32 $0x20;
	s21 =	simm.s32 $0x10;
	s10 =	rddreg [dreg:$0x15]  }
0x7b: {  	[hbm:s9@s22], [sflag:s6] =	dma.strided [spmem:s10@s21], $0x50, s17, $0x10   }
0x7c: {  	s6 =	stileid.u32;
	s22 =	rddreg [dreg:$0x1b]  }
0x7d: {  	s6 =	sshll.u32 @!p0 s6, $0x6;
	s10 =	rddreg [dreg:$0x11]  }
0x7e: {  	s9 =	rddreg [dreg:$0x16];
	s6 =	sor.u32 @!p0 $0x1C0D, s6  }
0x7f: {  	[hbm:s10], [sflag:s6] =	dma.local @!p0 [spmem:s9], $0x700  }
0x80: {  	s6 =	simm.s32 @!p0 $0xD  }
0x81: {  	_ =	swait.ge @!p0 [sflag:s6], $0x700  }
0x82: {  	[sflag:s6] =	ssyncset.done @!p0 $0x0  }
0x83: {  	[sflag:s6] =	ssyncadd.s32 @!p0 $0xFFFFF900  }
0x84: {  	_ =	swait.ge [sflag:s17], $0x2080  }
0x85: {  	[sflag:s17] =	ssyncset.done $0x0  }
0x86: {  	[sflag:s17] =	ssyncadd.s32 $0xFFFFDF80  }
0x87: {  	_ =	swait.ge [sflag:s11], $0x50  }
0x88: {  	s10 =	rddreg [dreg:$0x1d]  }
0x89: {  	s21 =	rddreg [dreg:$0x12];
	s9 =	sadd.s32 $0x1, s10  }
0x8a: {  	p1 =	sne.s32 s9, s21  }
.Ltmp1:
0x8b: {  	_ = 	snop;
	(pc) =	sbr.rel @!p1 .LBB2_7-.Ltmp1, $3  }
0x8c: {  	_ =	sdelay $0x1  }
0x8d: {  	[sflag:s11] =	ssyncset.done $0x0  }
0x8e: {  	[sflag:s11] =	ssyncadd.s32 $0xFFFFFFB0  }
.LBB2_1:
0x8f: {  	[dreg:$0x1d] =	wrdreg s9;
	s9 =	simm.s32 $0x0;
	s10 =	simm.s32 $0x200  }
.LBB2_2:
0x90: {  	p1 =	sne.s32 s10, $0x9E00;
	[tilespmem:s9+$0x70] =	vst v0  }
0x91: {  	[tilespmem:s9+$0x0] =	vst v0  }
0x92: {  	[tilespmem:s9+$0x10] =	vst v0  }
.Ltmp2:
0x93: {  	[tilespmem:s9+$0x20] =	vst v0;
	(pc) =	sbr.rel @p1 .LBB2_2-.Ltmp2, $4  }
0x94: {  	[tilespmem:s9+$0x30] =	vst v0  }
0x95: {  	[tilespmem:s9+$0x40] =	vst v0  }
0x96: {  	[tilespmem:s9+$0x50] =	vst v0  }
0x97: {  	[tilespmem:s9+$0x60] =	vst v0;
	s9 =	sshra.s32 s10, $0x2;
	s10 =	sadd.s32 $0x200, s10  }
0x98: {  	[tilespmem:s9+$0x70] =	vst v0  }
0x99: {  	[tilespmem:s9+$0x0] =	vst v0  }
0x9a: {  	[tilespmem:s9+$0x10] =	vst v0  }
0x9b: {  	[tilespmem:s9+$0x20] =	vst v0  }
0x9c: {  	[tilespmem:s9+$0x30] =	vst v0  }
0x9d: {  	[tilespmem:s9+$0x40] =	vst v0  }
0x9e: {  	[tilespmem:s9+$0x50] =	vst v0  }
0x9f: {  	[tilespmem:s9+$0x60] =	vst v0  }
0xa0: {  	[tilespmem:$0x7C80] =	vst v1  }
0xa1: {  	[tilespmem:$0x7C90] =	vst v1  }
0xa2: {  	[tilespmem:$0x7CA0] =	vst v1  }
0xa3: {  	[tilespmem:$0x7CB0] =	vst v1  }
0xa4: {  	[tilespmem:$0x7CC0] =	vst v1  }
0xa5: {  	[tilespmem:$0x7D00] =	vst v0  }
0xa6: {  	[tilespmem:$0x7D10] =	vst v0  }
0xa7: {  	[tilespmem:$0x7D20] =	vst v0  }
0xa8: {  	[tilespmem:$0x7D30] =	vst v0  }
0xa9: {  	[tilespmem:$0x7D40] =	vst v0  }
0xaa: {  	[tilespmem:$0x7D50] =	vst v0  }
0xab: {  	[tilespmem:$0x7D60] =	vst v0  }
0xac: {  	[tilespmem:$0x7D70] =	vst v0  }
0xad: {  	[tilespmem:$0x7D80] =	vst v0  }
0xae: {  	[tilespmem:$0x7D90] =	vst v0  }
0xaf: {  	[tilespmem:$0x7DA0] =	vst v0  }
0xb0: {  	[tilespmem:$0x7DB0] =	vst v0  }
0xb1: {  	[tilespmem:$0x7DC0] =	vst v0  }
0xb2: {  	[tilespmem:$0x7DD0] =	vst v0  }
0xb3: {  	[tilespmem:$0x7DE0] =	vst v0  }
0xb4: {  	[tilespmem:$0x7DF0] =	vst v0  }
0xb5: {  	[tilespmem:$0x7E00] =	vst v0  }
0xb6: {  	[tilespmem:$0x7E10] =	vst v0  }
0xb7: {  	[tilespmem:$0x7E20] =	vst v0  }
0xb8: {  	[tilespmem:$0x7E30] =	vst v0  }
0xb9: {  	[tilespmem:$0x7E40] =	vst v0  }
0xba: {  	[tilespmem:$0x7E50] =	vst v0  }
0xbb: {  	[tilespmem:$0x7E60] =	vst v0  }
0xbc: {  	[tilespmem:$0x7E70] =	vst v0  }
0xbd: {  	[tilespmem:$0x7E80] =	vst v0  }
0xbe: {  	[tilespmem:$0x7E90] =	vst v0  }
0xbf: {  	[tilespmem:$0x7EA0] =	vst v0  }
0xc0: {  	[tilespmem:$0x7EB0] =	vst v0  }
0xc1: {  	[tilespmem:$0x7EC0] =	vst v0  }
0xc2: {  	[tilespmem:$0x7ED0] =	vst v0  }
0xc3: {  	[tilespmem:$0x7EE0] =	vst v0  }
0xc4: {  	[tilespmem:$0x7EF0] =	vst v0  }
0xc5: {  	[tilespmem:$0x7F00] =	vst v0  }
0xc6: {  	[tilespmem:$0x7F10] =	vst v0  }
0xc7: {  	[tilespmem:$0x7F20] =	vst v0  }
0xc8: {  	[tilespmem:$0x7F30] =	vst v0  }
0xc9: {  	[tilespmem:$0x7F40] =	vst v0  }
0xca: {  	[tilespmem:$0x7F50] =	vst v0  }
0xcb: {  	[tilespmem:$0x7F60] =	vst v0  }
0xcc: {  	s10 =	simm.s32 $0x0;
	s6 =	rddreg [dreg:$0x5];
	[tilespmem:$0x7F68] =	vst v0  }
0xcd: {  	[tilespmem:s31], [sflag:$0x1] =	stream.linear.gather [hbm4b:s6+s10], $0xA0, $0x38;
	[tilespmem:$0x1BE00] =	vst v63  }
0xce: {  	s9 =	rddreg [dreg:$0x6]  }
0xcf: {  	[tilespmem:s0], [sflag:$0x2] =	stream.linear.gather [hbm4b:s9+s10], $0xA0, $0x38;
	[tilespmem:$0x1BE00] =	vst v63  }
0xd0: {  	s21 =	rddreg [dreg:$0x7]  }
0xd1: {  	[tilespmem:s8], [sflag:$0x3] =	stream.linear.gather [hbm4b:s21+s10], $0xA0, $0x38;
	[tilespmem:$0x1BE00] =	vst v63  }
0xd2: {  	s9 =	rddreg [dreg:$0x8]  }
0xd3: {  	[spmem:s9] =	stream.linear.scatter [tilespmem:s10], [sflag:$0xA], $0x2800, $0x38;
	[tilespmem:$0x1BE00] =	vst v63  }
0xd4: {  	s21 =	rddreg [dreg:$0x9]  }
0xd5: {  	[spmem:s21] =	stream.linear.scatter [tilespmem:s10], [sflag:$0xA], $0x2800, $0x38;
	[tilespmem:$0x1BE00] =	vst v63  }
0xd6: {  	s9 =	rddreg [dreg:$0xa]  }
0xd7: {  	[spmem:s9] =	stream.linear.scatter [tilespmem:s10], [sflag:$0xA], $0x2800, $0x38;
	[tilespmem:$0x1BE00] =	vst v63  }
0xd8: {  	s21 =	rddreg [dreg:$0xb]  }
0xd9: {  	[spmem:s21] =	stream.linear.scatter [tilespmem:s10], [sflag:$0xA], $0x2800, $0x38;
	[tilespmem:$0x1BE00] =	vst v63  }
0xda: {  	s9 =	rddreg [dreg:$0xc]  }
0xdb: {  	[spmem:s9] =	stream.linear.scatter [tilespmem:s10], [sflag:$0xA], $0x2800, $0x38;
	[tilespmem:$0x1BE00] =	vst v63  }
0xdc: {  	s21 =	rddreg [dreg:$0xd]  }
0xdd: {  	[spmem:s21] =	stream.linear.scatter [tilespmem:s10], [sflag:$0xA], $0x2800, $0x38;
	[tilespmem:$0x1BE00] =	vst v63  }
0xde: {  	s9 =	rddreg [dreg:$0x17]  }
0xdf: {  	[spmem:s9] =	stream.linear.scatter [tilespmem:s10], [sflag:$0xA], $0x2800, $0x38;
	[tilespmem:$0x1BE00] =	vst v63  }
0xe0: {  	s21 =	rddreg [dreg:$0x18]  }
0xe1: {  	[spmem:s21] =	stream.linear.scatter [tilespmem:s10], [sflag:$0xA], $0x2400, $0x38;
	[tilespmem:$0x1BE00] =	vst v63  }
0xe2: {  	s9 =	rddreg [dreg:$0xe];
	s21 =	simm.s32 $0x7D00  }
0xe3: {  	[spmem:s9] =	stream.linear.scatter [tilespmem:s21], [sflag:$0xD], $0x278, $0x38;
	[tilespmem:$0x1BE00] =	vst v63  }
0xe4: {  	s21 =	simm.s32 $0xD  }
0xe5: {  	_ =	swait.ge [sflag:s21], $0x278  }
0xe6: {  	[sflag:s21] =	ssyncset.done $0x0  }
0xe7: {  	[sflag:s21] =	ssyncadd.s32 $0xFFFFFD88  }
0xe8: {  	_ =	swait.ge [sflag:s11], $0xA0  }
0xe9: {  	[sflag:s11] =	ssyncset.done $0x0  }
0xea: {  	[sflag:s11] =	ssyncadd.s32 $0xFFFFFF60  }
0xeb: {  	[tilespmem:s13], [sflag:$0x5] =	stream.indirect.gather [hbm4b:s1+s12], $0x80, s0, s12, $0xb8;
	[tilespmem:$0x1BE00] =	vst v63  }
0xec: {  	_ =	swait.ge [sflag:s14], $0xA0  }
0xed: {  	[sflag:s14] =	ssyncset.done $0x0  }
0xee: {  	[sflag:s14] =	ssyncadd.s32 $0xFFFFFF60  }
0xef: {  	[tilespmem:s15], [sflag:$0x6] =	stream.indirect.gather [hbm4b:s1+s12], $0x80, s8, s12, $0xb8;
	[tilespmem:$0x1BE00] =	vst v63  }
0xf0: {  	_ =	swait.ge [sflag:s16], $0x2800  }
0xf1: {  	[sflag:s16] =	ssyncset.done $0x0  }
0xf2: {  	[sflag:s16] =	ssyncadd.s32 $0xFFFFD800  }
0xf3: {  	_ =	swait.ge [sflag:s16], $0x2800  }
0xf4: {  	[sflag:s16] =	ssyncset.done $0x0  }
0xf5: {  	[sflag:s16] =	ssyncadd.s32 $0xFFFFD800  }
0xf6: {  	_ =	swait.ge [sflag:s16], $0x2800  }
0xf7: {  	[sflag:s16] =	ssyncset.done $0x0  }
0xf8: {  	[sflag:s16] =	ssyncadd.s32 $0xFFFFD800  }
0xf9: {  	_ =	swait.ge [sflag:s16], $0x2800  }
0xfa: {  	[sflag:s16] =	ssyncset.done $0x0  }
0xfb: {  	[sflag:s16] =	ssyncadd.s32 $0xFFFFD800  }
0xfc: {  	_ =	swait.ge [sflag:s16], $0x2800  }
0xfd: {  	[sflag:s16] =	ssyncset.done $0x0  }
0xfe: {  	[sflag:s16] =	ssyncadd.s32 $0xFFFFD800  }
0xff: {  	_ =	swait.ge [sflag:s16], $0x2800  }
0x100: {  	[sflag:s16] =	ssyncset.done $0x0  }
0x101: {  	[sflag:s16] =	ssyncadd.s32 $0xFFFFD800  }
0x102: {  	_ =	swait.ge [sflag:s16], $0x2800  }
0x103: {  	[sflag:s16] =	ssyncset.done $0x0  }
0x104: {  	[sflag:s16] =	ssyncadd.s32 $0xFFFFD800  }
0x105: {  	_ =	swait.ge [sflag:s16], $0x2400  }
0x106: {  	[sflag:s16] =	ssyncset.done $0x0  }
0x107: {  	[sflag:s16] =	ssyncadd.s32 $0xFFFFDC00  }
0x108: {  	[bflag:$0x0] =	sbarrier.arrive $0xFFFF  }
0x109: {  	_ =	swait.ge [sflag:s17], $0xA0  }
0x10a: {  	[sflag:s17] =	ssyncset.done $0x0  }
0x10b: {  	s9 =	rddreg [dreg:$0x14];
	[sflag:s17] =	ssyncadd.s32 $0xFFFFFF60  }
0x10c: {  	[tilespmem:s10], [sflag:$0x4] =	stream.indirect.gather [hbm4b:s1+s12], $0x80, s31, s12, $0xb8;
	[tilespmem:$0x1BE00] =	vst v63  }
.LBB2_4:
0x10d: {  	_ =	swait.ge [sflag:s18], $0x2800  }
0x10e: {  	[sflag:s18] =	ssyncset.done $0x0  }
0x10f: {  	[sflag:s18] =	ssyncadd.s32 $0xFFFFD800  }
0x110: {  	v2 =	vld [tilespmem:$0x7850]  }
0x111: {  	v3 =	vld [tilespmem:$0x7860]  }
0x112: {  	v4 =	vld [tilespmem:$0x7870]  }
0x113: {  	v5 =	vld [tilespmem:$0x7880]  }
0x114: {  	v6 =	vld [tilespmem:$0x7890]  }
0x115: {  	[tilespmem:$0x7B00] =	vst v2  }
0x116: {  	[tilespmem:$0x7B10] =	vst v3  }
0x117: {  	[tilespmem:$0x7B20] =	vst v4  }
0x118: {  	[tilespmem:$0x7B30] =	vst v5  }
0x119: {  	[tilespmem:$0x7B40] =	vst v6  }
0x11a: {  	[spmem:s2] =	stream.indirect.scatter.add.f32 [tilespmem:s4], [sflag:$0x7], $0x80, s5, s12, $0xb8;
	[tilespmem:$0x1BE00] =	vst v63  }
0x11b: {  	_ = 	snop  }
0x11c: {  	[spmem:s3] =	stream.indirect.scatter.add.f32 [tilespmem:s19], [sflag:$0xA], $0x1, s5, s12, $0xb8;
	[tilespmem:$0x1BE00] =	vst v63  }
0x11d: {  	_ =	swait.ge [sflag:s20], $0x2800  }
0x11e: {  	[sflag:s20] =	ssyncset.done $0x0  }
0x11f: {  	[sflag:s20] =	ssyncadd.s32 $0xFFFFD800  }
0x120: {  	v2 =	vld [tilespmem:$0x7950]  }
0x121: {  	v3 =	vld [tilespmem:$0x7960]  }
0x122: {  	v58 =	vld [tilespmem:$0x7970]  }
0x123: {  	v59 =	vld [tilespmem:$0x7980]  }
0x124: {  	v60 =	vld [tilespmem:$0x7990]  }
0x125: {  	[tilespmem:$0x7B80] =	vst v2  }
0x126: {  	[tilespmem:$0x7B90] =	vst v3  }
0x127: {  	[tilespmem:$0x7BA0] =	vst v58  }
0x128: {  	[tilespmem:$0x7BB0] =	vst v59  }
0x129: {  	[tilespmem:$0x7BC0] =	vst v60  }
0x12a: {  	[spmem:s2] =	stream.indirect.scatter.add.f32 [tilespmem:s13], [sflag:$0x8], $0x80, s24, s12, $0xb8;
	[tilespmem:$0x1BE00] =	vst v63  }
0x12b: {  	_ = 	snop  }
0x12c: {  	[spmem:s3] =	stream.indirect.scatter.add.f32 [tilespmem:s19], [sflag:$0xB], $0x1, s24, s12, $0xb8;
	[tilespmem:$0x1BE00] =	vst v63  }
0x12d: {  	_ =	swait.ge [sflag:s25], $0x2800  }
0x12e: {  	[sflag:s25] =	ssyncset.done $0x0  }
0x12f: {  	[sflag:s25] =	ssyncadd.s32 $0xFFFFD800  }
0x130: {  	v2 =	vld [tilespmem:$0x7A50]  }
0x131: {  	v3 =	vld [tilespmem:$0x7A60]  }
0x132: {  	v61 =	vld [tilespmem:$0x7A70]  }
0x133: {  	v62 =	vld [tilespmem:$0x7A80]  }
0x134: {  	v63 =	vld [tilespmem:$0x7A90]  }
0x135: {  	[tilespmem:$0x7C00] =	vst v2  }
0x136: {  	[tilespmem:$0x7C10] =	vst v3  }
0x137: {  	p1 =	seq.s32 s10, $0x960;
	[tilespmem:$0x7C20] =	vst v61  }
.Ltmp3:
0x138: {  	[tilespmem:$0x7C30] =	vst v62;
	(pc) =	sbr.rel @p1 .LBB2_6-.Ltmp3, $4  }
0x139: {  	[tilespmem:$0x7C40] =	vst v63  }
0x13a: {  	[spmem:s2] =	stream.indirect.scatter.add.f32 [tilespmem:s15], [sflag:$0x9], $0x80, s23, s12, $0xb8;
	[tilespmem:$0x1BE00] =	vst v63  }
0x13b: {  	_ = 	snop  }
0x13c: {  	[spmem:s3] =	stream.indirect.scatter.add.f32 [tilespmem:s19], [sflag:$0xC], $0x1, s23, s12, $0xb8;
	[tilespmem:$0x1BE00] =	vst v63  }
0x13d: {  	s6 =	sshrl.u32 s9, $0x3;
	s21 =	rddreg [dreg:$0x1c]  }
0x13e: {  	s6 =	sadd.s32 s21, s6  }
0x13f: {  	[tilespmem:s31], [sflag:$0x1] =	stream.linear.gather [hbm4b:s6+s4], $0xA0, $0x38;
	[tilespmem:$0x1BE00] =	vst v63  }
0x140: {  	s21 =	sadd.s32 s10, s22  }
0x141: {  	[tilespmem:s0], [sflag:$0x2] =	stream.linear.gather [hbm4b:s21+s4], $0xA0, $0x38;
	[tilespmem:$0x1BE00] =	vst v63  }
0x142: {  	s21 =	rddreg [dreg:$0x13]  }
0x143: {  	s6 =	sadd.s32 s10, s21  }
0x144: {  	[tilespmem:s8], [sflag:$0x3] =	stream.linear.gather [hbm4b:s6+s4], $0xA0, $0x38;
	[tilespmem:$0x1BE00] =	vst v63  }
0x145: {  	_ =	swait.ge [sflag:s26], $0x2800  }
0x146: {  	[sflag:s26] =	ssyncset.done $0x0  }
0x147: {  	[sflag:s26] =	ssyncadd.s32 $0xFFFFD800  }
0x148: {  	_ =	swait.ge [sflag:s16], $0x50  }
0x149: {  	[sflag:s16] =	ssyncset.done $0x0  }
0x14a: {  	[sflag:s16] =	ssyncadd.s32 $0xFFFFFFB0  }
0x14b: {  	_ =	swait.ge [sflag:s17], $0xA0  }
0x14c: {  	[sflag:s17] =	ssyncset.done $0x0  }
0x14d: {  	[sflag:s17] =	ssyncadd.s32 $0xFFFFFF60  }
0x14e: {  	[tilespmem:s4], [sflag:$0x4] =	stream.indirect.gather [hbm4b:s1+s12], $0x80, s31, s12, $0xb8;
	[tilespmem:$0x1BE00] =	vst v63  }
0x14f: {  	_ =	swait.ge [sflag:s28], $0x2800  }
0x150: {  	[sflag:s28] =	ssyncset.done $0x0  }
0x151: {  	[sflag:s28] =	ssyncadd.s32 $0xFFFFD800  }
0x152: {  	_ =	swait.ge [sflag:s29], $0x50  }
0x153: {  	[sflag:s29] =	ssyncset.done $0x0  }
0x154: {  	[sflag:s29] =	ssyncadd.s32 $0xFFFFFFB0  }
0x155: {  	_ =	swait.ge [sflag:s11], $0xA0  }
0x156: {  	[sflag:s11] =	ssyncset.done $0x0  }
0x157: {  	[sflag:s11] =	ssyncadd.s32 $0xFFFFFF60  }
0x158: {  	[tilespmem:s13], [sflag:$0x5] =	stream.indirect.gather [hbm4b:s1+s12], $0x80, s0, s12, $0xb8;
	[tilespmem:$0x1BE00] =	vst v63  }
0x159: {  	_ =	swait.ge [sflag:s30], $0x2800  }
0x15a: {  	[sflag:s30] =	ssyncset.done $0x0  }
0x15b: {  	[sflag:s30] =	ssyncadd.s32 $0xFFFFD800  }
0x15c: {  	_ =	swait.ge [sflag:s7], $0x50  }
0x15d: {  	[sflag:s7] =	ssyncset.done $0x0  }
.Ltmp4:
0x15e: {  	[sflag:s7] =	ssyncadd.s32 $0xFFFFFFB0;
	(pc) =	sbr.rel .LBB2_4-.Ltmp4, $4  }
0x15f: {  	_ =	swait.ge [sflag:s14], $0xA0  }
0x160: {  	[sflag:s14] =	ssyncset.done $0x0  }
0x161: {  	s9 =	sadd.s32 $0x1E0, s9;
	s10 =	sadd.s32 $0x3C, s10;
	[sflag:s14] =	ssyncadd.s32 $0xFFFFFF60  }
0x162: {  	[tilespmem:s15], [sflag:$0x6] =	stream.indirect.gather [hbm4b:s1+s12], $0x80, s8, s12, $0xb8;
	[tilespmem:$0x1BE00] =	vst v63  }
.LBB2_7:
0x163: {  	_ =	sfence.sel $0x180000  }
0x164: {  	[bflag:$0x0] =	sbarrier.arrive $0xFFFF  }
0x165: {  	_ =	strace $0x9000004A  }
0x166: {  	s0 =	stileid.u32;
	[bflag:$0x2] =	sbarrier.arrive $0xFFFF  }
0x167: {  	p0 =	sne.s32 s0, $0x0;
	s0 =	rddreg [dreg:$0x4]  }
0x168: {  	s0 =	sadd.s32 @!p0 $0x100000, s0  }
0x169: {  	[sflag:s0] =	ssyncadd.tile.s32 @!p0 $0x1;
	_ =	shalt  }
.Lfunc_end2:
_tile_overlayer_lowered:
.L_overlay_start_2:
0x16a: {  	(tag) =	ssettag $0x2  }
0x16b: {  	s0 =	rddreg [dreg:$0x0];
	s2 =	stileid.u32  }
0x16c: {  	s1 =	rddreg [dreg:$0x1];
	p0 =	sne.s32 s2, $0x0  }
0x16d: {  	s3 =	rddreg [dreg:$0x2];
	[bflag:$0x3] =	sbarrier.arrive $0xFFFF;
	s2 =	simm.s32 @!p0 $0x1C0D  }
0x16e: {  	[timem:s3], [sflag:s2] =	dma.local @!p0 [hbm:s0], s1  }
0x16f: {  	s0 =	simm.s32 @!p0 $0xD  }
0x170: {  	_ =	swait.ge @!p0 [sflag:s0], s1  }
0x171: {  	s1 =	ssub.s32 @!p0 $0x0, s1;
	[sflag:s0] =	ssyncset.done @!p0 $0x0  }
0x172: {  	[sflag:s0] =	ssyncadd.s32 @!p0 s1  }
0x173: {  	[bflag:$0x3] =	sbarrier.arrive $0xFFFF  }
0x174: {  	_ =	shalt  }

</sc_bundles>
